<compile_context>
chip_gen: v7x
topology: tpu7x:2x2x1
jax: 0.10.2.dev20260603
libtpu: 0.0.44.dev20260713+nightly
codegen_flags: <defaults>
</compile_context>

<pallas_src>
import functools

import jax
import jax.numpy as jnp
from jax import lax
from jax.experimental import pallas as pl
from jax.experimental.pallas import tpu as pltpu
from jax.experimental.pallas import tpu_sc as plsc

N = 10000
E = 320000
LM = 1280
SP = 100
PE = 64
ND = 128
DEPTH = 2

NPAD = 10240
NC = 2
NS = 16
NW = NC * NS
CHUNK = 128
KCH = 79
EPW = KCH * CHUNK
EPAD = NW * EPW
ERW = 24

@functools.cache
def _mesh():
    return plsc.VectorSubcoreMesh(core_axis_name="c", subcore_axis_name="s",
                                  num_cores=NC, num_subcores=NS)



def _sc_radial_body(x0_hbm, x1_hbm, x2_hbm, srcf_hbm, dstf_hbm, rad_out,
                    xv0, xv1, xv2, sv, dv, rv):
    c = lax.axis_index("c")
    s = lax.axis_index("s")
    wid = s * NC + c
    base = wid * EPW
    pltpu.sync_copy(x0_hbm, xv0)
    pltpu.sync_copy(x1_hbm, xv1)
    pltpu.sync_copy(x2_hbm, xv2)
    pltpu.sync_copy(srcf_hbm.at[pl.ds(base, EPW)], sv)
    pltpu.sync_copy(dstf_hbm.at[pl.ds(base, EPW)], dv)

    def chunk(j, carry):
        for g in range(8):
            o = j * CHUNK + g * 16
            isv = sv[pl.ds(o, 16)]
            idv = dv[pl.ds(o, 16)]
            dx = plsc.load_gather(xv0, [isv]) - plsc.load_gather(xv0, [idv])
            dy = plsc.load_gather(xv1, [isv]) - plsc.load_gather(xv1, [idv])
            dz = plsc.load_gather(xv2, [isv]) - plsc.load_gather(xv2, [idv])
            rv[pl.ds(g * 16, 16)] = dx * dx + dy * dy + dz * dz
        pltpu.sync_copy(rv, rad_out.at[pl.ds(base + j * CHUNK, CHUNK)])
        return carry

    lax.fori_loop(0, KCH, chunk, 0)


@functools.cache
def _sc_radial():
  return pl.kernel(
    _sc_radial_body,
    out_type=jax.ShapeDtypeStruct((EPAD,), jnp.float32),
    mesh=_mesh(),
    compiler_params=pltpu.CompilerParams(needs_layout_passes=False),
    scratch_types=[
        pltpu.VMEM((NPAD,), jnp.float32),
        pltpu.VMEM((NPAD,), jnp.float32),
        pltpu.VMEM((NPAD,), jnp.float32),
        pltpu.VMEM((EPW,), jnp.int32),
        pltpu.VMEM((EPW,), jnp.int32),
        pltpu.VMEM((CHUNK,), jnp.float32),
    ],
  )



def _sc_gather_body(a_hbm, b_hbm, src3, dst3, g_out,
                    sv, dv, bufa, bufb, bufo,
                    semg0, semg1, semw0, semw1):
    c = lax.axis_index("c")
    s = lax.axis_index("s")
    wid = s * NC + c
    base = wid * EPW
    pltpu.sync_copy(src3.at[wid], sv)
    pltpu.sync_copy(dst3.at[wid], dv)
    semg = (semg0, semg1)
    semw = (semw0, semw1)

    def issue_g(j, slot):
        pltpu.async_copy(a_hbm.at[sv.at[j]], bufa.at[slot], semg[slot])
        pltpu.async_copy(b_hbm.at[dv.at[j]], bufb.at[slot], semg[slot])

    def wait_g(slot):
        d = pltpu.make_async_copy(a_hbm.at[sv.at[0]], bufa.at[slot], semg[slot])
        d.wait()
        d.wait()

    def wait_w(slot):
        pltpu.make_async_copy(bufo.at[slot], g_out.at[pl.ds(0, CHUNK)],
                              semw[slot]).wait()

    def step(i, slot):
        @pl.when(i + 1 < KCH)
        def _():
            issue_g(i + 1, 1 - slot)
        wait_g(slot)

        @pl.when(i >= 2)
        def _():
            wait_w(slot)

        def addrow(r, cc):
            for k in range(8):
                sl = pl.ds(k * 16, 16)
                bufo[slot, r, sl] = bufa[slot, r, sl] + bufb[slot, r, sl]
            return cc

        lax.fori_loop(0, CHUNK, addrow, 0)
        pltpu.async_copy(bufo.at[slot], g_out.at[pl.ds(base + i * CHUNK, CHUNK)],
                         semw[slot])

    issue_g(0, 0)

    def pair(p, carry):
        step(2 * p, 0)

        @pl.when(2 * p + 1 < KCH)
        def _():
            step(2 * p + 1, 1)
        return carry

    lax.fori_loop(0, (KCH + 1) // 2, pair, 0)
    wait_w(0)
    wait_w(1)


@functools.cache
def _sc_gather():
  return pl.kernel(
    _sc_gather_body,
    out_type=jax.ShapeDtypeStruct((EPAD, ND), jnp.float32),
    mesh=_mesh(),
    compiler_params=pltpu.CompilerParams(needs_layout_passes=False),
    scratch_types=[
        pltpu.VMEM((KCH, CHUNK), jnp.int32),
        pltpu.VMEM((KCH, CHUNK), jnp.int32),
        pltpu.VMEM((2, CHUNK, ND), jnp.float32),
        pltpu.VMEM((2, CHUNK, ND), jnp.float32),
        pltpu.VMEM((2, CHUNK, ND), jnp.float32),
        pltpu.SemaphoreType.DMA,
        pltpu.SemaphoreType.DMA,
        pltpu.SemaphoreType.DMA,
        pltpu.SemaphoreType.DMA,
    ],
  )



def _sc_scatter_body(m_hbm, src3, part_out, accum, sv, buf, zbuf,
                     semr0, semr1, sems0, sems1):
    c = lax.axis_index("c")
    s = lax.axis_index("s")
    wid = s * NC + c
    base = wid * EPW
    rps = NPAD // NS

    z = jnp.zeros((16,), jnp.float32)
    for r in range(16):
        for k in range(8):
            zbuf[r, pl.ds(k * 16, 16)] = z

    def zloop(t, carry):
        pltpu.sync_copy(zbuf, accum.at[pl.ds(s * rps + t * 16, 16)])
        return carry

    lax.fori_loop(0, rps // 16, zloop, 0)
    pltpu.sync_copy(src3.at[wid], sv)
    plsc.subcore_barrier()
    semr = (semr0, semr1)
    sems = (sems0, sems1)

    def issue_r(j, slot):
        pltpu.async_copy(m_hbm.at[pl.ds(base + j * CHUNK, CHUNK)],
                         buf.at[slot], semr[slot])

    def wait_r(slot):
        pltpu.make_async_copy(m_hbm.at[pl.ds(base, CHUNK)], buf.at[slot],
                              semr[slot]).wait()

    def wait_s(slot):
        pltpu.make_async_copy(buf.at[slot], accum.at[sv.at[0]],
                              sems[slot]).wait()

    def step(i, slot):
        @pl.when(i + 1 < KCH)
        def _():
            @pl.when(i >= 1)
            def _():
                wait_s(1 - slot)
            issue_r(i + 1, 1 - slot)

        wait_r(slot)
        pltpu.async_copy(buf.at[slot], accum.at[sv.at[i]], sems[slot], add=True)

    issue_r(0, 0)

    def pair(p, carry):
        step(2 * p, 0)

        @pl.when(2 * p + 1 < KCH)
        def _():
            step(2 * p + 1, 1)
        return carry

    lax.fori_loop(0, (KCH + 1) // 2, pair, 0)
    wait_s(0)
    wait_s(1)
    plsc.subcore_barrier()
    pltpu.sync_copy(accum.at[pl.ds(s * rps, rps)],
                    part_out.at[c, pl.ds(s * rps, rps)])


@functools.cache
def _sc_scatter():
  return pl.kernel(
    _sc_scatter_body,
    out_type=jax.ShapeDtypeStruct((NC, NPAD, ND), jnp.float32),
    mesh=_mesh(),
    compiler_params=pltpu.CompilerParams(needs_layout_passes=False),
    scratch_types=[
        pltpu.VMEM_SHARED((NPAD, ND), jnp.float32),
        pltpu.VMEM((KCH, CHUNK), jnp.int32),
        pltpu.VMEM((2, CHUNK, ND), jnp.float32),
        pltpu.VMEM((16, ND), jnp.float32),
        pltpu.SemaphoreType.DMA,
        pltpu.SemaphoreType.DMA,
        pltpu.SemaphoreType.DMA,
        pltpu.SemaphoreType.DMA,
    ],
  )



def _dot(a, b):
    return jnp.dot(a, b, preferred_element_type=jnp.float32,
                   precision=jax.lax.Precision.HIGHEST)


def _silu(t):
    return t * jax.nn.sigmoid(t)


def _tc_h_body(hf_ref, ws_ref, wa_ref, wb_ref, bb_ref, h_out, a_out, b_out):
    h = _dot(hf_ref[...], ws_ref[...])
    h_out[...] = h
    a_out[...] = _dot(h, wa_ref[...])
    b_out[...] = _dot(h, wb_ref[...]) + bb_ref[...]


def _tc_h(hf, Ws, wa, wb, bb):
    BR = 400
    return pl.pallas_call(
        _tc_h_body,
        grid=(N // BR,),
        in_specs=[
            pl.BlockSpec((BR, LM), lambda i: (i, 0)),
            pl.BlockSpec((LM, ND), lambda i: (0, 0)),
            pl.BlockSpec((ND, ND), lambda i: (0, 0)),
            pl.BlockSpec((ND, ND), lambda i: (0, 0)),
            pl.BlockSpec((1, ND), lambda i: (0, 0)),
        ],
        out_specs=[pl.BlockSpec((BR, ND), lambda i: (i, 0))] * 3,
        out_shape=[jax.ShapeDtypeStruct((NPAD, ND), jnp.float32)] * 3,
    )(hf, Ws, wa, wb, bb)


def _dotd(a, b):
    return jnp.dot(a, b, preferred_element_type=jnp.float32)


def _dot3(a, b):
    f32 = jnp.float32
    ah = a.astype(jnp.bfloat16)
    al = (a - ah.astype(f32)).astype(jnp.bfloat16)
    bh = b.astype(jnp.bfloat16)
    bl = (b - bh.astype(f32)).astype(jnp.bfloat16)
    return (_dotd(ah, bl) + _dotd(al, bh)) + _dotd(ah, bh)


def _tc_edge_body(g_ref, sp_ref, po_ref, rad_ref, c_ref, d_ref, wr_ref,
                  w2_ref, b2_ref, awt_ref, ab_ref, m_ref):
    BR = g_ref.shape[0]
    t1 = (g_ref[...].astype(jnp.float32) + _dot(sp_ref[...], c_ref[...])
          + _dot(po_ref[...], d_ref[...]))
    radb = rad_ref[0]
    rad_t = jnp.broadcast_to(radb[:, None, :],
                             (BR // 128, 128, ND)).reshape(BR, ND)
    s_iota = jax.lax.broadcasted_iota(jnp.int32, (BR, ND), 0)
    k_iota = jax.lax.broadcasted_iota(jnp.int32, (BR, ND), 1)
    diag = jnp.where((s_iota & 127) == k_iota, rad_t, 0.0)
    wrm = jnp.broadcast_to(wr_ref[...], (ND, ND))
    t1 = t1 + _dot(diag, wrm)
    m1 = _silu(t1)
    t2 = _dot(m1, w2_ref[...]) + b2_ref[...]
    m2 = _silu(t2)
    sc = jnp.sum(m2 * awt_ref[...], axis=1, keepdims=True)
    att = jax.nn.sigmoid(sc + ab_ref[...])
    m_ref[...] = m2 * att


def _tc_edge(G, sp, po, rad3, C, D, wr, w2, b2, awt, abb):
    BR = 2560
    return pl.pallas_call(
        _tc_edge_body,
        grid=(E // BR,),
        in_specs=[
            pl.BlockSpec((BR, ND), lambda i: (i, 0)),
            pl.BlockSpec((BR, SP), lambda i: (i, 0)),
            pl.BlockSpec((BR, PE), lambda i: (i, 0)),
            pl.BlockSpec((1, BR // 128, 128), lambda i: (i, 0, 0)),
            pl.BlockSpec((SP, ND), lambda i: (0, 0)),
            pl.BlockSpec((PE, ND), lambda i: (0, 0)),
            pl.BlockSpec((1, ND), lambda i: (0, 0)),
            pl.BlockSpec((ND, ND), lambda i: (0, 0)),
            pl.BlockSpec((1, ND), lambda i: (0, 0)),
            pl.BlockSpec((1, ND), lambda i: (0, 0)),
            pl.BlockSpec((1, ND), lambda i: (0, 0)),
        ],
        out_specs=pl.BlockSpec((BR, ND), lambda i: (i, 0)),
        out_shape=jax.ShapeDtypeStruct((EPAD, ND), jnp.float32),
    )(G, sp, po, rad3, C, D, wr, w2, b2, awt, abb)


def _tc_node_body(h_ref, p_ref, n1a_ref, n1b_ref, nb1_ref, n2_ref, nb2_ref,
                  *rest):
    h = h_ref[...]
    agg = p_ref[0] + p_ref[1]
    t = _dot(h, n1a_ref[...]) + _dot(agg, n1b_ref[...]) + nb1_ref[...]
    o = _dot(_silu(t), n2_ref[...]) + nb2_ref[...]
    hn = h + o
    if len(rest) == 1:
        rest[0][...] = hn
    else:
        wa_ref, wb_ref, bb_ref, h_out, a_out, b_out = rest
        h_out[...] = hn
        a_out[...] = _dot(hn, wa_ref[...])
        b_out[...] = _dot(hn, wb_ref[...]) + bb_ref[...]


def _tc_node(h, part, n1a, n1b, nb1, n2, nb2, nxt=None):
    BR = 512
    in_specs = [
        pl.BlockSpec((BR, ND), lambda i: (i, 0)),
        pl.BlockSpec((NC, BR, ND), lambda i: (0, i, 0)),
        pl.BlockSpec((ND, ND), lambda i: (0, 0)),
        pl.BlockSpec((ND, ND), lambda i: (0, 0)),
        pl.BlockSpec((1, ND), lambda i: (0, 0)),
        pl.BlockSpec((ND, ND), lambda i: (0, 0)),
        pl.BlockSpec((1, ND), lambda i: (0, 0)),
    ]
    args = [h, part, n1a, n1b, nb1, n2, nb2]
    nouts = 1
    if nxt is not None:
        in_specs += [
            pl.BlockSpec((ND, ND), lambda i: (0, 0)),
            pl.BlockSpec((ND, ND), lambda i: (0, 0)),
            pl.BlockSpec((1, ND), lambda i: (0, 0)),
        ]
        args += list(nxt)
        nouts = 3
    out = pl.pallas_call(
        _tc_node_body,
        grid=(NPAD // BR,),
        in_specs=in_specs,
        out_specs=[pl.BlockSpec((BR, ND), lambda i: (i, 0))] * nouts,
        out_shape=[jax.ShapeDtypeStruct((NPAD, ND), jnp.float32)] * nouts,
    )(*args)
    return out[0] if nouts == 1 else out



def kernel(h_feats, x, edge_index, spatial_attr, positional_attr,
           W_single, W_spatial, W_pos,
           ew1, eb1, ew2, eb2, aw, ab, nw1, nb1, nw2, nb2):
    f32 = jnp.float32
    xp = jnp.pad(x, ((0, NPAD - N), (0, 0))).astype(f32)
    src = edge_index[0].astype(jnp.int32)
    dst = edge_index[1].astype(jnp.int32)
    padv = jnp.full((EPAD - E,), N, jnp.int32)
    srcf = jnp.concatenate([src, padv])
    dstf = jnp.concatenate([dst, padv])
    src3 = srcf.reshape(NW, KCH, CHUNK)
    dst3 = dstf.reshape(NW, KCH, CHUNK)

    rad = _sc_radial()(xp[:, 0], xp[:, 1], xp[:, 2], srcf, dstf)
    rad3 = rad[:E].reshape(E // 2560, 20, 128)
    h, A, B = _tc_h(h_feats, W_single,
                    ew1[0, :ND, :], ew1[0, ND:2 * ND, :], eb1[0][None, :])

    for l in range(DEPTH):
        We = ew1[l, 2 * ND + 1:, :]
        C = W_spatial @ We
        D = W_pos @ We
        wr = ew1[l, 2 * ND, :][None, :]
        G = _sc_gather()(A, B, src3, dst3)
        m = _tc_edge(G, spatial_attr, positional_attr, rad3, C, D, wr,
                     ew2[l], eb2[l][None, :],
                     aw[l].reshape(1, ND),
                     jnp.broadcast_to(ab[l].reshape(1, 1), (1, ND)))
        part = _sc_scatter()(m, src3)
        if l + 1 < DEPTH:
            h, A, B = _tc_node(h, part, nw1[l, :ND, :], nw1[l, ND:, :],
                               nb1[l][None, :], nw2[l], nb2[l][None, :],
                               nxt=(ew1[l + 1, :ND, :], ew1[l + 1, ND:2 * ND, :],
                                    eb1[l + 1][None, :]))
        else:
            h = _tc_node(h, part, nw1[l, :ND, :], nw1[l, ND:, :],
                         nb1[l][None, :], nw2[l], nb2[l][None, :])
    return h[:N]

# --- scband reference (transcript-rebuilt; emitter-appended) ---
"""Pipeline reference for scband-egnn-net-17815524344059 (READ-ONLY COPY).

The authoritative reference and input builder live on the scoring server;
editing this copy changes nothing except your own understanding.
"""

import jax, jax.numpy as jnp
import numpy as np

N = 10000
E = 320000
LM = 1280
SP = 100
PE = 64
ND = 128
ED = 16
DEPTH = 2


def _winit(key, shape):
    fan_in = shape[-2] if len(shape) >= 2 else shape[-1]
    return jax.random.normal(key, shape, dtype=jnp.float32) / np.sqrt(fan_in)


def setup_inputs(seed: int = 0) -> dict:
    key = jax.random.key(seed)
    ks = jax.random.split(key, 24)
    h_feats = jax.random.normal(ks[0], (N, LM), dtype=jnp.float32)
    x = jax.random.normal(ks[1], (N, 3), dtype=jnp.float32) * 10.0
    edge_index = jax.random.randint(ks[2], (2, E), 0, N)
    spatial_attr = jax.random.uniform(ks[3], (E, SP), dtype=jnp.float32)
    positional_attr = jax.random.uniform(ks[4], (E, PE), dtype=jnp.float32)
    # learned parameters (per init conf: node_dim=128, edge_dim=16, depth=2, attention=True, residual=True)
    W_single = _winit(ks[5], (LM, ND))
    W_spatial = _winit(ks[6], (SP, ED))
    W_pos = _winit(ks[7], (PE, ED))
    edge_in = 2 * ND + 1 + ED  # h_i, h_j, radial, edge_attr
    ew1 = _winit(ks[8], (DEPTH, edge_in, ND))
    eb1 = jnp.zeros((DEPTH, ND), dtype=jnp.float32)
    ew2 = _winit(ks[9], (DEPTH, ND, ND))
    eb2 = jnp.zeros((DEPTH, ND), dtype=jnp.float32)
    aw = _winit(ks[10], (DEPTH, ND, 1))
    ab = jnp.zeros((DEPTH, 1), dtype=jnp.float32)
    nw1 = _winit(ks[11], (DEPTH, 2 * ND, ND))
    nb1 = jnp.zeros((DEPTH, ND), dtype=jnp.float32)
    nw2 = _winit(ks[12], (DEPTH, ND, ND))
    nb2 = jnp.zeros((DEPTH, ND), dtype=jnp.float32)
    return {
        'h_feats': h_feats, 'x': x, 'edge_index': edge_index,
        'spatial_attr': spatial_attr, 'positional_attr': positional_attr,
        'W_single': W_single, 'W_spatial': W_spatial, 'W_pos': W_pos,
        'ew1': ew1, 'eb1': eb1, 'ew2': ew2, 'eb2': eb2,
        'aw': aw, 'ab': ab,
        'nw1': nw1, 'nb1': nb1, 'nw2': nw2, 'nb2': nb2,
    }


def reference(h_feats, x, edge_index, spatial_attr, positional_attr,
              W_single, W_spatial, W_pos,
              ew1, eb1, ew2, eb2, aw, ab, nw1, nb1, nw2, nb2):
    # EGNN_Net forward (truncated source): embed node LM features and edge
    # spatial/positional features, then run EGNN trunk (depth E_GCL layers
    # with attention, residual, update_coords=False); returns node reps h.
    h = h_feats @ W_single                       # single_embed (no bias)
    eattr = spatial_attr @ W_spatial + positional_attr @ W_pos  # edge embeds
    src = edge_index[0]
    dst = edge_index[1]
    for l in range(DEPTH):
        diff = x[src] - x[dst]                   # gather coords
        radial = jnp.sum(diff * diff, axis=-1, keepdims=True)
        h_src = jnp.take(h, src, axis=0)         # gather node feats
        h_dst = jnp.take(h, dst, axis=0)
        inp = jnp.concatenate([h_src, h_dst, radial, eattr], axis=-1)
        m = jax.nn.silu(inp @ ew1[l] + eb1[l])   # edge_mlp
        m = jax.nn.silu(m @ ew2[l] + eb2[l])
        att = jax.nn.sigmoid(m @ aw[l] + ab[l])  # att_mlp (attention=True)
        m = m * att
        agg = jax.ops.segment_sum(m, src, num_segments=N)  # scatter-add to src nodes
        o = jnp.concatenate([h, agg], axis=-1)
        o = jax.nn.silu(o @ nw1[l] + nb1[l])     # node_mlp
        o = o @ nw2[l] + nb2[l]
        h = h + o                                # residual=True
    return h

if __name__ == "__main__":
    import jax
    _d = setup_inputs()
    print(jax.jit(kernel)(*tuple(_d.values())))

</pallas_src>

<mosaic_0001>
#map = affine_map<(d0, d1) -> (0, 0)>
#map1 = affine_map<(d0, d1) -> (0, 0, 0)>
module attributes {stable_mosaic.version = 14 : i64} {
  func.func @_sc_gather_body(%arg0: i32, %arg1: i32, %arg2: memref<10240x128xf32, #tpu.memory_space<hbm>>, %arg3: memref<10240x128xf32, #tpu.memory_space<hbm>>, %arg4: memref<32x79x128xi32, #tpu.memory_space<hbm>>, %arg5: memref<32x79x128xi32, #tpu.memory_space<hbm>>, %arg6: memref<323584x128xf32, #tpu.memory_space<hbm>>, %arg7: memref<79x128xi32, #tpu.memory_space<vmem>>, %arg8: memref<79x128xi32, #tpu.memory_space<vmem>>, %arg9: memref<2x128x128xf32, #tpu.memory_space<vmem>>, %arg10: memref<2x128x128xf32, #tpu.memory_space<vmem>>, %arg11: memref<2x128x128xf32, #tpu.memory_space<vmem>>, %arg12: memref<!tpu.dma_semaphore, #tpu.memory_space<semaphore_mem>>, %arg13: memref<!tpu.dma_semaphore, #tpu.memory_space<semaphore_mem>>, %arg14: memref<!tpu.dma_semaphore, #tpu.memory_space<semaphore_mem>>, %arg15: memref<!tpu.dma_semaphore, #tpu.memory_space<semaphore_mem>>) attributes {dimension_semantics = [#tpu.dimension_semantics<core_parallel>, #tpu.dimension_semantics<subcore_parallel>], iteration_bounds = array<i64: 2, 16>, scalar_prefetch = 0 : i64, scratch_operands = 9 : i64, tpu.core_type = #tpu.core_type<sc_vector_subcore>, window_params = [{transform_indices = #map}, {transform_indices = #map}, {transform_indices = #map1}, {transform_indices = #map1}, {transform_indices = #map}]} {
    %mul3A = arith.constant 2 : i32
    %mul3A_0 = arith.muli %arg1, %mul3A : i32
    %add3A = arith.addi %mul3A_0, %arg0 : i32
    %mul3A_1 = arith.constant 10112 : i32
    %mul3A_2 = arith.muli %add3A, %mul3A_1 : i32
    "tpu.region"() ({
      %run_scoped3A = tpu.sem_alloc : memref<!tpu.dma_semaphore, #tpu.memory_space<semaphore_mem>>
      %dma_start3A_60 = arith.constant 0 : i32
      %dma_start3A_61 = arith.constant 0 : i32
      %dma_start3A_62 = tpu.memref_slice %arg4[%add3A, %dma_start3A_60, %dma_start3A_61] : memref<32x79x128xi32, #tpu.memory_space<hbm>> -> memref<1x79x128xi32, #tpu.memory_space<hbm>>
      %dma_start3A_63 = tpu.memref_squeeze %dma_start3A_62 : memref<1x79x128xi32, #tpu.memory_space<hbm>> -> memref<79x128xi32, #tpu.memory_space<hbm>>
      %dma_start3A_64 = arith.constant 0 : i32
      %dma_start3A_65 = arith.constant 0 : i32
      %dma_start3A_66 = tpu.memref_slice %arg4[%add3A, %dma_start3A_64, %dma_start3A_65] : memref<32x79x128xi32, #tpu.memory_space<hbm>> -> memref<1x79x128xi32, #tpu.memory_space<hbm>>
      %dma_start3A_67 = tpu.memref_squeeze %dma_start3A_66 : memref<1x79x128xi32, #tpu.memory_space<hbm>> -> memref<79x128xi32, #tpu.memory_space<hbm>>
      tpu.enqueue_dma source(%dma_start3A_67 : memref<79x128xi32, #tpu.memory_space<hbm>>) target(%arg7 : memref<79x128xi32, #tpu.memory_space<vmem>>) target_semaphore(%run_scoped3A : memref<!tpu.dma_semaphore, #tpu.memory_space<semaphore_mem>>)
      %dma_wait3A_68 = arith.constant 0 : i32
      %dma_wait3A_69 = arith.constant 0 : i32
      %dma_wait3A_70 = tpu.memref_slice %arg4[%add3A, %dma_wait3A_68, %dma_wait3A_69] : memref<32x79x128xi32, #tpu.memory_space<hbm>> -> memref<1x79x128xi32, #tpu.memory_space<hbm>>
      %dma_wait3A_71 = tpu.memref_squeeze %dma_wait3A_70 : memref<1x79x128xi32, #tpu.memory_space<hbm>> -> memref<79x128xi32, #tpu.memory_space<hbm>>
      %dma_wait3A_72 = arith.constant 0 : i32
      %dma_wait3A_73 = arith.constant 0 : i32
      %dma_wait3A_74 = tpu.memref_slice %arg4[%add3A, %dma_wait3A_72, %dma_wait3A_73] : memref<32x79x128xi32, #tpu.memory_space<hbm>> -> memref<1x79x128xi32, #tpu.memory_space<hbm>>
      %dma_wait3A_75 = tpu.memref_squeeze %dma_wait3A_74 : memref<1x79x128xi32, #tpu.memory_space<hbm>> -> memref<79x128xi32, #tpu.memory_space<hbm>>
      tpu.wait_dma2 semaphore(%run_scoped3A : memref<!tpu.dma_semaphore, #tpu.memory_space<semaphore_mem>>) src(%dma_wait3A_75 : memref<79x128xi32, #tpu.memory_space<hbm>>) dst(%arg7 : memref<79x128xi32, #tpu.memory_space<vmem>>)
      tpu.yield
    }) : () -> ()
    "tpu.region"() ({
      %run_scoped3A = tpu.sem_alloc : memref<!tpu.dma_semaphore, #tpu.memory_space<semaphore_mem>>
      %dma_start3A_60 = arith.constant 0 : i32
      %dma_start3A_61 = arith.constant 0 : i32
      %dma_start3A_62 = tpu.memref_slice %arg5[%add3A, %dma_start3A_60, %dma_start3A_61] : memref<32x79x128xi32, #tpu.memory_space<hbm>> -> memref<1x79x128xi32, #tpu.memory_space<hbm>>
      %dma_start3A_63 = tpu.memref_squeeze %dma_start3A_62 : memref<1x79x128xi32, #tpu.memory_space<hbm>> -> memref<79x128xi32, #tpu.memory_space<hbm>>
      %dma_start3A_64 = arith.constant 0 : i32
      %dma_start3A_65 = arith.constant 0 : i32
      %dma_start3A_66 = tpu.memref_slice %arg5[%add3A, %dma_start3A_64, %dma_start3A_65] : memref<32x79x128xi32, #tpu.memory_space<hbm>> -> memref<1x79x128xi32, #tpu.memory_space<hbm>>
      %dma_start3A_67 = tpu.memref_squeeze %dma_start3A_66 : memref<1x79x128xi32, #tpu.memory_space<hbm>> -> memref<79x128xi32, #tpu.memory_space<hbm>>
      tpu.enqueue_dma source(%dma_start3A_67 : memref<79x128xi32, #tpu.memory_space<hbm>>) target(%arg8 : memref<79x128xi32, #tpu.memory_space<vmem>>) target_semaphore(%run_scoped3A : memref<!tpu.dma_semaphore, #tpu.memory_space<semaphore_mem>>)
      %dma_wait3A_68 = arith.constant 0 : i32
      %dma_wait3A_69 = arith.constant 0 : i32
      %dma_wait3A_70 = tpu.memref_slice %arg5[%add3A, %dma_wait3A_68, %dma_wait3A_69] : memref<32x79x128xi32, #tpu.memory_space<hbm>> -> memref<1x79x128xi32, #tpu.memory_space<hbm>>
      %dma_wait3A_71 = tpu.memref_squeeze %dma_wait3A_70 : memref<1x79x128xi32, #tpu.memory_space<hbm>> -> memref<79x128xi32, #tpu.memory_space<hbm>>
      %dma_wait3A_72 = arith.constant 0 : i32
      %dma_wait3A_73 = arith.constant 0 : i32
      %dma_wait3A_74 = tpu.memref_slice %arg5[%add3A, %dma_wait3A_72, %dma_wait3A_73] : memref<32x79x128xi32, #tpu.memory_space<hbm>> -> memref<1x79x128xi32, #tpu.memory_space<hbm>>
      %dma_wait3A_75 = tpu.memref_squeeze %dma_wait3A_74 : memref<1x79x128xi32, #tpu.memory_space<hbm>> -> memref<79x128xi32, #tpu.memory_space<hbm>>
      tpu.wait_dma2 semaphore(%run_scoped3A : memref<!tpu.dma_semaphore, #tpu.memory_space<semaphore_mem>>) src(%dma_wait3A_75 : memref<79x128xi32, #tpu.memory_space<hbm>>) dst(%arg8 : memref<79x128xi32, #tpu.memory_space<vmem>>)
      tpu.yield
    }) : () -> ()
    %dma_start3A = arith.constant 0 : i32
    %dma_start3A_3 = arith.constant 0 : i32
    %dma_start3A_4 = arith.constant 0 : i32
    %dma_start3A_5 = arith.constant 0 : i32
    %dma_start3A_6 = tpu.memref_slice %arg9[%dma_start3A_3, %dma_start3A_4, %dma_start3A_5] : memref<2x128x128xf32, #tpu.memory_space<vmem>> -> memref<1x128x128xf32, #tpu.memory_space<vmem>>
    %dma_start3A_7 = tpu.memref_squeeze %dma_start3A_6 : memref<1x128x128xf32, #tpu.memory_space<vmem>> -> memref<128x128xf32, #tpu.memory_space<vmem>>
    %dma_start3A_8 = arith.constant 0 : i32
    %dma_start3A_9 = tpu.memref_slice %arg7[%dma_start3A, %dma_start3A_8] : memref<79x128xi32, #tpu.memory_space<vmem>> -> memref<1x128xi32, #tpu.memory_space<vmem>>
    %dma_start3A_10 = tpu.memref_squeeze %dma_start3A_9 : memref<1x128xi32, #tpu.memory_space<vmem>> -> memref<128xi32, #tpu.memory_space<vmem>>
    %dma_start3A_11 = arith.constant 0 : i32
    %dma_start3A_12 = arith.constant 0 : i32
    %dma_start3A_13 = tpu.memref_slice %arg2[%dma_start3A_11, %dma_start3A_12] : memref<10240x128xf32, #tpu.memory_space<hbm>> -> memref<10240x128xf32, #tpu.memory_space<hbm>>
    tpu.enqueue_indirect_dma source(%dma_start3A_13 : memref<10240x128xf32, #tpu.memory_space<hbm>>) target(%dma_start3A_7 : memref<128x128xf32, #tpu.memory_space<vmem>>) offsets(%dma_start3A_10 : memref<128xi32, #tpu.memory_space<vmem>>) semaphore(%arg12 : memref<!tpu.dma_semaphore, #tpu.memory_space<semaphore_mem>>)
    %dma_start3A_14 = arith.constant 0 : i32
    %dma_start3A_15 = arith.constant 0 : i32
    %dma_start3A_16 = arith.constant 0 : i32
    %dma_start3A_17 = arith.constant 0 : i32
    %dma_start3A_18 = tpu.memref_slice %arg10[%dma_start3A_15, %dma_start3A_16, %dma_start3A_17] : memref<2x128x128xf32, #tpu.memory_space<vmem>> -> memref<1x128x128xf32, #tpu.memory_space<vmem>>
    %dma_start3A_19 = tpu.memref_squeeze %dma_start3A_18 : memref<1x128x128xf32, #tpu.memory_space<vmem>> -> memref<128x128xf32, #tpu.memory_space<vmem>>
    %dma_start3A_20 = arith.constant 0 : i32
    %dma_start3A_21 = tpu.memref_slice %arg8[%dma_start3A_14, %dma_start3A_20] : memref<79x128xi32, #tpu.memory_space<vmem>> -> memref<1x128xi32, #tpu.memory_space<vmem>>
    %dma_start3A_22 = tpu.memref_squeeze %dma_start3A_21 : memref<1x128xi32, #tpu.memory_space<vmem>> -> memref<128xi32, #tpu.memory_space<vmem>>
    %dma_start3A_23 = arith.constant 0 : i32
    %dma_start3A_24 = arith.constant 0 : i32
    %dma_start3A_25 = tpu.memref_slice %arg3[%dma_start3A_23, %dma_start3A_24] : memref<10240x128xf32, #tpu.memory_space<hbm>> -> memref<10240x128xf32, #tpu.memory_space<hbm>>
    tpu.enqueue_indirect_dma source(%dma_start3A_25 : memref<10240x128xf32, #tpu.memory_space<hbm>>) target(%dma_start3A_19 : memref<128x128xf32, #tpu.memory_space<vmem>>) offsets(%dma_start3A_22 : memref<128xi32, #tpu.memory_space<vmem>>) semaphore(%arg12 : memref<!tpu.dma_semaphore, #tpu.memory_space<semaphore_mem>>)
    %scan3A = arith.constant 0 : i32
    %scan3A_26 = arith.constant 0 : i32
    %scan3A_27 = arith.constant 40 : i32
    %scan3A_28 = arith.addi %scan3A_26, %scan3A_27 : i32
    %scan3A_29 = arith.constant 1 : i32
    scf.for %scan3A_60 = %scan3A_26 to %scan3A_28 step %scan3A_29  : i32 {
      %mul3A_61 = arith.constant 2 : i32
      %mul3A_62 = arith.muli %mul3A_61, %scan3A_60 : i32
      %add3A_63 = arith.constant 1 : i32
      %add3A_64 = arith.addi %mul3A_62, %add3A_63 : i32
      %lt3A = arith.constant 79 : i32
      %lt3A_65 = arith.cmpi slt, %add3A_64, %lt3A : i32
      %convert_element_type3A = arith.extui %lt3A_65 : i1 to i32
      %cond3A = arith.constant 0 : i32
      %cond3A_66 = arith.cmpi ne, %convert_element_type3A, %cond3A : i32
      scf.if %cond3A_66 {
        %add3A_126 = arith.constant 1 : i32
        %add3A_127 = arith.addi %mul3A_62, %add3A_126 : i32
        %dma_start3A_128 = arith.constant 1 : i32
        %dma_start3A_129 = arith.constant 0 : i32
        %dma_start3A_130 = arith.constant 0 : i32
        %dma_start3A_131 = tpu.memref_slice %arg9[%dma_start3A_128, %dma_start3A_129, %dma_start3A_130] : memref<2x128x128xf32, #tpu.memory_space<vmem>> -> memref<1x128x128xf32, #tpu.memory_space<vmem>>
        %dma_start3A_132 = tpu.memref_squeeze %dma_start3A_131 : memref<1x128x128xf32, #tpu.memory_space<vmem>> -> memref<128x128xf32, #tpu.memory_space<vmem>>
        %dma_start3A_133 = arith.constant 0 : i32
        %dma_start3A_134 = tpu.memref_slice %arg7[%add3A_127, %dma_start3A_133] : memref<79x128xi32, #tpu.memory_space<vmem>> -> memref<1x128xi32, #tpu.memory_space<vmem>>
        %dma_start3A_135 = tpu.memref_squeeze %dma_start3A_134 : memref<1x128xi32, #tpu.memory_space<vmem>> -> memref<128xi32, #tpu.memory_space<vmem>>
        %dma_start3A_136 = arith.constant 0 : i32
        %dma_start3A_137 = arith.constant 0 : i32
        %dma_start3A_138 = tpu.memref_slice %arg2[%dma_start3A_136, %dma_start3A_137] : memref<10240x128xf32, #tpu.memory_space<hbm>> -> memref<10240x128xf32, #tpu.memory_space<hbm>>
        tpu.enqueue_indirect_dma source(%dma_start3A_138 : memref<10240x128xf32, #tpu.memory_space<hbm>>) target(%dma_start3A_132 : memref<128x128xf32, #tpu.memory_space<vmem>>) offsets(%dma_start3A_135 : memref<128xi32, #tpu.memory_space<vmem>>) semaphore(%arg13 : memref<!tpu.dma_semaphore, #tpu.memory_space<semaphore_mem>>)
        %dma_start3A_139 = arith.constant 1 : i32
        %dma_start3A_140 = arith.constant 0 : i32
        %dma_start3A_141 = arith.constant 0 : i32
        %dma_start3A_142 = tpu.memref_slice %arg10[%dma_start3A_139, %dma_start3A_140, %dma_start3A_141] : memref<2x128x128xf32, #tpu.memory_space<vmem>> -> memref<1x128x128xf32, #tpu.memory_space<vmem>>
        %dma_start3A_143 = tpu.memref_squeeze %dma_start3A_142 : memref<1x128x128xf32, #tpu.memory_space<vmem>> -> memref<128x128xf32, #tpu.memory_space<vmem>>
        %dma_start3A_144 = arith.constant 0 : i32
        %dma_start3A_145 = tpu.memref_slice %arg8[%add3A_127, %dma_start3A_144] : memref<79x128xi32, #tpu.memory_space<vmem>> -> memref<1x128xi32, #tpu.memory_space<vmem>>
        %dma_start3A_146 = tpu.memref_squeeze %dma_start3A_145 : memref<1x128xi32, #tpu.memory_space<vmem>> -> memref<128xi32, #tpu.memory_space<vmem>>
        %dma_start3A_147 = arith.constant 0 : i32
        %dma_start3A_148 = arith.constant 0 : i32
        %dma_start3A_149 = tpu.memref_slice %arg3[%dma_start3A_147, %dma_start3A_148] : memref<10240x128xf32, #tpu.memory_space<hbm>> -> memref<10240x128xf32, #tpu.memory_space<hbm>>
        tpu.enqueue_indirect_dma source(%dma_start3A_149 : memref<10240x128xf32, #tpu.memory_space<hbm>>) target(%dma_start3A_143 : memref<128x128xf32, #tpu.memory_space<vmem>>) offsets(%dma_start3A_146 : memref<128xi32, #tpu.memory_space<vmem>>) semaphore(%arg13 : memref<!tpu.dma_semaphore, #tpu.memory_space<semaphore_mem>>)
      } else {
      }
      %dma_wait3A_67 = arith.constant 0 : i32
      %dma_wait3A_68 = arith.constant 0 : i32
      %dma_wait3A_69 = arith.constant 0 : i32
      %dma_wait3A_70 = arith.constant 0 : i32
      %dma_wait3A_71 = tpu.memref_slice %arg9[%dma_wait3A_68, %dma_wait3A_69, %dma_wait3A_70] : memref<2x128x128xf32, #tpu.memory_space<vmem>> -> memref<1x128x128xf32, #tpu.memory_space<vmem>>
      %dma_wait3A_72 = tpu.memref_squeeze %dma_wait3A_71 : memref<1x128x128xf32, #tpu.memory_space<vmem>> -> memref<128x128xf32, #tpu.memory_space<vmem>>
      %dma_wait3A_73 = arith.constant 0 : i32
      %dma_wait3A_74 = tpu.memref_slice %arg7[%dma_wait3A_67, %dma_wait3A_73] : memref<79x128xi32, #tpu.memory_space<vmem>> -> memref<1x128xi32, #tpu.memory_space<vmem>>
      %dma_wait3A_75 = tpu.memref_squeeze %dma_wait3A_74 : memref<1x128xi32, #tpu.memory_space<vmem>> -> memref<128xi32, #tpu.memory_space<vmem>>
      %dma_wait3A_76 = arith.constant 0 : i32
      %dma_wait3A_77 = arith.constant 0 : i32
      %dma_wait3A_78 = tpu.memref_slice %arg2[%dma_wait3A_76, %dma_wait3A_77] : memref<10240x128xf32, #tpu.memory_space<hbm>> -> memref<10240x128xf32, #tpu.memory_space<hbm>>
      tpu.wait_indirect_dma semaphore(%arg12 : memref<!tpu.dma_semaphore, #tpu.memory_space<semaphore_mem>>) src(%dma_wait3A_78 : memref<10240x128xf32, #tpu.memory_space<hbm>>) dst(%dma_wait3A_72 : memref<128x128xf32, #tpu.memory_space<vmem>>)
      %dma_wait3A_79 = arith.constant 0 : i32
      %dma_wait3A_80 = arith.constant 0 : i32
      %dma_wait3A_81 = arith.constant 0 : i32
      %dma_wait3A_82 = arith.constant 0 : i32
      %dma_wait3A_83 = tpu.memref_slice %arg9[%dma_wait3A_80, %dma_wait3A_81, %dma_wait3A_82] : memref<2x128x128xf32, #tpu.memory_space<vmem>> -> memref<1x128x128xf32, #tpu.memory_space<vmem>>
      %dma_wait3A_84 = tpu.memref_squeeze %dma_wait3A_83 : memref<1x128x128xf32, #tpu.memory_space<vmem>> -> memref<128x128xf32, #tpu.memory_space<vmem>>
      %dma_wait3A_85 = arith.constant 0 : i32
      %dma_wait3A_86 = tpu.memref_slice %arg7[%dma_wait3A_79, %dma_wait3A_85] : memref<79x128xi32, #tpu.memory_space<vmem>> -> memref<1x128xi32, #tpu.memory_space<vmem>>
      %dma_wait3A_87 = tpu.memref_squeeze %dma_wait3A_86 : memref<1x128xi32, #tpu.memory_space<vmem>> -> memref<128xi32, #tpu.memory_space<vmem>>
      %dma_wait3A_88 = arith.constant 0 : i32
      %dma_wait3A_89 = arith.constant 0 : i32
      %dma_wait3A_90 = tpu.memref_slice %arg2[%dma_wait3A_88, %dma_wait3A_89] : memref<10240x128xf32, #tpu.memory_space<hbm>> -> memref<10240x128xf32, #tpu.memory_space<hbm>>
      tpu.wait_indirect_dma semaphore(%arg12 : memref<!tpu.dma_semaphore, #tpu.memory_space<semaphore_mem>>) src(%dma_wait3A_90 : memref<10240x128xf32, #tpu.memory_space<hbm>>) dst(%dma_wait3A_84 : memref<128x128xf32, #tpu.memory_space<vmem>>)
      %ge3A = arith.constant 2 : i32
      %ge3A_91 = arith.cmpi sge, %mul3A_62, %ge3A : i32
      %convert_element_type3A_92 = arith.extui %ge3A_91 : i1 to i32
      %cond3A_93 = arith.constant 0 : i32
      %cond3A_94 = arith.cmpi ne, %convert_element_type3A_92, %cond3A_93 : i32
      scf.if %cond3A_94 {
        %dma_wait3A_126 = arith.constant 0 : i32
        %dma_wait3A_127 = arith.constant 0 : i32
        %dma_wait3A_128 = arith.constant 0 : i32
        %dma_wait3A_129 = tpu.memref_slice %arg11[%dma_wait3A_126, %dma_wait3A_127, %dma_wait3A_128] : memref<2x128x128xf32, #tpu.memory_space<vmem>> -> memref<1x128x128xf32, #tpu.memory_space<vmem>>
        %dma_wait3A_130 = tpu.memref_squeeze %dma_wait3A_129 : memref<1x128x128xf32, #tpu.memory_space<vmem>> -> memref<128x128xf32, #tpu.memory_space<vmem>>
        %dma_wait3A_131 = arith.constant 0 : i32
        %dma_wait3A_132 = arith.constant 0 : i32
        %dma_wait3A_133 = tpu.memref_slice %arg6[%dma_wait3A_131, %dma_wait3A_132] : memref<323584x128xf32, #tpu.memory_space<hbm>> -> memref<128x128xf32, #tpu.memory_space<hbm>>
        %dma_wait3A_134 = arith.constant 0 : i32
        %dma_wait3A_135 = arith.constant 0 : i32
        %dma_wait3A_136 = tpu.memref_slice %arg6[%dma_wait3A_134, %dma_wait3A_135] : memref<323584x128xf32, #tpu.memory_space<hbm>> -> memref<128x128xf32, #tpu.memory_space<hbm>>
        %dma_wait3A_137 = arith.constant 0 : i32
        %dma_wait3A_138 = arith.constant 0 : i32
        %dma_wait3A_139 = tpu.memref_slice %arg11[%dma_wait3A_126, %dma_wait3A_137, %dma_wait3A_138] : memref<2x128x128xf32, #tpu.memory_space<vmem>> -> memref<1x128x128xf32, #tpu.memory_space<vmem>>
        %dma_wait3A_140 = tpu.memref_squeeze %dma_wait3A_139 : memref<1x128x128xf32, #tpu.memory_space<vmem>> -> memref<128x128xf32, #tpu.memory_space<vmem>>
        tpu.wait_dma2 semaphore(%arg14 : memref<!tpu.dma_semaphore, #tpu.memory_space<semaphore_mem>>) src(%dma_wait3A_140 : memref<128x128xf32, #tpu.memory_space<vmem>>) dst(%dma_wait3A_136 : memref<128x128xf32, #tpu.memory_space<hbm>>)
      } else {
      }
      %scan3A_95 = arith.constant 0 : i32
      %scan3A_96 = arith.constant 0 : i32
      %scan3A_97 = arith.constant 128 : i32
      %scan3A_98 = arith.addi %scan3A_96, %scan3A_97 : i32
      %scan3A_99 = arith.constant 1 : i32
      scf.for %scan3A_126 = %scan3A_96 to %scan3A_98 step %scan3A_99  : i32 {
        %get3A = arith.constant 0 : i32
        %get3A_127 = arith.index_cast %get3A : i32 to index
        %get3A_128 = arith.index_cast %scan3A_126 : i32 to index
        %get3A_129 = arith.constant 0 : index
        %get3A_130 = tpu.vector_load %arg9[%get3A_127, %get3A_128, %get3A_129] {strides = array<i32>} : memref<2x128x128xf32, #tpu.memory_space<vmem>>, vector<16xf32>,
        %get3A_131 = arith.constant 0 : i32
        %get3A_132 = arith.index_cast %get3A_131 : i32 to index
        %get3A_133 = arith.index_cast %scan3A_126 : i32 to index
        %get3A_134 = arith.constant 0 : index
        %get3A_135 = tpu.vector_load %arg10[%get3A_132, %get3A_133, %get3A_134] {strides = array<i32>} : memref<2x128x128xf32, #tpu.memory_space<vmem>>, vector<16xf32>,
        %add3A_136 = arith.addf %get3A_130, %get3A_135 : vector<16xf32>
        %swap3A = arith.constant 0 : i32
        %swap3A_137 = arith.index_cast %swap3A : i32 to index
        %swap3A_138 = arith.index_cast %scan3A_126 : i32 to index
        %swap3A_139 = arith.constant 0 : index
        %swap3A_140 = tpu.vector_load %arg11[%swap3A_137, %swap3A_138, %swap3A_139] {strides = array<i32>} : memref<2x128x128xf32, #tpu.memory_space<vmem>>, vector<16xf32>,
        tpu.vector_store %arg11[%swap3A_137, %swap3A_138, %swap3A_139], %add3A_136 {strides = array<i32>} : memref<2x128x128xf32, #tpu.memory_space<vmem>>, vector<16xf32>,
        %get3A_141 = arith.constant 0 : i32
        %get3A_142 = arith.index_cast %get3A_141 : i32 to index
        %get3A_143 = arith.index_cast %scan3A_126 : i32 to index
        %get3A_144 = arith.constant 16 : index
        %get3A_145 = tpu.vector_load %arg9[%get3A_142, %get3A_143, %get3A_144] {strides = array<i32>} : memref<2x128x128xf32, #tpu.memory_space<vmem>>, vector<16xf32>,
        %get3A_146 = arith.constant 0 : i32
        %get3A_147 = arith.index_cast %get3A_146 : i32 to index
        %get3A_148 = arith.index_cast %scan3A_126 : i32 to index
        %get3A_149 = arith.constant 16 : index
        %get3A_150 = tpu.vector_load %arg10[%get3A_147, %get3A_148, %get3A_149] {strides = array<i32>} : memref<2x128x128xf32, #tpu.memory_space<vmem>>, vector<16xf32>,
        %add3A_151 = arith.addf %get3A_145, %get3A_150 : vector<16xf32>
        %swap3A_152 = arith.constant 0 : i32
        %swap3A_153 = arith.index_cast %swap3A_152 : i32 to index
        %swap3A_154 = arith.index_cast %scan3A_126 : i32 to index
        %swap3A_155 = arith.constant 16 : index
        %swap3A_156 = tpu.vector_load %arg11[%swap3A_153, %swap3A_154, %swap3A_155] {strides = array<i32>} : memref<2x128x128xf32, #tpu.memory_space<vmem>>, vector<16xf32>,
        tpu.vector_store %arg11[%swap3A_153, %swap3A_154, %swap3A_155], %add3A_151 {strides = array<i32>} : memref<2x128x128xf32, #tpu.memory_space<vmem>>, vector<16xf32>,
        %get3A_157 = arith.constant 0 : i32
        %get3A_158 = arith.index_cast %get3A_157 : i32 to index
        %get3A_159 = arith.index_cast %scan3A_126 : i32 to index
        %get3A_160 = arith.constant 32 : index
        %get3A_161 = tpu.vector_load %arg9[%get3A_158, %get3A_159, %get3A_160] {strides = array<i32>} : memref<2x128x128xf32, #tpu.memory_space<vmem>>, vector<16xf32>,
        %get3A_162 = arith.constant 0 : i32
        %get3A_163 = arith.index_cast %get3A_162 : i32 to index
        %get3A_164 = arith.index_cast %scan3A_126 : i32 to index
        %get3A_165 = arith.constant 32 : index
        %get3A_166 = tpu.vector_load %arg10[%get3A_163, %get3A_164, %get3A_165] {strides = array<i32>} : memref<2x128x128xf32, #tpu.memory_space<vmem>>, vector<16xf32>,
        %add3A_167 = arith.addf %get3A_161, %get3A_166 : vector<16xf32>
        %swap3A_168 = arith.constant 0 : i32
        %swap3A_169 = arith.index_cast %swap3A_168 : i32 to index
        %swap3A_170 = arith.index_cast %scan3A_126 : i32 to index
        %swap3A_171 = arith.constant 32 : index
        %swap3A_172 = tpu.vector_load %arg11[%swap3A_169, %swap3A_170, %swap3A_171] {strides = array<i32>} : memref<2x128x128xf32, #tpu.memory_space<vmem>>, vector<16xf32>,
        tpu.vector_store %arg11[%swap3A_169, %swap3A_170, %swap3A_171], %add3A_167 {strides = array<i32>} : memref<2x128x128xf32, #tpu.memory_space<vmem>>, vector<16xf32>,
        %get3A_173 = arith.constant 0 : i32
        %get3A_174 = arith.index_cast %get3A_173 : i32 to index
        %get3A_175 = arith.index_cast %scan3A_126 : i32 to index
        %get3A_176 = arith.constant 48 : index
        %get3A_177 = tpu.vector_load %arg9[%get3A_174, %get3A_175, %get3A_176] {strides = array<i32>} : memref<2x128x128xf32, #tpu.memory_space<vmem>>, vector<16xf32>,
        %get3A_178 = arith.constant 0 : i32
        %get3A_179 = arith.index_cast %get3A_178 : i32 to index
        %get3A_180 = arith.index_cast %scan3A_126 : i32 to index
        %get3A_181 = arith.constant 48 : index
        %get3A_182 = tpu.vector_load %arg10[%get3A_179, %get3A_180, %get3A_181] {strides = array<i32>} : memref<2x128x128xf32, #tpu.memory_space<vmem>>, vector<16xf32>,
        %add3A_183 = arith.addf %get3A_177, %get3A_182 : vector<16xf32>
        %swap3A_184 = arith.constant 0 : i32
        %swap3A_185 = arith.index_cast %swap3A_184 : i32 to index
        %swap3A_186 = arith.index_cast %scan3A_126 : i32 to index
        %swap3A_187 = arith.constant 48 : index
        %swap3A_188 = tpu.vector_load %arg11[%swap3A_185, %swap3A_186, %swap3A_187] {strides = array<i32>} : memref<2x128x128xf32, #tpu.memory_space<vmem>>, vector<16xf32>,
        tpu.vector_store %arg11[%swap3A_185, %swap3A_186, %swap3A_187], %add3A_183 {strides = array<i32>} : memref<2x128x128xf32, #tpu.memory_space<vmem>>, vector<16xf32>,
        %get3A_189 = arith.constant 0 : i32
        %get3A_190 = arith.index_cast %get3A_189 : i32 to index
        %get3A_191 = arith.index_cast %scan3A_126 : i32 to index
        %get3A_192 = arith.constant 64 : index
        %get3A_193 = tpu.vector_load %arg9[%get3A_190, %get3A_191, %get3A_192] {strides = array<i32>} : memref<2x128x128xf32, #tpu.memory_space<vmem>>, vector<16xf32>,
        %get3A_194 = arith.constant 0 : i32
        %get3A_195 = arith.index_cast %get3A_194 : i32 to index
        %get3A_196 = arith.index_cast %scan3A_126 : i32 to index
        %get3A_197 = arith.constant 64 : index
        %get3A_198 = tpu.vector_load %arg10[%get3A_195, %get3A_196, %get3A_197] {strides = array<i32>} : memref<2x128x128xf32, #tpu.memory_space<vmem>>, vector<16xf32>,
        %add3A_199 = arith.addf %get3A_193, %get3A_198 : vector<16xf32>
        %swap3A_200 = arith.constant 0 : i32
        %swap3A_201 = arith.index_cast %swap3A_200 : i32 to index
        %swap3A_202 = arith.index_cast %scan3A_126 : i32 to index
        %swap3A_203 = arith.constant 64 : index
        %swap3A_204 = tpu.vector_load %arg11[%swap3A_201, %swap3A_202, %swap3A_203] {strides = array<i32>} : memref<2x128x128xf32, #tpu.memory_space<vmem>>, vector<16xf32>,
        tpu.vector_store %arg11[%swap3A_201, %swap3A_202, %swap3A_203], %add3A_199 {strides = array<i32>} : memref<2x128x128xf32, #tpu.memory_space<vmem>>, vector<16xf32>,
        %get3A_205 = arith.constant 0 : i32
        %get3A_206 = arith.index_cast %get3A_205 : i32 to index
        %get3A_207 = arith.index_cast %scan3A_126 : i32 to index
        %get3A_208 = arith.constant 80 : index
        %get3A_209 = tpu.vector_load %arg9[%get3A_206, %get3A_207, %get3A_208] {strides = array<i32>} : memref<2x128x128xf32, #tpu.memory_space<vmem>>, vector<16xf32>,
        %get3A_210 = arith.constant 0 : i32
        %get3A_211 = arith.index_cast %get3A_210 : i32 to index
        %get3A_212 = arith.index_cast %scan3A_126 : i32 to index
        %get3A_213 = arith.constant 80 : index
        %get3A_214 = tpu.vector_load %arg10[%get3A_211, %get3A_212, %get3A_213] {strides = array<i32>} : memref<2x128x128xf32, #tpu.memory_space<vmem>>, vector<16xf32>,
        %add3A_215 = arith.addf %get3A_209, %get3A_214 : vector<16xf32>
        %swap3A_216 = arith.constant 0 : i32
        %swap3A_217 = arith.index_cast %swap3A_216 : i32 to index
        %swap3A_218 = arith.index_cast %scan3A_126 : i32 to index
        %swap3A_219 = arith.constant 80 : index
        %swap3A_220 = tpu.vector_load %arg11[%swap3A_217, %swap3A_218, %swap3A_219] {strides = array<i32>} : memref<2x128x128xf32, #tpu.memory_space<vmem>>, vector<16xf32>,
        tpu.vector_store %arg11[%swap3A_217, %swap3A_218, %swap3A_219], %add3A_215 {strides = array<i32>} : memref<2x128x128xf32, #tpu.memory_space<vmem>>, vector<16xf32>,
        %get3A_221 = arith.constant 0 : i32
        %get3A_222 = arith.index_cast %get3A_221 : i32 to index
        %get3A_223 = arith.index_cast %scan3A_126 : i32 to index
        %get3A_224 = arith.constant 96 : index
        %get3A_225 = tpu.vector_load %arg9[%get3A_222, %get3A_223, %get3A_224] {strides = array<i32>} : memref<2x128x128xf32, #tpu.memory_space<vmem>>, vector<16xf32>,
        %get3A_226 = arith.constant 0 : i32
        %get3A_227 = arith.index_cast %get3A_226 : i32 to index
        %get3A_228 = arith.index_cast %scan3A_126 : i32 to index
        %get3A_229 = arith.constant 96 : index
        %get3A_230 = tpu.vector_load %arg10[%get3A_227, %get3A_228, %get3A_229] {strides = array<i32>} : memref<2x128x128xf32, #tpu.memory_space<vmem>>, vector<16xf32>,
        %add3A_231 = arith.addf %get3A_225, %get3A_230 : vector<16xf32>
        %swap3A_232 = arith.constant 0 : i32
        %swap3A_233 = arith.index_cast %swap3A_232 : i32 to index
        %swap3A_234 = arith.index_cast %scan3A_126 : i32 to index
        %swap3A_235 = arith.constant 96 : index
        %swap3A_236 = tpu.vector_load %arg11[%swap3A_233, %swap3A_234, %swap3A_235] {strides = array<i32>} : memref<2x128x128xf32, #tpu.memory_space<vmem>>, vector<16xf32>,
        tpu.vector_store %arg11[%swap3A_233, %swap3A_234, %swap3A_235], %add3A_231 {strides = array<i32>} : memref<2x128x128xf32, #tpu.memory_space<vmem>>, vector<16xf32>,
        %get3A_237 = arith.constant 0 : i32
        %get3A_238 = arith.index_cast %get3A_237 : i32 to index
        %get3A_239 = arith.index_cast %scan3A_126 : i32 to index
        %get3A_240 = arith.constant 112 : index
        %get3A_241 = tpu.vector_load %arg9[%get3A_238, %get3A_239, %get3A_240] {strides = array<i32>} : memref<2x128x128xf32, #tpu.memory_space<vmem>>, vector<16xf32>,
        %get3A_242 = arith.constant 0 : i32
        %get3A_243 = arith.index_cast %get3A_242 : i32 to index
        %get3A_244 = arith.index_cast %scan3A_126 : i32 to index
        %get3A_245 = arith.constant 112 : index
        %get3A_246 = tpu.vector_load %arg10[%get3A_243, %get3A_244, %get3A_245] {strides = array<i32>} : memref<2x128x128xf32, #tpu.memory_space<vmem>>, vector<16xf32>,
        %add3A_247 = arith.addf %get3A_241, %get3A_246 : vector<16xf32>
        %swap3A_248 = arith.constant 0 : i32
        %swap3A_249 = arith.index_cast %swap3A_248 : i32 to index
        %swap3A_250 = arith.index_cast %scan3A_126 : i32 to index
        %swap3A_251 = arith.constant 112 : index
        %swap3A_252 = tpu.vector_load %arg11[%swap3A_249, %swap3A_250, %swap3A_251] {strides = array<i32>} : memref<2x128x128xf32, #tpu.memory_space<vmem>>, vector<16xf32>,
        tpu.vector_store %arg11[%swap3A_249, %swap3A_250, %swap3A_251], %add3A_247 {strides = array<i32>} : memref<2x128x128xf32, #tpu.memory_space<vmem>>, vector<16xf32>,
      }
      %scan3A_100 = arith.constant 128 : i32
      %mul3A_101 = arith.constant 128 : i32
      %mul3A_102 = arith.muli %mul3A_62, %mul3A_101 : i32
      %add3A_103 = arith.addi %mul3A_2, %mul3A_102 : i32
      %dma_start3A_104 = arith.constant 0 : i32
      %dma_start3A_105 = arith.constant 0 : i32
      %dma_start3A_106 = arith.constant 0 : i32
      %dma_start3A_107 = tpu.memref_slice %arg11[%dma_start3A_104, %dma_start3A_105, %dma_start3A_106] : memref<2x128x128xf32, #tpu.memory_space<vmem>> -> memref<1x128x128xf32, #tpu.memory_space<vmem>>
      %dma_start3A_108 = tpu.memref_squeeze %dma_start3A_107 : memref<1x128x128xf32, #tpu.memory_space<vmem>> -> memref<128x128xf32, #tpu.memory_space<vmem>>
      %dma_start3A_109 = arith.constant 0 : i32
      %dma_start3A_110 = tpu.memref_slice %arg6[%add3A_103, %dma_start3A_109] : memref<323584x128xf32, #tpu.memory_space<hbm>> -> memref<128x128xf32, #tpu.memory_space<hbm>>
      %dma_start3A_111 = arith.constant 0 : i32
      %dma_start3A_112 = tpu.memref_slice %arg6[%add3A_103, %dma_start3A_111] : memref<323584x128xf32, #tpu.memory_space<hbm>> -> memref<128x128xf32, #tpu.memory_space<hbm>>
      %dma_start3A_113 = arith.constant 0 : i32
      %dma_start3A_114 = arith.constant 0 : i32
      %dma_start3A_115 = tpu.memref_slice %arg11[%dma_start3A_104, %dma_start3A_113, %dma_start3A_114] : memref<2x128x128xf32, #tpu.memory_space<vmem>> -> memref<1x128x128xf32, #tpu.memory_space<vmem>>
      %dma_start3A_116 = tpu.memref_squeeze %dma_start3A_115 : memref<1x128x128xf32, #tpu.memory_space<vmem>> -> memref<128x128xf32, #tpu.memory_space<vmem>>
      tpu.enqueue_dma source(%dma_start3A_116 : memref<128x128xf32, #tpu.memory_space<vmem>>) target(%dma_start3A_112 : memref<128x128xf32, #tpu.memory_space<hbm>>) target_semaphore(%arg14 : memref<!tpu.dma_semaphore, #tpu.memory_space<semaphore_mem>>)
      %mul3A_117 = arith.constant 2 : i32
      %mul3A_118 = arith.muli %mul3A_117, %scan3A_60 : i32
      %add3A_119 = arith.constant 1 : i32
      %add3A_120 = arith.addi %mul3A_118, %add3A_119 : i32
      %lt3A_121 = arith.constant 79 : i32
      %lt3A_122 = arith.cmpi slt, %add3A_120, %lt3A_121 : i32
      %convert_element_type3A_123 = arith.extui %lt3A_122 : i1 to i32
      %cond3A_124 = arith.constant 0 : i32
      %cond3A_125 = arith.cmpi ne, %convert_element_type3A_123, %cond3A_124 : i32
      scf.if %cond3A_125 {
        %mul3A_126 = arith.constant 2 : i32
        %mul3A_127 = arith.muli %mul3A_126, %scan3A_60 : i32
        %add3A_128 = arith.constant 1 : i32
        %add3A_129 = arith.addi %mul3A_127, %add3A_128 : i32
        %add3A_130 = arith.constant 1 : i32
        %add3A_131 = arith.addi %add3A_129, %add3A_130 : i32
        %lt3A_132 = arith.constant 79 : i32
        %lt3A_133 = arith.cmpi slt, %add3A_131, %lt3A_132 : i32
        %convert_element_type3A_134 = arith.extui %lt3A_133 : i1 to i32
        %cond3A_135 = arith.constant 0 : i32
        %cond3A_136 = arith.cmpi ne, %convert_element_type3A_134, %cond3A_135 : i32
        scf.if %cond3A_136 {
          %add3A_188 = arith.constant 1 : i32
          %add3A_189 = arith.addi %add3A_129, %add3A_188 : i32
          %dma_start3A_190 = arith.constant 0 : i32
          %dma_start3A_191 = arith.constant 0 : i32
          %dma_start3A_192 = arith.constant 0 : i32
          %dma_start3A_193 = tpu.memref_slice %arg9[%dma_start3A_190, %dma_start3A_191, %dma_start3A_192] : memref<2x128x128xf32, #tpu.memory_space<vmem>> -> memref<1x128x128xf32, #tpu.memory_space<vmem>>
          %dma_start3A_194 = tpu.memref_squeeze %dma_start3A_193 : memref<1x128x128xf32, #tpu.memory_space<vmem>> -> memref<128x128xf32, #tpu.memory_space<vmem>>
          %dma_start3A_195 = arith.constant 0 : i32
          %dma_start3A_196 = tpu.memref_slice %arg7[%add3A_189, %dma_start3A_195] : memref<79x128xi32, #tpu.memory_space<vmem>> -> memref<1x128xi32, #tpu.memory_space<vmem>>
          %dma_start3A_197 = tpu.memref_squeeze %dma_start3A_196 : memref<1x128xi32, #tpu.memory_space<vmem>> -> memref<128xi32, #tpu.memory_space<vmem>>
          %dma_start3A_198 = arith.constant 0 : i32
          %dma_start3A_199 = arith.constant 0 : i32
          %dma_start3A_200 = tpu.memref_slice %arg2[%dma_start3A_198, %dma_start3A_199] : memref<10240x128xf32, #tpu.memory_space<hbm>> -> memref<10240x128xf32, #tpu.memory_space<hbm>>
          tpu.enqueue_indirect_dma source(%dma_start3A_200 : memref<10240x128xf32, #tpu.memory_space<hbm>>) target(%dma_start3A_194 : memref<128x128xf32, #tpu.memory_space<vmem>>) offsets(%dma_start3A_197 : memref<128xi32, #tpu.memory_space<vmem>>) semaphore(%arg12 : memref<!tpu.dma_semaphore, #tpu.memory_space<semaphore_mem>>)
          %dma_start3A_201 = arith.constant 0 : i32
          %dma_start3A_202 = arith.constant 0 : i32
          %dma_start3A_203 = arith.constant 0 : i32
          %dma_start3A_204 = tpu.memref_slice %arg10[%dma_start3A_201, %dma_start3A_202, %dma_start3A_203] : memref<2x128x128xf32, #tpu.memory_space<vmem>> -> memref<1x128x128xf32, #tpu.memory_space<vmem>>
          %dma_start3A_205 = tpu.memref_squeeze %dma_start3A_204 : memref<1x128x128xf32, #tpu.memory_space<vmem>> -> memref<128x128xf32, #tpu.memory_space<vmem>>
          %dma_start3A_206 = arith.constant 0 : i32
          %dma_start3A_207 = tpu.memref_slice %arg8[%add3A_189, %dma_start3A_206] : memref<79x128xi32, #tpu.memory_space<vmem>> -> memref<1x128xi32, #tpu.memory_space<vmem>>
          %dma_start3A_208 = tpu.memref_squeeze %dma_start3A_207 : memref<1x128xi32, #tpu.memory_space<vmem>> -> memref<128xi32, #tpu.memory_space<vmem>>
          %dma_start3A_209 = arith.constant 0 : i32
          %dma_start3A_210 = arith.constant 0 : i32
          %dma_start3A_211 = tpu.memref_slice %arg3[%dma_start3A_209, %dma_start3A_210] : memref<10240x128xf32, #tpu.memory_space<hbm>> -> memref<10240x128xf32, #tpu.memory_space<hbm>>
          tpu.enqueue_indirect_dma source(%dma_start3A_211 : memref<10240x128xf32, #tpu.memory_space<hbm>>) target(%dma_start3A_205 : memref<128x128xf32, #tpu.memory_space<vmem>>) offsets(%dma_start3A_208 : memref<128xi32, #tpu.memory_space<vmem>>) semaphore(%arg12 : memref<!tpu.dma_semaphore, #tpu.memory_space<semaphore_mem>>)
        } else {
        }
        %dma_wait3A_137 = arith.constant 0 : i32
        %dma_wait3A_138 = arith.constant 1 : i32
        %dma_wait3A_139 = arith.constant 0 : i32
        %dma_wait3A_140 = arith.constant 0 : i32
        %dma_wait3A_141 = tpu.memref_slice %arg9[%dma_wait3A_138, %dma_wait3A_139, %dma_wait3A_140] : memref<2x128x128xf32, #tpu.memory_space<vmem>> -> memref<1x128x128xf32, #tpu.memory_space<vmem>>
        %dma_wait3A_142 = tpu.memref_squeeze %dma_wait3A_141 : memref<1x128x128xf32, #tpu.memory_space<vmem>> -> memref<128x128xf32, #tpu.memory_space<vmem>>
        %dma_wait3A_143 = arith.constant 0 : i32
        %dma_wait3A_144 = tpu.memref_slice %arg7[%dma_wait3A_137, %dma_wait3A_143] : memref<79x128xi32, #tpu.memory_space<vmem>> -> memref<1x128xi32, #tpu.memory_space<vmem>>
        %dma_wait3A_145 = tpu.memref_squeeze %dma_wait3A_144 : memref<1x128xi32, #tpu.memory_space<vmem>> -> memref<128xi32, #tpu.memory_space<vmem>>
        %dma_wait3A_146 = arith.constant 0 : i32
        %dma_wait3A_147 = arith.constant 0 : i32
        %dma_wait3A_148 = tpu.memref_slice %arg2[%dma_wait3A_146, %dma_wait3A_147] : memref<10240x128xf32, #tpu.memory_space<hbm>> -> memref<10240x128xf32, #tpu.memory_space<hbm>>
        tpu.wait_indirect_dma semaphore(%arg13 : memref<!tpu.dma_semaphore, #tpu.memory_space<semaphore_mem>>) src(%dma_wait3A_148 : memref<10240x128xf32, #tpu.memory_space<hbm>>) dst(%dma_wait3A_142 : memref<128x128xf32, #tpu.memory_space<vmem>>)
        %dma_wait3A_149 = arith.constant 0 : i32
        %dma_wait3A_150 = arith.constant 1 : i32
        %dma_wait3A_151 = arith.constant 0 : i32
        %dma_wait3A_152 = arith.constant 0 : i32
        %dma_wait3A_153 = tpu.memref_slice %arg9[%dma_wait3A_150, %dma_wait3A_151, %dma_wait3A_152] : memref<2x128x128xf32, #tpu.memory_space<vmem>> -> memref<1x128x128xf32, #tpu.memory_space<vmem>>
        %dma_wait3A_154 = tpu.memref_squeeze %dma_wait3A_153 : memref<1x128x128xf32, #tpu.memory_space<vmem>> -> memref<128x128xf32, #tpu.memory_space<vmem>>
        %dma_wait3A_155 = arith.constant 0 : i32
        %dma_wait3A_156 = tpu.memref_slice %arg7[%dma_wait3A_149, %dma_wait3A_155] : memref<79x128xi32, #tpu.memory_space<vmem>> -> memref<1x128xi32, #tpu.memory_space<vmem>>
        %dma_wait3A_157 = tpu.memref_squeeze %dma_wait3A_156 : memref<1x128xi32, #tpu.memory_space<vmem>> -> memref<128xi32, #tpu.memory_space<vmem>>
        %dma_wait3A_158 = arith.constant 0 : i32
        %dma_wait3A_159 = arith.constant 0 : i32
        %dma_wait3A_160 = tpu.memref_slice %arg2[%dma_wait3A_158, %dma_wait3A_159] : memref<10240x128xf32, #tpu.memory_space<hbm>> -> memref<10240x128xf32, #tpu.memory_space<hbm>>
        tpu.wait_indirect_dma semaphore(%arg13 : memref<!tpu.dma_semaphore, #tpu.memory_space<semaphore_mem>>) src(%dma_wait3A_160 : memref<10240x128xf32, #tpu.memory_space<hbm>>) dst(%dma_wait3A_154 : memref<128x128xf32, #tpu.memory_space<vmem>>)
        %ge3A_161 = arith.constant 2 : i32
        %ge3A_162 = arith.cmpi sge, %add3A_129, %ge3A_161 : i32
        %convert_element_type3A_163 = arith.extui %ge3A_162 : i1 to i32
        %cond3A_164 = arith.constant 0 : i32
        %cond3A_165 = arith.cmpi ne, %convert_element_type3A_163, %cond3A_164 : i32
        scf.if %cond3A_165 {
          %dma_wait3A_188 = arith.constant 1 : i32
          %dma_wait3A_189 = arith.constant 0 : i32
          %dma_wait3A_190 = arith.constant 0 : i32
          %dma_wait3A_191 = tpu.memref_slice %arg11[%dma_wait3A_188, %dma_wait3A_189, %dma_wait3A_190] : memref<2x128x128xf32, #tpu.memory_space<vmem>> -> memref<1x128x128xf32, #tpu.memory_space<vmem>>
          %dma_wait3A_192 = tpu.memref_squeeze %dma_wait3A_191 : memref<1x128x128xf32, #tpu.memory_space<vmem>> -> memref<128x128xf32, #tpu.memory_space<vmem>>
          %dma_wait3A_193 = arith.constant 0 : i32
          %dma_wait3A_194 = arith.constant 0 : i32
          %dma_wait3A_195 = tpu.memref_slice %arg6[%dma_wait3A_193, %dma_wait3A_194] : memref<323584x128xf32, #tpu.memory_space<hbm>> -> memref<128x128xf32, #tpu.memory_space<hbm>>
          %dma_wait3A_196 = arith.constant 0 : i32
          %dma_wait3A_197 = arith.constant 0 : i32
          %dma_wait3A_198 = tpu.memref_slice %arg6[%dma_wait3A_196, %dma_wait3A_197] : memref<323584x128xf32, #tpu.memory_space<hbm>> -> memref<128x128xf32, #tpu.memory_space<hbm>>
          %dma_wait3A_199 = arith.constant 0 : i32
          %dma_wait3A_200 = arith.constant 0 : i32
          %dma_wait3A_201 = tpu.memref_slice %arg11[%dma_wait3A_188, %dma_wait3A_199, %dma_wait3A_200] : memref<2x128x128xf32, #tpu.memory_space<vmem>> -> memref<1x128x128xf32, #tpu.memory_space<vmem>>
          %dma_wait3A_202 = tpu.memref_squeeze %dma_wait3A_201 : memref<1x128x128xf32, #tpu.memory_space<vmem>> -> memref<128x128xf32, #tpu.memory_space<vmem>>
          tpu.wait_dma2 semaphore(%arg15 : memref<!tpu.dma_semaphore, #tpu.memory_space<semaphore_mem>>) src(%dma_wait3A_202 : memref<128x128xf32, #tpu.memory_space<vmem>>) dst(%dma_wait3A_198 : memref<128x128xf32, #tpu.memory_space<hbm>>)
        } else {
        }
        %scan3A_166 = arith.constant 0 : i32
        %scan3A_167 = arith.constant 0 : i32
        %scan3A_168 = arith.constant 128 : i32
        %scan3A_169 = arith.addi %scan3A_167, %scan3A_168 : i32
        %scan3A_170 = arith.constant 1 : i32
        scf.for %scan3A_188 = %scan3A_167 to %scan3A_169 step %scan3A_170  : i32 {
          %get3A = arith.constant 1 : i32
          %get3A_189 = arith.index_cast %get3A : i32 to index
          %get3A_190 = arith.index_cast %scan3A_188 : i32 to index
          %get3A_191 = arith.constant 0 : index
          %get3A_192 = tpu.vector_load %arg9[%get3A_189, %get3A_190, %get3A_191] {strides = array<i32>} : memref<2x128x128xf32, #tpu.memory_space<vmem>>, vector<16xf32>,
          %get3A_193 = arith.constant 1 : i32
          %get3A_194 = arith.index_cast %get3A_193 : i32 to index
          %get3A_195 = arith.index_cast %scan3A_188 : i32 to index
          %get3A_196 = arith.constant 0 : index
          %get3A_197 = tpu.vector_load %arg10[%get3A_194, %get3A_195, %get3A_196] {strides = array<i32>} : memref<2x128x128xf32, #tpu.memory_space<vmem>>, vector<16xf32>,
          %add3A_198 = arith.addf %get3A_192, %get3A_197 : vector<16xf32>
          %swap3A = arith.constant 1 : i32
          %swap3A_199 = arith.index_cast %swap3A : i32 to index
          %swap3A_200 = arith.index_cast %scan3A_188 : i32 to index
          %swap3A_201 = arith.constant 0 : index
          %swap3A_202 = tpu.vector_load %arg11[%swap3A_199, %swap3A_200, %swap3A_201] {strides = array<i32>} : memref<2x128x128xf32, #tpu.memory_space<vmem>>, vector<16xf32>,
          tpu.vector_store %arg11[%swap3A_199, %swap3A_200, %swap3A_201], %add3A_198 {strides = array<i32>} : memref<2x128x128xf32, #tpu.memory_space<vmem>>, vector<16xf32>,
          %get3A_203 = arith.constant 1 : i32
          %get3A_204 = arith.index_cast %get3A_203 : i32 to index
          %get3A_205 = arith.index_cast %scan3A_188 : i32 to index
          %get3A_206 = arith.constant 16 : index
          %get3A_207 = tpu.vector_load %arg9[%get3A_204, %get3A_205, %get3A_206] {strides = array<i32>} : memref<2x128x128xf32, #tpu.memory_space<vmem>>, vector<16xf32>,
          %get3A_208 = arith.constant 1 : i32
          %get3A_209 = arith.index_cast %get3A_208 : i32 to index
          %get3A_210 = arith.index_cast %scan3A_188 : i32 to index
          %get3A_211 = arith.constant 16 : index
          %get3A_212 = tpu.vector_load %arg10[%get3A_209, %get3A_210, %get3A_211] {strides = array<i32>} : memref<2x128x128xf32, #tpu.memory_space<vmem>>, vector<16xf32>,
          %add3A_213 = arith.addf %get3A_207, %get3A_212 : vector<16xf32>
          %swap3A_214 = arith.constant 1 : i32
          %swap3A_215 = arith.index_cast %swap3A_214 : i32 to index
          %swap3A_216 = arith.index_cast %scan3A_188 : i32 to index
          %swap3A_217 = arith.constant 16 : index
          %swap3A_218 = tpu.vector_load %arg11[%swap3A_215, %swap3A_216, %swap3A_217] {strides = array<i32>} : memref<2x128x128xf32, #tpu.memory_space<vmem>>, vector<16xf32>,
          tpu.vector_store %arg11[%swap3A_215, %swap3A_216, %swap3A_217], %add3A_213 {strides = array<i32>} : memref<2x128x128xf32, #tpu.memory_space<vmem>>, vector<16xf32>,
          %get3A_219 = arith.constant 1 : i32
          %get3A_220 = arith.index_cast %get3A_219 : i32 to index
          %get3A_221 = arith.index_cast %scan3A_188 : i32 to index
          %get3A_222 = arith.constant 32 : index
          %get3A_223 = tpu.vector_load %arg9[%get3A_220, %get3A_221, %get3A_222] {strides = array<i32>} : memref<2x128x128xf32, #tpu.memory_space<vmem>>, vector<16xf32>,
          %get3A_224 = arith.constant 1 : i32
          %get3A_225 = arith.index_cast %get3A_224 : i32 to index
          %get3A_226 = arith.index_cast %scan3A_188 : i32 to index
          %get3A_227 = arith.constant 32 : index
          %get3A_228 = tpu.vector_load %arg10[%get3A_225, %get3A_226, %get3A_227] {strides = array<i32>} : memref<2x128x128xf32, #tpu.memory_space<vmem>>, vector<16xf32>,
          %add3A_229 = arith.addf %get3A_223, %get3A_228 : vector<16xf32>
          %swap3A_230 = arith.constant 1 : i32
          %swap3A_231 = arith.index_cast %swap3A_230 : i32 to index
          %swap3A_232 = arith.index_cast %scan3A_188 : i32 to index
          %swap3A_233 = arith.constant 32 : index
          %swap3A_234 = tpu.vector_load %arg11[%swap3A_231, %swap3A_232, %swap3A_233] {strides = array<i32>} : memref<2x128x128xf32, #tpu.memory_space<vmem>>, vector<16xf32>,
          tpu.vector_store %arg11[%swap3A_231, %swap3A_232, %swap3A_233], %add3A_229 {strides = array<i32>} : memref<2x128x128xf32, #tpu.memory_space<vmem>>, vector<16xf32>,
          %get3A_235 = arith.constant 1 : i32
          %get3A_236 = arith.index_cast %get3A_235 : i32 to index
          %get3A_237 = arith.index_cast %scan3A_188 : i32 to index
          %get3A_238 = arith.constant 48 : index
          %get3A_239 = tpu.vector_load %arg9[%get3A_236, %get3A_237, %get3A_238] {strides = array<i32>} : memref<2x128x128xf32, #tpu.memory_space<vmem>>, vector<16xf32>,
          %get3A_240 = arith.constant 1 : i32
          %get3A_241 = arith.index_cast %get3A_240 : i32 to index
          %get3A_242 = arith.index_cast %scan3A_188 : i32 to index
          %get3A_243 = arith.constant 48 : index
          %get3A_244 = tpu.vector_load %arg10[%get3A_241, %get3A_242, %get3A_243] {strides = array<i32>} : memref<2x128x128xf32, #tpu.memory_space<vmem>>, vector<16xf32>,
          %add3A_245 = arith.addf %get3A_239, %get3A_244 : vector<16xf32>
          %swap3A_246 = arith.constant 1 : i32
          %swap3A_247 = arith.index_cast %swap3A_246 : i32 to index
          %swap3A_248 = arith.index_cast %scan3A_188 : i32 to index
          %swap3A_249 = arith.constant 48 : index
          %swap3A_250 = tpu.vector_load %arg11[%swap3A_247, %swap3A_248, %swap3A_249] {strides = array<i32>} : memref<2x128x128xf32, #tpu.memory_space<vmem>>, vector<16xf32>,
          tpu.vector_store %arg11[%swap3A_247, %swap3A_248, %swap3A_249], %add3A_245 {strides = array<i32>} : memref<2x128x128xf32, #tpu.memory_space<vmem>>, vector<16xf32>,
          %get3A_251 = arith.constant 1 : i32
          %get3A_252 = arith.index_cast %get3A_251 : i32 to index
          %get3A_253 = arith.index_cast %scan3A_188 : i32 to index
          %get3A_254 = arith.constant 64 : index
          %get3A_255 = tpu.vector_load %arg9[%get3A_252, %get3A_253, %get3A_254] {strides = array<i32>} : memref<2x128x128xf32, #tpu.memory_space<vmem>>, vector<16xf32>,
          %get3A_256 = arith.constant 1 : i32
          %get3A_257 = arith.index_cast %get3A_256 : i32 to index
          %get3A_258 = arith.index_cast %scan3A_188 : i32 to index
          %get3A_259 = arith.constant 64 : index
          %get3A_260 = tpu.vector_load %arg10[%get3A_257, %get3A_258, %get3A_259] {strides = array<i32>} : memref<2x128x128xf32, #tpu.memory_space<vmem>>, vector<16xf32>,
          %add3A_261 = arith.addf %get3A_255, %get3A_260 : vector<16xf32>
          %swap3A_262 = arith.constant 1 : i32
          %swap3A_263 = arith.index_cast %swap3A_262 : i32 to index
          %swap3A_264 = arith.index_cast %scan3A_188 : i32 to index
          %swap3A_265 = arith.constant 64 : index
          %swap3A_266 = tpu.vector_load %arg11[%swap3A_263, %swap3A_264, %swap3A_265] {strides = array<i32>} : memref<2x128x128xf32, #tpu.memory_space<vmem>>, vector<16xf32>,
          tpu.vector_store %arg11[%swap3A_263, %swap3A_264, %swap3A_265], %add3A_261 {strides = array<i32>} : memref<2x128x128xf32, #tpu.memory_space<vmem>>, vector<16xf32>,
          %get3A_267 = arith.constant 1 : i32
          %get3A_268 = arith.index_cast %get3A_267 : i32 to index
          %get3A_269 = arith.index_cast %scan3A_188 : i32 to index
          %get3A_270 = arith.constant 80 : index
          %get3A_271 = tpu.vector_load %arg9[%get3A_268, %get3A_269, %get3A_270] {strides = array<i32>} : memref<2x128x128xf32, #tpu.memory_space<vmem>>, vector<16xf32>,
          %get3A_272 = arith.constant 1 : i32
          %get3A_273 = arith.index_cast %get3A_272 : i32 to index
          %get3A_274 = arith.index_cast %scan3A_188 : i32 to index
          %get3A_275 = arith.constant 80 : index
          %get3A_276 = tpu.vector_load %arg10[%get3A_273, %get3A_274, %get3A_275] {strides = array<i32>} : memref<2x128x128xf32, #tpu.memory_space<vmem>>, vector<16xf32>,
          %add3A_277 = arith.addf %get3A_271, %get3A_276 : vector<16xf32>
          %swap3A_278 = arith.constant 1 : i32
          %swap3A_279 = arith.index_cast %swap3A_278 : i32 to index
          %swap3A_280 = arith.index_cast %scan3A_188 : i32 to index
          %swap3A_281 = arith.constant 80 : index
          %swap3A_282 = tpu.vector_load %arg11[%swap3A_279, %swap3A_280, %swap3A_281] {strides = array<i32>} : memref<2x128x128xf32, #tpu.memory_space<vmem>>, vector<16xf32>,
          tpu.vector_store %arg11[%swap3A_279, %swap3A_280, %swap3A_281], %add3A_277 {strides = array<i32>} : memref<2x128x128xf32, #tpu.memory_space<vmem>>, vector<16xf32>,
          %get3A_283 = arith.constant 1 : i32
          %get3A_284 = arith.index_cast %get3A_283 : i32 to index
          %get3A_285 = arith.index_cast %scan3A_188 : i32 to index
          %get3A_286 = arith.constant 96 : index
          %get3A_287 = tpu.vector_load %arg9[%get3A_284, %get3A_285, %get3A_286] {strides = array<i32>} : memref<2x128x128xf32, #tpu.memory_space<vmem>>, vector<16xf32>,
          %get3A_288 = arith.constant 1 : i32
          %get3A_289 = arith.index_cast %get3A_288 : i32 to index
          %get3A_290 = arith.index_cast %scan3A_188 : i32 to index
          %get3A_291 = arith.constant 96 : index
          %get3A_292 = tpu.vector_load %arg10[%get3A_289, %get3A_290, %get3A_291] {strides = array<i32>} : memref<2x128x128xf32, #tpu.memory_space<vmem>>, vector<16xf32>,
          %add3A_293 = arith.addf %get3A_287, %get3A_292 : vector<16xf32>
          %swap3A_294 = arith.constant 1 : i32
          %swap3A_295 = arith.index_cast %swap3A_294 : i32 to index
          %swap3A_296 = arith.index_cast %scan3A_188 : i32 to index
          %swap3A_297 = arith.constant 96 : index
          %swap3A_298 = tpu.vector_load %arg11[%swap3A_295, %swap3A_296, %swap3A_297] {strides = array<i32>} : memref<2x128x128xf32, #tpu.memory_space<vmem>>, vector<16xf32>,
          tpu.vector_store %arg11[%swap3A_295, %swap3A_296, %swap3A_297], %add3A_293 {strides = array<i32>} : memref<2x128x128xf32, #tpu.memory_space<vmem>>, vector<16xf32>,
          %get3A_299 = arith.constant 1 : i32
          %get3A_300 = arith.index_cast %get3A_299 : i32 to index
          %get3A_301 = arith.index_cast %scan3A_188 : i32 to index
          %get3A_302 = arith.constant 112 : index
          %get3A_303 = tpu.vector_load %arg9[%get3A_300, %get3A_301, %get3A_302] {strides = array<i32>} : memref<2x128x128xf32, #tpu.memory_space<vmem>>, vector<16xf32>,
          %get3A_304 = arith.constant 1 : i32
          %get3A_305 = arith.index_cast %get3A_304 : i32 to index
          %get3A_306 = arith.index_cast %scan3A_188 : i32 to index
          %get3A_307 = arith.constant 112 : index
          %get3A_308 = tpu.vector_load %arg10[%get3A_305, %get3A_306, %get3A_307] {strides = array<i32>} : memref<2x128x128xf32, #tpu.memory_space<vmem>>, vector<16xf32>,
          %add3A_309 = arith.addf %get3A_303, %get3A_308 : vector<16xf32>
          %swap3A_310 = arith.constant 1 : i32
          %swap3A_311 = arith.index_cast %swap3A_310 : i32 to index
          %swap3A_312 = arith.index_cast %scan3A_188 : i32 to index
          %swap3A_313 = arith.constant 112 : index
          %swap3A_314 = tpu.vector_load %arg11[%swap3A_311, %swap3A_312, %swap3A_313] {strides = array<i32>} : memref<2x128x128xf32, #tpu.memory_space<vmem>>, vector<16xf32>,
          tpu.vector_store %arg11[%swap3A_311, %swap3A_312, %swap3A_313], %add3A_309 {strides = array<i32>} : memref<2x128x128xf32, #tpu.memory_space<vmem>>, vector<16xf32>,
        }
        %scan3A_171 = arith.constant 128 : i32
        %mul3A_172 = arith.constant 128 : i32
        %mul3A_173 = arith.muli %add3A_129, %mul3A_172 : i32
        %add3A_174 = arith.addi %mul3A_2, %mul3A_173 : i32
        %dma_start3A_175 = arith.constant 1 : i32
        %dma_start3A_176 = arith.constant 0 : i32
        %dma_start3A_177 = arith.constant 0 : i32
        %dma_start3A_178 = tpu.memref_slice %arg11[%dma_start3A_175, %dma_start3A_176, %dma_start3A_177] : memref<2x128x128xf32, #tpu.memory_space<vmem>> -> memref<1x128x128xf32, #tpu.memory_space<vmem>>
        %dma_start3A_179 = tpu.memref_squeeze %dma_start3A_178 : memref<1x128x128xf32, #tpu.memory_space<vmem>> -> memref<128x128xf32, #tpu.memory_space<vmem>>
        %dma_start3A_180 = arith.constant 0 : i32
        %dma_start3A_181 = tpu.memref_slice %arg6[%add3A_174, %dma_start3A_180] : memref<323584x128xf32, #tpu.memory_space<hbm>> -> memref<128x128xf32, #tpu.memory_space<hbm>>
        %dma_start3A_182 = arith.constant 0 : i32
        %dma_start3A_183 = tpu.memref_slice %arg6[%add3A_174, %dma_start3A_182] : memref<323584x128xf32, #tpu.memory_space<hbm>> -> memref<128x128xf32, #tpu.memory_space<hbm>>
        %dma_start3A_184 = arith.constant 0 : i32
        %dma_start3A_185 = arith.constant 0 : i32
        %dma_start3A_186 = tpu.memref_slice %arg11[%dma_start3A_175, %dma_start3A_184, %dma_start3A_185] : memref<2x128x128xf32, #tpu.memory_space<vmem>> -> memref<1x128x128xf32, #tpu.memory_space<vmem>>
        %dma_start3A_187 = tpu.memref_squeeze %dma_start3A_186 : memref<1x128x128xf32, #tpu.memory_space<vmem>> -> memref<128x128xf32, #tpu.memory_space<vmem>>
        tpu.enqueue_dma source(%dma_start3A_187 : memref<128x128xf32, #tpu.memory_space<vmem>>) target(%dma_start3A_183 : memref<128x128xf32, #tpu.memory_space<hbm>>) target_semaphore(%arg15 : memref<!tpu.dma_semaphore, #tpu.memory_space<semaphore_mem>>)
      } else {
      }
    }
    %scan3A_30 = arith.constant 40 : i32
    %dma_wait3A = arith.constant 0 : i32
    %dma_wait3A_31 = arith.constant 0 : i32
    %dma_wait3A_32 = arith.constant 0 : i32
    %dma_wait3A_33 = tpu.memref_slice %arg11[%dma_wait3A, %dma_wait3A_31, %dma_wait3A_32] : memref<2x128x128xf32, #tpu.memory_space<vmem>> -> memref<1x128x128xf32, #tpu.memory_space<vmem>>
    %dma_wait3A_34 = tpu.memref_squeeze %dma_wait3A_33 : memref<1x128x128xf32, #tpu.memory_space<vmem>> -> memref<128x128xf32, #tpu.memory_space<vmem>>
    %dma_wait3A_35 = arith.constant 0 : i32
    %dma_wait3A_36 = arith.constant 0 : i32
    %dma_wait3A_37 = tpu.memref_slice %arg6[%dma_wait3A_35, %dma_wait3A_36] : memref<323584x128xf32, #tpu.memory_space<hbm>> -> memref<128x128xf32, #tpu.memory_space<hbm>>
    %dma_wait3A_38 = arith.constant 0 : i32
    %dma_wait3A_39 = arith.constant 0 : i32
    %dma_wait3A_40 = tpu.memref_slice %arg6[%dma_wait3A_38, %dma_wait3A_39] : memref<323584x128xf32, #tpu.memory_space<hbm>> -> memref<128x128xf32, #tpu.memory_space<hbm>>
    %dma_wait3A_41 = arith.constant 0 : i32
    %dma_wait3A_42 = arith.constant 0 : i32
    %dma_wait3A_43 = tpu.memref_slice %arg11[%dma_wait3A, %dma_wait3A_41, %dma_wait3A_42] : memref<2x128x128xf32, #tpu.memory_space<vmem>> -> memref<1x128x128xf32, #tpu.memory_space<vmem>>
    %dma_wait3A_44 = tpu.memref_squeeze %dma_wait3A_43 : memref<1x128x128xf32, #tpu.memory_space<vmem>> -> memref<128x128xf32, #tpu.memory_space<vmem>>
    tpu.wait_dma2 semaphore(%arg14 : memref<!tpu.dma_semaphore, #tpu.memory_space<semaphore_mem>>) src(%dma_wait3A_44 : memref<128x128xf32, #tpu.memory_space<vmem>>) dst(%dma_wait3A_40 : memref<128x128xf32, #tpu.memory_space<hbm>>)
    %dma_wait3A_45 = arith.constant 1 : i32
    %dma_wait3A_46 = arith.constant 0 : i32
    %dma_wait3A_47 = arith.constant 0 : i32
    %dma_wait3A_48 = tpu.memref_slice %arg11[%dma_wait3A_45, %dma_wait3A_46, %dma_wait3A_47] : memref<2x128x128xf32, #tpu.memory_space<vmem>> -> memref<1x128x128xf32, #tpu.memory_space<vmem>>
    %dma_wait3A_49 = tpu.memref_squeeze %dma_wait3A_48 : memref<1x128x128xf32, #tpu.memory_space<vmem>> -> memref<128x128xf32, #tpu.memory_space<vmem>>
    %dma_wait3A_50 = arith.constant 0 : i32
    %dma_wait3A_51 = arith.constant 0 : i32
    %dma_wait3A_52 = tpu.memref_slice %arg6[%dma_wait3A_50, %dma_wait3A_51] : memref<323584x128xf32, #tpu.memory_space<hbm>> -> memref<128x128xf32, #tpu.memory_space<hbm>>
    %dma_wait3A_53 = arith.constant 0 : i32
    %dma_wait3A_54 = arith.constant 0 : i32
    %dma_wait3A_55 = tpu.memref_slice %arg6[%dma_wait3A_53, %dma_wait3A_54] : memref<323584x128xf32, #tpu.memory_space<hbm>> -> memref<128x128xf32, #tpu.memory_space<hbm>>
    %dma_wait3A_56 = arith.constant 0 : i32
    %dma_wait3A_57 = arith.constant 0 : i32
    %dma_wait3A_58 = tpu.memref_slice %arg11[%dma_wait3A_45, %dma_wait3A_56, %dma_wait3A_57] : memref<2x128x128xf32, #tpu.memory_space<vmem>> -> memref<1x128x128xf32, #tpu.memory_space<vmem>>
    %dma_wait3A_59 = tpu.memref_squeeze %dma_wait3A_58 : memref<1x128x128xf32, #tpu.memory_space<vmem>> -> memref<128x128xf32, #tpu.memory_space<vmem>>
    tpu.wait_dma2 semaphore(%arg15 : memref<!tpu.dma_semaphore, #tpu.memory_space<semaphore_mem>>) src(%dma_wait3A_59 : memref<128x128xf32, #tpu.memory_space<vmem>>) dst(%dma_wait3A_55 : memref<128x128xf32, #tpu.memory_space<hbm>>)
    return
  }
}

#map = affine_map<(d0, d1) -> (0, 0)>
#map1 = affine_map<(d0, d1) -> (0, 0, 0)>
module attributes {stable_mosaic.version = 14 : i64} {
  func.func @_sc_gather_body(%arg0: i32, %arg1: i32, %arg2: memref<10240x128xf32, #tpu.memory_space<hbm>>, %arg3: memref<10240x128xf32, #tpu.memory_space<hbm>>, %arg4: memref<32x79x128xi32, #tpu.memory_space<hbm>>, %arg5: memref<32x79x128xi32, #tpu.memory_space<hbm>>, %arg6: memref<323584x128xf32, #tpu.memory_space<hbm>>, %arg7: memref<79x128xi32, #tpu.memory_space<vmem>>, %arg8: memref<79x128xi32, #tpu.memory_space<vmem>>, %arg9: memref<2x128x128xf32, #tpu.memory_space<vmem>>, %arg10: memref<2x128x128xf32, #tpu.memory_space<vmem>>, %arg11: memref<2x128x128xf32, #tpu.memory_space<vmem>>, %arg12: memref<!tpu.dma_semaphore, #tpu.memory_space<semaphore_mem>>, %arg13: memref<!tpu.dma_semaphore, #tpu.memory_space<semaphore_mem>>, %arg14: memref<!tpu.dma_semaphore, #tpu.memory_space<semaphore_mem>>, %arg15: memref<!tpu.dma_semaphore, #tpu.memory_space<semaphore_mem>>) attributes {dimension_semantics = [#tpu.dimension_semantics<core_parallel>, #tpu.dimension_semantics<subcore_parallel>], iteration_bounds = array<i64: 2, 16>, scalar_prefetch = 0 : i64, scratch_operands = 9 : i64, tpu.core_type = #tpu.core_type<sc_vector_subcore>, window_params = [{transform_indices = #map}, {transform_indices = #map}, {transform_indices = #map1}, {transform_indices = #map1}, {transform_indices = #map}]} {
    %mul3A = arith.constant 2 : i32
    %mul3A_0 = arith.muli %arg1, %mul3A : i32
    %add3A = arith.addi %mul3A_0, %arg0 : i32
    %mul3A_1 = arith.constant 10112 : i32
    %mul3A_2 = arith.muli %add3A, %mul3A_1 : i32
    "tpu.region"() ({
      %run_scoped3A = tpu.sem_alloc : memref<!tpu.dma_semaphore, #tpu.memory_space<semaphore_mem>>
      %dma_start3A_60 = arith.constant 0 : i32
      %dma_start3A_61 = arith.constant 0 : i32
      %dma_start3A_62 = tpu.memref_slice %arg4[%add3A, %dma_start3A_60, %dma_start3A_61] : memref<32x79x128xi32, #tpu.memory_space<hbm>> -> memref<1x79x128xi32, #tpu.memory_space<hbm>>
      %dma_start3A_63 = tpu.memref_squeeze %dma_start3A_62 : memref<1x79x128xi32, #tpu.memory_space<hbm>> -> memref<79x128xi32, #tpu.memory_space<hbm>>
      %dma_start3A_64 = arith.constant 0 : i32
      %dma_start3A_65 = arith.constant 0 : i32
      %dma_start3A_66 = tpu.memref_slice %arg4[%add3A, %dma_start3A_64, %dma_start3A_65] : memref<32x79x128xi32, #tpu.memory_space<hbm>> -> memref<1x79x128xi32, #tpu.memory_space<hbm>>
      %dma_start3A_67 = tpu.memref_squeeze %dma_start3A_66 : memref<1x79x128xi32, #tpu.memory_space<hbm>> -> memref<79x128xi32, #tpu.memory_space<hbm>>
      tpu.enqueue_dma source(%dma_start3A_67 : memref<79x128xi32, #tpu.memory_space<hbm>>) target(%arg7 : memref<79x128xi32, #tpu.memory_space<vmem>>) target_semaphore(%run_scoped3A : memref<!tpu.dma_semaphore, #tpu.memory_space<semaphore_mem>>)
      %dma_wait3A_68 = arith.constant 0 : i32
      %dma_wait3A_69 = arith.constant 0 : i32
      %dma_wait3A_70 = tpu.memref_slice %arg4[%add3A, %dma_wait3A_68, %dma_wait3A_69] : memref<32x79x128xi32, #tpu.memory_space<hbm>> -> memref<1x79x128xi32, #tpu.memory_space<hbm>>
      %dma_wait3A_71 = tpu.memref_squeeze %dma_wait3A_70 : memref<1x79x128xi32, #tpu.memory_space<hbm>> -> memref<79x128xi32, #tpu.memory_space<hbm>>
      %dma_wait3A_72 = arith.constant 0 : i32
      %dma_wait3A_73 = arith.constant 0 : i32
      %dma_wait3A_74 = tpu.memref_slice %arg4[%add3A, %dma_wait3A_72, %dma_wait3A_73] : memref<32x79x128xi32, #tpu.memory_space<hbm>> -> memref<1x79x128xi32, #tpu.memory_space<hbm>>
      %dma_wait3A_75 = tpu.memref_squeeze %dma_wait3A_74 : memref<1x79x128xi32, #tpu.memory_space<hbm>> -> memref<79x128xi32, #tpu.memory_space<hbm>>
      tpu.wait_dma2 semaphore(%run_scoped3A : memref<!tpu.dma_semaphore, #tpu.memory_space<semaphore_mem>>) src(%dma_wait3A_75 : memref<79x128xi32, #tpu.memory_space<hbm>>) dst(%arg7 : memref<79x128xi32, #tpu.memory_space<vmem>>)
      tpu.yield
    }) : () -> ()
    "tpu.region"() ({
      %run_scoped3A = tpu.sem_alloc : memref<!tpu.dma_semaphore, #tpu.memory_space<semaphore_mem>>
      %dma_start3A_60 = arith.constant 0 : i32
      %dma_start3A_61 = arith.constant 0 : i32
      %dma_start3A_62 = tpu.memref_slice %arg5[%add3A, %dma_start3A_60, %dma_start3A_61] : memref<32x79x128xi32, #tpu.memory_space<hbm>> -> memref<1x79x128xi32, #tpu.memory_space<hbm>>
      %dma_start3A_63 = tpu.memref_squeeze %dma_start3A_62 : memref<1x79x128xi32, #tpu.memory_space<hbm>> -> memref<79x128xi32, #tpu.memory_space<hbm>>
      %dma_start3A_64 = arith.constant 0 : i32
      %dma_start3A_65 = arith.constant 0 : i32
      %dma_start3A_66 = tpu.memref_slice %arg5[%add3A, %dma_start3A_64, %dma_start3A_65] : memref<32x79x128xi32, #tpu.memory_space<hbm>> -> memref<1x79x128xi32, #tpu.memory_space<hbm>>
      %dma_start3A_67 = tpu.memref_squeeze %dma_start3A_66 : memref<1x79x128xi32, #tpu.memory_space<hbm>> -> memref<79x128xi32, #tpu.memory_space<hbm>>
      tpu.enqueue_dma source(%dma_start3A_67 : memref<79x128xi32, #tpu.memory_space<hbm>>) target(%arg8 : memref<79x128xi32, #tpu.memory_space<vmem>>) target_semaphore(%run_scoped3A : memref<!tpu.dma_semaphore, #tpu.memory_space<semaphore_mem>>)
      %dma_wait3A_68 = arith.constant 0 : i32
      %dma_wait3A_69 = arith.constant 0 : i32
      %dma_wait3A_70 = tpu.memref_slice %arg5[%add3A, %dma_wait3A_68, %dma_wait3A_69] : memref<32x79x128xi32, #tpu.memory_space<hbm>> -> memref<1x79x128xi32, #tpu.memory_space<hbm>>
      %dma_wait3A_71 = tpu.memref_squeeze %dma_wait3A_70 : memref<1x79x128xi32, #tpu.memory_space<hbm>> -> memref<79x128xi32, #tpu.memory_space<hbm>>
      %dma_wait3A_72 = arith.constant 0 : i32
      %dma_wait3A_73 = arith.constant 0 : i32
      %dma_wait3A_74 = tpu.memref_slice %arg5[%add3A, %dma_wait3A_72, %dma_wait3A_73] : memref<32x79x128xi32, #tpu.memory_space<hbm>> -> memref<1x79x128xi32, #tpu.memory_space<hbm>>
      %dma_wait3A_75 = tpu.memref_squeeze %dma_wait3A_74 : memref<1x79x128xi32, #tpu.memory_space<hbm>> -> memref<79x128xi32, #tpu.memory_space<hbm>>
      tpu.wait_dma2 semaphore(%run_scoped3A : memref<!tpu.dma_semaphore, #tpu.memory_space<semaphore_mem>>) src(%dma_wait3A_75 : memref<79x128xi32, #tpu.memory_space<hbm>>) dst(%arg8 : memref<79x128xi32, #tpu.memory_space<vmem>>)
      tpu.yield
    }) : () -> ()
    %dma_start3A = arith.constant 0 : i32
    %dma_start3A_3 = arith.constant 0 : i32
    %dma_start3A_4 = arith.constant 0 : i32
    %dma_start3A_5 = arith.constant 0 : i32
    %dma_start3A_6 = tpu.memref_slice %arg9[%dma_start3A_3, %dma_start3A_4, %dma_start3A_5] : memref<2x128x128xf32, #tpu.memory_space<vmem>> -> memref<1x128x128xf32, #tpu.memory_space<vmem>>
    %dma_start3A_7 = tpu.memref_squeeze %dma_start3A_6 : memref<1x128x128xf32, #tpu.memory_space<vmem>> -> memref<128x128xf32, #tpu.memory_space<vmem>>
    %dma_start3A_8 = arith.constant 0 : i32
    %dma_start3A_9 = tpu.memref_slice %arg7[%dma_start3A, %dma_start3A_8] : memref<79x128xi32, #tpu.memory_space<vmem>> -> memref<1x128xi32, #tpu.memory_space<vmem>>
    %dma_start3A_10 = tpu.memref_squeeze %dma_start3A_9 : memref<1x128xi32, #tpu.memory_space<vmem>> -> memref<128xi32, #tpu.memory_space<vmem>>
    %dma_start3A_11 = arith.constant 0 : i32
    %dma_start3A_12 = arith.constant 0 : i32
    %dma_start3A_13 = tpu.memref_slice %arg2[%dma_start3A_11, %dma_start3A_12] : memref<10240x128xf32, #tpu.memory_space<hbm>> -> memref<10240x128xf32, #tpu.memory_space<hbm>>
    tpu.enqueue_indirect_dma source(%dma_start3A_13 : memref<10240x128xf32, #tpu.memory_space<hbm>>) target(%dma_start3A_7 : memref<128x128xf32, #tpu.memory_space<vmem>>) offsets(%dma_start3A_10 : memref<128xi32, #tpu.memory_space<vmem>>) semaphore(%arg12 : memref<!tpu.dma_semaphore, #tpu.memory_space<semaphore_mem>>)
    %dma_start3A_14 = arith.constant 0 : i32
    %dma_start3A_15 = arith.constant 0 : i32
    %dma_start3A_16 = arith.constant 0 : i32
    %dma_start3A_17 = arith.constant 0 : i32
    %dma_start3A_18 = tpu.memref_slice %arg10[%dma_start3A_15, %dma_start3A_16, %dma_start3A_17] : memref<2x128x128xf32, #tpu.memory_space<vmem>> -> memref<1x128x128xf32, #tpu.memory_space<vmem>>
    %dma_start3A_19 = tpu.memref_squeeze %dma_start3A_18 : memref<1x128x128xf32, #tpu.memory_space<vmem>> -> memref<128x128xf32, #tpu.memory_space<vmem>>
    %dma_start3A_20 = arith.constant 0 : i32
    %dma_start3A_21 = tpu.memref_slice %arg8[%dma_start3A_14, %dma_start3A_20] : memref<79x128xi32, #tpu.memory_space<vmem>> -> memref<1x128xi32, #tpu.memory_space<vmem>>
    %dma_start3A_22 = tpu.memref_squeeze %dma_start3A_21 : memref<1x128xi32, #tpu.memory_space<vmem>> -> memref<128xi32, #tpu.memory_space<vmem>>
    %dma_start3A_23 = arith.constant 0 : i32
    %dma_start3A_24 = arith.constant 0 : i32
    %dma_start3A_25 = tpu.memref_slice %arg3[%dma_start3A_23, %dma_start3A_24] : memref<10240x128xf32, #tpu.memory_space<hbm>> -> memref<10240x128xf32, #tpu.memory_space<hbm>>
    tpu.enqueue_indirect_dma source(%dma_start3A_25 : memref<10240x128xf32, #tpu.memory_space<hbm>>) target(%dma_start3A_19 : memref<128x128xf32, #tpu.memory_space<vmem>>) offsets(%dma_start3A_22 : memref<128xi32, #tpu.memory_space<vmem>>) semaphore(%arg12 : memref<!tpu.dma_semaphore, #tpu.memory_space<semaphore_mem>>)
    %scan3A = arith.constant 0 : i32
    %scan3A_26 = arith.constant 0 : i32
    %scan3A_27 = arith.constant 40 : i32
    %scan3A_28 = arith.addi %scan3A_26, %scan3A_27 : i32
    %scan3A_29 = arith.constant 1 : i32
    scf.for %scan3A_60 = %scan3A_26 to %scan3A_28 step %scan3A_29  : i32 {
      %mul3A_61 = arith.constant 2 : i32
      %mul3A_62 = arith.muli %mul3A_61, %scan3A_60 : i32
      %add3A_63 = arith.constant 1 : i32
      %add3A_64 = arith.addi %mul3A_62, %add3A_63 : i32
      %lt3A = arith.constant 79 : i32
      %lt3A_65 = arith.cmpi slt, %add3A_64, %lt3A : i32
      %convert_element_type3A = arith.extui %lt3A_65 : i1 to i32
      %cond3A = arith.constant 0 : i32
      %cond3A_66 = arith.cmpi ne, %convert_element_type3A, %cond3A : i32
      scf.if %cond3A_66 {
        %add3A_126 = arith.constant 1 : i32
        %add3A_127 = arith.addi %mul3A_62, %add3A_126 : i32
        %dma_start3A_128 = arith.constant 1 : i32
        %dma_start3A_129 = arith.constant 0 : i32
        %dma_start3A_130 = arith.constant 0 : i32
        %dma_start3A_131 = tpu.memref_slice %arg9[%dma_start3A_128, %dma_start3A_129, %dma_start3A_130] : memref<2x128x128xf32, #tpu.memory_space<vmem>> -> memref<1x128x128xf32, #tpu.memory_space<vmem>>
        %dma_start3A_132 = tpu.memref_squeeze %dma_start3A_131 : memref<1x128x128xf32, #tpu.memory_space<vmem>> -> memref<128x128xf32, #tpu.memory_space<vmem>>
        %dma_start3A_133 = arith.constant 0 : i32
        %dma_start3A_134 = tpu.memref_slice %arg7[%add3A_127, %dma_start3A_133] : memref<79x128xi32, #tpu.memory_space<vmem>> -> memref<1x128xi32, #tpu.memory_space<vmem>>
        %dma_start3A_135 = tpu.memref_squeeze %dma_start3A_134 : memref<1x128xi32, #tpu.memory_space<vmem>> -> memref<128xi32, #tpu.memory_space<vmem>>
        %dma_start3A_136 = arith.constant 0 : i32
        %dma_start3A_137 = arith.constant 0 : i32
        %dma_start3A_138 = tpu.memref_slice %arg2[%dma_start3A_136, %dma_start3A_137] : memref<10240x128xf32, #tpu.memory_space<hbm>> -> memref<10240x128xf32, #tpu.memory_space<hbm>>
        tpu.enqueue_indirect_dma source(%dma_start3A_138 : memref<10240x128xf32, #tpu.memory_space<hbm>>) target(%dma_start3A_132 : memref<128x128xf32, #tpu.memory_space<vmem>>) offsets(%dma_start3A_135 : memref<128xi32, #tpu.memory_space<vmem>>) semaphore(%arg13 : memref<!tpu.dma_semaphore, #tpu.memory_space<semaphore_mem>>)
        %dma_start3A_139 = arith.constant 1 : i32
        %dma_start3A_140 = arith.constant 0 : i32
        %dma_start3A_141 = arith.constant 0 : i32
        %dma_start3A_142 = tpu.memref_slice %arg10[%dma_start3A_139, %dma_start3A_140, %dma_start3A_141] : memref<2x128x128xf32, #tpu.memory_space<vmem>> -> memref<1x128x128xf32, #tpu.memory_space<vmem>>
        %dma_start3A_143 = tpu.memref_squeeze %dma_start3A_142 : memref<1x128x128xf32, #tpu.memory_space<vmem>> -> memref<128x128xf32, #tpu.memory_space<vmem>>
        %dma_start3A_144 = arith.constant 0 : i32
        %dma_start3A_145 = tpu.memref_slice %arg8[%add3A_127, %dma_start3A_144] : memref<79x128xi32, #tpu.memory_space<vmem>> -> memref<1x128xi32, #tpu.memory_space<vmem>>
        %dma_start3A_146 = tpu.memref_squeeze %dma_start3A_145 : memref<1x128xi32, #tpu.memory_space<vmem>> -> memref<128xi32, #tpu.memory_space<vmem>>
        %dma_start3A_147 = arith.constant 0 : i32
        %dma_start3A_148 = arith.constant 0 : i32
        %dma_start3A_149 = tpu.memref_slice %arg3[%dma_start3A_147, %dma_start3A_148] : memref<10240x128xf32, #tpu.memory_space<hbm>> -> memref<10240x128xf32, #tpu.memory_space<hbm>>
        tpu.enqueue_indirect_dma source(%dma_start3A_149 : memref<10240x128xf32, #tpu.memory_space<hbm>>) target(%dma_start3A_143 : memref<128x128xf32, #tpu.memory_space<vmem>>) offsets(%dma_start3A_146 : memref<128xi32, #tpu.memory_space<vmem>>) semaphore(%arg13 : memref<!tpu.dma_semaphore, #tpu.memory_space<semaphore_mem>>)
      } else {
      }
      %dma_wait3A_67 = arith.constant 0 : i32
      %dma_wait3A_68 = arith.constant 0 : i32
      %dma_wait3A_69 = arith.constant 0 : i32
      %dma_wait3A_70 = arith.constant 0 : i32
      %dma_wait3A_71 = tpu.memref_slice %arg9[%dma_wait3A_68, %dma_wait3A_69, %dma_wait3A_70] : memref<2x128x128xf32, #tpu.memory_space<vmem>> -> memref<1x128x128xf32, #tpu.memory_space<vmem>>
      %dma_wait3A_72 = tpu.memref_squeeze %dma_wait3A_71 : memref<1x128x128xf32, #tpu.memory_space<vmem>> -> memref<128x128xf32, #tpu.memory_space<vmem>>
      %dma_wait3A_73 = arith.constant 0 : i32
      %dma_wait3A_74 = tpu.memref_slice %arg7[%dma_wait3A_67, %dma_wait3A_73] : memref<79x128xi32, #tpu.memory_space<vmem>> -> memref<1x128xi32, #tpu.memory_space<vmem>>
      %dma_wait3A_75 = tpu.memref_squeeze %dma_wait3A_74 : memref<1x128xi32, #tpu.memory_space<vmem>> -> memref<128xi32, #tpu.memory_space<vmem>>
      %dma_wait3A_76 = arith.constant 0 : i32
      %dma_wait3A_77 = arith.constant 0 : i32
      %dma_wait3A_78 = tpu.memref_slice %arg2[%dma_wait3A_76, %dma_wait3A_77] : memref<10240x128xf32, #tpu.memory_space<hbm>> -> memref<10240x128xf32, #tpu.memory_space<hbm>>
      tpu.wait_indirect_dma semaphore(%arg12 : memref<!tpu.dma_semaphore, #tpu.memory_space<semaphore_mem>>) src(%dma_wait3A_78 : memref<10240x128xf32, #tpu.memory_space<hbm>>) dst(%dma_wait3A_72 : memref<128x128xf32, #tpu.memory_space<vmem>>)
      %dma_wait3A_79 = arith.constant 0 : i32
      %dma_wait3A_80 = arith.constant 0 : i32
      %dma_wait3A_81 = arith.constant 0 : i32
      %dma_wait3A_82 = arith.constant 0 : i32
      %dma_wait3A_83 = tpu.memref_slice %arg9[%dma_wait3A_80, %dma_wait3A_81, %dma_wait3A_82] : memref<2x128x128xf32, #tpu.memory_space<vmem>> -> memref<1x128x128xf32, #tpu.memory_space<vmem>>
      %dma_wait3A_84 = tpu.memref_squeeze %dma_wait3A_83 : memref<1x128x128xf32, #tpu.memory_space<vmem>> -> memref<128x128xf32, #tpu.memory_space<vmem>>
      %dma_wait3A_85 = arith.constant 0 : i32
      %dma_wait3A_86 = tpu.memref_slice %arg7[%dma_wait3A_79, %dma_wait3A_85] : memref<79x128xi32, #tpu.memory_space<vmem>> -> memref<1x128xi32, #tpu.memory_space<vmem>>
      %dma_wait3A_87 = tpu.memref_squeeze %dma_wait3A_86 : memref<1x128xi32, #tpu.memory_space<vmem>> -> memref<128xi32, #tpu.memory_space<vmem>>
      %dma_wait3A_88 = arith.constant 0 : i32
      %dma_wait3A_89 = arith.constant 0 : i32
      %dma_wait3A_90 = tpu.memref_slice %arg2[%dma_wait3A_88, %dma_wait3A_89] : memref<10240x128xf32, #tpu.memory_space<hbm>> -> memref<10240x128xf32, #tpu.memory_space<hbm>>
      tpu.wait_indirect_dma semaphore(%arg12 : memref<!tpu.dma_semaphore, #tpu.memory_space<semaphore_mem>>) src(%dma_wait3A_90 : memref<10240x128xf32, #tpu.memory_space<hbm>>) dst(%dma_wait3A_84 : memref<128x128xf32, #tpu.memory_space<vmem>>)
      %ge3A = arith.constant 2 : i32
      %ge3A_91 = arith.cmpi sge, %mul3A_62, %ge3A : i32
      %convert_element_type3A_92 = arith.extui %ge3A_91 : i1 to i32
      %cond3A_93 = arith.constant 0 : i32
      %cond3A_94 = arith.cmpi ne, %convert_element_type3A_92, %cond3A_93 : i32
      scf.if %cond3A_94 {
        %dma_wait3A_126 = arith.constant 0 : i32
        %dma_wait3A_127 = arith.constant 0 : i32
        %dma_wait3A_128 = arith.constant 0 : i32
        %dma_wait3A_129 = tpu.memref_slice %arg11[%dma_wait3A_126, %dma_wait3A_127, %dma_wait3A_128] : memref<2x128x128xf32, #tpu.memory_space<vmem>> -> memref<1x128x128xf32, #tpu.memory_space<vmem>>
        %dma_wait3A_130 = tpu.memref_squeeze %dma_wait3A_129 : memref<1x128x128xf32, #tpu.memory_space<vmem>> -> memref<128x128xf32, #tpu.memory_space<vmem>>
        %dma_wait3A_131 = arith.constant 0 : i32
        %dma_wait3A_132 = arith.constant 0 : i32
        %dma_wait3A_133 = tpu.memref_slice %arg6[%dma_wait3A_131, %dma_wait3A_132] : memref<323584x128xf32, #tpu.memory_space<hbm>> -> memref<128x128xf32, #tpu.memory_space<hbm>>
        %dma_wait3A_134 = arith.constant 0 : i32
        %dma_wait3A_135 = arith.constant 0 : i32
        %dma_wait3A_136 = tpu.memref_slice %arg6[%dma_wait3A_134, %dma_wait3A_135] : memref<323584x128xf32, #tpu.memory_space<hbm>> -> memref<128x128xf32, #tpu.memory_space<hbm>>
        %dma_wait3A_137 = arith.constant 0 : i32
        %dma_wait3A_138 = arith.constant 0 : i32
        %dma_wait3A_139 = tpu.memref_slice %arg11[%dma_wait3A_126, %dma_wait3A_137, %dma_wait3A_138] : memref<2x128x128xf32, #tpu.memory_space<vmem>> -> memref<1x128x128xf32, #tpu.memory_space<vmem>>
        %dma_wait3A_140 = tpu.memref_squeeze %dma_wait3A_139 : memref<1x128x128xf32, #tpu.memory_space<vmem>> -> memref<128x128xf32, #tpu.memory_space<vmem>>
        tpu.wait_dma2 semaphore(%arg14 : memref<!tpu.dma_semaphore, #tpu.memory_space<semaphore_mem>>) src(%dma_wait3A_140 : memref<128x128xf32, #tpu.memory_space<vmem>>) dst(%dma_wait3A_136 : memref<128x128xf32, #tpu.memory_space<hbm>>)
      } else {
      }
      %scan3A_95 = arith.constant 0 : i32
      %scan3A_96 = arith.constant 0 : i32
      %scan3A_97 = arith.constant 128 : i32
      %scan3A_98 = arith.addi %scan3A_96, %scan3A_97 : i32
      %scan3A_99 = arith.constant 1 : i32
      scf.for %scan3A_126 = %scan3A_96 to %scan3A_98 step %scan3A_99  : i32 {
        %get3A = arith.constant 0 : i32
        %get3A_127 = arith.index_cast %get3A : i32 to index
        %get3A_128 = arith.index_cast %scan3A_126 : i32 to index
        %get3A_129 = arith.constant 0 : index
        %get3A_130 = tpu.vector_load %arg9[%get3A_127, %get3A_128, %get3A_129] {strides = array<i32>} : memref<2x128x128xf32, #tpu.memory_space<vmem>>, vector<16xf32>,
        %get3A_131 = arith.constant 0 : i32
        %get3A_132 = arith.index_cast %get3A_131 : i32 to index
        %get3A_133 = arith.index_cast %scan3A_126 : i32 to index
        %get3A_134 = arith.constant 0 : index
        %get3A_135 = tpu.vector_load %arg10[%get3A_132, %get3A_133, %get3A_134] {strides = array<i32>} : memref<2x128x128xf32, #tpu.memory_space<vmem>>, vector<16xf32>,
        %add3A_136 = arith.addf %get3A_130, %get3A_135 : vector<16xf32>
        %swap3A = arith.constant 0 : i32
        %swap3A_137 = arith.index_cast %swap3A : i32 to index
        %swap3A_138 = arith.index_cast %scan3A_126 : i32 to index
        %swap3A_139 = arith.constant 0 : index
        %swap3A_140 = tpu.vector_load %arg11[%swap3A_137, %swap3A_138, %swap3A_139] {strides = array<i32>} : memref<2x128x128xf32, #tpu.memory_space<vmem>>, vector<16xf32>,
        tpu.vector_store %arg11[%swap3A_137, %swap3A_138, %swap3A_139], %add3A_136 {strides = array<i32>} : memref<2x128x128xf32, #tpu.memory_space<vmem>>, vector<16xf32>,
        %get3A_141 = arith.constant 0 : i32
        %get3A_142 = arith.index_cast %get3A_141 : i32 to index
        %get3A_143 = arith.index_cast %scan3A_126 : i32 to index
        %get3A_144 = arith.constant 16 : index
        %get3A_145 = tpu.vector_load %arg9[%get3A_142, %get3A_143, %get3A_144] {strides = array<i32>} : memref<2x128x128xf32, #tpu.memory_space<vmem>>, vector<16xf32>,
        %get3A_146 = arith.constant 0 : i32
        %get3A_147 = arith.index_cast %get3A_146 : i32 to index
        %get3A_148 = arith.index_cast %scan3A_126 : i32 to index
        %get3A_149 = arith.constant 16 : index
        %get3A_150 = tpu.vector_load %arg10[%get3A_147, %get3A_148, %get3A_149] {strides = array<i32>} : memref<2x128x128xf32, #tpu.memory_space<vmem>>, vector<16xf32>,
        %add3A_151 = arith.addf %get3A_145, %get3A_150 : vector<16xf32>
        %swap3A_152 = arith.constant 0 : i32
        %swap3A_153 = arith.index_cast %swap3A_152 : i32 to index
        %swap3A_154 = arith.index_cast %scan3A_126 : i32 to index
        %swap3A_155 = arith.constant 16 : index
        %swap3A_156 = tpu.vector_load %arg11[%swap3A_153, %swap3A_154, %swap3A_155] {strides = array<i32>} : memref<2x128x128xf32, #tpu.memory_space<vmem>>, vector<16xf32>,
        tpu.vector_store %arg11[%swap3A_153, %swap3A_154, %swap3A_155], %add3A_151 {strides = array<i32>} : memref<2x128x128xf32, #tpu.memory_space<vmem>>, vector<16xf32>,
        %get3A_157 = arith.constant 0 : i32
        %get3A_158 = arith.index_cast %get3A_157 : i32 to index
        %get3A_159 = arith.index_cast %scan3A_126 : i32 to index
        %get3A_160 = arith.constant 32 : index
        %get3A_161 = tpu.vector_load %arg9[%get3A_158, %get3A_159, %get3A_160] {strides = array<i32>} : memref<2x128x128xf32, #tpu.memory_space<vmem>>, vector<16xf32>,
        %get3A_162 = arith.constant 0 : i32
        %get3A_163 = arith.index_cast %get3A_162 : i32 to index
        %get3A_164 = arith.index_cast %scan3A_126 : i32 to index
        %get3A_165 = arith.constant 32 : index
        %get3A_166 = tpu.vector_load %arg10[%get3A_163, %get3A_164, %get3A_165] {strides = array<i32>} : memref<2x128x128xf32, #tpu.memory_space<vmem>>, vector<16xf32>,
        %add3A_167 = arith.addf %get3A_161, %get3A_166 : vector<16xf32>
        %swap3A_168 = arith.constant 0 : i32
        %swap3A_169 = arith.index_cast %swap3A_168 : i32 to index
        %swap3A_170 = arith.index_cast %scan3A_126 : i32 to index
        %swap3A_171 = arith.constant 32 : index
        %swap3A_172 = tpu.vector_load %arg11[%swap3A_169, %swap3A_170, %swap3A_171] {strides = array<i32>} : memref<2x128x128xf32, #tpu.memory_space<vmem>>, vector<16xf32>,
        tpu.vector_store %arg11[%swap3A_169, %swap3A_170, %swap3A_171], %add3A_167 {strides = array<i32>} : memref<2x128x128xf32, #tpu.memory_space<vmem>>, vector<16xf32>,
        %get3A_173 = arith.constant 0 : i32
        %get3A_174 = arith.index_cast %get3A_173 : i32 to index
        %get3A_175 = arith.index_cast %scan3A_126 : i32 to index
        %get3A_176 = arith.constant 48 : index
        %get3A_177 = tpu.vector_load %arg9[%get3A_174, %get3A_175, %get3A_176] {strides = array<i32>} : memref<2x128x128xf32, #tpu.memory_space<vmem>>, vector<16xf32>,
        %get3A_178 = arith.constant 0 : i32
        %get3A_179 = arith.index_cast %get3A_178 : i32 to index
        %get3A_180 = arith.index_cast %scan3A_126 : i32 to index
        %get3A_181 = arith.constant 48 : index
        %get3A_182 = tpu.vector_load %arg10[%get3A_179, %get3A_180, %get3A_181] {strides = array<i32>} : memref<2x128x128xf32, #tpu.memory_space<vmem>>, vector<16xf32>,
        %add3A_183 = arith.addf %get3A_177, %get3A_182 : vector<16xf32>
        %swap3A_184 = arith.constant 0 : i32
        %swap3A_185 = arith.index_cast %swap3A_184 : i32 to index
        %swap3A_186 = arith.index_cast %scan3A_126 : i32 to index
        %swap3A_187 = arith.constant 48 : index
        %swap3A_188 = tpu.vector_load %arg11[%swap3A_185, %swap3A_186, %swap3A_187] {strides = array<i32>} : memref<2x128x128xf32, #tpu.memory_space<vmem>>, vector<16xf32>,
        tpu.vector_store %arg11[%swap3A_185, %swap3A_186, %swap3A_187], %add3A_183 {strides = array<i32>} : memref<2x128x128xf32, #tpu.memory_space<vmem>>, vector<16xf32>,
        %get3A_189 = arith.constant 0 : i32
        %get3A_190 = arith.index_cast %get3A_189 : i32 to index
        %get3A_191 = arith.index_cast %scan3A_126 : i32 to index
        %get3A_192 = arith.constant 64 : index
        %get3A_193 = tpu.vector_load %arg9[%get3A_190, %get3A_191, %get3A_192] {strides = array<i32>} : memref<2x128x128xf32, #tpu.memory_space<vmem>>, vector<16xf32>,
        %get3A_194 = arith.constant 0 : i32
        %get3A_195 = arith.index_cast %get3A_194 : i32 to index
        %get3A_196 = arith.index_cast %scan3A_126 : i32 to index
        %get3A_197 = arith.constant 64 : index
        %get3A_198 = tpu.vector_load %arg10[%get3A_195, %get3A_196, %get3A_197] {strides = array<i32>} : memref<2x128x128xf32, #tpu.memory_space<vmem>>, vector<16xf32>,
        %add3A_199 = arith.addf %get3A_193, %get3A_198 : vector<16xf32>
        %swap3A_200 = arith.constant 0 : i32
        %swap3A_201 = arith.index_cast %swap3A_200 : i32 to index
        %swap3A_202 = arith.index_cast %scan3A_126 : i32 to index
        %swap3A_203 = arith.constant 64 : index
        %swap3A_204 = tpu.vector_load %arg11[%swap3A_201, %swap3A_202, %swap3A_203] {strides = array<i32>} : memref<2x128x128xf32, #tpu.memory_space<vmem>>, vector<16xf32>,
        tpu.vector_store %arg11[%swap3A_201, %swap3A_202, %swap3A_203], %add3A_199 {strides = array<i32>} : memref<2x128x128xf32, #tpu.memory_space<vmem>>, vector<16xf32>,
        %get3A_205 = arith.constant 0 : i32
        %get3A_206 = arith.index_cast %get3A_205 : i32 to index
        %get3A_207 = arith.index_cast %scan3A_126 : i32 to index
        %get3A_208 = arith.constant 80 : index
        %get3A_209 = tpu.vector_load %arg9[%get3A_206, %get3A_207, %get3A_208] {strides = array<i32>} : memref<2x128x128xf32, #tpu.memory_space<vmem>>, vector<16xf32>,
        %get3A_210 = arith.constant 0 : i32
        %get3A_211 = arith.index_cast %get3A_210 : i32 to index
        %get3A_212 = arith.index_cast %scan3A_126 : i32 to index
        %get3A_213 = arith.constant 80 : index
        %get3A_214 = tpu.vector_load %arg10[%get3A_211, %get3A_212, %get3A_213] {strides = array<i32>} : memref<2x128x128xf32, #tpu.memory_space<vmem>>, vector<16xf32>,
        %add3A_215 = arith.addf %get3A_209, %get3A_214 : vector<16xf32>
        %swap3A_216 = arith.constant 0 : i32
        %swap3A_217 = arith.index_cast %swap3A_216 : i32 to index
        %swap3A_218 = arith.index_cast %scan3A_126 : i32 to index
        %swap3A_219 = arith.constant 80 : index
        %swap3A_220 = tpu.vector_load %arg11[%swap3A_217, %swap3A_218, %swap3A_219] {strides = array<i32>} : memref<2x128x128xf32, #tpu.memory_space<vmem>>, vector<16xf32>,
        tpu.vector_store %arg11[%swap3A_217, %swap3A_218, %swap3A_219], %add3A_215 {strides = array<i32>} : memref<2x128x128xf32, #tpu.memory_space<vmem>>, vector<16xf32>,
        %get3A_221 = arith.constant 0 : i32
        %get3A_222 = arith.index_cast %get3A_221 : i32 to index
        %get3A_223 = arith.index_cast %scan3A_126 : i32 to index
        %get3A_224 = arith.constant 96 : index
        %get3A_225 = tpu.vector_load %arg9[%get3A_222, %get3A_223, %get3A_224] {strides = array<i32>} : memref<2x128x128xf32, #tpu.memory_space<vmem>>, vector<16xf32>,
        %get3A_226 = arith.constant 0 : i32
        %get3A_227 = arith.index_cast %get3A_226 : i32 to index
        %get3A_228 = arith.index_cast %scan3A_126 : i32 to index
        %get3A_229 = arith.constant 96 : index
        %get3A_230 = tpu.vector_load %arg10[%get3A_227, %get3A_228, %get3A_229] {strides = array<i32>} : memref<2x128x128xf32, #tpu.memory_space<vmem>>, vector<16xf32>,
        %add3A_231 = arith.addf %get3A_225, %get3A_230 : vector<16xf32>
        %swap3A_232 = arith.constant 0 : i32
        %swap3A_233 = arith.index_cast %swap3A_232 : i32 to index
        %swap3A_234 = arith.index_cast %scan3A_126 : i32 to index
        %swap3A_235 = arith.constant 96 : index
        %swap3A_236 = tpu.vector_load %arg11[%swap3A_233, %swap3A_234, %swap3A_235] {strides = array<i32>} : memref<2x128x128xf32, #tpu.memory_space<vmem>>, vector<16xf32>,
        tpu.vector_store %arg11[%swap3A_233, %swap3A_234, %swap3A_235], %add3A_231 {strides = array<i32>} : memref<2x128x128xf32, #tpu.memory_space<vmem>>, vector<16xf32>,
        %get3A_237 = arith.constant 0 : i32
        %get3A_238 = arith.index_cast %get3A_237 : i32 to index
        %get3A_239 = arith.index_cast %scan3A_126 : i32 to index
        %get3A_240 = arith.constant 112 : index
        %get3A_241 = tpu.vector_load %arg9[%get3A_238, %get3A_239, %get3A_240] {strides = array<i32>} : memref<2x128x128xf32, #tpu.memory_space<vmem>>, vector<16xf32>,
        %get3A_242 = arith.constant 0 : i32
        %get3A_243 = arith.index_cast %get3A_242 : i32 to index
        %get3A_244 = arith.index_cast %scan3A_126 : i32 to index
        %get3A_245 = arith.constant 112 : index
        %get3A_246 = tpu.vector_load %arg10[%get3A_243, %get3A_244, %get3A_245] {strides = array<i32>} : memref<2x128x128xf32, #tpu.memory_space<vmem>>, vector<16xf32>,
        %add3A_247 = arith.addf %get3A_241, %get3A_246 : vector<16xf32>
        %swap3A_248 = arith.constant 0 : i32
        %swap3A_249 = arith.index_cast %swap3A_248 : i32 to index
        %swap3A_250 = arith.index_cast %scan3A_126 : i32 to index
        %swap3A_251 = arith.constant 112 : index
        %swap3A_252 = tpu.vector_load %arg11[%swap3A_249, %swap3A_250, %swap3A_251] {strides = array<i32>} : memref<2x128x128xf32, #tpu.memory_space<vmem>>, vector<16xf32>,
        tpu.vector_store %arg11[%swap3A_249, %swap3A_250, %swap3A_251], %add3A_247 {strides = array<i32>} : memref<2x128x128xf32, #tpu.memory_space<vmem>>, vector<16xf32>,
      }
      %scan3A_100 = arith.constant 128 : i32
      %mul3A_101 = arith.constant 128 : i32
      %mul3A_102 = arith.muli %mul3A_62, %mul3A_101 : i32
      %add3A_103 = arith.addi %mul3A_2, %mul3A_102 : i32
      %dma_start3A_104 = arith.constant 0 : i32
      %dma_start3A_105 = arith.constant 0 : i32
      %dma_start3A_106 = arith.constant 0 : i32
      %dma_start3A_107 = tpu.memref_slice %arg11[%dma_start3A_104, %dma_start3A_105, %dma_start3A_106] : memref<2x128x128xf32, #tpu.memory_space<vmem>> -> memref<1x128x128xf32, #tpu.memory_space<vmem>>
      %dma_start3A_108 = tpu.memref_squeeze %dma_start3A_107 : memref<1x128x128xf32, #tpu.memory_space<vmem>> -> memref<128x128xf32, #tpu.memory_space<vmem>>
      %dma_start3A_109 = arith.constant 0 : i32
      %dma_start3A_110 = tpu.memref_slice %arg6[%add3A_103, %dma_start3A_109] : memref<323584x128xf32, #tpu.memory_space<hbm>> -> memref<128x128xf32, #tpu.memory_space<hbm>>
      %dma_start3A_111 = arith.constant 0 : i32
      %dma_start3A_112 = tpu.memref_slice %arg6[%add3A_103, %dma_start3A_111] : memref<323584x128xf32, #tpu.memory_space<hbm>> -> memref<128x128xf32, #tpu.memory_space<hbm>>
      %dma_start3A_113 = arith.constant 0 : i32
      %dma_start3A_114 = arith.constant 0 : i32
      %dma_start3A_115 = tpu.memref_slice %arg11[%dma_start3A_104, %dma_start3A_113, %dma_start3A_114] : memref<2x128x128xf32, #tpu.memory_space<vmem>> -> memref<1x128x128xf32, #tpu.memory_space<vmem>>
      %dma_start3A_116 = tpu.memref_squeeze %dma_start3A_115 : memref<1x128x128xf32, #tpu.memory_space<vmem>> -> memref<128x128xf32, #tpu.memory_space<vmem>>
      tpu.enqueue_dma source(%dma_start3A_116 : memref<128x128xf32, #tpu.memory_space<vmem>>) target(%dma_start3A_112 : memref<128x128xf32, #tpu.memory_space<hbm>>) target_semaphore(%arg14 : memref<!tpu.dma_semaphore, #tpu.memory_space<semaphore_mem>>)
      %mul3A_117 = arith.constant 2 : i32
      %mul3A_118 = arith.muli %mul3A_117, %scan3A_60 : i32
      %add3A_119 = arith.constant 1 : i32
      %add3A_120 = arith.addi %mul3A_118, %add3A_119 : i32
      %lt3A_121 = arith.constant 79 : i32
      %lt3A_122 = arith.cmpi slt, %add3A_120, %lt3A_121 : i32
      %convert_element_type3A_123 = arith.extui %lt3A_122 : i1 to i32
      %cond3A_124 = arith.constant 0 : i32
      %cond3A_125 = arith.cmpi ne, %convert_element_type3A_123, %cond3A_124 : i32
      scf.if %cond3A_125 {
        %mul3A_126 = arith.constant 2 : i32
        %mul3A_127 = arith.muli %mul3A_126, %scan3A_60 : i32
        %add3A_128 = arith.constant 1 : i32
        %add3A_129 = arith.addi %mul3A_127, %add3A_128 : i32
        %add3A_130 = arith.constant 1 : i32
        %add3A_131 = arith.addi %add3A_129, %add3A_130 : i32
        %lt3A_132 = arith.constant 79 : i32
        %lt3A_133 = arith.cmpi slt, %add3A_131, %lt3A_132 : i32
        %convert_element_type3A_134 = arith.extui %lt3A_133 : i1 to i32
        %cond3A_135 = arith.constant 0 : i32
        %cond3A_136 = arith.cmpi ne, %convert_element_type3A_134, %cond3A_135 : i32
        scf.if %cond3A_136 {
          %add3A_188 = arith.constant 1 : i32
          %add3A_189 = arith.addi %add3A_129, %add3A_188 : i32
          %dma_start3A_190 = arith.constant 0 : i32
          %dma_start3A_191 = arith.constant 0 : i32
          %dma_start3A_192 = arith.constant 0 : i32
          %dma_start3A_193 = tpu.memref_slice %arg9[%dma_start3A_190, %dma_start3A_191, %dma_start3A_192] : memref<2x128x128xf32, #tpu.memory_space<vmem>> -> memref<1x128x128xf32, #tpu.memory_space<vmem>>
          %dma_start3A_194 = tpu.memref_squeeze %dma_start3A_193 : memref<1x128x128xf32, #tpu.memory_space<vmem>> -> memref<128x128xf32, #tpu.memory_space<vmem>>
          %dma_start3A_195 = arith.constant 0 : i32
          %dma_start3A_196 = tpu.memref_slice %arg7[%add3A_189, %dma_start3A_195] : memref<79x128xi32, #tpu.memory_space<vmem>> -> memref<1x128xi32, #tpu.memory_space<vmem>>
          %dma_start3A_197 = tpu.memref_squeeze %dma_start3A_196 : memref<1x128xi32, #tpu.memory_space<vmem>> -> memref<128xi32, #tpu.memory_space<vmem>>
          %dma_start3A_198 = arith.constant 0 : i32
          %dma_start3A_199 = arith.constant 0 : i32
          %dma_start3A_200 = tpu.memref_slice %arg2[%dma_start3A_198, %dma_start3A_199] : memref<10240x128xf32, #tpu.memory_space<hbm>> -> memref<10240x128xf32, #tpu.memory_space<hbm>>
          tpu.enqueue_indirect_dma source(%dma_start3A_200 : memref<10240x128xf32, #tpu.memory_space<hbm>>) target(%dma_start3A_194 : memref<128x128xf32, #tpu.memory_space<vmem>>) offsets(%dma_start3A_197 : memref<128xi32, #tpu.memory_space<vmem>>) semaphore(%arg12 : memref<!tpu.dma_semaphore, #tpu.memory_space<semaphore_mem>>)
          %dma_start3A_201 = arith.constant 0 : i32
          %dma_start3A_202 = arith.constant 0 : i32
          %dma_start3A_203 = arith.constant 0 : i32
          %dma_start3A_204 = tpu.memref_slice %arg10[%dma_start3A_201, %dma_start3A_202, %dma_start3A_203] : memref<2x128x128xf32, #tpu.memory_space<vmem>> -> memref<1x128x128xf32, #tpu.memory_space<vmem>>
          %dma_start3A_205 = tpu.memref_squeeze %dma_start3A_204 : memref<1x128x128xf32, #tpu.memory_space<vmem>> -> memref<128x128xf32, #tpu.memory_space<vmem>>
          %dma_start3A_206 = arith.constant 0 : i32
          %dma_start3A_207 = tpu.memref_slice %arg8[%add3A_189, %dma_start3A_206] : memref<79x128xi32, #tpu.memory_space<vmem>> -> memref<1x128xi32, #tpu.memory_space<vmem>>
          %dma_start3A_208 = tpu.memref_squeeze %dma_start3A_207 : memref<1x128xi32, #tpu.memory_space<vmem>> -> memref<128xi32, #tpu.memory_space<vmem>>
          %dma_start3A_209 = arith.constant 0 : i32
          %dma_start3A_210 = arith.constant 0 : i32
          %dma_start3A_211 = tpu.memref_slice %arg3[%dma_start3A_209, %dma_start3A_210] : memref<10240x128xf32, #tpu.memory_space<hbm>> -> memref<10240x128xf32, #tpu.memory_space<hbm>>
          tpu.enqueue_indirect_dma source(%dma_start3A_211 : memref<10240x128xf32, #tpu.memory_space<hbm>>) target(%dma_start3A_205 : memref<128x128xf32, #tpu.memory_space<vmem>>) offsets(%dma_start3A_208 : memref<128xi32, #tpu.memory_space<vmem>>) semaphore(%arg12 : memref<!tpu.dma_semaphore, #tpu.memory_space<semaphore_mem>>)
        } else {
        }
        %dma_wait3A_137 = arith.constant 0 : i32
        %dma_wait3A_138 = arith.constant 1 : i32
        %dma_wait3A_139 = arith.constant 0 : i32
        %dma_wait3A_140 = arith.constant 0 : i32
        %dma_wait3A_141 = tpu.memref_slice %arg9[%dma_wait3A_138, %dma_wait3A_139, %dma_wait3A_140] : memref<2x128x128xf32, #tpu.memory_space<vmem>> -> memref<1x128x128xf32, #tpu.memory_space<vmem>>
        %dma_wait3A_142 = tpu.memref_squeeze %dma_wait3A_141 : memref<1x128x128xf32, #tpu.memory_space<vmem>> -> memref<128x128xf32, #tpu.memory_space<vmem>>
        %dma_wait3A_143 = arith.constant 0 : i32
        %dma_wait3A_144 = tpu.memref_slice %arg7[%dma_wait3A_137, %dma_wait3A_143] : memref<79x128xi32, #tpu.memory_space<vmem>> -> memref<1x128xi32, #tpu.memory_space<vmem>>
        %dma_wait3A_145 = tpu.memref_squeeze %dma_wait3A_144 : memref<1x128xi32, #tpu.memory_space<vmem>> -> memref<128xi32, #tpu.memory_space<vmem>>
        %dma_wait3A_146 = arith.constant 0 : i32
        %dma_wait3A_147 = arith.constant 0 : i32
        %dma_wait3A_148 = tpu.memref_slice %arg2[%dma_wait3A_146, %dma_wait3A_147] : memref<10240x128xf32, #tpu.memory_space<hbm>> -> memref<10240x128xf32, #tpu.memory_space<hbm>>
        tpu.wait_indirect_dma semaphore(%arg13 : memref<!tpu.dma_semaphore, #tpu.memory_space<semaphore_mem>>) src(%dma_wait3A_148 : memref<10240x128xf32, #tpu.memory_space<hbm>>) dst(%dma_wait3A_142 : memref<128x128xf32, #tpu.memory_space<vmem>>)
        %dma_wait3A_149 = arith.constant 0 : i32
        %dma_wait3A_150 = arith.constant 1 : i32
        %dma_wait3A_151 = arith.constant 0 : i32
        %dma_wait3A_152 = arith.constant 0 : i32
        %dma_wait3A_153 = tpu.memref_slice %arg9[%dma_wait3A_150, %dma_wait3A_151, %dma_wait3A_152] : memref<2x128x128xf32, #tpu.memory_space<vmem>> -> memref<1x128x128xf32, #tpu.memory_space<vmem>>
        %dma_wait3A_154 = tpu.memref_squeeze %dma_wait3A_153 : memref<1x128x128xf32, #tpu.memory_space<vmem>> -> memref<128x128xf32, #tpu.memory_space<vmem>>
        %dma_wait3A_155 = arith.constant 0 : i32
        %dma_wait3A_156 = tpu.memref_slice %arg7[%dma_wait3A_149, %dma_wait3A_155] : memref<79x128xi32, #tpu.memory_space<vmem>> -> memref<1x128xi32, #tpu.memory_space<vmem>>
        %dma_wait3A_157 = tpu.memref_squeeze %dma_wait3A_156 : memref<1x128xi32, #tpu.memory_space<vmem>> -> memref<128xi32, #tpu.memory_space<vmem>>
        %dma_wait3A_158 = arith.constant 0 : i32
        %dma_wait3A_159 = arith.constant 0 : i32
        %dma_wait3A_160 = tpu.memref_slice %arg2[%dma_wait3A_158, %dma_wait3A_159] : memref<10240x128xf32, #tpu.memory_space<hbm>> -> memref<10240x128xf32, #tpu.memory_space<hbm>>
        tpu.wait_indirect_dma semaphore(%arg13 : memref<!tpu.dma_semaphore, #tpu.memory_space<semaphore_mem>>) src(%dma_wait3A_160 : memref<10240x128xf32, #tpu.memory_space<hbm>>) dst(%dma_wait3A_154 : memref<128x128xf32, #tpu.memory_space<vmem>>)
        %ge3A_161 = arith.constant 2 : i32
        %ge3A_162 = arith.cmpi sge, %add3A_129, %ge3A_161 : i32
        %convert_element_type3A_163 = arith.extui %ge3A_162 : i1 to i32
        %cond3A_164 = arith.constant 0 : i32
        %cond3A_165 = arith.cmpi ne, %convert_element_type3A_163, %cond3A_164 : i32
        scf.if %cond3A_165 {
          %dma_wait3A_188 = arith.constant 1 : i32
          %dma_wait3A_189 = arith.constant 0 : i32
          %dma_wait3A_190 = arith.constant 0 : i32
          %dma_wait3A_191 = tpu.memref_slice %arg11[%dma_wait3A_188, %dma_wait3A_189, %dma_wait3A_190] : memref<2x128x128xf32, #tpu.memory_space<vmem>> -> memref<1x128x128xf32, #tpu.memory_space<vmem>>
          %dma_wait3A_192 = tpu.memref_squeeze %dma_wait3A_191 : memref<1x128x128xf32, #tpu.memory_space<vmem>> -> memref<128x128xf32, #tpu.memory_space<vmem>>
          %dma_wait3A_193 = arith.constant 0 : i32
          %dma_wait3A_194 = arith.constant 0 : i32
          %dma_wait3A_195 = tpu.memref_slice %arg6[%dma_wait3A_193, %dma_wait3A_194] : memref<323584x128xf32, #tpu.memory_space<hbm>> -> memref<128x128xf32, #tpu.memory_space<hbm>>
          %dma_wait3A_196 = arith.constant 0 : i32
          %dma_wait3A_197 = arith.constant 0 : i32
          %dma_wait3A_198 = tpu.memref_slice %arg6[%dma_wait3A_196, %dma_wait3A_197] : memref<323584x128xf32, #tpu.memory_space<hbm>> -> memref<128x128xf32, #tpu.memory_space<hbm>>
          %dma_wait3A_199 = arith.constant 0 : i32
          %dma_wait3A_200 = arith.constant 0 : i32
          %dma_wait3A_201 = tpu.memref_slice %arg11[%dma_wait3A_188, %dma_wait3A_199, %dma_wait3A_200] : memref<2x128x128xf32, #tpu.memory_space<vmem>> -> memref<1x128x128xf32, #tpu.memory_space<vmem>>
          %dma_wait3A_202 = tpu.memref_squeeze %dma_wait3A_201 : memref<1x128x128xf32, #tpu.memory_space<vmem>> -> memref<128x128xf32, #tpu.memory_space<vmem>>
          tpu.wait_dma2 semaphore(%arg15 : memref<!tpu.dma_semaphore, #tpu.memory_space<semaphore_mem>>) src(%dma_wait3A_202 : memref<128x128xf32, #tpu.memory_space<vmem>>) dst(%dma_wait3A_198 : memref<128x128xf32, #tpu.memory_space<hbm>>)
        } else {
        }
        %scan3A_166 = arith.constant 0 : i32
        %scan3A_167 = arith.constant 0 : i32
        %scan3A_168 = arith.constant 128 : i32
        %scan3A_169 = arith.addi %scan3A_167, %scan3A_168 : i32
        %scan3A_170 = arith.constant 1 : i32
        scf.for %scan3A_188 = %scan3A_167 to %scan3A_169 step %scan3A_170  : i32 {
          %get3A = arith.constant 1 : i32
          %get3A_189 = arith.index_cast %get3A : i32 to index
          %get3A_190 = arith.index_cast %scan3A_188 : i32 to index
          %get3A_191 = arith.constant 0 : index
          %get3A_192 = tpu.vector_load %arg9[%get3A_189, %get3A_190, %get3A_191] {strides = array<i32>} : memref<2x128x128xf32, #tpu.memory_space<vmem>>, vector<16xf32>,
          %get3A_193 = arith.constant 1 : i32
          %get3A_194 = arith.index_cast %get3A_193 : i32 to index
          %get3A_195 = arith.index_cast %scan3A_188 : i32 to index
          %get3A_196 = arith.constant 0 : index
          %get3A_197 = tpu.vector_load %arg10[%get3A_194, %get3A_195, %get3A_196] {strides = array<i32>} : memref<2x128x128xf32, #tpu.memory_space<vmem>>, vector<16xf32>,
          %add3A_198 = arith.addf %get3A_192, %get3A_197 : vector<16xf32>
          %swap3A = arith.constant 1 : i32
          %swap3A_199 = arith.index_cast %swap3A : i32 to index
          %swap3A_200 = arith.index_cast %scan3A_188 : i32 to index
          %swap3A_201 = arith.constant 0 : index
          %swap3A_202 = tpu.vector_load %arg11[%swap3A_199, %swap3A_200, %swap3A_201] {strides = array<i32>} : memref<2x128x128xf32, #tpu.memory_space<vmem>>, vector<16xf32>,
          tpu.vector_store %arg11[%swap3A_199, %swap3A_200, %swap3A_201], %add3A_198 {strides = array<i32>} : memref<2x128x128xf32, #tpu.memory_space<vmem>>, vector<16xf32>,
          %get3A_203 = arith.constant 1 : i32
          %get3A_204 = arith.index_cast %get3A_203 : i32 to index
          %get3A_205 = arith.index_cast %scan3A_188 : i32 to index
          %get3A_206 = arith.constant 16 : index
          %get3A_207 = tpu.vector_load %arg9[%get3A_204, %get3A_205, %get3A_206] {strides = array<i32>} : memref<2x128x128xf32, #tpu.memory_space<vmem>>, vector<16xf32>,
          %get3A_208 = arith.constant 1 : i32
          %get3A_209 = arith.index_cast %get3A_208 : i32 to index
          %get3A_210 = arith.index_cast %scan3A_188 : i32 to index
          %get3A_211 = arith.constant 16 : index
          %get3A_212 = tpu.vector_load %arg10[%get3A_209, %get3A_210, %get3A_211] {strides = array<i32>} : memref<2x128x128xf32, #tpu.memory_space<vmem>>, vector<16xf32>,
          %add3A_213 = arith.addf %get3A_207, %get3A_212 : vector<16xf32>
          %swap3A_214 = arith.constant 1 : i32
          %swap3A_215 = arith.index_cast %swap3A_214 : i32 to index
          %swap3A_216 = arith.index_cast %scan3A_188 : i32 to index
          %swap3A_217 = arith.constant 16 : index
          %swap3A_218 = tpu.vector_load %arg11[%swap3A_215, %swap3A_216, %swap3A_217] {strides = array<i32>} : memref<2x128x128xf32, #tpu.memory_space<vmem>>, vector<16xf32>,
          tpu.vector_store %arg11[%swap3A_215, %swap3A_216, %swap3A_217], %add3A_213 {strides = array<i32>} : memref<2x128x128xf32, #tpu.memory_space<vmem>>, vector<16xf32>,
          %get3A_219 = arith.constant 1 : i32
          %get3A_220 = arith.index_cast %get3A_219 : i32 to index
          %get3A_221 = arith.index_cast %scan3A_188 : i32 to index
          %get3A_222 = arith.constant 32 : index
          %get3A_223 = tpu.vector_load %arg9[%get3A_220, %get3A_221, %get3A_222] {strides = array<i32>} : memref<2x128x128xf32, #tpu.memory_space<vmem>>, vector<16xf32>,
          %get3A_224 = arith.constant 1 : i32
          %get3A_225 = arith.index_cast %get3A_224 : i32 to index
          %get3A_226 = arith.index_cast %scan3A_188 : i32 to index
          %get3A_227 = arith.constant 32 : index
          %get3A_228 = tpu.vector_load %arg10[%get3A_225, %get3A_226, %get3A_227] {strides = array<i32>} : memref<2x128x128xf32, #tpu.memory_space<vmem>>, vector<16xf32>,
          %add3A_229 = arith.addf %get3A_223, %get3A_228 : vector<16xf32>
          %swap3A_230 = arith.constant 1 : i32
          %swap3A_231 = arith.index_cast %swap3A_230 : i32 to index
          %swap3A_232 = arith.index_cast %scan3A_188 : i32 to index
          %swap3A_233 = arith.constant 32 : index
          %swap3A_234 = tpu.vector_load %arg11[%swap3A_231, %swap3A_232, %swap3A_233] {strides = array<i32>} : memref<2x128x128xf32, #tpu.memory_space<vmem>>, vector<16xf32>,
          tpu.vector_store %arg11[%swap3A_231, %swap3A_232, %swap3A_233], %add3A_229 {strides = array<i32>} : memref<2x128x128xf32, #tpu.memory_space<vmem>>, vector<16xf32>,
          %get3A_235 = arith.constant 1 : i32
          %get3A_236 = arith.index_cast %get3A_235 : i32 to index
          %get3A_237 = arith.index_cast %scan3A_188 : i32 to index
          %get3A_238 = arith.constant 48 : index
          %get3A_239 = tpu.vector_load %arg9[%get3A_236, %get3A_237, %get3A_238] {strides = array<i32>} : memref<2x128x128xf32, #tpu.memory_space<vmem>>, vector<16xf32>,
          %get3A_240 = arith.constant 1 : i32
          %get3A_241 = arith.index_cast %get3A_240 : i32 to index
          %get3A_242 = arith.index_cast %scan3A_188 : i32 to index
          %get3A_243 = arith.constant 48 : index
          %get3A_244 = tpu.vector_load %arg10[%get3A_241, %get3A_242, %get3A_243] {strides = array<i32>} : memref<2x128x128xf32, #tpu.memory_space<vmem>>, vector<16xf32>,
          %add3A_245 = arith.addf %get3A_239, %get3A_244 : vector<16xf32>
          %swap3A_246 = arith.constant 1 : i32
          %swap3A_247 = arith.index_cast %swap3A_246 : i32 to index
          %swap3A_248 = arith.index_cast %scan3A_188 : i32 to index
          %swap3A_249 = arith.constant 48 : index
          %swap3A_250 = tpu.vector_load %arg11[%swap3A_247, %swap3A_248, %swap3A_249] {strides = array<i32>} : memref<2x128x128xf32, #tpu.memory_space<vmem>>, vector<16xf32>,
          tpu.vector_store %arg11[%swap3A_247, %swap3A_248, %swap3A_249], %add3A_245 {strides = array<i32>} : memref<2x128x128xf32, #tpu.memory_space<vmem>>, vector<16xf32>,
          %get3A_251 = arith.constant 1 : i32
          %get3A_252 = arith.index_cast %get3A_251 : i32 to index
          %get3A_253 = arith.index_cast %scan3A_188 : i32 to index
          %get3A_254 = arith.constant 64 : index
          %get3A_255 = tpu.vector_load %arg9[%get3A_252, %get3A_253, %get3A_254] {strides = array<i32>} : memref<2x128x128xf32, #tpu.memory_space<vmem>>, vector<16xf32>,
          %get3A_256 = arith.constant 1 : i32
          %get3A_257 = arith.index_cast %get3A_256 : i32 to index
          %get3A_258 = arith.index_cast %scan3A_188 : i32 to index
          %get3A_259 = arith.constant 64 : index
          %get3A_260 = tpu.vector_load %arg10[%get3A_257, %get3A_258, %get3A_259] {strides = array<i32>} : memref<2x128x128xf32, #tpu.memory_space<vmem>>, vector<16xf32>,
          %add3A_261 = arith.addf %get3A_255, %get3A_260 : vector<16xf32>
          %swap3A_262 = arith.constant 1 : i32
          %swap3A_263 = arith.index_cast %swap3A_262 : i32 to index
          %swap3A_264 = arith.index_cast %scan3A_188 : i32 to index
          %swap3A_265 = arith.constant 64 : index
          %swap3A_266 = tpu.vector_load %arg11[%swap3A_263, %swap3A_264, %swap3A_265] {strides = array<i32>} : memref<2x128x128xf32, #tpu.memory_space<vmem>>, vector<16xf32>,
          tpu.vector_store %arg11[%swap3A_263, %swap3A_264, %swap3A_265], %add3A_261 {strides = array<i32>} : memref<2x128x128xf32, #tpu.memory_space<vmem>>, vector<16xf32>,
          %get3A_267 = arith.constant 1 : i32
          %get3A_268 = arith.index_cast %get3A_267 : i32 to index
          %get3A_269 = arith.index_cast %scan3A_188 : i32 to index
          %get3A_270 = arith.constant 80 : index
          %get3A_271 = tpu.vector_load %arg9[%get3A_268, %get3A_269, %get3A_270] {strides = array<i32>} : memref<2x128x128xf32, #tpu.memory_space<vmem>>, vector<16xf32>,
          %get3A_272 = arith.constant 1 : i32
          %get3A_273 = arith.index_cast %get3A_272 : i32 to index
          %get3A_274 = arith.index_cast %scan3A_188 : i32 to index
          %get3A_275 = arith.constant 80 : index
          %get3A_276 = tpu.vector_load %arg10[%get3A_273, %get3A_274, %get3A_275] {strides = array<i32>} : memref<2x128x128xf32, #tpu.memory_space<vmem>>, vector<16xf32>,
          %add3A_277 = arith.addf %get3A_271, %get3A_276 : vector<16xf32>
          %swap3A_278 = arith.constant 1 : i32
          %swap3A_279 = arith.index_cast %swap3A_278 : i32 to index
          %swap3A_280 = arith.index_cast %scan3A_188 : i32 to index
          %swap3A_281 = arith.constant 80 : index
          %swap3A_282 = tpu.vector_load %arg11[%swap3A_279, %swap3A_280, %swap3A_281] {strides = array<i32>} : memref<2x128x128xf32, #tpu.memory_space<vmem>>, vector<16xf32>,
          tpu.vector_store %arg11[%swap3A_279, %swap3A_280, %swap3A_281], %add3A_277 {strides = array<i32>} : memref<2x128x128xf32, #tpu.memory_space<vmem>>, vector<16xf32>,
          %get3A_283 = arith.constant 1 : i32
          %get3A_284 = arith.index_cast %get3A_283 : i32 to index
          %get3A_285 = arith.index_cast %scan3A_188 : i32 to index
          %get3A_286 = arith.constant 96 : index
          %get3A_287 = tpu.vector_load %arg9[%get3A_284, %get3A_285, %get3A_286] {strides = array<i32>} : memref<2x128x128xf32, #tpu.memory_space<vmem>>, vector<16xf32>,
          %get3A_288 = arith.constant 1 : i32
          %get3A_289 = arith.index_cast %get3A_288 : i32 to index
          %get3A_290 = arith.index_cast %scan3A_188 : i32 to index
          %get3A_291 = arith.constant 96 : index
          %get3A_292 = tpu.vector_load %arg10[%get3A_289, %get3A_290, %get3A_291] {strides = array<i32>} : memref<2x128x128xf32, #tpu.memory_space<vmem>>, vector<16xf32>,
          %add3A_293 = arith.addf %get3A_287, %get3A_292 : vector<16xf32>
          %swap3A_294 = arith.constant 1 : i32
          %swap3A_295 = arith.index_cast %swap3A_294 : i32 to index
          %swap3A_296 = arith.index_cast %scan3A_188 : i32 to index
          %swap3A_297 = arith.constant 96 : index
          %swap3A_298 = tpu.vector_load %arg11[%swap3A_295, %swap3A_296, %swap3A_297] {strides = array<i32>} : memref<2x128x128xf32, #tpu.memory_space<vmem>>, vector<16xf32>,
          tpu.vector_store %arg11[%swap3A_295, %swap3A_296, %swap3A_297], %add3A_293 {strides = array<i32>} : memref<2x128x128xf32, #tpu.memory_space<vmem>>, vector<16xf32>,
          %get3A_299 = arith.constant 1 : i32
          %get3A_300 = arith.index_cast %get3A_299 : i32 to index
          %get3A_301 = arith.index_cast %scan3A_188 : i32 to index
          %get3A_302 = arith.constant 112 : index
          %get3A_303 = tpu.vector_load %arg9[%get3A_300, %get3A_301, %get3A_302] {strides = array<i32>} : memref<2x128x128xf32, #tpu.memory_space<vmem>>, vector<16xf32>,
          %get3A_304 = arith.constant 1 : i32
          %get3A_305 = arith.index_cast %get3A_304 : i32 to index
          %get3A_306 = arith.index_cast %scan3A_188 : i32 to index
          %get3A_307 = arith.constant 112 : index
          %get3A_308 = tpu.vector_load %arg10[%get3A_305, %get3A_306, %get3A_307] {strides = array<i32>} : memref<2x128x128xf32, #tpu.memory_space<vmem>>, vector<16xf32>,
          %add3A_309 = arith.addf %get3A_303, %get3A_308 : vector<16xf32>
          %swap3A_310 = arith.constant 1 : i32
          %swap3A_311 = arith.index_cast %swap3A_310 : i32 to index
          %swap3A_312 = arith.index_cast %scan3A_188 : i32 to index
          %swap3A_313 = arith.constant 112 : index
          %swap3A_314 = tpu.vector_load %arg11[%swap3A_311, %swap3A_312, %swap3A_313] {strides = array<i32>} : memref<2x128x128xf32, #tpu.memory_space<vmem>>, vector<16xf32>,
          tpu.vector_store %arg11[%swap3A_311, %swap3A_312, %swap3A_313], %add3A_309 {strides = array<i32>} : memref<2x128x128xf32, #tpu.memory_space<vmem>>, vector<16xf32>,
        }
        %scan3A_171 = arith.constant 128 : i32
        %mul3A_172 = arith.constant 128 : i32
        %mul3A_173 = arith.muli %add3A_129, %mul3A_172 : i32
        %add3A_174 = arith.addi %mul3A_2, %mul3A_173 : i32
        %dma_start3A_175 = arith.constant 1 : i32
        %dma_start3A_176 = arith.constant 0 : i32
        %dma_start3A_177 = arith.constant 0 : i32
        %dma_start3A_178 = tpu.memref_slice %arg11[%dma_start3A_175, %dma_start3A_176, %dma_start3A_177] : memref<2x128x128xf32, #tpu.memory_space<vmem>> -> memref<1x128x128xf32, #tpu.memory_space<vmem>>
        %dma_start3A_179 = tpu.memref_squeeze %dma_start3A_178 : memref<1x128x128xf32, #tpu.memory_space<vmem>> -> memref<128x128xf32, #tpu.memory_space<vmem>>
        %dma_start3A_180 = arith.constant 0 : i32
        %dma_start3A_181 = tpu.memref_slice %arg6[%add3A_174, %dma_start3A_180] : memref<323584x128xf32, #tpu.memory_space<hbm>> -> memref<128x128xf32, #tpu.memory_space<hbm>>
        %dma_start3A_182 = arith.constant 0 : i32
        %dma_start3A_183 = tpu.memref_slice %arg6[%add3A_174, %dma_start3A_182] : memref<323584x128xf32, #tpu.memory_space<hbm>> -> memref<128x128xf32, #tpu.memory_space<hbm>>
        %dma_start3A_184 = arith.constant 0 : i32
        %dma_start3A_185 = arith.constant 0 : i32
        %dma_start3A_186 = tpu.memref_slice %arg11[%dma_start3A_175, %dma_start3A_184, %dma_start3A_185] : memref<2x128x128xf32, #tpu.memory_space<vmem>> -> memref<1x128x128xf32, #tpu.memory_space<vmem>>
        %dma_start3A_187 = tpu.memref_squeeze %dma_start3A_186 : memref<1x128x128xf32, #tpu.memory_space<vmem>> -> memref<128x128xf32, #tpu.memory_space<vmem>>
        tpu.enqueue_dma source(%dma_start3A_187 : memref<128x128xf32, #tpu.memory_space<vmem>>) target(%dma_start3A_183 : memref<128x128xf32, #tpu.memory_space<hbm>>) target_semaphore(%arg15 : memref<!tpu.dma_semaphore, #tpu.memory_space<semaphore_mem>>)
      } else {
      }
    }
    %scan3A_30 = arith.constant 40 : i32
    %dma_wait3A = arith.constant 0 : i32
    %dma_wait3A_31 = arith.constant 0 : i32
    %dma_wait3A_32 = arith.constant 0 : i32
    %dma_wait3A_33 = tpu.memref_slice %arg11[%dma_wait3A, %dma_wait3A_31, %dma_wait3A_32] : memref<2x128x128xf32, #tpu.memory_space<vmem>> -> memref<1x128x128xf32, #tpu.memory_space<vmem>>
    %dma_wait3A_34 = tpu.memref_squeeze %dma_wait3A_33 : memref<1x128x128xf32, #tpu.memory_space<vmem>> -> memref<128x128xf32, #tpu.memory_space<vmem>>
    %dma_wait3A_35 = arith.constant 0 : i32
    %dma_wait3A_36 = arith.constant 0 : i32
    %dma_wait3A_37 = tpu.memref_slice %arg6[%dma_wait3A_35, %dma_wait3A_36] : memref<323584x128xf32, #tpu.memory_space<hbm>> -> memref<128x128xf32, #tpu.memory_space<hbm>>
    %dma_wait3A_38 = arith.constant 0 : i32
    %dma_wait3A_39 = arith.constant 0 : i32
    %dma_wait3A_40 = tpu.memref_slice %arg6[%dma_wait3A_38, %dma_wait3A_39] : memref<323584x128xf32, #tpu.memory_space<hbm>> -> memref<128x128xf32, #tpu.memory_space<hbm>>
    %dma_wait3A_41 = arith.constant 0 : i32
    %dma_wait3A_42 = arith.constant 0 : i32
    %dma_wait3A_43 = tpu.memref_slice %arg11[%dma_wait3A, %dma_wait3A_41, %dma_wait3A_42] : memref<2x128x128xf32, #tpu.memory_space<vmem>> -> memref<1x128x128xf32, #tpu.memory_space<vmem>>
    %dma_wait3A_44 = tpu.memref_squeeze %dma_wait3A_43 : memref<1x128x128xf32, #tpu.memory_space<vmem>> -> memref<128x128xf32, #tpu.memory_space<vmem>>
    tpu.wait_dma2 semaphore(%arg14 : memref<!tpu.dma_semaphore, #tpu.memory_space<semaphore_mem>>) src(%dma_wait3A_44 : memref<128x128xf32, #tpu.memory_space<vmem>>) dst(%dma_wait3A_40 : memref<128x128xf32, #tpu.memory_space<hbm>>)
    %dma_wait3A_45 = arith.constant 1 : i32
    %dma_wait3A_46 = arith.constant 0 : i32
    %dma_wait3A_47 = arith.constant 0 : i32
    %dma_wait3A_48 = tpu.memref_slice %arg11[%dma_wait3A_45, %dma_wait3A_46, %dma_wait3A_47] : memref<2x128x128xf32, #tpu.memory_space<vmem>> -> memref<1x128x128xf32, #tpu.memory_space<vmem>>
    %dma_wait3A_49 = tpu.memref_squeeze %dma_wait3A_48 : memref<1x128x128xf32, #tpu.memory_space<vmem>> -> memref<128x128xf32, #tpu.memory_space<vmem>>
    %dma_wait3A_50 = arith.constant 0 : i32
    %dma_wait3A_51 = arith.constant 0 : i32
    %dma_wait3A_52 = tpu.memref_slice %arg6[%dma_wait3A_50, %dma_wait3A_51] : memref<323584x128xf32, #tpu.memory_space<hbm>> -> memref<128x128xf32, #tpu.memory_space<hbm>>
    %dma_wait3A_53 = arith.constant 0 : i32
    %dma_wait3A_54 = arith.constant 0 : i32
    %dma_wait3A_55 = tpu.memref_slice %arg6[%dma_wait3A_53, %dma_wait3A_54] : memref<323584x128xf32, #tpu.memory_space<hbm>> -> memref<128x128xf32, #tpu.memory_space<hbm>>
    %dma_wait3A_56 = arith.constant 0 : i32
    %dma_wait3A_57 = arith.constant 0 : i32
    %dma_wait3A_58 = tpu.memref_slice %arg11[%dma_wait3A_45, %dma_wait3A_56, %dma_wait3A_57] : memref<2x128x128xf32, #tpu.memory_space<vmem>> -> memref<1x128x128xf32, #tpu.memory_space<vmem>>
    %dma_wait3A_59 = tpu.memref_squeeze %dma_wait3A_58 : memref<1x128x128xf32, #tpu.memory_space<vmem>> -> memref<128x128xf32, #tpu.memory_space<vmem>>
    tpu.wait_dma2 semaphore(%arg15 : memref<!tpu.dma_semaphore, #tpu.memory_space<semaphore_mem>>) src(%dma_wait3A_59 : memref<128x128xf32, #tpu.memory_space<vmem>>) dst(%dma_wait3A_55 : memref<128x128xf32, #tpu.memory_space<hbm>>)
    return
  }
}

#map = affine_map<(d0, d1) -> (0, 0)>
#map1 = affine_map<(d0, d1) -> (0, 0, 0)>
module attributes {stable_mosaic.version = 14 : i64} {
  func.func @_sc_scatter_body(%arg0: i32, %arg1: i32, %arg2: memref<323584x128xf32, #tpu.memory_space<hbm>>, %arg3: memref<32x79x128xi32, #tpu.memory_space<hbm>>, %arg4: memref<2x10240x128xf32, #tpu.memory_space<hbm>>, %arg5: memref<10240x128xf32, #tpu.memory_space<vmem_shared>>, %arg6: memref<79x128xi32, #tpu.memory_space<vmem>>, %arg7: memref<2x128x128xf32, #tpu.memory_space<vmem>>, %arg8: memref<16x128xf32, #tpu.memory_space<vmem>>, %arg9: memref<!tpu.dma_semaphore, #tpu.memory_space<semaphore_mem>>, %arg10: memref<!tpu.dma_semaphore, #tpu.memory_space<semaphore_mem>>, %arg11: memref<!tpu.dma_semaphore, #tpu.memory_space<semaphore_mem>>, %arg12: memref<!tpu.dma_semaphore, #tpu.memory_space<semaphore_mem>>) attributes {dimension_semantics = [#tpu.dimension_semantics<core_parallel>, #tpu.dimension_semantics<subcore_parallel>], iteration_bounds = array<i64: 2, 16>, scalar_prefetch = 0 : i64, scratch_operands = 8 : i64, tpu.core_type = #tpu.core_type<sc_vector_subcore>, window_params = [{transform_indices = #map}, {transform_indices = #map1}, {transform_indices = #map1}]} {
    %mul3A = arith.constant 2 : i32
    %mul3A_0 = arith.muli %arg1, %mul3A : i32
    %add3A = arith.addi %mul3A_0, %arg0 : i32
    %mul3A_1 = arith.constant 10112 : i32
    %mul3A_2 = arith.muli %add3A, %mul3A_1 : i32
    %broadcast_in_dim3A = arith.constant 0.000000e+00 : f32
    %broadcast_in_dim3A_3 = vector.broadcast %broadcast_in_dim3A : f32 to vector<16xf32>
    %swap3A = arith.constant 0 : i32
    %swap3A_4 = arith.index_cast %swap3A : i32 to index
    %swap3A_5 = arith.constant 0 : index
    %swap3A_6 = tpu.vector_load %arg8[%swap3A_4, %swap3A_5] {strides = array<i32>} : memref<16x128xf32, #tpu.memory_space<vmem>>, vector<16xf32>,
    tpu.vector_store %arg8[%swap3A_4, %swap3A_5], %broadcast_in_dim3A_3 {strides = array<i32>} : memref<16x128xf32, #tpu.memory_space<vmem>>, vector<16xf32>,
    %swap3A_7 = arith.constant 0 : i32
    %swap3A_8 = arith.index_cast %swap3A_7 : i32 to index
    %swap3A_9 = arith.constant 16 : index
    %swap3A_10 = tpu.vector_load %arg8[%swap3A_8, %swap3A_9] {strides = array<i32>} : memref<16x128xf32, #tpu.memory_space<vmem>>, vector<16xf32>,
    tpu.vector_store %arg8[%swap3A_8, %swap3A_9], %broadcast_in_dim3A_3 {strides = array<i32>} : memref<16x128xf32, #tpu.memory_space<vmem>>, vector<16xf32>,
    %swap3A_11 = arith.constant 0 : i32
    %swap3A_12 = arith.index_cast %swap3A_11 : i32 to index
    %swap3A_13 = arith.constant 32 : index
    %swap3A_14 = tpu.vector_load %arg8[%swap3A_12, %swap3A_13] {strides = array<i32>} : memref<16x128xf32, #tpu.memory_space<vmem>>, vector<16xf32>,
    tpu.vector_store %arg8[%swap3A_12, %swap3A_13], %broadcast_in_dim3A_3 {strides = array<i32>} : memref<16x128xf32, #tpu.memory_space<vmem>>, vector<16xf32>,
    %swap3A_15 = arith.constant 0 : i32
    %swap3A_16 = arith.index_cast %swap3A_15 : i32 to index
    %swap3A_17 = arith.constant 48 : index
    %swap3A_18 = tpu.vector_load %arg8[%swap3A_16, %swap3A_17] {strides = array<i32>} : memref<16x128xf32, #tpu.memory_space<vmem>>, vector<16xf32>,
    tpu.vector_store %arg8[%swap3A_16, %swap3A_17], %broadcast_in_dim3A_3 {strides = array<i32>} : memref<16x128xf32, #tpu.memory_space<vmem>>, vector<16xf32>,
    %swap3A_19 = arith.constant 0 : i32
    %swap3A_20 = arith.index_cast %swap3A_19 : i32 to index
    %swap3A_21 = arith.constant 64 : index
    %swap3A_22 = tpu.vector_load %arg8[%swap3A_20, %swap3A_21] {strides = array<i32>} : memref<16x128xf32, #tpu.memory_space<vmem>>, vector<16xf32>,
    tpu.vector_store %arg8[%swap3A_20, %swap3A_21], %broadcast_in_dim3A_3 {strides = array<i32>} : memref<16x128xf32, #tpu.memory_space<vmem>>, vector<16xf32>,
    %swap3A_23 = arith.constant 0 : i32
    %swap3A_24 = arith.index_cast %swap3A_23 : i32 to index
    %swap3A_25 = arith.constant 80 : index
    %swap3A_26 = tpu.vector_load %arg8[%swap3A_24, %swap3A_25] {strides = array<i32>} : memref<16x128xf32, #tpu.memory_space<vmem>>, vector<16xf32>,
    tpu.vector_store %arg8[%swap3A_24, %swap3A_25], %broadcast_in_dim3A_3 {strides = array<i32>} : memref<16x128xf32, #tpu.memory_space<vmem>>, vector<16xf32>,
    %swap3A_27 = arith.constant 0 : i32
    %swap3A_28 = arith.index_cast %swap3A_27 : i32 to index
    %swap3A_29 = arith.constant 96 : index
    %swap3A_30 = tpu.vector_load %arg8[%swap3A_28, %swap3A_29] {strides = array<i32>} : memref<16x128xf32, #tpu.memory_space<vmem>>, vector<16xf32>,
    tpu.vector_store %arg8[%swap3A_28, %swap3A_29], %broadcast_in_dim3A_3 {strides = array<i32>} : memref<16x128xf32, #tpu.memory_space<vmem>>, vector<16xf32>,
    %swap3A_31 = arith.constant 0 : i32
    %swap3A_32 = arith.index_cast %swap3A_31 : i32 to index
    %swap3A_33 = arith.constant 112 : index
    %swap3A_34 = tpu.vector_load %arg8[%swap3A_32, %swap3A_33] {strides = array<i32>} : memref<16x128xf32, #tpu.memory_space<vmem>>, vector<16xf32>,
    tpu.vector_store %arg8[%swap3A_32, %swap3A_33], %broadcast_in_dim3A_3 {strides = array<i32>} : memref<16x128xf32, #tpu.memory_space<vmem>>, vector<16xf32>,
    %swap3A_35 = arith.constant 1 : i32
    %swap3A_36 = arith.index_cast %swap3A_35 : i32 to index
    %swap3A_37 = arith.constant 0 : index
    %swap3A_38 = tpu.vector_load %arg8[%swap3A_36, %swap3A_37] {strides = array<i32>} : memref<16x128xf32, #tpu.memory_space<vmem>>, vector<16xf32>,
    tpu.vector_store %arg8[%swap3A_36, %swap3A_37], %broadcast_in_dim3A_3 {strides = array<i32>} : memref<16x128xf32, #tpu.memory_space<vmem>>, vector<16xf32>,
    %swap3A_39 = arith.constant 1 : i32
    %swap3A_40 = arith.index_cast %swap3A_39 : i32 to index
    %swap3A_41 = arith.constant 16 : index
    %swap3A_42 = tpu.vector_load %arg8[%swap3A_40, %swap3A_41] {strides = array<i32>} : memref<16x128xf32, #tpu.memory_space<vmem>>, vector<16xf32>,
    tpu.vector_store %arg8[%swap3A_40, %swap3A_41], %broadcast_in_dim3A_3 {strides = array<i32>} : memref<16x128xf32, #tpu.memory_space<vmem>>, vector<16xf32>,
    %swap3A_43 = arith.constant 1 : i32
    %swap3A_44 = arith.index_cast %swap3A_43 : i32 to index
    %swap3A_45 = arith.constant 32 : index
    %swap3A_46 = tpu.vector_load %arg8[%swap3A_44, %swap3A_45] {strides = array<i32>} : memref<16x128xf32, #tpu.memory_space<vmem>>, vector<16xf32>,
    tpu.vector_store %arg8[%swap3A_44, %swap3A_45], %broadcast_in_dim3A_3 {strides = array<i32>} : memref<16x128xf32, #tpu.memory_space<vmem>>, vector<16xf32>,
    %swap3A_47 = arith.constant 1 : i32
    %swap3A_48 = arith.index_cast %swap3A_47 : i32 to index
    %swap3A_49 = arith.constant 48 : index
    %swap3A_50 = tpu.vector_load %arg8[%swap3A_48, %swap3A_49] {strides = array<i32>} : memref<16x128xf32, #tpu.memory_space<vmem>>, vector<16xf32>,
    tpu.vector_store %arg8[%swap3A_48, %swap3A_49], %broadcast_in_dim3A_3 {strides = array<i32>} : memref<16x128xf32, #tpu.memory_space<vmem>>, vector<16xf32>,
    %swap3A_51 = arith.constant 1 : i32
    %swap3A_52 = arith.index_cast %swap3A_51 : i32 to index
    %swap3A_53 = arith.constant 64 : index
    %swap3A_54 = tpu.vector_load %arg8[%swap3A_52, %swap3A_53] {strides = array<i32>} : memref<16x128xf32, #tpu.memory_space<vmem>>, vector<16xf32>,
    tpu.vector_store %arg8[%swap3A_52, %swap3A_53], %broadcast_in_dim3A_3 {strides = array<i32>} : memref<16x128xf32, #tpu.memory_space<vmem>>, vector<16xf32>,
    %swap3A_55 = arith.constant 1 : i32
    %swap3A_56 = arith.index_cast %swap3A_55 : i32 to index
    %swap3A_57 = arith.constant 80 : index
    %swap3A_58 = tpu.vector_load %arg8[%swap3A_56, %swap3A_57] {strides = array<i32>} : memref<16x128xf32, #tpu.memory_space<vmem>>, vector<16xf32>,
    tpu.vector_store %arg8[%swap3A_56, %swap3A_57], %broadcast_in_dim3A_3 {strides = array<i32>} : memref<16x128xf32, #tpu.memory_space<vmem>>, vector<16xf32>,
    %swap3A_59 = arith.constant 1 : i32
    %swap3A_60 = arith.index_cast %swap3A_59 : i32 to index
    %swap3A_61 = arith.constant 96 : index
    %swap3A_62 = tpu.vector_load %arg8[%swap3A_60, %swap3A_61] {strides = array<i32>} : memref<16x128xf32, #tpu.memory_space<vmem>>, vector<16xf32>,
    tpu.vector_store %arg8[%swap3A_60, %swap3A_61], %broadcast_in_dim3A_3 {strides = array<i32>} : memref<16x128xf32, #tpu.memory_space<vmem>>, vector<16xf32>,
    %swap3A_63 = arith.constant 1 : i32
    %swap3A_64 = arith.index_cast %swap3A_63 : i32 to index
    %swap3A_65 = arith.constant 112 : index
    %swap3A_66 = tpu.vector_load %arg8[%swap3A_64, %swap3A_65] {strides = array<i32>} : memref<16x128xf32, #tpu.memory_space<vmem>>, vector<16xf32>,
    tpu.vector_store %arg8[%swap3A_64, %swap3A_65], %broadcast_in_dim3A_3 {strides = array<i32>} : memref<16x128xf32, #tpu.memory_space<vmem>>, vector<16xf32>,
    %swap3A_67 = arith.constant 2 : i32
    %swap3A_68 = arith.index_cast %swap3A_67 : i32 to index
    %swap3A_69 = arith.constant 0 : index
    %swap3A_70 = tpu.vector_load %arg8[%swap3A_68, %swap3A_69] {strides = array<i32>} : memref<16x128xf32, #tpu.memory_space<vmem>>, vector<16xf32>,
    tpu.vector_store %arg8[%swap3A_68, %swap3A_69], %broadcast_in_dim3A_3 {strides = array<i32>} : memref<16x128xf32, #tpu.memory_space<vmem>>, vector<16xf32>,
    %swap3A_71 = arith.constant 2 : i32
    %swap3A_72 = arith.index_cast %swap3A_71 : i32 to index
    %swap3A_73 = arith.constant 16 : index
    %swap3A_74 = tpu.vector_load %arg8[%swap3A_72, %swap3A_73] {strides = array<i32>} : memref<16x128xf32, #tpu.memory_space<vmem>>, vector<16xf32>,
    tpu.vector_store %arg8[%swap3A_72, %swap3A_73], %broadcast_in_dim3A_3 {strides = array<i32>} : memref<16x128xf32, #tpu.memory_space<vmem>>, vector<16xf32>,
    %swap3A_75 = arith.constant 2 : i32
    %swap3A_76 = arith.index_cast %swap3A_75 : i32 to index
    %swap3A_77 = arith.constant 32 : index
    %swap3A_78 = tpu.vector_load %arg8[%swap3A_76, %swap3A_77] {strides = array<i32>} : memref<16x128xf32, #tpu.memory_space<vmem>>, vector<16xf32>,
    tpu.vector_store %arg8[%swap3A_76, %swap3A_77], %broadcast_in_dim3A_3 {strides = array<i32>} : memref<16x128xf32, #tpu.memory_space<vmem>>, vector<16xf32>,
    %swap3A_79 = arith.constant 2 : i32
    %swap3A_80 = arith.index_cast %swap3A_79 : i32 to index
    %swap3A_81 = arith.constant 48 : index
    %swap3A_82 = tpu.vector_load %arg8[%swap3A_80, %swap3A_81] {strides = array<i32>} : memref<16x128xf32, #tpu.memory_space<vmem>>, vector<16xf32>,
    tpu.vector_store %arg8[%swap3A_80, %swap3A_81], %broadcast_in_dim3A_3 {strides = array<i32>} : memref<16x128xf32, #tpu.memory_space<vmem>>, vector<16xf32>,
    %swap3A_83 = arith.constant 2 : i32
    %swap3A_84 = arith.index_cast %swap3A_83 : i32 to index
    %swap3A_85 = arith.constant 64 : index
    %swap3A_86 = tpu.vector_load %arg8[%swap3A_84, %swap3A_85] {strides = array<i32>} : memref<16x128xf32, #tpu.memory_space<vmem>>, vector<16xf32>,
    tpu.vector_store %arg8[%swap3A_84, %swap3A_85], %broadcast_in_dim3A_3 {strides = array<i32>} : memref<16x128xf32, #tpu.memory_space<vmem>>, vector<16xf32>,
    %swap3A_87 = arith.constant 2 : i32
    %swap3A_88 = arith.index_cast %swap3A_87 : i32 to index
    %swap3A_89 = arith.constant 80 : index
    %swap3A_90 = tpu.vector_load %arg8[%swap3A_88, %swap3A_89] {strides = array<i32>} : memref<16x128xf32, #tpu.memory_space<vmem>>, vector<16xf32>,
    tpu.vector_store %arg8[%swap3A_88, %swap3A_89], %broadcast_in_dim3A_3 {strides = array<i32>} : memref<16x128xf32, #tpu.memory_space<vmem>>, vector<16xf32>,
    %swap3A_91 = arith.constant 2 : i32
    %swap3A_92 = arith.index_cast %swap3A_91 : i32 to index
    %swap3A_93 = arith.constant 96 : index
    %swap3A_94 = tpu.vector_load %arg8[%swap3A_92, %swap3A_93] {strides = array<i32>} : memref<16x128xf32, #tpu.memory_space<vmem>>, vector<16xf32>,
    tpu.vector_store %arg8[%swap3A_92, %swap3A_93], %broadcast_in_dim3A_3 {strides = array<i32>} : memref<16x128xf32, #tpu.memory_space<vmem>>, vector<16xf32>,
    %swap3A_95 = arith.constant 2 : i32
    %swap3A_96 = arith.index_cast %swap3A_95 : i32 to index
    %swap3A_97 = arith.constant 112 : index
    %swap3A_98 = tpu.vector_load %arg8[%swap3A_96, %swap3A_97] {strides = array<i32>} : memref<16x128xf32, #tpu.memory_space<vmem>>, vector<16xf32>,
    tpu.vector_store %arg8[%swap3A_96, %swap3A_97], %broadcast_in_dim3A_3 {strides = array<i32>} : memref<16x128xf32, #tpu.memory_space<vmem>>, vector<16xf32>,
    %swap3A_99 = arith.constant 3 : i32
    %swap3A_100 = arith.index_cast %swap3A_99 : i32 to index
    %swap3A_101 = arith.constant 0 : index
    %swap3A_102 = tpu.vector_load %arg8[%swap3A_100, %swap3A_101] {strides = array<i32>} : memref<16x128xf32, #tpu.memory_space<vmem>>, vector<16xf32>,
    tpu.vector_store %arg8[%swap3A_100, %swap3A_101], %broadcast_in_dim3A_3 {strides = array<i32>} : memref<16x128xf32, #tpu.memory_space<vmem>>, vector<16xf32>,
    %swap3A_103 = arith.constant 3 : i32
    %swap3A_104 = arith.index_cast %swap3A_103 : i32 to index
    %swap3A_105 = arith.constant 16 : index
    %swap3A_106 = tpu.vector_load %arg8[%swap3A_104, %swap3A_105] {strides = array<i32>} : memref<16x128xf32, #tpu.memory_space<vmem>>, vector<16xf32>,
    tpu.vector_store %arg8[%swap3A_104, %swap3A_105], %broadcast_in_dim3A_3 {strides = array<i32>} : memref<16x128xf32, #tpu.memory_space<vmem>>, vector<16xf32>,
    %swap3A_107 = arith.constant 3 : i32
    %swap3A_108 = arith.index_cast %swap3A_107 : i32 to index
    %swap3A_109 = arith.constant 32 : index
    %swap3A_110 = tpu.vector_load %arg8[%swap3A_108, %swap3A_109] {strides = array<i32>} : memref<16x128xf32, #tpu.memory_space<vmem>>, vector<16xf32>,
    tpu.vector_store %arg8[%swap3A_108, %swap3A_109], %broadcast_in_dim3A_3 {strides = array<i32>} : memref<16x128xf32, #tpu.memory_space<vmem>>, vector<16xf32>,
    %swap3A_111 = arith.constant 3 : i32
    %swap3A_112 = arith.index_cast %swap3A_111 : i32 to index
    %swap3A_113 = arith.constant 48 : index
    %swap3A_114 = tpu.vector_load %arg8[%swap3A_112, %swap3A_113] {strides = array<i32>} : memref<16x128xf32, #tpu.memory_space<vmem>>, vector<16xf32>,
    tpu.vector_store %arg8[%swap3A_112, %swap3A_113], %broadcast_in_dim3A_3 {strides = array<i32>} : memref<16x128xf32, #tpu.memory_space<vmem>>, vector<16xf32>,
    %swap3A_115 = arith.constant 3 : i32
    %swap3A_116 = arith.index_cast %swap3A_115 : i32 to index
    %swap3A_117 = arith.constant 64 : index
    %swap3A_118 = tpu.vector_load %arg8[%swap3A_116, %swap3A_117] {strides = array<i32>} : memref<16x128xf32, #tpu.memory_space<vmem>>, vector<16xf32>,
    tpu.vector_store %arg8[%swap3A_116, %swap3A_117], %broadcast_in_dim3A_3 {strides = array<i32>} : memref<16x128xf32, #tpu.memory_space<vmem>>, vector<16xf32>,
    %swap3A_119 = arith.constant 3 : i32
    %swap3A_120 = arith.index_cast %swap3A_119 : i32 to index
    %swap3A_121 = arith.constant 80 : index
    %swap3A_122 = tpu.vector_load %arg8[%swap3A_120, %swap3A_121] {strides = array<i32>} : memref<16x128xf32, #tpu.memory_space<vmem>>, vector<16xf32>,
    tpu.vector_store %arg8[%swap3A_120, %swap3A_121], %broadcast_in_dim3A_3 {strides = array<i32>} : memref<16x128xf32, #tpu.memory_space<vmem>>, vector<16xf32>,
    %swap3A_123 = arith.constant 3 : i32
    %swap3A_124 = arith.index_cast %swap3A_123 : i32 to index
    %swap3A_125 = arith.constant 96 : index
    %swap3A_126 = tpu.vector_load %arg8[%swap3A_124, %swap3A_125] {strides = array<i32>} : memref<16x128xf32, #tpu.memory_space<vmem>>, vector<16xf32>,
    tpu.vector_store %arg8[%swap3A_124, %swap3A_125], %broadcast_in_dim3A_3 {strides = array<i32>} : memref<16x128xf32, #tpu.memory_space<vmem>>, vector<16xf32>,
    %swap3A_127 = arith.constant 3 : i32
    %swap3A_128 = arith.index_cast %swap3A_127 : i32 to index
    %swap3A_129 = arith.constant 112 : index
    %swap3A_130 = tpu.vector_load %arg8[%swap3A_128, %swap3A_129] {strides = array<i32>} : memref<16x128xf32, #tpu.memory_space<vmem>>, vector<16xf32>,
    tpu.vector_store %arg8[%swap3A_128, %swap3A_129], %broadcast_in_dim3A_3 {strides = array<i32>} : memref<16x128xf32, #tpu.memory_space<vmem>>, vector<16xf32>,
    %swap3A_131 = arith.constant 4 : i32
    %swap3A_132 = arith.index_cast %swap3A_131 : i32 to index
    %swap3A_133 = arith.constant 0 : index
    %swap3A_134 = tpu.vector_load %arg8[%swap3A_132, %swap3A_133] {strides = array<i32>} : memref<16x128xf32, #tpu.memory_space<vmem>>, vector<16xf32>,
    tpu.vector_store %arg8[%swap3A_132, %swap3A_133], %broadcast_in_dim3A_3 {strides = array<i32>} : memref<16x128xf32, #tpu.memory_space<vmem>>, vector<16xf32>,
    %swap3A_135 = arith.constant 4 : i32
    %swap3A_136 = arith.index_cast %swap3A_135 : i32 to index
    %swap3A_137 = arith.constant 16 : index
    %swap3A_138 = tpu.vector_load %arg8[%swap3A_136, %swap3A_137] {strides = array<i32>} : memref<16x128xf32, #tpu.memory_space<vmem>>, vector<16xf32>,
    tpu.vector_store %arg8[%swap3A_136, %swap3A_137], %broadcast_in_dim3A_3 {strides = array<i32>} : memref<16x128xf32, #tpu.memory_space<vmem>>, vector<16xf32>,
    %swap3A_139 = arith.constant 4 : i32
    %swap3A_140 = arith.index_cast %swap3A_139 : i32 to index
    %swap3A_141 = arith.constant 32 : index
    %swap3A_142 = tpu.vector_load %arg8[%swap3A_140, %swap3A_141] {strides = array<i32>} : memref<16x128xf32, #tpu.memory_space<vmem>>, vector<16xf32>,
    tpu.vector_store %arg8[%swap3A_140, %swap3A_141], %broadcast_in_dim3A_3 {strides = array<i32>} : memref<16x128xf32, #tpu.memory_space<vmem>>, vector<16xf32>,
    %swap3A_143 = arith.constant 4 : i32
    %swap3A_144 = arith.index_cast %swap3A_143 : i32 to index
    %swap3A_145 = arith.constant 48 : index
    %swap3A_146 = tpu.vector_load %arg8[%swap3A_144, %swap3A_145] {strides = array<i32>} : memref<16x128xf32, #tpu.memory_space<vmem>>, vector<16xf32>,
    tpu.vector_store %arg8[%swap3A_144, %swap3A_145], %broadcast_in_dim3A_3 {strides = array<i32>} : memref<16x128xf32, #tpu.memory_space<vmem>>, vector<16xf32>,
    %swap3A_147 = arith.constant 4 : i32
    %swap3A_148 = arith.index_cast %swap3A_147 : i32 to index
    %swap3A_149 = arith.constant 64 : index
    %swap3A_150 = tpu.vector_load %arg8[%swap3A_148, %swap3A_149] {strides = array<i32>} : memref<16x128xf32, #tpu.memory_space<vmem>>, vector<16xf32>,
    tpu.vector_store %arg8[%swap3A_148, %swap3A_149], %broadcast_in_dim3A_3 {strides = array<i32>} : memref<16x128xf32, #tpu.memory_space<vmem>>, vector<16xf32>,
    %swap3A_151 = arith.constant 4 : i32
    %swap3A_152 = arith.index_cast %swap3A_151 : i32 to index
    %swap3A_153 = arith.constant 80 : index
    %swap3A_154 = tpu.vector_load %arg8[%swap3A_152, %swap3A_153] {strides = array<i32>} : memref<16x128xf32, #tpu.memory_space<vmem>>, vector<16xf32>,
    tpu.vector_store %arg8[%swap3A_152, %swap3A_153], %broadcast_in_dim3A_3 {strides = array<i32>} : memref<16x128xf32, #tpu.memory_space<vmem>>, vector<16xf32>,
    %swap3A_155 = arith.constant 4 : i32
    %swap3A_156 = arith.index_cast %swap3A_155 : i32 to index
    %swap3A_157 = arith.constant 96 : index
    %swap3A_158 = tpu.vector_load %arg8[%swap3A_156, %swap3A_157] {strides = array<i32>} : memref<16x128xf32, #tpu.memory_space<vmem>>, vector<16xf32>,
    tpu.vector_store %arg8[%swap3A_156, %swap3A_157], %broadcast_in_dim3A_3 {strides = array<i32>} : memref<16x128xf32, #tpu.memory_space<vmem>>, vector<16xf32>,
    %swap3A_159 = arith.constant 4 : i32
    %swap3A_160 = arith.index_cast %swap3A_159 : i32 to index
    %swap3A_161 = arith.constant 112 : index
    %swap3A_162 = tpu.vector_load %arg8[%swap3A_160, %swap3A_161] {strides = array<i32>} : memref<16x128xf32, #tpu.memory_space<vmem>>, vector<16xf32>,
    tpu.vector_store %arg8[%swap3A_160, %swap3A_161], %broadcast_in_dim3A_3 {strides = array<i32>} : memref<16x128xf32, #tpu.memory_space<vmem>>, vector<16xf32>,
    %swap3A_163 = arith.constant 5 : i32
    %swap3A_164 = arith.index_cast %swap3A_163 : i32 to index
    %swap3A_165 = arith.constant 0 : index
    %swap3A_166 = tpu.vector_load %arg8[%swap3A_164, %swap3A_165] {strides = array<i32>} : memref<16x128xf32, #tpu.memory_space<vmem>>, vector<16xf32>,
    tpu.vector_store %arg8[%swap3A_164, %swap3A_165], %broadcast_in_dim3A_3 {strides = array<i32>} : memref<16x128xf32, #tpu.memory_space<vmem>>, vector<16xf32>,
    %swap3A_167 = arith.constant 5 : i32
    %swap3A_168 = arith.index_cast %swap3A_167 : i32 to index
    %swap3A_169 = arith.constant 16 : index
    %swap3A_170 = tpu.vector_load %arg8[%swap3A_168, %swap3A_169] {strides = array<i32>} : memref<16x128xf32, #tpu.memory_space<vmem>>, vector<16xf32>,
    tpu.vector_store %arg8[%swap3A_168, %swap3A_169], %broadcast_in_dim3A_3 {strides = array<i32>} : memref<16x128xf32, #tpu.memory_space<vmem>>, vector<16xf32>,
    %swap3A_171 = arith.constant 5 : i32
    %swap3A_172 = arith.index_cast %swap3A_171 : i32 to index
    %swap3A_173 = arith.constant 32 : index
    %swap3A_174 = tpu.vector_load %arg8[%swap3A_172, %swap3A_173] {strides = array<i32>} : memref<16x128xf32, #tpu.memory_space<vmem>>, vector<16xf32>,
    tpu.vector_store %arg8[%swap3A_172, %swap3A_173], %broadcast_in_dim3A_3 {strides = array<i32>} : memref<16x128xf32, #tpu.memory_space<vmem>>, vector<16xf32>,
    %swap3A_175 = arith.constant 5 : i32
    %swap3A_176 = arith.index_cast %swap3A_175 : i32 to index
    %swap3A_177 = arith.constant 48 : index
    %swap3A_178 = tpu.vector_load %arg8[%swap3A_176, %swap3A_177] {strides = array<i32>} : memref<16x128xf32, #tpu.memory_space<vmem>>, vector<16xf32>,
    tpu.vector_store %arg8[%swap3A_176, %swap3A_177], %broadcast_in_dim3A_3 {strides = array<i32>} : memref<16x128xf32, #tpu.memory_space<vmem>>, vector<16xf32>,
    %swap3A_179 = arith.constant 5 : i32
    %swap3A_180 = arith.index_cast %swap3A_179 : i32 to index
    %swap3A_181 = arith.constant 64 : index
    %swap3A_182 = tpu.vector_load %arg8[%swap3A_180, %swap3A_181] {strides = array<i32>} : memref<16x128xf32, #tpu.memory_space<vmem>>, vector<16xf32>,
    tpu.vector_store %arg8[%swap3A_180, %swap3A_181], %broadcast_in_dim3A_3 {strides = array<i32>} : memref<16x128xf32, #tpu.memory_space<vmem>>, vector<16xf32>,
    %swap3A_183 = arith.constant 5 : i32
    %swap3A_184 = arith.index_cast %swap3A_183 : i32 to index
    %swap3A_185 = arith.constant 80 : index
    %swap3A_186 = tpu.vector_load %arg8[%swap3A_184, %swap3A_185] {strides = array<i32>} : memref<16x128xf32, #tpu.memory_space<vmem>>, vector<16xf32>,
    tpu.vector_store %arg8[%swap3A_184, %swap3A_185], %broadcast_in_dim3A_3 {strides = array<i32>} : memref<16x128xf32, #tpu.memory_space<vmem>>, vector<16xf32>,
    %swap3A_187 = arith.constant 5 : i32
    %swap3A_188 = arith.index_cast %swap3A_187 : i32 to index
    %swap3A_189 = arith.constant 96 : index
    %swap3A_190 = tpu.vector_load %arg8[%swap3A_188, %swap3A_189] {strides = array<i32>} : memref<16x128xf32, #tpu.memory_space<vmem>>, vector<16xf32>,
    tpu.vector_store %arg8[%swap3A_188, %swap3A_189], %broadcast_in_dim3A_3 {strides = array<i32>} : memref<16x128xf32, #tpu.memory_space<vmem>>, vector<16xf32>,
    %swap3A_191 = arith.constant 5 : i32
    %swap3A_192 = arith.index_cast %swap3A_191 : i32 to index
    %swap3A_193 = arith.constant 112 : index
    %swap3A_194 = tpu.vector_load %arg8[%swap3A_192, %swap3A_193] {strides = array<i32>} : memref<16x128xf32, #tpu.memory_space<vmem>>, vector<16xf32>,
    tpu.vector_store %arg8[%swap3A_192, %swap3A_193], %broadcast_in_dim3A_3 {strides = array<i32>} : memref<16x128xf32, #tpu.memory_space<vmem>>, vector<16xf32>,
    %swap3A_195 = arith.constant 6 : i32
    %swap3A_196 = arith.index_cast %swap3A_195 : i32 to index
    %swap3A_197 = arith.constant 0 : index
    %swap3A_198 = tpu.vector_load %arg8[%swap3A_196, %swap3A_197] {strides = array<i32>} : memref<16x128xf32, #tpu.memory_space<vmem>>, vector<16xf32>,
    tpu.vector_store %arg8[%swap3A_196, %swap3A_197], %broadcast_in_dim3A_3 {strides = array<i32>} : memref<16x128xf32, #tpu.memory_space<vmem>>, vector<16xf32>,
    %swap3A_199 = arith.constant 6 : i32
    %swap3A_200 = arith.index_cast %swap3A_199 : i32 to index
    %swap3A_201 = arith.constant 16 : index
    %swap3A_202 = tpu.vector_load %arg8[%swap3A_200, %swap3A_201] {strides = array<i32>} : memref<16x128xf32, #tpu.memory_space<vmem>>, vector<16xf32>,
    tpu.vector_store %arg8[%swap3A_200, %swap3A_201], %broadcast_in_dim3A_3 {strides = array<i32>} : memref<16x128xf32, #tpu.memory_space<vmem>>, vector<16xf32>,
    %swap3A_203 = arith.constant 6 : i32
    %swap3A_204 = arith.index_cast %swap3A_203 : i32 to index
    %swap3A_205 = arith.constant 32 : index
    %swap3A_206 = tpu.vector_load %arg8[%swap3A_204, %swap3A_205] {strides = array<i32>} : memref<16x128xf32, #tpu.memory_space<vmem>>, vector<16xf32>,
    tpu.vector_store %arg8[%swap3A_204, %swap3A_205], %broadcast_in_dim3A_3 {strides = array<i32>} : memref<16x128xf32, #tpu.memory_space<vmem>>, vector<16xf32>,
    %swap3A_207 = arith.constant 6 : i32
    %swap3A_208 = arith.index_cast %swap3A_207 : i32 to index
    %swap3A_209 = arith.constant 48 : index
    %swap3A_210 = tpu.vector_load %arg8[%swap3A_208, %swap3A_209] {strides = array<i32>} : memref<16x128xf32, #tpu.memory_space<vmem>>, vector<16xf32>,
    tpu.vector_store %arg8[%swap3A_208, %swap3A_209], %broadcast_in_dim3A_3 {strides = array<i32>} : memref<16x128xf32, #tpu.memory_space<vmem>>, vector<16xf32>,
    %swap3A_211 = arith.constant 6 : i32
    %swap3A_212 = arith.index_cast %swap3A_211 : i32 to index
    %swap3A_213 = arith.constant 64 : index
    %swap3A_214 = tpu.vector_load %arg8[%swap3A_212, %swap3A_213] {strides = array<i32>} : memref<16x128xf32, #tpu.memory_space<vmem>>, vector<16xf32>,
    tpu.vector_store %arg8[%swap3A_212, %swap3A_213], %broadcast_in_dim3A_3 {strides = array<i32>} : memref<16x128xf32, #tpu.memory_space<vmem>>, vector<16xf32>,
    %swap3A_215 = arith.constant 6 : i32
    %swap3A_216 = arith.index_cast %swap3A_215 : i32 to index
    %swap3A_217 = arith.constant 80 : index
    %swap3A_218 = tpu.vector_load %arg8[%swap3A_216, %swap3A_217] {strides = array<i32>} : memref<16x128xf32, #tpu.memory_space<vmem>>, vector<16xf32>,
    tpu.vector_store %arg8[%swap3A_216, %swap3A_217], %broadcast_in_dim3A_3 {strides = array<i32>} : memref<16x128xf32, #tpu.memory_space<vmem>>, vector<16xf32>,
    %swap3A_219 = arith.constant 6 : i32
    %swap3A_220 = arith.index_cast %swap3A_219 : i32 to index
    %swap3A_221 = arith.constant 96 : index
    %swap3A_222 = tpu.vector_load %arg8[%swap3A_220, %swap3A_221] {strides = array<i32>} : memref<16x128xf32, #tpu.memory_space<vmem>>, vector<16xf32>,
    tpu.vector_store %arg8[%swap3A_220, %swap3A_221], %broadcast_in_dim3A_3 {strides = array<i32>} : memref<16x128xf32, #tpu.memory_space<vmem>>, vector<16xf32>,
    %swap3A_223 = arith.constant 6 : i32
    %swap3A_224 = arith.index_cast %swap3A_223 : i32 to index
    %swap3A_225 = arith.constant 112 : index
    %swap3A_226 = tpu.vector_load %arg8[%swap3A_224, %swap3A_225] {strides = array<i32>} : memref<16x128xf32, #tpu.memory_space<vmem>>, vector<16xf32>,
    tpu.vector_store %arg8[%swap3A_224, %swap3A_225], %broadcast_in_dim3A_3 {strides = array<i32>} : memref<16x128xf32, #tpu.memory_space<vmem>>, vector<16xf32>,
    %swap3A_227 = arith.constant 7 : i32
    %swap3A_228 = arith.index_cast %swap3A_227 : i32 to index
    %swap3A_229 = arith.constant 0 : index
    %swap3A_230 = tpu.vector_load %arg8[%swap3A_228, %swap3A_229] {strides = array<i32>} : memref<16x128xf32, #tpu.memory_space<vmem>>, vector<16xf32>,
    tpu.vector_store %arg8[%swap3A_228, %swap3A_229], %broadcast_in_dim3A_3 {strides = array<i32>} : memref<16x128xf32, #tpu.memory_space<vmem>>, vector<16xf32>,
    %swap3A_231 = arith.constant 7 : i32
    %swap3A_232 = arith.index_cast %swap3A_231 : i32 to index
    %swap3A_233 = arith.constant 16 : index
    %swap3A_234 = tpu.vector_load %arg8[%swap3A_232, %swap3A_233] {strides = array<i32>} : memref<16x128xf32, #tpu.memory_space<vmem>>, vector<16xf32>,
    tpu.vector_store %arg8[%swap3A_232, %swap3A_233], %broadcast_in_dim3A_3 {strides = array<i32>} : memref<16x128xf32, #tpu.memory_space<vmem>>, vector<16xf32>,
    %swap3A_235 = arith.constant 7 : i32
    %swap3A_236 = arith.index_cast %swap3A_235 : i32 to index
    %swap3A_237 = arith.constant 32 : index
    %swap3A_238 = tpu.vector_load %arg8[%swap3A_236, %swap3A_237] {strides = array<i32>} : memref<16x128xf32, #tpu.memory_space<vmem>>, vector<16xf32>,
    tpu.vector_store %arg8[%swap3A_236, %swap3A_237], %broadcast_in_dim3A_3 {strides = array<i32>} : memref<16x128xf32, #tpu.memory_space<vmem>>, vector<16xf32>,
    %swap3A_239 = arith.constant 7 : i32
    %swap3A_240 = arith.index_cast %swap3A_239 : i32 to index
    %swap3A_241 = arith.constant 48 : index
    %swap3A_242 = tpu.vector_load %arg8[%swap3A_240, %swap3A_241] {strides = array<i32>} : memref<16x128xf32, #tpu.memory_space<vmem>>, vector<16xf32>,
    tpu.vector_store %arg8[%swap3A_240, %swap3A_241], %broadcast_in_dim3A_3 {strides = array<i32>} : memref<16x128xf32, #tpu.memory_space<vmem>>, vector<16xf32>,
    %swap3A_243 = arith.constant 7 : i32
    %swap3A_244 = arith.index_cast %swap3A_243 : i32 to index
    %swap3A_245 = arith.constant 64 : index
    %swap3A_246 = tpu.vector_load %arg8[%swap3A_244, %swap3A_245] {strides = array<i32>} : memref<16x128xf32, #tpu.memory_space<vmem>>, vector<16xf32>,
    tpu.vector_store %arg8[%swap3A_244, %swap3A_245], %broadcast_in_dim3A_3 {strides = array<i32>} : memref<16x128xf32, #tpu.memory_space<vmem>>, vector<16xf32>,
    %swap3A_247 = arith.constant 7 : i32
    %swap3A_248 = arith.index_cast %swap3A_247 : i32 to index
    %swap3A_249 = arith.constant 80 : index
    %swap3A_250 = tpu.vector_load %arg8[%swap3A_248, %swap3A_249] {strides = array<i32>} : memref<16x128xf32, #tpu.memory_space<vmem>>, vector<16xf32>,
    tpu.vector_store %arg8[%swap3A_248, %swap3A_249], %broadcast_in_dim3A_3 {strides = array<i32>} : memref<16x128xf32, #tpu.memory_space<vmem>>, vector<16xf32>,
    %swap3A_251 = arith.constant 7 : i32
    %swap3A_252 = arith.index_cast %swap3A_251 : i32 to index
    %swap3A_253 = arith.constant 96 : index
    %swap3A_254 = tpu.vector_load %arg8[%swap3A_252, %swap3A_253] {strides = array<i32>} : memref<16x128xf32, #tpu.memory_space<vmem>>, vector<16xf32>,
    tpu.vector_store %arg8[%swap3A_252, %swap3A_253], %broadcast_in_dim3A_3 {strides = array<i32>} : memref<16x128xf32, #tpu.memory_space<vmem>>, vector<16xf32>,
    %swap3A_255 = arith.constant 7 : i32
    %swap3A_256 = arith.index_cast %swap3A_255 : i32 to index
    %swap3A_257 = arith.constant 112 : index
    %swap3A_258 = tpu.vector_load %arg8[%swap3A_256, %swap3A_257] {strides = array<i32>} : memref<16x128xf32, #tpu.memory_space<vmem>>, vector<16xf32>,
    tpu.vector_store %arg8[%swap3A_256, %swap3A_257], %broadcast_in_dim3A_3 {strides = array<i32>} : memref<16x128xf32, #tpu.memory_space<vmem>>, vector<16xf32>,
    %swap3A_259 = arith.constant 8 : i32
    %swap3A_260 = arith.index_cast %swap3A_259 : i32 to index
    %swap3A_261 = arith.constant 0 : index
    %swap3A_262 = tpu.vector_load %arg8[%swap3A_260, %swap3A_261] {strides = array<i32>} : memref<16x128xf32, #tpu.memory_space<vmem>>, vector<16xf32>,
    tpu.vector_store %arg8[%swap3A_260, %swap3A_261], %broadcast_in_dim3A_3 {strides = array<i32>} : memref<16x128xf32, #tpu.memory_space<vmem>>, vector<16xf32>,
    %swap3A_263 = arith.constant 8 : i32
    %swap3A_264 = arith.index_cast %swap3A_263 : i32 to index
    %swap3A_265 = arith.constant 16 : index
    %swap3A_266 = tpu.vector_load %arg8[%swap3A_264, %swap3A_265] {strides = array<i32>} : memref<16x128xf32, #tpu.memory_space<vmem>>, vector<16xf32>,
    tpu.vector_store %arg8[%swap3A_264, %swap3A_265], %broadcast_in_dim3A_3 {strides = array<i32>} : memref<16x128xf32, #tpu.memory_space<vmem>>, vector<16xf32>,
    %swap3A_267 = arith.constant 8 : i32
    %swap3A_268 = arith.index_cast %swap3A_267 : i32 to index
    %swap3A_269 = arith.constant 32 : index
    %swap3A_270 = tpu.vector_load %arg8[%swap3A_268, %swap3A_269] {strides = array<i32>} : memref<16x128xf32, #tpu.memory_space<vmem>>, vector<16xf32>,
    tpu.vector_store %arg8[%swap3A_268, %swap3A_269], %broadcast_in_dim3A_3 {strides = array<i32>} : memref<16x128xf32, #tpu.memory_space<vmem>>, vector<16xf32>,
    %swap3A_271 = arith.constant 8 : i32
    %swap3A_272 = arith.index_cast %swap3A_271 : i32 to index
    %swap3A_273 = arith.constant 48 : index
    %swap3A_274 = tpu.vector_load %arg8[%swap3A_272, %swap3A_273] {strides = array<i32>} : memref<16x128xf32, #tpu.memory_space<vmem>>, vector<16xf32>,
    tpu.vector_store %arg8[%swap3A_272, %swap3A_273], %broadcast_in_dim3A_3 {strides = array<i32>} : memref<16x128xf32, #tpu.memory_space<vmem>>, vector<16xf32>,
    %swap3A_275 = arith.constant 8 : i32
    %swap3A_276 = arith.index_cast %swap3A_275 : i32 to index
    %swap3A_277 = arith.constant 64 : index
    %swap3A_278 = tpu.vector_load %arg8[%swap3A_276, %swap3A_277] {strides = array<i32>} : memref<16x128xf32, #tpu.memory_space<vmem>>, vector<16xf32>,
    tpu.vector_store %arg8[%swap3A_276, %swap3A_277], %broadcast_in_dim3A_3 {strides = array<i32>} : memref<16x128xf32, #tpu.memory_space<vmem>>, vector<16xf32>,
    %swap3A_279 = arith.constant 8 : i32
    %swap3A_280 = arith.index_cast %swap3A_279 : i32 to index
    %swap3A_281 = arith.constant 80 : index
    %swap3A_282 = tpu.vector_load %arg8[%swap3A_280, %swap3A_281] {strides = array<i32>} : memref<16x128xf32, #tpu.memory_space<vmem>>, vector<16xf32>,
    tpu.vector_store %arg8[%swap3A_280, %swap3A_281], %broadcast_in_dim3A_3 {strides = array<i32>} : memref<16x128xf32, #tpu.memory_space<vmem>>, vector<16xf32>,
    %swap3A_283 = arith.constant 8 : i32
    %swap3A_284 = arith.index_cast %swap3A_283 : i32 to index
    %swap3A_285 = arith.constant 96 : index
    %swap3A_286 = tpu.vector_load %arg8[%swap3A_284, %swap3A_285] {strides = array<i32>} : memref<16x128xf32, #tpu.memory_space<vmem>>, vector<16xf32>,
    tpu.vector_store %arg8[%swap3A_284, %swap3A_285], %broadcast_in_dim3A_3 {strides = array<i32>} : memref<16x128xf32, #tpu.memory_space<vmem>>, vector<16xf32>,
    %swap3A_287 = arith.constant 8 : i32
    %swap3A_288 = arith.index_cast %swap3A_287 : i32 to index
    %swap3A_289 = arith.constant 112 : index
    %swap3A_290 = tpu.vector_load %arg8[%swap3A_288, %swap3A_289] {strides = array<i32>} : memref<16x128xf32, #tpu.memory_space<vmem>>, vector<16xf32>,
    tpu.vector_store %arg8[%swap3A_288, %swap3A_289], %broadcast_in_dim3A_3 {strides = array<i32>} : memref<16x128xf32, #tpu.memory_space<vmem>>, vector<16xf32>,
    %swap3A_291 = arith.constant 9 : i32
    %swap3A_292 = arith.index_cast %swap3A_291 : i32 to index
    %swap3A_293 = arith.constant 0 : index
    %swap3A_294 = tpu.vector_load %arg8[%swap3A_292, %swap3A_293] {strides = array<i32>} : memref<16x128xf32, #tpu.memory_space<vmem>>, vector<16xf32>,
    tpu.vector_store %arg8[%swap3A_292, %swap3A_293], %broadcast_in_dim3A_3 {strides = array<i32>} : memref<16x128xf32, #tpu.memory_space<vmem>>, vector<16xf32>,
    %swap3A_295 = arith.constant 9 : i32
    %swap3A_296 = arith.index_cast %swap3A_295 : i32 to index
    %swap3A_297 = arith.constant 16 : index
    %swap3A_298 = tpu.vector_load %arg8[%swap3A_296, %swap3A_297] {strides = array<i32>} : memref<16x128xf32, #tpu.memory_space<vmem>>, vector<16xf32>,
    tpu.vector_store %arg8[%swap3A_296, %swap3A_297], %broadcast_in_dim3A_3 {strides = array<i32>} : memref<16x128xf32, #tpu.memory_space<vmem>>, vector<16xf32>,
    %swap3A_299 = arith.constant 9 : i32
    %swap3A_300 = arith.index_cast %swap3A_299 : i32 to index
    %swap3A_301 = arith.constant 32 : index
    %swap3A_302 = tpu.vector_load %arg8[%swap3A_300, %swap3A_301] {strides = array<i32>} : memref<16x128xf32, #tpu.memory_space<vmem>>, vector<16xf32>,
    tpu.vector_store %arg8[%swap3A_300, %swap3A_301], %broadcast_in_dim3A_3 {strides = array<i32>} : memref<16x128xf32, #tpu.memory_space<vmem>>, vector<16xf32>,
    %swap3A_303 = arith.constant 9 : i32
    %swap3A_304 = arith.index_cast %swap3A_303 : i32 to index
    %swap3A_305 = arith.constant 48 : index
    %swap3A_306 = tpu.vector_load %arg8[%swap3A_304, %swap3A_305] {strides = array<i32>} : memref<16x128xf32, #tpu.memory_space<vmem>>, vector<16xf32>,
    tpu.vector_store %arg8[%swap3A_304, %swap3A_305], %broadcast_in_dim3A_3 {strides = array<i32>} : memref<16x128xf32, #tpu.memory_space<vmem>>, vector<16xf32>,
    %swap3A_307 = arith.constant 9 : i32
    %swap3A_308 = arith.index_cast %swap3A_307 : i32 to index
    %swap3A_309 = arith.constant 64 : index
    %swap3A_310 = tpu.vector_load %arg8[%swap3A_308, %swap3A_309] {strides = array<i32>} : memref<16x128xf32, #tpu.memory_space<vmem>>, vector<16xf32>,
    tpu.vector_store %arg8[%swap3A_308, %swap3A_309], %broadcast_in_dim3A_3 {strides = array<i32>} : memref<16x128xf32, #tpu.memory_space<vmem>>, vector<16xf32>,
    %swap3A_311 = arith.constant 9 : i32
    %swap3A_312 = arith.index_cast %swap3A_311 : i32 to index
    %swap3A_313 = arith.constant 80 : index
    %swap3A_314 = tpu.vector_load %arg8[%swap3A_312, %swap3A_313] {strides = array<i32>} : memref<16x128xf32, #tpu.memory_space<vmem>>, vector<16xf32>,
    tpu.vector_store %arg8[%swap3A_312, %swap3A_313], %broadcast_in_dim3A_3 {strides = array<i32>} : memref<16x128xf32, #tpu.memory_space<vmem>>, vector<16xf32>,
    %swap3A_315 = arith.constant 9 : i32
    %swap3A_316 = arith.index_cast %swap3A_315 : i32 to index
    %swap3A_317 = arith.constant 96 : index
    %swap3A_318 = tpu.vector_load %arg8[%swap3A_316, %swap3A_317] {strides = array<i32>} : memref<16x128xf32, #tpu.memory_space<vmem>>, vector<16xf32>,
    tpu.vector_store %arg8[%swap3A_316, %swap3A_317], %broadcast_in_dim3A_3 {strides = array<i32>} : memref<16x128xf32, #tpu.memory_space<vmem>>, vector<16xf32>,
    %swap3A_319 = arith.constant 9 : i32
    %swap3A_320 = arith.index_cast %swap3A_319 : i32 to index
    %swap3A_321 = arith.constant 112 : index
    %swap3A_322 = tpu.vector_load %arg8[%swap3A_320, %swap3A_321] {strides = array<i32>} : memref<16x128xf32, #tpu.memory_space<vmem>>, vector<16xf32>,
    tpu.vector_store %arg8[%swap3A_320, %swap3A_321], %broadcast_in_dim3A_3 {strides = array<i32>} : memref<16x128xf32, #tpu.memory_space<vmem>>, vector<16xf32>,
    %swap3A_323 = arith.constant 10 : i32
    %swap3A_324 = arith.index_cast %swap3A_323 : i32 to index
    %swap3A_325 = arith.constant 0 : index
    %swap3A_326 = tpu.vector_load %arg8[%swap3A_324, %swap3A_325] {strides = array<i32>} : memref<16x128xf32, #tpu.memory_space<vmem>>, vector<16xf32>,
    tpu.vector_store %arg8[%swap3A_324, %swap3A_325], %broadcast_in_dim3A_3 {strides = array<i32>} : memref<16x128xf32, #tpu.memory_space<vmem>>, vector<16xf32>,
    %swap3A_327 = arith.constant 10 : i32
    %swap3A_328 = arith.index_cast %swap3A_327 : i32 to index
    %swap3A_329 = arith.constant 16 : index
    %swap3A_330 = tpu.vector_load %arg8[%swap3A_328, %swap3A_329] {strides = array<i32>} : memref<16x128xf32, #tpu.memory_space<vmem>>, vector<16xf32>,
    tpu.vector_store %arg8[%swap3A_328, %swap3A_329], %broadcast_in_dim3A_3 {strides = array<i32>} : memref<16x128xf32, #tpu.memory_space<vmem>>, vector<16xf32>,
    %swap3A_331 = arith.constant 10 : i32
    %swap3A_332 = arith.index_cast %swap3A_331 : i32 to index
    %swap3A_333 = arith.constant 32 : index
    %swap3A_334 = tpu.vector_load %arg8[%swap3A_332, %swap3A_333] {strides = array<i32>} : memref<16x128xf32, #tpu.memory_space<vmem>>, vector<16xf32>,
    tpu.vector_store %arg8[%swap3A_332, %swap3A_333], %broadcast_in_dim3A_3 {strides = array<i32>} : memref<16x128xf32, #tpu.memory_space<vmem>>, vector<16xf32>,
    %swap3A_335 = arith.constant 10 : i32
    %swap3A_336 = arith.index_cast %swap3A_335 : i32 to index
    %swap3A_337 = arith.constant 48 : index
    %swap3A_338 = tpu.vector_load %arg8[%swap3A_336, %swap3A_337] {strides = array<i32>} : memref<16x128xf32, #tpu.memory_space<vmem>>, vector<16xf32>,
    tpu.vector_store %arg8[%swap3A_336, %swap3A_337], %broadcast_in_dim3A_3 {strides = array<i32>} : memref<16x128xf32, #tpu.memory_space<vmem>>, vector<16xf32>,
    %swap3A_339 = arith.constant 10 : i32
    %swap3A_340 = arith.index_cast %swap3A_339 : i32 to index
    %swap3A_341 = arith.constant 64 : index
    %swap3A_342 = tpu.vector_load %arg8[%swap3A_340, %swap3A_341] {strides = array<i32>} : memref<16x128xf32, #tpu.memory_space<vmem>>, vector<16xf32>,
    tpu.vector_store %arg8[%swap3A_340, %swap3A_341], %broadcast_in_dim3A_3 {strides = array<i32>} : memref<16x128xf32, #tpu.memory_space<vmem>>, vector<16xf32>,
    %swap3A_343 = arith.constant 10 : i32
    %swap3A_344 = arith.index_cast %swap3A_343 : i32 to index
    %swap3A_345 = arith.constant 80 : index
    %swap3A_346 = tpu.vector_load %arg8[%swap3A_344, %swap3A_345] {strides = array<i32>} : memref<16x128xf32, #tpu.memory_space<vmem>>, vector<16xf32>,
    tpu.vector_store %arg8[%swap3A_344, %swap3A_345], %broadcast_in_dim3A_3 {strides = array<i32>} : memref<16x128xf32, #tpu.memory_space<vmem>>, vector<16xf32>,
    %swap3A_347 = arith.constant 10 : i32
    %swap3A_348 = arith.index_cast %swap3A_347 : i32 to index
    %swap3A_349 = arith.constant 96 : index
    %swap3A_350 = tpu.vector_load %arg8[%swap3A_348, %swap3A_349] {strides = array<i32>} : memref<16x128xf32, #tpu.memory_space<vmem>>, vector<16xf32>,
    tpu.vector_store %arg8[%swap3A_348, %swap3A_349], %broadcast_in_dim3A_3 {strides = array<i32>} : memref<16x128xf32, #tpu.memory_space<vmem>>, vector<16xf32>,
    %swap3A_351 = arith.constant 10 : i32
    %swap3A_352 = arith.index_cast %swap3A_351 : i32 to index
    %swap3A_353 = arith.constant 112 : index
    %swap3A_354 = tpu.vector_load %arg8[%swap3A_352, %swap3A_353] {strides = array<i32>} : memref<16x128xf32, #tpu.memory_space<vmem>>, vector<16xf32>,
    tpu.vector_store %arg8[%swap3A_352, %swap3A_353], %broadcast_in_dim3A_3 {strides = array<i32>} : memref<16x128xf32, #tpu.memory_space<vmem>>, vector<16xf32>,
    %swap3A_355 = arith.constant 11 : i32
    %swap3A_356 = arith.index_cast %swap3A_355 : i32 to index
    %swap3A_357 = arith.constant 0 : index
    %swap3A_358 = tpu.vector_load %arg8[%swap3A_356, %swap3A_357] {strides = array<i32>} : memref<16x128xf32, #tpu.memory_space<vmem>>, vector<16xf32>,
    tpu.vector_store %arg8[%swap3A_356, %swap3A_357], %broadcast_in_dim3A_3 {strides = array<i32>} : memref<16x128xf32, #tpu.memory_space<vmem>>, vector<16xf32>,
    %swap3A_359 = arith.constant 11 : i32
    %swap3A_360 = arith.index_cast %swap3A_359 : i32 to index
    %swap3A_361 = arith.constant 16 : index
    %swap3A_362 = tpu.vector_load %arg8[%swap3A_360, %swap3A_361] {strides = array<i32>} : memref<16x128xf32, #tpu.memory_space<vmem>>, vector<16xf32>,
    tpu.vector_store %arg8[%swap3A_360, %swap3A_361], %broadcast_in_dim3A_3 {strides = array<i32>} : memref<16x128xf32, #tpu.memory_space<vmem>>, vector<16xf32>,
    %swap3A_363 = arith.constant 11 : i32
    %swap3A_364 = arith.index_cast %swap3A_363 : i32 to index
    %swap3A_365 = arith.constant 32 : index
    %swap3A_366 = tpu.vector_load %arg8[%swap3A_364, %swap3A_365] {strides = array<i32>} : memref<16x128xf32, #tpu.memory_space<vmem>>, vector<16xf32>,
    tpu.vector_store %arg8[%swap3A_364, %swap3A_365], %broadcast_in_dim3A_3 {strides = array<i32>} : memref<16x128xf32, #tpu.memory_space<vmem>>, vector<16xf32>,
    %swap3A_367 = arith.constant 11 : i32
    %swap3A_368 = arith.index_cast %swap3A_367 : i32 to index
    %swap3A_369 = arith.constant 48 : index
    %swap3A_370 = tpu.vector_load %arg8[%swap3A_368, %swap3A_369] {strides = array<i32>} : memref<16x128xf32, #tpu.memory_space<vmem>>, vector<16xf32>,
    tpu.vector_store %arg8[%swap3A_368, %swap3A_369], %broadcast_in_dim3A_3 {strides = array<i32>} : memref<16x128xf32, #tpu.memory_space<vmem>>, vector<16xf32>,
    %swap3A_371 = arith.constant 11 : i32
    %swap3A_372 = arith.index_cast %swap3A_371 : i32 to index
    %swap3A_373 = arith.constant 64 : index
    %swap3A_374 = tpu.vector_load %arg8[%swap3A_372, %swap3A_373] {strides = array<i32>} : memref<16x128xf32, #tpu.memory_space<vmem>>, vector<16xf32>,
    tpu.vector_store %arg8[%swap3A_372, %swap3A_373], %broadcast_in_dim3A_3 {strides = array<i32>} : memref<16x128xf32, #tpu.memory_space<vmem>>, vector<16xf32>,
    %swap3A_375 = arith.constant 11 : i32
    %swap3A_376 = arith.index_cast %swap3A_375 : i32 to index
    %swap3A_377 = arith.constant 80 : index
    %swap3A_378 = tpu.vector_load %arg8[%swap3A_376, %swap3A_377] {strides = array<i32>} : memref<16x128xf32, #tpu.memory_space<vmem>>, vector<16xf32>,
    tpu.vector_store %arg8[%swap3A_376, %swap3A_377], %broadcast_in_dim3A_3 {strides = array<i32>} : memref<16x128xf32, #tpu.memory_space<vmem>>, vector<16xf32>,
    %swap3A_379 = arith.constant 11 : i32
    %swap3A_380 = arith.index_cast %swap3A_379 : i32 to index
    %swap3A_381 = arith.constant 96 : index
    %swap3A_382 = tpu.vector_load %arg8[%swap3A_380, %swap3A_381] {strides = array<i32>} : memref<16x128xf32, #tpu.memory_space<vmem>>, vector<16xf32>,
    tpu.vector_store %arg8[%swap3A_380, %swap3A_381], %broadcast_in_dim3A_3 {strides = array<i32>} : memref<16x128xf32, #tpu.memory_space<vmem>>, vector<16xf32>,
    %swap3A_383 = arith.constant 11 : i32
    %swap3A_384 = arith.index_cast %swap3A_383 : i32 to index
    %swap3A_385 = arith.constant 112 : index
    %swap3A_386 = tpu.vector_load %arg8[%swap3A_384, %swap3A_385] {strides = array<i32>} : memref<16x128xf32, #tpu.memory_space<vmem>>, vector<16xf32>,
    tpu.vector_store %arg8[%swap3A_384, %swap3A_385], %broadcast_in_dim3A_3 {strides = array<i32>} : memref<16x128xf32, #tpu.memory_space<vmem>>, vector<16xf32>,
    %swap3A_387 = arith.constant 12 : i32
    %swap3A_388 = arith.index_cast %swap3A_387 : i32 to index
    %swap3A_389 = arith.constant 0 : index
    %swap3A_390 = tpu.vector_load %arg8[%swap3A_388, %swap3A_389] {strides = array<i32>} : memref<16x128xf32, #tpu.memory_space<vmem>>, vector<16xf32>,
    tpu.vector_store %arg8[%swap3A_388, %swap3A_389], %broadcast_in_dim3A_3 {strides = array<i32>} : memref<16x128xf32, #tpu.memory_space<vmem>>, vector<16xf32>,
    %swap3A_391 = arith.constant 12 : i32
    %swap3A_392 = arith.index_cast %swap3A_391 : i32 to index
    %swap3A_393 = arith.constant 16 : index
    %swap3A_394 = tpu.vector_load %arg8[%swap3A_392, %swap3A_393] {strides = array<i32>} : memref<16x128xf32, #tpu.memory_space<vmem>>, vector<16xf32>,
    tpu.vector_store %arg8[%swap3A_392, %swap3A_393], %broadcast_in_dim3A_3 {strides = array<i32>} : memref<16x128xf32, #tpu.memory_space<vmem>>, vector<16xf32>,
    %swap3A_395 = arith.constant 12 : i32
    %swap3A_396 = arith.index_cast %swap3A_395 : i32 to index
    %swap3A_397 = arith.constant 32 : index
    %swap3A_398 = tpu.vector_load %arg8[%swap3A_396, %swap3A_397] {strides = array<i32>} : memref<16x128xf32, #tpu.memory_space<vmem>>, vector<16xf32>,
    tpu.vector_store %arg8[%swap3A_396, %swap3A_397], %broadcast_in_dim3A_3 {strides = array<i32>} : memref<16x128xf32, #tpu.memory_space<vmem>>, vector<16xf32>,
    %swap3A_399 = arith.constant 12 : i32
    %swap3A_400 = arith.index_cast %swap3A_399 : i32 to index
    %swap3A_401 = arith.constant 48 : index
    %swap3A_402 = tpu.vector_load %arg8[%swap3A_400, %swap3A_401] {strides = array<i32>} : memref<16x128xf32, #tpu.memory_space<vmem>>, vector<16xf32>,
    tpu.vector_store %arg8[%swap3A_400, %swap3A_401], %broadcast_in_dim3A_3 {strides = array<i32>} : memref<16x128xf32, #tpu.memory_space<vmem>>, vector<16xf32>,
    %swap3A_403 = arith.constant 12 : i32
    %swap3A_404 = arith.index_cast %swap3A_403 : i32 to index
    %swap3A_405 = arith.constant 64 : index
    %swap3A_406 = tpu.vector_load %arg8[%swap3A_404, %swap3A_405] {strides = array<i32>} : memref<16x128xf32, #tpu.memory_space<vmem>>, vector<16xf32>,
    tpu.vector_store %arg8[%swap3A_404, %swap3A_405], %broadcast_in_dim3A_3 {strides = array<i32>} : memref<16x128xf32, #tpu.memory_space<vmem>>, vector<16xf32>,
    %swap3A_407 = arith.constant 12 : i32
    %swap3A_408 = arith.index_cast %swap3A_407 : i32 to index
    %swap3A_409 = arith.constant 80 : index
    %swap3A_410 = tpu.vector_load %arg8[%swap3A_408, %swap3A_409] {strides = array<i32>} : memref<16x128xf32, #tpu.memory_space<vmem>>, vector<16xf32>,
    tpu.vector_store %arg8[%swap3A_408, %swap3A_409], %broadcast_in_dim3A_3 {strides = array<i32>} : memref<16x128xf32, #tpu.memory_space<vmem>>, vector<16xf32>,
    %swap3A_411 = arith.constant 12 : i32
    %swap3A_412 = arith.index_cast %swap3A_411 : i32 to index
    %swap3A_413 = arith.constant 96 : index
    %swap3A_414 = tpu.vector_load %arg8[%swap3A_412, %swap3A_413] {strides = array<i32>} : memref<16x128xf32, #tpu.memory_space<vmem>>, vector<16xf32>,
    tpu.vector_store %arg8[%swap3A_412, %swap3A_413], %broadcast_in_dim3A_3 {strides = array<i32>} : memref<16x128xf32, #tpu.memory_space<vmem>>, vector<16xf32>,
    %swap3A_415 = arith.constant 12 : i32
    %swap3A_416 = arith.index_cast %swap3A_415 : i32 to index
    %swap3A_417 = arith.constant 112 : index
    %swap3A_418 = tpu.vector_load %arg8[%swap3A_416, %swap3A_417] {strides = array<i32>} : memref<16x128xf32, #tpu.memory_space<vmem>>, vector<16xf32>,
    tpu.vector_store %arg8[%swap3A_416, %swap3A_417], %broadcast_in_dim3A_3 {strides = array<i32>} : memref<16x128xf32, #tpu.memory_space<vmem>>, vector<16xf32>,
    %swap3A_419 = arith.constant 13 : i32
    %swap3A_420 = arith.index_cast %swap3A_419 : i32 to index
    %swap3A_421 = arith.constant 0 : index
    %swap3A_422 = tpu.vector_load %arg8[%swap3A_420, %swap3A_421] {strides = array<i32>} : memref<16x128xf32, #tpu.memory_space<vmem>>, vector<16xf32>,
    tpu.vector_store %arg8[%swap3A_420, %swap3A_421], %broadcast_in_dim3A_3 {strides = array<i32>} : memref<16x128xf32, #tpu.memory_space<vmem>>, vector<16xf32>,
    %swap3A_423 = arith.constant 13 : i32
    %swap3A_424 = arith.index_cast %swap3A_423 : i32 to index
    %swap3A_425 = arith.constant 16 : index
    %swap3A_426 = tpu.vector_load %arg8[%swap3A_424, %swap3A_425] {strides = array<i32>} : memref<16x128xf32, #tpu.memory_space<vmem>>, vector<16xf32>,
    tpu.vector_store %arg8[%swap3A_424, %swap3A_425], %broadcast_in_dim3A_3 {strides = array<i32>} : memref<16x128xf32, #tpu.memory_space<vmem>>, vector<16xf32>,
    %swap3A_427 = arith.constant 13 : i32
    %swap3A_428 = arith.index_cast %swap3A_427 : i32 to index
    %swap3A_429 = arith.constant 32 : index
    %swap3A_430 = tpu.vector_load %arg8[%swap3A_428, %swap3A_429] {strides = array<i32>} : memref<16x128xf32, #tpu.memory_space<vmem>>, vector<16xf32>,
    tpu.vector_store %arg8[%swap3A_428, %swap3A_429], %broadcast_in_dim3A_3 {strides = array<i32>} : memref<16x128xf32, #tpu.memory_space<vmem>>, vector<16xf32>,
    %swap3A_431 = arith.constant 13 : i32
    %swap3A_432 = arith.index_cast %swap3A_431 : i32 to index
    %swap3A_433 = arith.constant 48 : index
    %swap3A_434 = tpu.vector_load %arg8[%swap3A_432, %swap3A_433] {strides = array<i32>} : memref<16x128xf32, #tpu.memory_space<vmem>>, vector<16xf32>,
    tpu.vector_store %arg8[%swap3A_432, %swap3A_433], %broadcast_in_dim3A_3 {strides = array<i32>} : memref<16x128xf32, #tpu.memory_space<vmem>>, vector<16xf32>,
    %swap3A_435 = arith.constant 13 : i32
    %swap3A_436 = arith.index_cast %swap3A_435 : i32 to index
    %swap3A_437 = arith.constant 64 : index
    %swap3A_438 = tpu.vector_load %arg8[%swap3A_436, %swap3A_437] {strides = array<i32>} : memref<16x128xf32, #tpu.memory_space<vmem>>, vector<16xf32>,
    tpu.vector_store %arg8[%swap3A_436, %swap3A_437], %broadcast_in_dim3A_3 {strides = array<i32>} : memref<16x128xf32, #tpu.memory_space<vmem>>, vector<16xf32>,
    %swap3A_439 = arith.constant 13 : i32
    %swap3A_440 = arith.index_cast %swap3A_439 : i32 to index
    %swap3A_441 = arith.constant 80 : index
    %swap3A_442 = tpu.vector_load %arg8[%swap3A_440, %swap3A_441] {strides = array<i32>} : memref<16x128xf32, #tpu.memory_space<vmem>>, vector<16xf32>,
    tpu.vector_store %arg8[%swap3A_440, %swap3A_441], %broadcast_in_dim3A_3 {strides = array<i32>} : memref<16x128xf32, #tpu.memory_space<vmem>>, vector<16xf32>,
    %swap3A_443 = arith.constant 13 : i32
    %swap3A_444 = arith.index_cast %swap3A_443 : i32 to index
    %swap3A_445 = arith.constant 96 : index
    %swap3A_446 = tpu.vector_load %arg8[%swap3A_444, %swap3A_445] {strides = array<i32>} : memref<16x128xf32, #tpu.memory_space<vmem>>, vector<16xf32>,
    tpu.vector_store %arg8[%swap3A_444, %swap3A_445], %broadcast_in_dim3A_3 {strides = array<i32>} : memref<16x128xf32, #tpu.memory_space<vmem>>, vector<16xf32>,
    %swap3A_447 = arith.constant 13 : i32
    %swap3A_448 = arith.index_cast %swap3A_447 : i32 to index
    %swap3A_449 = arith.constant 112 : index
    %swap3A_450 = tpu.vector_load %arg8[%swap3A_448, %swap3A_449] {strides = array<i32>} : memref<16x128xf32, #tpu.memory_space<vmem>>, vector<16xf32>,
    tpu.vector_store %arg8[%swap3A_448, %swap3A_449], %broadcast_in_dim3A_3 {strides = array<i32>} : memref<16x128xf32, #tpu.memory_space<vmem>>, vector<16xf32>,
    %swap3A_451 = arith.constant 14 : i32
    %swap3A_452 = arith.index_cast %swap3A_451 : i32 to index
    %swap3A_453 = arith.constant 0 : index
    %swap3A_454 = tpu.vector_load %arg8[%swap3A_452, %swap3A_453] {strides = array<i32>} : memref<16x128xf32, #tpu.memory_space<vmem>>, vector<16xf32>,
    tpu.vector_store %arg8[%swap3A_452, %swap3A_453], %broadcast_in_dim3A_3 {strides = array<i32>} : memref<16x128xf32, #tpu.memory_space<vmem>>, vector<16xf32>,
    %swap3A_455 = arith.constant 14 : i32
    %swap3A_456 = arith.index_cast %swap3A_455 : i32 to index
    %swap3A_457 = arith.constant 16 : index
    %swap3A_458 = tpu.vector_load %arg8[%swap3A_456, %swap3A_457] {strides = array<i32>} : memref<16x128xf32, #tpu.memory_space<vmem>>, vector<16xf32>,
    tpu.vector_store %arg8[%swap3A_456, %swap3A_457], %broadcast_in_dim3A_3 {strides = array<i32>} : memref<16x128xf32, #tpu.memory_space<vmem>>, vector<16xf32>,
    %swap3A_459 = arith.constant 14 : i32
    %swap3A_460 = arith.index_cast %swap3A_459 : i32 to index
    %swap3A_461 = arith.constant 32 : index
    %swap3A_462 = tpu.vector_load %arg8[%swap3A_460, %swap3A_461] {strides = array<i32>} : memref<16x128xf32, #tpu.memory_space<vmem>>, vector<16xf32>,
    tpu.vector_store %arg8[%swap3A_460, %swap3A_461], %broadcast_in_dim3A_3 {strides = array<i32>} : memref<16x128xf32, #tpu.memory_space<vmem>>, vector<16xf32>,
    %swap3A_463 = arith.constant 14 : i32
    %swap3A_464 = arith.index_cast %swap3A_463 : i32 to index
    %swap3A_465 = arith.constant 48 : index
    %swap3A_466 = tpu.vector_load %arg8[%swap3A_464, %swap3A_465] {strides = array<i32>} : memref<16x128xf32, #tpu.memory_space<vmem>>, vector<16xf32>,
    tpu.vector_store %arg8[%swap3A_464, %swap3A_465], %broadcast_in_dim3A_3 {strides = array<i32>} : memref<16x128xf32, #tpu.memory_space<vmem>>, vector<16xf32>,
    %swap3A_467 = arith.constant 14 : i32
    %swap3A_468 = arith.index_cast %swap3A_467 : i32 to index
    %swap3A_469 = arith.constant 64 : index
    %swap3A_470 = tpu.vector_load %arg8[%swap3A_468, %swap3A_469] {strides = array<i32>} : memref<16x128xf32, #tpu.memory_space<vmem>>, vector<16xf32>,
    tpu.vector_store %arg8[%swap3A_468, %swap3A_469], %broadcast_in_dim3A_3 {strides = array<i32>} : memref<16x128xf32, #tpu.memory_space<vmem>>, vector<16xf32>,
    %swap3A_471 = arith.constant 14 : i32
    %swap3A_472 = arith.index_cast %swap3A_471 : i32 to index
    %swap3A_473 = arith.constant 80 : index
    %swap3A_474 = tpu.vector_load %arg8[%swap3A_472, %swap3A_473] {strides = array<i32>} : memref<16x128xf32, #tpu.memory_space<vmem>>, vector<16xf32>,
    tpu.vector_store %arg8[%swap3A_472, %swap3A_473], %broadcast_in_dim3A_3 {strides = array<i32>} : memref<16x128xf32, #tpu.memory_space<vmem>>, vector<16xf32>,
    %swap3A_475 = arith.constant 14 : i32
    %swap3A_476 = arith.index_cast %swap3A_475 : i32 to index
    %swap3A_477 = arith.constant 96 : index
    %swap3A_478 = tpu.vector_load %arg8[%swap3A_476, %swap3A_477] {strides = array<i32>} : memref<16x128xf32, #tpu.memory_space<vmem>>, vector<16xf32>,
    tpu.vector_store %arg8[%swap3A_476, %swap3A_477], %broadcast_in_dim3A_3 {strides = array<i32>} : memref<16x128xf32, #tpu.memory_space<vmem>>, vector<16xf32>,
    %swap3A_479 = arith.constant 14 : i32
    %swap3A_480 = arith.index_cast %swap3A_479 : i32 to index
    %swap3A_481 = arith.constant 112 : index
    %swap3A_482 = tpu.vector_load %arg8[%swap3A_480, %swap3A_481] {strides = array<i32>} : memref<16x128xf32, #tpu.memory_space<vmem>>, vector<16xf32>,
    tpu.vector_store %arg8[%swap3A_480, %swap3A_481], %broadcast_in_dim3A_3 {strides = array<i32>} : memref<16x128xf32, #tpu.memory_space<vmem>>, vector<16xf32>,
    %swap3A_483 = arith.constant 15 : i32
    %swap3A_484 = arith.index_cast %swap3A_483 : i32 to index
    %swap3A_485 = arith.constant 0 : index
    %swap3A_486 = tpu.vector_load %arg8[%swap3A_484, %swap3A_485] {strides = array<i32>} : memref<16x128xf32, #tpu.memory_space<vmem>>, vector<16xf32>,
    tpu.vector_store %arg8[%swap3A_484, %swap3A_485], %broadcast_in_dim3A_3 {strides = array<i32>} : memref<16x128xf32, #tpu.memory_space<vmem>>, vector<16xf32>,
    %swap3A_487 = arith.constant 15 : i32
    %swap3A_488 = arith.index_cast %swap3A_487 : i32 to index
    %swap3A_489 = arith.constant 16 : index
    %swap3A_490 = tpu.vector_load %arg8[%swap3A_488, %swap3A_489] {strides = array<i32>} : memref<16x128xf32, #tpu.memory_space<vmem>>, vector<16xf32>,
    tpu.vector_store %arg8[%swap3A_488, %swap3A_489], %broadcast_in_dim3A_3 {strides = array<i32>} : memref<16x128xf32, #tpu.memory_space<vmem>>, vector<16xf32>,
    %swap3A_491 = arith.constant 15 : i32
    %swap3A_492 = arith.index_cast %swap3A_491 : i32 to index
    %swap3A_493 = arith.constant 32 : index
    %swap3A_494 = tpu.vector_load %arg8[%swap3A_492, %swap3A_493] {strides = array<i32>} : memref<16x128xf32, #tpu.memory_space<vmem>>, vector<16xf32>,
    tpu.vector_store %arg8[%swap3A_492, %swap3A_493], %broadcast_in_dim3A_3 {strides = array<i32>} : memref<16x128xf32, #tpu.memory_space<vmem>>, vector<16xf32>,
    %swap3A_495 = arith.constant 15 : i32
    %swap3A_496 = arith.index_cast %swap3A_495 : i32 to index
    %swap3A_497 = arith.constant 48 : index
    %swap3A_498 = tpu.vector_load %arg8[%swap3A_496, %swap3A_497] {strides = array<i32>} : memref<16x128xf32, #tpu.memory_space<vmem>>, vector<16xf32>,
    tpu.vector_store %arg8[%swap3A_496, %swap3A_497], %broadcast_in_dim3A_3 {strides = array<i32>} : memref<16x128xf32, #tpu.memory_space<vmem>>, vector<16xf32>,
    %swap3A_499 = arith.constant 15 : i32
    %swap3A_500 = arith.index_cast %swap3A_499 : i32 to index
    %swap3A_501 = arith.constant 64 : index
    %swap3A_502 = tpu.vector_load %arg8[%swap3A_500, %swap3A_501] {strides = array<i32>} : memref<16x128xf32, #tpu.memory_space<vmem>>, vector<16xf32>,
    tpu.vector_store %arg8[%swap3A_500, %swap3A_501], %broadcast_in_dim3A_3 {strides = array<i32>} : memref<16x128xf32, #tpu.memory_space<vmem>>, vector<16xf32>,
    %swap3A_503 = arith.constant 15 : i32
    %swap3A_504 = arith.index_cast %swap3A_503 : i32 to index
    %swap3A_505 = arith.constant 80 : index
    %swap3A_506 = tpu.vector_load %arg8[%swap3A_504, %swap3A_505] {strides = array<i32>} : memref<16x128xf32, #tpu.memory_space<vmem>>, vector<16xf32>,
    tpu.vector_store %arg8[%swap3A_504, %swap3A_505], %broadcast_in_dim3A_3 {strides = array<i32>} : memref<16x128xf32, #tpu.memory_space<vmem>>, vector<16xf32>,
    %swap3A_507 = arith.constant 15 : i32
    %swap3A_508 = arith.index_cast %swap3A_507 : i32 to index
    %swap3A_509 = arith.constant 96 : index
    %swap3A_510 = tpu.vector_load %arg8[%swap3A_508, %swap3A_509] {strides = array<i32>} : memref<16x128xf32, #tpu.memory_space<vmem>>, vector<16xf32>,
    tpu.vector_store %arg8[%swap3A_508, %swap3A_509], %broadcast_in_dim3A_3 {strides = array<i32>} : memref<16x128xf32, #tpu.memory_space<vmem>>, vector<16xf32>,
    %swap3A_511 = arith.constant 15 : i32
    %swap3A_512 = arith.index_cast %swap3A_511 : i32 to index
    %swap3A_513 = arith.constant 112 : index
    %swap3A_514 = tpu.vector_load %arg8[%swap3A_512, %swap3A_513] {strides = array<i32>} : memref<16x128xf32, #tpu.memory_space<vmem>>, vector<16xf32>,
    tpu.vector_store %arg8[%swap3A_512, %swap3A_513], %broadcast_in_dim3A_3 {strides = array<i32>} : memref<16x128xf32, #tpu.memory_space<vmem>>, vector<16xf32>,
    %scan3A = arith.constant 0 : i32
    %scan3A_515 = arith.constant 0 : i32
    %scan3A_516 = arith.constant 40 : i32
    %scan3A_517 = arith.addi %scan3A_515, %scan3A_516 : i32
    %scan3A_518 = arith.constant 1 : i32
    scf.for %scan3A_568 = %scan3A_515 to %scan3A_517 step %scan3A_518  : i32 {
      %mul3A_569 = arith.constant 640 : i32
      %mul3A_570 = arith.muli %arg1, %mul3A_569 : i32
      %mul3A_571 = arith.constant 16 : i32
      %mul3A_572 = arith.muli %scan3A_568, %mul3A_571 : i32
      %add3A_573 = arith.addi %mul3A_570, %mul3A_572 : i32
      "tpu.region"() ({
        %run_scoped3A = tpu.sem_alloc : memref<!tpu.dma_semaphore, #tpu.memory_space<semaphore_mem>>
        %dma_start3A_574 = arith.constant 0 : i32
        %dma_start3A_575 = tpu.memref_slice %arg5[%add3A_573, %dma_start3A_574] : memref<10240x128xf32, #tpu.memory_space<vmem_shared>> -> memref<16x128xf32, #tpu.memory_space<vmem_shared>>
        %dma_start3A_576 = arith.constant 0 : i32
        %dma_start3A_577 = tpu.memref_slice %arg5[%add3A_573, %dma_start3A_576] : memref<10240x128xf32, #tpu.memory_space<vmem_shared>> -> memref<16x128xf32, #tpu.memory_space<vmem_shared>>
        tpu.enqueue_dma source(%arg8 : memref<16x128xf32, #tpu.memory_space<vmem>>) target(%dma_start3A_577 : memref<16x128xf32, #tpu.memory_space<vmem_shared>>) target_semaphore(%run_scoped3A : memref<!tpu.dma_semaphore, #tpu.memory_space<semaphore_mem>>)
        %dma_wait3A_578 = arith.constant 0 : i32
        %dma_wait3A_579 = tpu.memref_slice %arg5[%add3A_573, %dma_wait3A_578] : memref<10240x128xf32, #tpu.memory_space<vmem_shared>> -> memref<16x128xf32, #tpu.memory_space<vmem_shared>>
        %dma_wait3A_580 = arith.constant 0 : i32
        %dma_wait3A_581 = tpu.memref_slice %arg5[%add3A_573, %dma_wait3A_580] : memref<10240x128xf32, #tpu.memory_space<vmem_shared>> -> memref<16x128xf32, #tpu.memory_space<vmem_shared>>
        tpu.wait_dma2 semaphore(%run_scoped3A : memref<!tpu.dma_semaphore, #tpu.memory_space<semaphore_mem>>) src(%arg8 : memref<16x128xf32, #tpu.memory_space<vmem>>) dst(%dma_wait3A_581 : memref<16x128xf32, #tpu.memory_space<vmem_shared>>)
        tpu.yield
      }) : () -> ()
    }
    %scan3A_519 = arith.constant 40 : i32
    "tpu.region"() ({
      %run_scoped3A = tpu.sem_alloc : memref<!tpu.dma_semaphore, #tpu.memory_space<semaphore_mem>>
      %dma_start3A_568 = arith.constant 0 : i32
      %dma_start3A_569 = arith.constant 0 : i32
      %dma_start3A_570 = tpu.memref_slice %arg3[%add3A, %dma_start3A_568, %dma_start3A_569] : memref<32x79x128xi32, #tpu.memory_space<hbm>> -> memref<1x79x128xi32, #tpu.memory_space<hbm>>
      %dma_start3A_571 = tpu.memref_squeeze %dma_start3A_570 : memref<1x79x128xi32, #tpu.memory_space<hbm>> -> memref<79x128xi32, #tpu.memory_space<hbm>>
      %dma_start3A_572 = arith.constant 0 : i32
      %dma_start3A_573 = arith.constant 0 : i32
      %dma_start3A_574 = tpu.memref_slice %arg3[%add3A, %dma_start3A_572, %dma_start3A_573] : memref<32x79x128xi32, #tpu.memory_space<hbm>> -> memref<1x79x128xi32, #tpu.memory_space<hbm>>
      %dma_start3A_575 = tpu.memref_squeeze %dma_start3A_574 : memref<1x79x128xi32, #tpu.memory_space<hbm>> -> memref<79x128xi32, #tpu.memory_space<hbm>>
      tpu.enqueue_dma source(%dma_start3A_575 : memref<79x128xi32, #tpu.memory_space<hbm>>) target(%arg6 : memref<79x128xi32, #tpu.memory_space<vmem>>) target_semaphore(%run_scoped3A : memref<!tpu.dma_semaphore, #tpu.memory_space<semaphore_mem>>)
      %dma_wait3A_576 = arith.constant 0 : i32
      %dma_wait3A_577 = arith.constant 0 : i32
      %dma_wait3A_578 = tpu.memref_slice %arg3[%add3A, %dma_wait3A_576, %dma_wait3A_577] : memref<32x79x128xi32, #tpu.memory_space<hbm>> -> memref<1x79x128xi32, #tpu.memory_space<hbm>>
      %dma_wait3A_579 = tpu.memref_squeeze %dma_wait3A_578 : memref<1x79x128xi32, #tpu.memory_space<hbm>> -> memref<79x128xi32, #tpu.memory_space<hbm>>
      %dma_wait3A_580 = arith.constant 0 : i32
      %dma_wait3A_581 = arith.constant 0 : i32
      %dma_wait3A_582 = tpu.memref_slice %arg3[%add3A, %dma_wait3A_580, %dma_wait3A_581] : memref<32x79x128xi32, #tpu.memory_space<hbm>> -> memref<1x79x128xi32, #tpu.memory_space<hbm>>
      %dma_wait3A_583 = tpu.memref_squeeze %dma_wait3A_582 : memref<1x79x128xi32, #tpu.memory_space<hbm>> -> memref<79x128xi32, #tpu.memory_space<hbm>>
      tpu.wait_dma2 semaphore(%run_scoped3A : memref<!tpu.dma_semaphore, #tpu.memory_space<semaphore_mem>>) src(%dma_wait3A_583 : memref<79x128xi32, #tpu.memory_space<hbm>>) dst(%arg6 : memref<79x128xi32, #tpu.memory_space<vmem>>)
      tpu.yield
    }) : () -> ()
    %barrier3A = arith.constant 0 : index
    tpu.barrier barrier_id(%barrier3A)
    %add3A_520 = arith.constant 0 : i32
    %add3A_521 = arith.addi %mul3A_2, %add3A_520 : i32
    %dma_start3A = arith.constant 0 : i32
    %dma_start3A_522 = arith.constant 0 : i32
    %dma_start3A_523 = arith.constant 0 : i32
    %dma_start3A_524 = tpu.memref_slice %arg7[%dma_start3A, %dma_start3A_522, %dma_start3A_523] : memref<2x128x128xf32, #tpu.memory_space<vmem>> -> memref<1x128x128xf32, #tpu.memory_space<vmem>>
    %dma_start3A_525 = tpu.memref_squeeze %dma_start3A_524 : memref<1x128x128xf32, #tpu.memory_space<vmem>> -> memref<128x128xf32, #tpu.memory_space<vmem>>
    %dma_start3A_526 = arith.constant 0 : i32
    %dma_start3A_527 = tpu.memref_slice %arg2[%add3A_521, %dma_start3A_526] : memref<323584x128xf32, #tpu.memory_space<hbm>> -> memref<128x128xf32, #tpu.memory_space<hbm>>
    %dma_start3A_528 = arith.constant 0 : i32
    %dma_start3A_529 = arith.constant 0 : i32
    %dma_start3A_530 = tpu.memref_slice %arg7[%dma_start3A, %dma_start3A_528, %dma_start3A_529] : memref<2x128x128xf32, #tpu.memory_space<vmem>> -> memref<1x128x128xf32, #tpu.memory_space<vmem>>
    %dma_start3A_531 = tpu.memref_squeeze %dma_start3A_530 : memref<1x128x128xf32, #tpu.memory_space<vmem>> -> memref<128x128xf32, #tpu.memory_space<vmem>>
    %dma_start3A_532 = arith.constant 0 : i32
    %dma_start3A_533 = tpu.memref_slice %arg2[%add3A_521, %dma_start3A_532] : memref<323584x128xf32, #tpu.memory_space<hbm>> -> memref<128x128xf32, #tpu.memory_space<hbm>>
    tpu.enqueue_dma source(%dma_start3A_533 : memref<128x128xf32, #tpu.memory_space<hbm>>) target(%dma_start3A_531 : memref<128x128xf32, #tpu.memory_space<vmem>>) target_semaphore(%arg9 : memref<!tpu.dma_semaphore, #tpu.memory_space<semaphore_mem>>)
    %scan3A_534 = arith.constant 0 : i32
    %scan3A_535 = arith.constant 0 : i32
    %scan3A_536 = arith.constant 40 : i32
    %scan3A_537 = arith.addi %scan3A_535, %scan3A_536 : i32
    %scan3A_538 = arith.constant 1 : i32
    scf.for %scan3A_568 = %scan3A_535 to %scan3A_537 step %scan3A_538  : i32 {
      %mul3A_569 = arith.constant 2 : i32
      %mul3A_570 = arith.muli %mul3A_569, %scan3A_568 : i32
      %add3A_571 = arith.constant 1 : i32
      %add3A_572 = arith.addi %mul3A_570, %add3A_571 : i32
      %lt3A = arith.constant 79 : i32
      %lt3A_573 = arith.cmpi slt, %add3A_572, %lt3A : i32
      %convert_element_type3A = arith.extui %lt3A_573 : i1 to i32
      %cond3A = arith.constant 0 : i32
      %cond3A_574 = arith.cmpi ne, %convert_element_type3A, %cond3A : i32
      scf.if %cond3A_574 {
        %ge3A = arith.constant 1 : i32
        %ge3A_608 = arith.cmpi sge, %mul3A_570, %ge3A : i32
        %convert_element_type3A_609 = arith.extui %ge3A_608 : i1 to i32
        %cond3A_610 = arith.constant 0 : i32
        %cond3A_611 = arith.cmpi ne, %convert_element_type3A_609, %cond3A_610 : i32
        scf.if %cond3A_611 {
          %dma_wait3A_630 = arith.constant 1 : i32
          %dma_wait3A_631 = arith.constant 0 : i32
          %dma_wait3A_632 = arith.constant 0 : i32
          %dma_wait3A_633 = arith.constant 0 : i32
          %dma_wait3A_634 = tpu.memref_slice %arg7[%dma_wait3A_630, %dma_wait3A_632, %dma_wait3A_633] : memref<2x128x128xf32, #tpu.memory_space<vmem>> -> memref<1x128x128xf32, #tpu.memory_space<vmem>>
          %dma_wait3A_635 = tpu.memref_squeeze %dma_wait3A_634 : memref<1x128x128xf32, #tpu.memory_space<vmem>> -> memref<128x128xf32, #tpu.memory_space<vmem>>
          %dma_wait3A_636 = arith.constant 0 : i32
          %dma_wait3A_637 = tpu.memref_slice %arg6[%dma_wait3A_631, %dma_wait3A_636] : memref<79x128xi32, #tpu.memory_space<vmem>> -> memref<1x128xi32, #tpu.memory_space<vmem>>
          %dma_wait3A_638 = tpu.memref_squeeze %dma_wait3A_637 : memref<1x128xi32, #tpu.memory_space<vmem>> -> memref<128xi32, #tpu.memory_space<vmem>>
          %dma_wait3A_639 = arith.constant 0 : i32
          %dma_wait3A_640 = arith.constant 0 : i32
          %dma_wait3A_641 = tpu.memref_slice %arg5[%dma_wait3A_639, %dma_wait3A_640] : memref<10240x128xf32, #tpu.memory_space<vmem_shared>> -> memref<10240x128xf32, #tpu.memory_space<vmem_shared>>
          tpu.wait_indirect_dma semaphore(%arg12 : memref<!tpu.dma_semaphore, #tpu.memory_space<semaphore_mem>>) src(%dma_wait3A_635 : memref<128x128xf32, #tpu.memory_space<vmem>>) dst(%dma_wait3A_641 : memref<10240x128xf32, #tpu.memory_space<vmem_shared>>)
        } else {
        }
        %add3A_612 = arith.constant 1 : i32
        %add3A_613 = arith.addi %mul3A_570, %add3A_612 : i32
        %mul3A_614 = arith.constant 128 : i32
        %mul3A_615 = arith.muli %add3A_613, %mul3A_614 : i32
        %add3A_616 = arith.addi %mul3A_2, %mul3A_615 : i32
        %dma_start3A_617 = arith.constant 1 : i32
        %dma_start3A_618 = arith.constant 0 : i32
        %dma_start3A_619 = arith.constant 0 : i32
        %dma_start3A_620 = tpu.memref_slice %arg7[%dma_start3A_617, %dma_start3A_618, %dma_start3A_619] : memref<2x128x128xf32, #tpu.memory_space<vmem>> -> memref<1x128x128xf32, #tpu.memory_space<vmem>>
        %dma_start3A_621 = tpu.memref_squeeze %dma_start3A_620 : memref<1x128x128xf32, #tpu.memory_space<vmem>> -> memref<128x128xf32, #tpu.memory_space<vmem>>
        %dma_start3A_622 = arith.constant 0 : i32
        %dma_start3A_623 = tpu.memref_slice %arg2[%add3A_616, %dma_start3A_622] : memref<323584x128xf32, #tpu.memory_space<hbm>> -> memref<128x128xf32, #tpu.memory_space<hbm>>
        %dma_start3A_624 = arith.constant 0 : i32
        %dma_start3A_625 = arith.constant 0 : i32
        %dma_start3A_626 = tpu.memref_slice %arg7[%dma_start3A_617, %dma_start3A_624, %dma_start3A_625] : memref<2x128x128xf32, #tpu.memory_space<vmem>> -> memref<1x128x128xf32, #tpu.memory_space<vmem>>
        %dma_start3A_627 = tpu.memref_squeeze %dma_start3A_626 : memref<1x128x128xf32, #tpu.memory_space<vmem>> -> memref<128x128xf32, #tpu.memory_space<vmem>>
        %dma_start3A_628 = arith.constant 0 : i32
        %dma_start3A_629 = tpu.memref_slice %arg2[%add3A_616, %dma_start3A_628] : memref<323584x128xf32, #tpu.memory_space<hbm>> -> memref<128x128xf32, #tpu.memory_space<hbm>>
        tpu.enqueue_dma source(%dma_start3A_629 : memref<128x128xf32, #tpu.memory_space<hbm>>) target(%dma_start3A_627 : memref<128x128xf32, #tpu.memory_space<vmem>>) target_semaphore(%arg10 : memref<!tpu.dma_semaphore, #tpu.memory_space<semaphore_mem>>)
      } else {
      }
      %dma_wait3A_575 = arith.constant 0 : i32
      %dma_wait3A_576 = arith.constant 0 : i32
      %dma_wait3A_577 = arith.constant 0 : i32
      %dma_wait3A_578 = tpu.memref_slice %arg7[%dma_wait3A_575, %dma_wait3A_576, %dma_wait3A_577] : memref<2x128x128xf32, #tpu.memory_space<vmem>> -> memref<1x128x128xf32, #tpu.memory_space<vmem>>
      %dma_wait3A_579 = tpu.memref_squeeze %dma_wait3A_578 : memref<1x128x128xf32, #tpu.memory_space<vmem>> -> memref<128x128xf32, #tpu.memory_space<vmem>>
      %dma_wait3A_580 = arith.constant 0 : i32
      %dma_wait3A_581 = tpu.memref_slice %arg2[%mul3A_2, %dma_wait3A_580] : memref<323584x128xf32, #tpu.memory_space<hbm>> -> memref<128x128xf32, #tpu.memory_space<hbm>>
      %dma_wait3A_582 = arith.constant 0 : i32
      %dma_wait3A_583 = arith.constant 0 : i32
      %dma_wait3A_584 = tpu.memref_slice %arg7[%dma_wait3A_575, %dma_wait3A_582, %dma_wait3A_583] : memref<2x128x128xf32, #tpu.memory_space<vmem>> -> memref<1x128x128xf32, #tpu.memory_space<vmem>>
      %dma_wait3A_585 = tpu.memref_squeeze %dma_wait3A_584 : memref<1x128x128xf32, #tpu.memory_space<vmem>> -> memref<128x128xf32, #tpu.memory_space<vmem>>
      %dma_wait3A_586 = arith.constant 0 : i32
      %dma_wait3A_587 = tpu.memref_slice %arg2[%mul3A_2, %dma_wait3A_586] : memref<323584x128xf32, #tpu.memory_space<hbm>> -> memref<128x128xf32, #tpu.memory_space<hbm>>
      tpu.wait_dma2 semaphore(%arg9 : memref<!tpu.dma_semaphore, #tpu.memory_space<semaphore_mem>>) src(%dma_wait3A_587 : memref<128x128xf32, #tpu.memory_space<hbm>>) dst(%dma_wait3A_585 : memref<128x128xf32, #tpu.memory_space<vmem>>)
      %dma_start3A_588 = arith.constant 0 : i32
      %dma_start3A_589 = arith.constant 0 : i32
      %dma_start3A_590 = arith.constant 0 : i32
      %dma_start3A_591 = tpu.memref_slice %arg7[%dma_start3A_588, %dma_start3A_589, %dma_start3A_590] : memref<2x128x128xf32, #tpu.memory_space<vmem>> -> memref<1x128x128xf32, #tpu.memory_space<vmem>>
      %dma_start3A_592 = tpu.memref_squeeze %dma_start3A_591 : memref<1x128x128xf32, #tpu.memory_space<vmem>> -> memref<128x128xf32, #tpu.memory_space<vmem>>
      %dma_start3A_593 = arith.constant 0 : i32
      %dma_start3A_594 = tpu.memref_slice %arg6[%mul3A_570, %dma_start3A_593] : memref<79x128xi32, #tpu.memory_space<vmem>> -> memref<1x128xi32, #tpu.memory_space<vmem>>
      %dma_start3A_595 = tpu.memref_squeeze %dma_start3A_594 : memref<1x128xi32, #tpu.memory_space<vmem>> -> memref<128xi32, #tpu.memory_space<vmem>>
      %dma_start3A_596 = arith.constant 0 : i32
      %dma_start3A_597 = arith.constant 0 : i32
      %dma_start3A_598 = tpu.memref_slice %arg5[%dma_start3A_596, %dma_start3A_597] : memref<10240x128xf32, #tpu.memory_space<vmem_shared>> -> memref<10240x128xf32, #tpu.memory_space<vmem_shared>>
      tpu.enqueue_indirect_dma source(%dma_start3A_592 : memref<128x128xf32, #tpu.memory_space<vmem>>) target(%dma_start3A_598 : memref<10240x128xf32, #tpu.memory_space<vmem_shared>>) offsets(%dma_start3A_595 : memref<128xi32, #tpu.memory_space<vmem>>) semaphore(%arg11 : memref<!tpu.dma_semaphore, #tpu.memory_space<semaphore_mem>>) {add = true}
      %mul3A_599 = arith.constant 2 : i32
      %mul3A_600 = arith.muli %mul3A_599, %scan3A_568 : i32
      %add3A_601 = arith.constant 1 : i32
      %add3A_602 = arith.addi %mul3A_600, %add3A_601 : i32
      %lt3A_603 = arith.constant 79 : i32
      %lt3A_604 = arith.cmpi slt, %add3A_602, %lt3A_603 : i32
      %convert_element_type3A_605 = arith.extui %lt3A_604 : i1 to i32
      %cond3A_606 = arith.constant 0 : i32
      %cond3A_607 = arith.cmpi ne, %convert_element_type3A_605, %cond3A_606 : i32
      scf.if %cond3A_607 {
        %mul3A_608 = arith.constant 2 : i32
        %mul3A_609 = arith.muli %mul3A_608, %scan3A_568 : i32
        %add3A_610 = arith.constant 1 : i32
        %add3A_611 = arith.addi %mul3A_609, %add3A_610 : i32
        %add3A_612 = arith.constant 1 : i32
        %add3A_613 = arith.addi %add3A_611, %add3A_612 : i32
        %lt3A_614 = arith.constant 79 : i32
        %lt3A_615 = arith.cmpi slt, %add3A_613, %lt3A_614 : i32
        %convert_element_type3A_616 = arith.extui %lt3A_615 : i1 to i32
        %cond3A_617 = arith.constant 0 : i32
        %cond3A_618 = arith.cmpi ne, %convert_element_type3A_616, %cond3A_617 : i32
        scf.if %cond3A_618 {
          %ge3A = arith.constant 1 : i32
          %ge3A_643 = arith.cmpi sge, %add3A_611, %ge3A : i32
          %convert_element_type3A_644 = arith.extui %ge3A_643 : i1 to i32
          %cond3A_645 = arith.constant 0 : i32
          %cond3A_646 = arith.cmpi ne, %convert_element_type3A_644, %cond3A_645 : i32
          scf.if %cond3A_646 {
            %dma_wait3A_665 = arith.constant 0 : i32
            %dma_wait3A_666 = arith.constant 0 : i32
            %dma_wait3A_667 = arith.constant 0 : i32
            %dma_wait3A_668 = arith.constant 0 : i32
            %dma_wait3A_669 = tpu.memref_slice %arg7[%dma_wait3A_665, %dma_wait3A_667, %dma_wait3A_668] : memref<2x128x128xf32, #tpu.memory_space<vmem>> -> memref<1x128x128xf32, #tpu.memory_space<vmem>>
            %dma_wait3A_670 = tpu.memref_squeeze %dma_wait3A_669 : memref<1x128x128xf32, #tpu.memory_space<vmem>> -> memref<128x128xf32, #tpu.memory_space<vmem>>
            %dma_wait3A_671 = arith.constant 0 : i32
            %dma_wait3A_672 = tpu.memref_slice %arg6[%dma_wait3A_666, %dma_wait3A_671] : memref<79x128xi32, #tpu.memory_space<vmem>> -> memref<1x128xi32, #tpu.memory_space<vmem>>
            %dma_wait3A_673 = tpu.memref_squeeze %dma_wait3A_672 : memref<1x128xi32, #tpu.memory_space<vmem>> -> memref<128xi32, #tpu.memory_space<vmem>>
            %dma_wait3A_674 = arith.constant 0 : i32
            %dma_wait3A_675 = arith.constant 0 : i32
            %dma_wait3A_676 = tpu.memref_slice %arg5[%dma_wait3A_674, %dma_wait3A_675] : memref<10240x128xf32, #tpu.memory_space<vmem_shared>> -> memref<10240x128xf32, #tpu.memory_space<vmem_shared>>
            tpu.wait_indirect_dma semaphore(%arg11 : memref<!tpu.dma_semaphore, #tpu.memory_space<semaphore_mem>>) src(%dma_wait3A_670 : memref<128x128xf32, #tpu.memory_space<vmem>>) dst(%dma_wait3A_676 : memref<10240x128xf32, #tpu.memory_space<vmem_shared>>)
          } else {
          }
          %add3A_647 = arith.constant 1 : i32
          %add3A_648 = arith.addi %add3A_611, %add3A_647 : i32
          %mul3A_649 = arith.constant 128 : i32
          %mul3A_650 = arith.muli %add3A_648, %mul3A_649 : i32
          %add3A_651 = arith.addi %mul3A_2, %mul3A_650 : i32
          %dma_start3A_652 = arith.constant 0 : i32
          %dma_start3A_653 = arith.constant 0 : i32
          %dma_start3A_654 = arith.constant 0 : i32
          %dma_start3A_655 = tpu.memref_slice %arg7[%dma_start3A_652, %dma_start3A_653, %dma_start3A_654] : memref<2x128x128xf32, #tpu.memory_space<vmem>> -> memref<1x128x128xf32, #tpu.memory_space<vmem>>
          %dma_start3A_656 = tpu.memref_squeeze %dma_start3A_655 : memref<1x128x128xf32, #tpu.memory_space<vmem>> -> memref<128x128xf32, #tpu.memory_space<vmem>>
          %dma_start3A_657 = arith.constant 0 : i32
          %dma_start3A_658 = tpu.memref_slice %arg2[%add3A_651, %dma_start3A_657] : memref<323584x128xf32, #tpu.memory_space<hbm>> -> memref<128x128xf32, #tpu.memory_space<hbm>>
          %dma_start3A_659 = arith.constant 0 : i32
          %dma_start3A_660 = arith.constant 0 : i32
          %dma_start3A_661 = tpu.memref_slice %arg7[%dma_start3A_652, %dma_start3A_659, %dma_start3A_660] : memref<2x128x128xf32, #tpu.memory_space<vmem>> -> memref<1x128x128xf32, #tpu.memory_space<vmem>>
          %dma_start3A_662 = tpu.memref_squeeze %dma_start3A_661 : memref<1x128x128xf32, #tpu.memory_space<vmem>> -> memref<128x128xf32, #tpu.memory_space<vmem>>
          %dma_start3A_663 = arith.constant 0 : i32
          %dma_start3A_664 = tpu.memref_slice %arg2[%add3A_651, %dma_start3A_663] : memref<323584x128xf32, #tpu.memory_space<hbm>> -> memref<128x128xf32, #tpu.memory_space<hbm>>
          tpu.enqueue_dma source(%dma_start3A_664 : memref<128x128xf32, #tpu.memory_space<hbm>>) target(%dma_start3A_662 : memref<128x128xf32, #tpu.memory_space<vmem>>) target_semaphore(%arg9 : memref<!tpu.dma_semaphore, #tpu.memory_space<semaphore_mem>>)
        } else {
        }
        %dma_wait3A_619 = arith.constant 1 : i32
        %dma_wait3A_620 = arith.constant 0 : i32
        %dma_wait3A_621 = arith.constant 0 : i32
        %dma_wait3A_622 = tpu.memref_slice %arg7[%dma_wait3A_619, %dma_wait3A_620, %dma_wait3A_621] : memref<2x128x128xf32, #tpu.memory_space<vmem>> -> memref<1x128x128xf32, #tpu.memory_space<vmem>>
        %dma_wait3A_623 = tpu.memref_squeeze %dma_wait3A_622 : memref<1x128x128xf32, #tpu.memory_space<vmem>> -> memref<128x128xf32, #tpu.memory_space<vmem>>
        %dma_wait3A_624 = arith.constant 0 : i32
        %dma_wait3A_625 = tpu.memref_slice %arg2[%mul3A_2, %dma_wait3A_624] : memref<323584x128xf32, #tpu.memory_space<hbm>> -> memref<128x128xf32, #tpu.memory_space<hbm>>
        %dma_wait3A_626 = arith.constant 0 : i32
        %dma_wait3A_627 = arith.constant 0 : i32
        %dma_wait3A_628 = tpu.memref_slice %arg7[%dma_wait3A_619, %dma_wait3A_626, %dma_wait3A_627] : memref<2x128x128xf32, #tpu.memory_space<vmem>> -> memref<1x128x128xf32, #tpu.memory_space<vmem>>
        %dma_wait3A_629 = tpu.memref_squeeze %dma_wait3A_628 : memref<1x128x128xf32, #tpu.memory_space<vmem>> -> memref<128x128xf32, #tpu.memory_space<vmem>>
        %dma_wait3A_630 = arith.constant 0 : i32
        %dma_wait3A_631 = tpu.memref_slice %arg2[%mul3A_2, %dma_wait3A_630] : memref<323584x128xf32, #tpu.memory_space<hbm>> -> memref<128x128xf32, #tpu.memory_space<hbm>>
        tpu.wait_dma2 semaphore(%arg10 : memref<!tpu.dma_semaphore, #tpu.memory_space<semaphore_mem>>) src(%dma_wait3A_631 : memref<128x128xf32, #tpu.memory_space<hbm>>) dst(%dma_wait3A_629 : memref<128x128xf32, #tpu.memory_space<vmem>>)
        %dma_start3A_632 = arith.constant 1 : i32
        %dma_start3A_633 = arith.constant 0 : i32
        %dma_start3A_634 = arith.constant 0 : i32
        %dma_start3A_635 = tpu.memref_slice %arg7[%dma_start3A_632, %dma_start3A_633, %dma_start3A_634] : memref<2x128x128xf32, #tpu.memory_space<vmem>> -> memref<1x128x128xf32, #tpu.memory_space<vmem>>
        %dma_start3A_636 = tpu.memref_squeeze %dma_start3A_635 : memref<1x128x128xf32, #tpu.memory_space<vmem>> -> memref<128x128xf32, #tpu.memory_space<vmem>>
        %dma_start3A_637 = arith.constant 0 : i32
        %dma_start3A_638 = tpu.memref_slice %arg6[%add3A_611, %dma_start3A_637] : memref<79x128xi32, #tpu.memory_space<vmem>> -> memref<1x128xi32, #tpu.memory_space<vmem>>
        %dma_start3A_639 = tpu.memref_squeeze %dma_start3A_638 : memref<1x128xi32, #tpu.memory_space<vmem>> -> memref<128xi32, #tpu.memory_space<vmem>>
        %dma_start3A_640 = arith.constant 0 : i32
        %dma_start3A_641 = arith.constant 0 : i32
        %dma_start3A_642 = tpu.memref_slice %arg5[%dma_start3A_640, %dma_start3A_641] : memref<10240x128xf32, #tpu.memory_space<vmem_shared>> -> memref<10240x128xf32, #tpu.memory_space<vmem_shared>>
        tpu.enqueue_indirect_dma source(%dma_start3A_636 : memref<128x128xf32, #tpu.memory_space<vmem>>) target(%dma_start3A_642 : memref<10240x128xf32, #tpu.memory_space<vmem_shared>>) offsets(%dma_start3A_639 : memref<128xi32, #tpu.memory_space<vmem>>) semaphore(%arg12 : memref<!tpu.dma_semaphore, #tpu.memory_space<semaphore_mem>>) {add = true}
      } else {
      }
    }
    %scan3A_539 = arith.constant 40 : i32
    %dma_wait3A = arith.constant 0 : i32
    %dma_wait3A_540 = arith.constant 0 : i32
    %dma_wait3A_541 = arith.constant 0 : i32
    %dma_wait3A_542 = arith.constant 0 : i32
    %dma_wait3A_543 = tpu.memref_slice %arg7[%dma_wait3A, %dma_wait3A_541, %dma_wait3A_542] : memref<2x128x128xf32, #tpu.memory_space<vmem>> -> memref<1x128x128xf32, #tpu.memory_space<vmem>>
    %dma_wait3A_544 = tpu.memref_squeeze %dma_wait3A_543 : memref<1x128x128xf32, #tpu.memory_space<vmem>> -> memref<128x128xf32, #tpu.memory_space<vmem>>
    %dma_wait3A_545 = arith.constant 0 : i32
    %dma_wait3A_546 = tpu.memref_slice %arg6[%dma_wait3A_540, %dma_wait3A_545] : memref<79x128xi32, #tpu.memory_space<vmem>> -> memref<1x128xi32, #tpu.memory_space<vmem>>
    %dma_wait3A_547 = tpu.memref_squeeze %dma_wait3A_546 : memref<1x128xi32, #tpu.memory_space<vmem>> -> memref<128xi32, #tpu.memory_space<vmem>>
    %dma_wait3A_548 = arith.constant 0 : i32
    %dma_wait3A_549 = arith.constant 0 : i32
    %dma_wait3A_550 = tpu.memref_slice %arg5[%dma_wait3A_548, %dma_wait3A_549] : memref<10240x128xf32, #tpu.memory_space<vmem_shared>> -> memref<10240x128xf32, #tpu.memory_space<vmem_shared>>
    tpu.wait_indirect_dma semaphore(%arg11 : memref<!tpu.dma_semaphore, #tpu.memory_space<semaphore_mem>>) src(%dma_wait3A_544 : memref<128x128xf32, #tpu.memory_space<vmem>>) dst(%dma_wait3A_550 : memref<10240x128xf32, #tpu.memory_space<vmem_shared>>)
    %dma_wait3A_551 = arith.constant 1 : i32
    %dma_wait3A_552 = arith.constant 0 : i32
    %dma_wait3A_553 = arith.constant 0 : i32
    %dma_wait3A_554 = arith.constant 0 : i32
    %dma_wait3A_555 = tpu.memref_slice %arg7[%dma_wait3A_551, %dma_wait3A_553, %dma_wait3A_554] : memref<2x128x128xf32, #tpu.memory_space<vmem>> -> memref<1x128x128xf32, #tpu.memory_space<vmem>>
    %dma_wait3A_556 = tpu.memref_squeeze %dma_wait3A_555 : memref<1x128x128xf32, #tpu.memory_space<vmem>> -> memref<128x128xf32, #tpu.memory_space<vmem>>
    %dma_wait3A_557 = arith.constant 0 : i32
    %dma_wait3A_558 = tpu.memref_slice %arg6[%dma_wait3A_552, %dma_wait3A_557] : memref<79x128xi32, #tpu.memory_space<vmem>> -> memref<1x128xi32, #tpu.memory_space<vmem>>
    %dma_wait3A_559 = tpu.memref_squeeze %dma_wait3A_558 : memref<1x128xi32, #tpu.memory_space<vmem>> -> memref<128xi32, #tpu.memory_space<vmem>>
    %dma_wait3A_560 = arith.constant 0 : i32
    %dma_wait3A_561 = arith.constant 0 : i32
    %dma_wait3A_562 = tpu.memref_slice %arg5[%dma_wait3A_560, %dma_wait3A_561] : memref<10240x128xf32, #tpu.memory_space<vmem_shared>> -> memref<10240x128xf32, #tpu.memory_space<vmem_shared>>
    tpu.wait_indirect_dma semaphore(%arg12 : memref<!tpu.dma_semaphore, #tpu.memory_space<semaphore_mem>>) src(%dma_wait3A_556 : memref<128x128xf32, #tpu.memory_space<vmem>>) dst(%dma_wait3A_562 : memref<10240x128xf32, #tpu.memory_space<vmem_shared>>)
    %barrier3A_563 = arith.constant 0 : index
    tpu.barrier barrier_id(%barrier3A_563)
    %mul3A_564 = arith.constant 640 : i32
    %mul3A_565 = arith.muli %arg1, %mul3A_564 : i32
    %mul3A_566 = arith.constant 640 : i32
    %mul3A_567 = arith.muli %arg1, %mul3A_566 : i32
    "tpu.region"() ({
      %run_scoped3A = tpu.sem_alloc : memref<!tpu.dma_semaphore, #tpu.memory_space<semaphore_mem>>
      %dma_start3A_568 = arith.constant 0 : i32
      %dma_start3A_569 = tpu.memref_slice %arg4[%arg0, %mul3A_567, %dma_start3A_568] : memref<2x10240x128xf32, #tpu.memory_space<hbm>> -> memref<1x640x128xf32, #tpu.memory_space<hbm>>
      %dma_start3A_570 = tpu.memref_squeeze %dma_start3A_569 : memref<1x640x128xf32, #tpu.memory_space<hbm>> -> memref<640x128xf32, #tpu.memory_space<hbm>>
      %dma_start3A_571 = arith.constant 0 : i32
      %dma_start3A_572 = tpu.memref_slice %arg5[%mul3A_565, %dma_start3A_571] : memref<10240x128xf32, #tpu.memory_space<vmem_shared>> -> memref<640x128xf32, #tpu.memory_space<vmem_shared>>
      tpu.enqueue_dma source(%dma_start3A_572 : memref<640x128xf32, #tpu.memory_space<vmem_shared>>) target(%dma_start3A_570 : memref<640x128xf32, #tpu.memory_space<hbm>>) target_semaphore(%run_scoped3A : memref<!tpu.dma_semaphore, #tpu.memory_space<semaphore_mem>>)
      %dma_wait3A_573 = arith.constant 0 : i32
      %dma_wait3A_574 = tpu.memref_slice %arg4[%arg0, %mul3A_567, %dma_wait3A_573] : memref<2x10240x128xf32, #tpu.memory_space<hbm>> -> memref<1x640x128xf32, #tpu.memory_space<hbm>>
      %dma_wait3A_575 = tpu.memref_squeeze %dma_wait3A_574 : memref<1x640x128xf32, #tpu.memory_space<hbm>> -> memref<640x128xf32, #tpu.memory_space<hbm>>
      %dma_wait3A_576 = arith.constant 0 : i32
      %dma_wait3A_577 = tpu.memref_slice %arg5[%mul3A_565, %dma_wait3A_576] : memref<10240x128xf32, #tpu.memory_space<vmem_shared>> -> memref<640x128xf32, #tpu.memory_space<vmem_shared>>
      tpu.wait_dma2 semaphore(%run_scoped3A : memref<!tpu.dma_semaphore, #tpu.memory_space<semaphore_mem>>) src(%dma_wait3A_577 : memref<640x128xf32, #tpu.memory_space<vmem_shared>>) dst(%dma_wait3A_575 : memref<640x128xf32, #tpu.memory_space<hbm>>)
      tpu.yield
    }) : () -> ()
    return
  }
}

#map = affine_map<(d0, d1) -> (0)>
module attributes {stable_mosaic.version = 14 : i64} {
  func.func @_sc_radial_body(%arg0: i32, %arg1: i32, %arg2: memref<10240xf32, #tpu.memory_space<hbm>>, %arg3: memref<10240xf32, #tpu.memory_space<hbm>>, %arg4: memref<10240xf32, #tpu.memory_space<hbm>>, %arg5: memref<323584xi32, #tpu.memory_space<hbm>>, %arg6: memref<323584xi32, #tpu.memory_space<hbm>>, %arg7: memref<323584xf32, #tpu.memory_space<hbm>>, %arg8: memref<10240xf32, #tpu.memory_space<vmem>>, %arg9: memref<10240xf32, #tpu.memory_space<vmem>>, %arg10: memref<10240xf32, #tpu.memory_space<vmem>>, %arg11: memref<10112xi32, #tpu.memory_space<vmem>>, %arg12: memref<10112xi32, #tpu.memory_space<vmem>>, %arg13: memref<128xf32, #tpu.memory_space<vmem>>) attributes {dimension_semantics = [#tpu.dimension_semantics<core_parallel>, #tpu.dimension_semantics<subcore_parallel>], iteration_bounds = array<i64: 2, 16>, scalar_prefetch = 0 : i64, scratch_operands = 6 : i64, tpu.core_type = #tpu.core_type<sc_vector_subcore>, window_params = [{transform_indices = #map}, {transform_indices = #map}, {transform_indices = #map}, {transform_indices = #map}, {transform_indices = #map}, {transform_indices = #map}]} {
    %mul3A = arith.constant 2 : i32
    %mul3A_0 = arith.muli %arg1, %mul3A : i32
    %add3A = arith.addi %mul3A_0, %arg0 : i32
    %mul3A_1 = arith.constant 10112 : i32
    %mul3A_2 = arith.muli %add3A, %mul3A_1 : i32
    "tpu.region"() ({
      %run_scoped3A = tpu.sem_alloc : memref<!tpu.dma_semaphore, #tpu.memory_space<semaphore_mem>>
      tpu.enqueue_dma source(%arg2 : memref<10240xf32, #tpu.memory_space<hbm>>) target(%arg8 : memref<10240xf32, #tpu.memory_space<vmem>>) target_semaphore(%run_scoped3A : memref<!tpu.dma_semaphore, #tpu.memory_space<semaphore_mem>>)
      tpu.wait_dma2 semaphore(%run_scoped3A : memref<!tpu.dma_semaphore, #tpu.memory_space<semaphore_mem>>) src(%arg2 : memref<10240xf32, #tpu.memory_space<hbm>>) dst(%arg8 : memref<10240xf32, #tpu.memory_space<vmem>>)
      tpu.yield
    }) : () -> ()
    "tpu.region"() ({
      %run_scoped3A = tpu.sem_alloc : memref<!tpu.dma_semaphore, #tpu.memory_space<semaphore_mem>>
      tpu.enqueue_dma source(%arg3 : memref<10240xf32, #tpu.memory_space<hbm>>) target(%arg9 : memref<10240xf32, #tpu.memory_space<vmem>>) target_semaphore(%run_scoped3A : memref<!tpu.dma_semaphore, #tpu.memory_space<semaphore_mem>>)
      tpu.wait_dma2 semaphore(%run_scoped3A : memref<!tpu.dma_semaphore, #tpu.memory_space<semaphore_mem>>) src(%arg3 : memref<10240xf32, #tpu.memory_space<hbm>>) dst(%arg9 : memref<10240xf32, #tpu.memory_space<vmem>>)
      tpu.yield
    }) : () -> ()
    "tpu.region"() ({
      %run_scoped3A = tpu.sem_alloc : memref<!tpu.dma_semaphore, #tpu.memory_space<semaphore_mem>>
      tpu.enqueue_dma source(%arg4 : memref<10240xf32, #tpu.memory_space<hbm>>) target(%arg10 : memref<10240xf32, #tpu.memory_space<vmem>>) target_semaphore(%run_scoped3A : memref<!tpu.dma_semaphore, #tpu.memory_space<semaphore_mem>>)
      tpu.wait_dma2 semaphore(%run_scoped3A : memref<!tpu.dma_semaphore, #tpu.memory_space<semaphore_mem>>) src(%arg4 : memref<10240xf32, #tpu.memory_space<hbm>>) dst(%arg10 : memref<10240xf32, #tpu.memory_space<vmem>>)
      tpu.yield
    }) : () -> ()
    "tpu.region"() ({
      %run_scoped3A = tpu.sem_alloc : memref<!tpu.dma_semaphore, #tpu.memory_space<semaphore_mem>>
      %dma_start3A = tpu.memref_slice %arg5[%mul3A_2] : memref<323584xi32, #tpu.memory_space<hbm>> -> memref<10112xi32, #tpu.memory_space<hbm>>
      %dma_start3A_8 = tpu.memref_slice %arg5[%mul3A_2] : memref<323584xi32, #tpu.memory_space<hbm>> -> memref<10112xi32, #tpu.memory_space<hbm>>
      tpu.enqueue_dma source(%dma_start3A_8 : memref<10112xi32, #tpu.memory_space<hbm>>) target(%arg11 : memref<10112xi32, #tpu.memory_space<vmem>>) target_semaphore(%run_scoped3A : memref<!tpu.dma_semaphore, #tpu.memory_space<semaphore_mem>>)
      %dma_wait3A = tpu.memref_slice %arg5[%mul3A_2] : memref<323584xi32, #tpu.memory_space<hbm>> -> memref<10112xi32, #tpu.memory_space<hbm>>
      %dma_wait3A_9 = tpu.memref_slice %arg5[%mul3A_2] : memref<323584xi32, #tpu.memory_space<hbm>> -> memref<10112xi32, #tpu.memory_space<hbm>>
      tpu.wait_dma2 semaphore(%run_scoped3A : memref<!tpu.dma_semaphore, #tpu.memory_space<semaphore_mem>>) src(%dma_wait3A_9 : memref<10112xi32, #tpu.memory_space<hbm>>) dst(%arg11 : memref<10112xi32, #tpu.memory_space<vmem>>)
      tpu.yield
    }) : () -> ()
    "tpu.region"() ({
      %run_scoped3A = tpu.sem_alloc : memref<!tpu.dma_semaphore, #tpu.memory_space<semaphore_mem>>
      %dma_start3A = tpu.memref_slice %arg6[%mul3A_2] : memref<323584xi32, #tpu.memory_space<hbm>> -> memref<10112xi32, #tpu.memory_space<hbm>>
      %dma_start3A_8 = tpu.memref_slice %arg6[%mul3A_2] : memref<323584xi32, #tpu.memory_space<hbm>> -> memref<10112xi32, #tpu.memory_space<hbm>>
      tpu.enqueue_dma source(%dma_start3A_8 : memref<10112xi32, #tpu.memory_space<hbm>>) target(%arg12 : memref<10112xi32, #tpu.memory_space<vmem>>) target_semaphore(%run_scoped3A : memref<!tpu.dma_semaphore, #tpu.memory_space<semaphore_mem>>)
      %dma_wait3A = tpu.memref_slice %arg6[%mul3A_2] : memref<323584xi32, #tpu.memory_space<hbm>> -> memref<10112xi32, #tpu.memory_space<hbm>>
      %dma_wait3A_9 = tpu.memref_slice %arg6[%mul3A_2] : memref<323584xi32, #tpu.memory_space<hbm>> -> memref<10112xi32, #tpu.memory_space<hbm>>
      tpu.wait_dma2 semaphore(%run_scoped3A : memref<!tpu.dma_semaphore, #tpu.memory_space<semaphore_mem>>) src(%dma_wait3A_9 : memref<10112xi32, #tpu.memory_space<hbm>>) dst(%arg12 : memref<10112xi32, #tpu.memory_space<vmem>>)
      tpu.yield
    }) : () -> ()
    %scan3A = arith.constant 0 : i32
    %scan3A_3 = arith.constant 0 : i32
    %scan3A_4 = arith.constant 79 : i32
    %scan3A_5 = arith.addi %scan3A_3, %scan3A_4 : i32
    %scan3A_6 = arith.constant 1 : i32
    scf.for %scan3A_8 = %scan3A_3 to %scan3A_5 step %scan3A_6  : i32 {
      %mul3A_9 = arith.constant 128 : i32
      %mul3A_10 = arith.muli %scan3A_8, %mul3A_9 : i32
      %add3A_11 = arith.constant 0 : i32
      %add3A_12 = arith.addi %mul3A_10, %add3A_11 : i32
      %get3A = arith.index_cast %add3A_12 : i32 to index
      %get3A_13 = tpu.vector_load %arg11[%get3A] {strides = array<i32>} : memref<10112xi32, #tpu.memory_space<vmem>>, vector<16xi32>,
      %get3A_14 = arith.index_cast %add3A_12 : i32 to index
      %get3A_15 = tpu.vector_load %arg12[%get3A_14] {strides = array<i32>} : memref<10112xi32, #tpu.memory_space<vmem>>, vector<16xi32>,
      %gather3A = tpu.vector_load_idx %arg8[%get3A_13] : memref<10240xf32, #tpu.memory_space<vmem>>[vector<16xi32>], vector<16xf32>,
      %gather3A_16 = tpu.vector_load_idx %arg8[%get3A_15] : memref<10240xf32, #tpu.memory_space<vmem>>[vector<16xi32>], vector<16xf32>,
      %sub3A = arith.subf %gather3A, %gather3A_16 : vector<16xf32>
      %gather3A_17 = tpu.vector_load_idx %arg9[%get3A_13] : memref<10240xf32, #tpu.memory_space<vmem>>[vector<16xi32>], vector<16xf32>,
      %gather3A_18 = tpu.vector_load_idx %arg9[%get3A_15] : memref<10240xf32, #tpu.memory_space<vmem>>[vector<16xi32>], vector<16xf32>,
      %sub3A_19 = arith.subf %gather3A_17, %gather3A_18 : vector<16xf32>
      %gather3A_20 = tpu.vector_load_idx %arg10[%get3A_13] : memref<10240xf32, #tpu.memory_space<vmem>>[vector<16xi32>], vector<16xf32>,
      %gather3A_21 = tpu.vector_load_idx %arg10[%get3A_15] : memref<10240xf32, #tpu.memory_space<vmem>>[vector<16xi32>], vector<16xf32>,
      %sub3A_22 = arith.subf %gather3A_20, %gather3A_21 : vector<16xf32>
      %mul3A_23 = arith.mulf %sub3A, %sub3A : vector<16xf32>
      %mul3A_24 = arith.mulf %sub3A_19, %sub3A_19 : vector<16xf32>
      %add3A_25 = arith.addf %mul3A_23, %mul3A_24 : vector<16xf32>
      %mul3A_26 = arith.mulf %sub3A_22, %sub3A_22 : vector<16xf32>
      %add3A_27 = arith.addf %add3A_25, %mul3A_26 : vector<16xf32>
      %swap3A = arith.constant 0 : index
      %swap3A_28 = tpu.vector_load %arg13[%swap3A] {strides = array<i32>} : memref<128xf32, #tpu.memory_space<vmem>>, vector<16xf32>,
      tpu.vector_store %arg13[%swap3A], %add3A_27 {strides = array<i32>} : memref<128xf32, #tpu.memory_space<vmem>>, vector<16xf32>,
      %mul3A_29 = arith.constant 128 : i32
      %mul3A_30 = arith.muli %scan3A_8, %mul3A_29 : i32
      %add3A_31 = arith.constant 16 : i32
      %add3A_32 = arith.addi %mul3A_30, %add3A_31 : i32
      %get3A_33 = arith.index_cast %add3A_32 : i32 to index
      %get3A_34 = tpu.vector_load %arg11[%get3A_33] {strides = array<i32>} : memref<10112xi32, #tpu.memory_space<vmem>>, vector<16xi32>,
      %get3A_35 = arith.index_cast %add3A_32 : i32 to index
      %get3A_36 = tpu.vector_load %arg12[%get3A_35] {strides = array<i32>} : memref<10112xi32, #tpu.memory_space<vmem>>, vector<16xi32>,
      %gather3A_37 = tpu.vector_load_idx %arg8[%get3A_34] : memref<10240xf32, #tpu.memory_space<vmem>>[vector<16xi32>], vector<16xf32>,
      %gather3A_38 = tpu.vector_load_idx %arg8[%get3A_36] : memref<10240xf32, #tpu.memory_space<vmem>>[vector<16xi32>], vector<16xf32>,
      %sub3A_39 = arith.subf %gather3A_37, %gather3A_38 : vector<16xf32>
      %gather3A_40 = tpu.vector_load_idx %arg9[%get3A_34] : memref<10240xf32, #tpu.memory_space<vmem>>[vector<16xi32>], vector<16xf32>,
      %gather3A_41 = tpu.vector_load_idx %arg9[%get3A_36] : memref<10240xf32, #tpu.memory_space<vmem>>[vector<16xi32>], vector<16xf32>,
      %sub3A_42 = arith.subf %gather3A_40, %gather3A_41 : vector<16xf32>
      %gather3A_43 = tpu.vector_load_idx %arg10[%get3A_34] : memref<10240xf32, #tpu.memory_space<vmem>>[vector<16xi32>], vector<16xf32>,
      %gather3A_44 = tpu.vector_load_idx %arg10[%get3A_36] : memref<10240xf32, #tpu.memory_space<vmem>>[vector<16xi32>], vector<16xf32>,
      %sub3A_45 = arith.subf %gather3A_43, %gather3A_44 : vector<16xf32>
      %mul3A_46 = arith.mulf %sub3A_39, %sub3A_39 : vector<16xf32>
      %mul3A_47 = arith.mulf %sub3A_42, %sub3A_42 : vector<16xf32>
      %add3A_48 = arith.addf %mul3A_46, %mul3A_47 : vector<16xf32>
      %mul3A_49 = arith.mulf %sub3A_45, %sub3A_45 : vector<16xf32>
      %add3A_50 = arith.addf %add3A_48, %mul3A_49 : vector<16xf32>
      %swap3A_51 = arith.constant 16 : index
      %swap3A_52 = tpu.vector_load %arg13[%swap3A_51] {strides = array<i32>} : memref<128xf32, #tpu.memory_space<vmem>>, vector<16xf32>,
      tpu.vector_store %arg13[%swap3A_51], %add3A_50 {strides = array<i32>} : memref<128xf32, #tpu.memory_space<vmem>>, vector<16xf32>,
      %mul3A_53 = arith.constant 128 : i32
      %mul3A_54 = arith.muli %scan3A_8, %mul3A_53 : i32
      %add3A_55 = arith.constant 32 : i32
      %add3A_56 = arith.addi %mul3A_54, %add3A_55 : i32
      %get3A_57 = arith.index_cast %add3A_56 : i32 to index
      %get3A_58 = tpu.vector_load %arg11[%get3A_57] {strides = array<i32>} : memref<10112xi32, #tpu.memory_space<vmem>>, vector<16xi32>,
      %get3A_59 = arith.index_cast %add3A_56 : i32 to index
      %get3A_60 = tpu.vector_load %arg12[%get3A_59] {strides = array<i32>} : memref<10112xi32, #tpu.memory_space<vmem>>, vector<16xi32>,
      %gather3A_61 = tpu.vector_load_idx %arg8[%get3A_58] : memref<10240xf32, #tpu.memory_space<vmem>>[vector<16xi32>], vector<16xf32>,
      %gather3A_62 = tpu.vector_load_idx %arg8[%get3A_60] : memref<10240xf32, #tpu.memory_space<vmem>>[vector<16xi32>], vector<16xf32>,
      %sub3A_63 = arith.subf %gather3A_61, %gather3A_62 : vector<16xf32>
      %gather3A_64 = tpu.vector_load_idx %arg9[%get3A_58] : memref<10240xf32, #tpu.memory_space<vmem>>[vector<16xi32>], vector<16xf32>,
      %gather3A_65 = tpu.vector_load_idx %arg9[%get3A_60] : memref<10240xf32, #tpu.memory_space<vmem>>[vector<16xi32>], vector<16xf32>,
      %sub3A_66 = arith.subf %gather3A_64, %gather3A_65 : vector<16xf32>
      %gather3A_67 = tpu.vector_load_idx %arg10[%get3A_58] : memref<10240xf32, #tpu.memory_space<vmem>>[vector<16xi32>], vector<16xf32>,
      %gather3A_68 = tpu.vector_load_idx %arg10[%get3A_60] : memref<10240xf32, #tpu.memory_space<vmem>>[vector<16xi32>], vector<16xf32>,
      %sub3A_69 = arith.subf %gather3A_67, %gather3A_68 : vector<16xf32>
      %mul3A_70 = arith.mulf %sub3A_63, %sub3A_63 : vector<16xf32>
      %mul3A_71 = arith.mulf %sub3A_66, %sub3A_66 : vector<16xf32>
      %add3A_72 = arith.addf %mul3A_70, %mul3A_71 : vector<16xf32>
      %mul3A_73 = arith.mulf %sub3A_69, %sub3A_69 : vector<16xf32>
      %add3A_74 = arith.addf %add3A_72, %mul3A_73 : vector<16xf32>
      %swap3A_75 = arith.constant 32 : index
      %swap3A_76 = tpu.vector_load %arg13[%swap3A_75] {strides = array<i32>} : memref<128xf32, #tpu.memory_space<vmem>>, vector<16xf32>,
      tpu.vector_store %arg13[%swap3A_75], %add3A_74 {strides = array<i32>} : memref<128xf32, #tpu.memory_space<vmem>>, vector<16xf32>,
      %mul3A_77 = arith.constant 128 : i32
      %mul3A_78 = arith.muli %scan3A_8, %mul3A_77 : i32
      %add3A_79 = arith.constant 48 : i32
      %add3A_80 = arith.addi %mul3A_78, %add3A_79 : i32
      %get3A_81 = arith.index_cast %add3A_80 : i32 to index
      %get3A_82 = tpu.vector_load %arg11[%get3A_81] {strides = array<i32>} : memref<10112xi32, #tpu.memory_space<vmem>>, vector<16xi32>,
      %get3A_83 = arith.index_cast %add3A_80 : i32 to index
      %get3A_84 = tpu.vector_load %arg12[%get3A_83] {strides = array<i32>} : memref<10112xi32, #tpu.memory_space<vmem>>, vector<16xi32>,
      %gather3A_85 = tpu.vector_load_idx %arg8[%get3A_82] : memref<10240xf32, #tpu.memory_space<vmem>>[vector<16xi32>], vector<16xf32>,
      %gather3A_86 = tpu.vector_load_idx %arg8[%get3A_84] : memref<10240xf32, #tpu.memory_space<vmem>>[vector<16xi32>], vector<16xf32>,
      %sub3A_87 = arith.subf %gather3A_85, %gather3A_86 : vector<16xf32>
      %gather3A_88 = tpu.vector_load_idx %arg9[%get3A_82] : memref<10240xf32, #tpu.memory_space<vmem>>[vector<16xi32>], vector<16xf32>,
      %gather3A_89 = tpu.vector_load_idx %arg9[%get3A_84] : memref<10240xf32, #tpu.memory_space<vmem>>[vector<16xi32>], vector<16xf32>,
      %sub3A_90 = arith.subf %gather3A_88, %gather3A_89 : vector<16xf32>
      %gather3A_91 = tpu.vector_load_idx %arg10[%get3A_82] : memref<10240xf32, #tpu.memory_space<vmem>>[vector<16xi32>], vector<16xf32>,
      %gather3A_92 = tpu.vector_load_idx %arg10[%get3A_84] : memref<10240xf32, #tpu.memory_space<vmem>>[vector<16xi32>], vector<16xf32>,
      %sub3A_93 = arith.subf %gather3A_91, %gather3A_92 : vector<16xf32>
      %mul3A_94 = arith.mulf %sub3A_87, %sub3A_87 : vector<16xf32>
      %mul3A_95 = arith.mulf %sub3A_90, %sub3A_90 : vector<16xf32>
      %add3A_96 = arith.addf %mul3A_94, %mul3A_95 : vector<16xf32>
      %mul3A_97 = arith.mulf %sub3A_93, %sub3A_93 : vector<16xf32>
      %add3A_98 = arith.addf %add3A_96, %mul3A_97 : vector<16xf32>
      %swap3A_99 = arith.constant 48 : index
      %swap3A_100 = tpu.vector_load %arg13[%swap3A_99] {strides = array<i32>} : memref<128xf32, #tpu.memory_space<vmem>>, vector<16xf32>,
      tpu.vector_store %arg13[%swap3A_99], %add3A_98 {strides = array<i32>} : memref<128xf32, #tpu.memory_space<vmem>>, vector<16xf32>,
      %mul3A_101 = arith.constant 128 : i32
      %mul3A_102 = arith.muli %scan3A_8, %mul3A_101 : i32
      %add3A_103 = arith.constant 64 : i32
      %add3A_104 = arith.addi %mul3A_102, %add3A_103 : i32
      %get3A_105 = arith.index_cast %add3A_104 : i32 to index
      %get3A_106 = tpu.vector_load %arg11[%get3A_105] {strides = array<i32>} : memref<10112xi32, #tpu.memory_space<vmem>>, vector<16xi32>,
      %get3A_107 = arith.index_cast %add3A_104 : i32 to index
      %get3A_108 = tpu.vector_load %arg12[%get3A_107] {strides = array<i32>} : memref<10112xi32, #tpu.memory_space<vmem>>, vector<16xi32>,
      %gather3A_109 = tpu.vector_load_idx %arg8[%get3A_106] : memref<10240xf32, #tpu.memory_space<vmem>>[vector<16xi32>], vector<16xf32>,
      %gather3A_110 = tpu.vector_load_idx %arg8[%get3A_108] : memref<10240xf32, #tpu.memory_space<vmem>>[vector<16xi32>], vector<16xf32>,
      %sub3A_111 = arith.subf %gather3A_109, %gather3A_110 : vector<16xf32>
      %gather3A_112 = tpu.vector_load_idx %arg9[%get3A_106] : memref<10240xf32, #tpu.memory_space<vmem>>[vector<16xi32>], vector<16xf32>,
      %gather3A_113 = tpu.vector_load_idx %arg9[%get3A_108] : memref<10240xf32, #tpu.memory_space<vmem>>[vector<16xi32>], vector<16xf32>,
      %sub3A_114 = arith.subf %gather3A_112, %gather3A_113 : vector<16xf32>
      %gather3A_115 = tpu.vector_load_idx %arg10[%get3A_106] : memref<10240xf32, #tpu.memory_space<vmem>>[vector<16xi32>], vector<16xf32>,
      %gather3A_116 = tpu.vector_load_idx %arg10[%get3A_108] : memref<10240xf32, #tpu.memory_space<vmem>>[vector<16xi32>], vector<16xf32>,
      %sub3A_117 = arith.subf %gather3A_115, %gather3A_116 : vector<16xf32>
      %mul3A_118 = arith.mulf %sub3A_111, %sub3A_111 : vector<16xf32>
      %mul3A_119 = arith.mulf %sub3A_114, %sub3A_114 : vector<16xf32>
      %add3A_120 = arith.addf %mul3A_118, %mul3A_119 : vector<16xf32>
      %mul3A_121 = arith.mulf %sub3A_117, %sub3A_117 : vector<16xf32>
      %add3A_122 = arith.addf %add3A_120, %mul3A_121 : vector<16xf32>
      %swap3A_123 = arith.constant 64 : index
      %swap3A_124 = tpu.vector_load %arg13[%swap3A_123] {strides = array<i32>} : memref<128xf32, #tpu.memory_space<vmem>>, vector<16xf32>,
      tpu.vector_store %arg13[%swap3A_123], %add3A_122 {strides = array<i32>} : memref<128xf32, #tpu.memory_space<vmem>>, vector<16xf32>,
      %mul3A_125 = arith.constant 128 : i32
      %mul3A_126 = arith.muli %scan3A_8, %mul3A_125 : i32
      %add3A_127 = arith.constant 80 : i32
      %add3A_128 = arith.addi %mul3A_126, %add3A_127 : i32
      %get3A_129 = arith.index_cast %add3A_128 : i32 to index
      %get3A_130 = tpu.vector_load %arg11[%get3A_129] {strides = array<i32>} : memref<10112xi32, #tpu.memory_space<vmem>>, vector<16xi32>,
      %get3A_131 = arith.index_cast %add3A_128 : i32 to index
      %get3A_132 = tpu.vector_load %arg12[%get3A_131] {strides = array<i32>} : memref<10112xi32, #tpu.memory_space<vmem>>, vector<16xi32>,
      %gather3A_133 = tpu.vector_load_idx %arg8[%get3A_130] : memref<10240xf32, #tpu.memory_space<vmem>>[vector<16xi32>], vector<16xf32>,
      %gather3A_134 = tpu.vector_load_idx %arg8[%get3A_132] : memref<10240xf32, #tpu.memory_space<vmem>>[vector<16xi32>], vector<16xf32>,
      %sub3A_135 = arith.subf %gather3A_133, %gather3A_134 : vector<16xf32>
      %gather3A_136 = tpu.vector_load_idx %arg9[%get3A_130] : memref<10240xf32, #tpu.memory_space<vmem>>[vector<16xi32>], vector<16xf32>,
      %gather3A_137 = tpu.vector_load_idx %arg9[%get3A_132] : memref<10240xf32, #tpu.memory_space<vmem>>[vector<16xi32>], vector<16xf32>,
      %sub3A_138 = arith.subf %gather3A_136, %gather3A_137 : vector<16xf32>
      %gather3A_139 = tpu.vector_load_idx %arg10[%get3A_130] : memref<10240xf32, #tpu.memory_space<vmem>>[vector<16xi32>], vector<16xf32>,
      %gather3A_140 = tpu.vector_load_idx %arg10[%get3A_132] : memref<10240xf32, #tpu.memory_space<vmem>>[vector<16xi32>], vector<16xf32>,
      %sub3A_141 = arith.subf %gather3A_139, %gather3A_140 : vector<16xf32>
      %mul3A_142 = arith.mulf %sub3A_135, %sub3A_135 : vector<16xf32>
      %mul3A_143 = arith.mulf %sub3A_138, %sub3A_138 : vector<16xf32>
      %add3A_144 = arith.addf %mul3A_142, %mul3A_143 : vector<16xf32>
      %mul3A_145 = arith.mulf %sub3A_141, %sub3A_141 : vector<16xf32>
      %add3A_146 = arith.addf %add3A_144, %mul3A_145 : vector<16xf32>
      %swap3A_147 = arith.constant 80 : index
      %swap3A_148 = tpu.vector_load %arg13[%swap3A_147] {strides = array<i32>} : memref<128xf32, #tpu.memory_space<vmem>>, vector<16xf32>,
      tpu.vector_store %arg13[%swap3A_147], %add3A_146 {strides = array<i32>} : memref<128xf32, #tpu.memory_space<vmem>>, vector<16xf32>,
      %mul3A_149 = arith.constant 128 : i32
      %mul3A_150 = arith.muli %scan3A_8, %mul3A_149 : i32
      %add3A_151 = arith.constant 96 : i32
      %add3A_152 = arith.addi %mul3A_150, %add3A_151 : i32
      %get3A_153 = arith.index_cast %add3A_152 : i32 to index
      %get3A_154 = tpu.vector_load %arg11[%get3A_153] {strides = array<i32>} : memref<10112xi32, #tpu.memory_space<vmem>>, vector<16xi32>,
      %get3A_155 = arith.index_cast %add3A_152 : i32 to index
      %get3A_156 = tpu.vector_load %arg12[%get3A_155] {strides = array<i32>} : memref<10112xi32, #tpu.memory_space<vmem>>, vector<16xi32>,
      %gather3A_157 = tpu.vector_load_idx %arg8[%get3A_154] : memref<10240xf32, #tpu.memory_space<vmem>>[vector<16xi32>], vector<16xf32>,
      %gather3A_158 = tpu.vector_load_idx %arg8[%get3A_156] : memref<10240xf32, #tpu.memory_space<vmem>>[vector<16xi32>], vector<16xf32>,
      %sub3A_159 = arith.subf %gather3A_157, %gather3A_158 : vector<16xf32>
      %gather3A_160 = tpu.vector_load_idx %arg9[%get3A_154] : memref<10240xf32, #tpu.memory_space<vmem>>[vector<16xi32>], vector<16xf32>,
      %gather3A_161 = tpu.vector_load_idx %arg9[%get3A_156] : memref<10240xf32, #tpu.memory_space<vmem>>[vector<16xi32>], vector<16xf32>,
      %sub3A_162 = arith.subf %gather3A_160, %gather3A_161 : vector<16xf32>
      %gather3A_163 = tpu.vector_load_idx %arg10[%get3A_154] : memref<10240xf32, #tpu.memory_space<vmem>>[vector<16xi32>], vector<16xf32>,
      %gather3A_164 = tpu.vector_load_idx %arg10[%get3A_156] : memref<10240xf32, #tpu.memory_space<vmem>>[vector<16xi32>], vector<16xf32>,
      %sub3A_165 = arith.subf %gather3A_163, %gather3A_164 : vector<16xf32>
      %mul3A_166 = arith.mulf %sub3A_159, %sub3A_159 : vector<16xf32>
      %mul3A_167 = arith.mulf %sub3A_162, %sub3A_162 : vector<16xf32>
      %add3A_168 = arith.addf %mul3A_166, %mul3A_167 : vector<16xf32>
      %mul3A_169 = arith.mulf %sub3A_165, %sub3A_165 : vector<16xf32>
      %add3A_170 = arith.addf %add3A_168, %mul3A_169 : vector<16xf32>
      %swap3A_171 = arith.constant 96 : index
      %swap3A_172 = tpu.vector_load %arg13[%swap3A_171] {strides = array<i32>} : memref<128xf32, #tpu.memory_space<vmem>>, vector<16xf32>,
      tpu.vector_store %arg13[%swap3A_171], %add3A_170 {strides = array<i32>} : memref<128xf32, #tpu.memory_space<vmem>>, vector<16xf32>,
      %mul3A_173 = arith.constant 128 : i32
      %mul3A_174 = arith.muli %scan3A_8, %mul3A_173 : i32
      %add3A_175 = arith.constant 112 : i32
      %add3A_176 = arith.addi %mul3A_174, %add3A_175 : i32
      %get3A_177 = arith.index_cast %add3A_176 : i32 to index
      %get3A_178 = tpu.vector_load %arg11[%get3A_177] {strides = array<i32>} : memref<10112xi32, #tpu.memory_space<vmem>>, vector<16xi32>,
      %get3A_179 = arith.index_cast %add3A_176 : i32 to index
      %get3A_180 = tpu.vector_load %arg12[%get3A_179] {strides = array<i32>} : memref<10112xi32, #tpu.memory_space<vmem>>, vector<16xi32>,
      %gather3A_181 = tpu.vector_load_idx %arg8[%get3A_178] : memref<10240xf32, #tpu.memory_space<vmem>>[vector<16xi32>], vector<16xf32>,
      %gather3A_182 = tpu.vector_load_idx %arg8[%get3A_180] : memref<10240xf32, #tpu.memory_space<vmem>>[vector<16xi32>], vector<16xf32>,
      %sub3A_183 = arith.subf %gather3A_181, %gather3A_182 : vector<16xf32>
      %gather3A_184 = tpu.vector_load_idx %arg9[%get3A_178] : memref<10240xf32, #tpu.memory_space<vmem>>[vector<16xi32>], vector<16xf32>,
      %gather3A_185 = tpu.vector_load_idx %arg9[%get3A_180] : memref<10240xf32, #tpu.memory_space<vmem>>[vector<16xi32>], vector<16xf32>,
      %sub3A_186 = arith.subf %gather3A_184, %gather3A_185 : vector<16xf32>
      %gather3A_187 = tpu.vector_load_idx %arg10[%get3A_178] : memref<10240xf32, #tpu.memory_space<vmem>>[vector<16xi32>], vector<16xf32>,
      %gather3A_188 = tpu.vector_load_idx %arg10[%get3A_180] : memref<10240xf32, #tpu.memory_space<vmem>>[vector<16xi32>], vector<16xf32>,
      %sub3A_189 = arith.subf %gather3A_187, %gather3A_188 : vector<16xf32>
      %mul3A_190 = arith.mulf %sub3A_183, %sub3A_183 : vector<16xf32>
      %mul3A_191 = arith.mulf %sub3A_186, %sub3A_186 : vector<16xf32>
      %add3A_192 = arith.addf %mul3A_190, %mul3A_191 : vector<16xf32>
      %mul3A_193 = arith.mulf %sub3A_189, %sub3A_189 : vector<16xf32>
      %add3A_194 = arith.addf %add3A_192, %mul3A_193 : vector<16xf32>
      %swap3A_195 = arith.constant 112 : index
      %swap3A_196 = tpu.vector_load %arg13[%swap3A_195] {strides = array<i32>} : memref<128xf32, #tpu.memory_space<vmem>>, vector<16xf32>,
      tpu.vector_store %arg13[%swap3A_195], %add3A_194 {strides = array<i32>} : memref<128xf32, #tpu.memory_space<vmem>>, vector<16xf32>,
      %mul3A_197 = arith.constant 128 : i32
      %mul3A_198 = arith.muli %scan3A_8, %mul3A_197 : i32
      %add3A_199 = arith.addi %mul3A_2, %mul3A_198 : i32
      "tpu.region"() ({
        %run_scoped3A = tpu.sem_alloc : memref<!tpu.dma_semaphore, #tpu.memory_space<semaphore_mem>>
        %dma_start3A = tpu.memref_slice %arg7[%add3A_199] : memref<323584xf32, #tpu.memory_space<hbm>> -> memref<128xf32, #tpu.memory_space<hbm>>
        %dma_start3A_200 = tpu.memref_slice %arg7[%add3A_199] : memref<323584xf32, #tpu.memory_space<hbm>> -> memref<128xf32, #tpu.memory_space<hbm>>
        tpu.enqueue_dma source(%arg13 : memref<128xf32, #tpu.memory_space<vmem>>) target(%dma_start3A_200 : memref<128xf32, #tpu.memory_space<hbm>>) target_semaphore(%run_scoped3A : memref<!tpu.dma_semaphore, #tpu.memory_space<semaphore_mem>>)
        %dma_wait3A = tpu.memref_slice %arg7[%add3A_199] : memref<323584xf32, #tpu.memory_space<hbm>> -> memref<128xf32, #tpu.memory_space<hbm>>
        %dma_wait3A_201 = tpu.memref_slice %arg7[%add3A_199] : memref<323584xf32, #tpu.memory_space<hbm>> -> memref<128xf32, #tpu.memory_space<hbm>>
        tpu.wait_dma2 semaphore(%run_scoped3A : memref<!tpu.dma_semaphore, #tpu.memory_space<semaphore_mem>>) src(%arg13 : memref<128xf32, #tpu.memory_space<vmem>>) dst(%dma_wait3A_201 : memref<128xf32, #tpu.memory_space<hbm>>)
        tpu.yield
      }) : () -> ()
    }
    %scan3A_7 = arith.constant 79 : i32
    return
  }
}

#map = affine_map<(d0, d1) -> (0, 0)>
#map1 = affine_map<(d0, d1) -> (0, 0, 0)>
module attributes {stable_mosaic.version = 14 : i64} {
  func.func @_sc_scatter_body(%arg0: i32, %arg1: i32, %arg2: memref<323584x128xf32, #tpu.memory_space<hbm>>, %arg3: memref<32x79x128xi32, #tpu.memory_space<hbm>>, %arg4: memref<2x10240x128xf32, #tpu.memory_space<hbm>>, %arg5: memref<10240x128xf32, #tpu.memory_space<vmem_shared>>, %arg6: memref<79x128xi32, #tpu.memory_space<vmem>>, %arg7: memref<2x128x128xf32, #tpu.memory_space<vmem>>, %arg8: memref<16x128xf32, #tpu.memory_space<vmem>>, %arg9: memref<!tpu.dma_semaphore, #tpu.memory_space<semaphore_mem>>, %arg10: memref<!tpu.dma_semaphore, #tpu.memory_space<semaphore_mem>>, %arg11: memref<!tpu.dma_semaphore, #tpu.memory_space<semaphore_mem>>, %arg12: memref<!tpu.dma_semaphore, #tpu.memory_space<semaphore_mem>>) attributes {dimension_semantics = [#tpu.dimension_semantics<core_parallel>, #tpu.dimension_semantics<subcore_parallel>], iteration_bounds = array<i64: 2, 16>, scalar_prefetch = 0 : i64, scratch_operands = 8 : i64, tpu.core_type = #tpu.core_type<sc_vector_subcore>, window_params = [{transform_indices = #map}, {transform_indices = #map1}, {transform_indices = #map1}]} {
    %mul3A = arith.constant 2 : i32
    %mul3A_0 = arith.muli %arg1, %mul3A : i32
    %add3A = arith.addi %mul3A_0, %arg0 : i32
    %mul3A_1 = arith.constant 10112 : i32
    %mul3A_2 = arith.muli %add3A, %mul3A_1 : i32
    %broadcast_in_dim3A = arith.constant 0.000000e+00 : f32
    %broadcast_in_dim3A_3 = vector.broadcast %broadcast_in_dim3A : f32 to vector<16xf32>
    %swap3A = arith.constant 0 : i32
    %swap3A_4 = arith.index_cast %swap3A : i32 to index
    %swap3A_5 = arith.constant 0 : index
    %swap3A_6 = tpu.vector_load %arg8[%swap3A_4, %swap3A_5] {strides = array<i32>} : memref<16x128xf32, #tpu.memory_space<vmem>>, vector<16xf32>,
    tpu.vector_store %arg8[%swap3A_4, %swap3A_5], %broadcast_in_dim3A_3 {strides = array<i32>} : memref<16x128xf32, #tpu.memory_space<vmem>>, vector<16xf32>,
    %swap3A_7 = arith.constant 0 : i32
    %swap3A_8 = arith.index_cast %swap3A_7 : i32 to index
    %swap3A_9 = arith.constant 16 : index
    %swap3A_10 = tpu.vector_load %arg8[%swap3A_8, %swap3A_9] {strides = array<i32>} : memref<16x128xf32, #tpu.memory_space<vmem>>, vector<16xf32>,
    tpu.vector_store %arg8[%swap3A_8, %swap3A_9], %broadcast_in_dim3A_3 {strides = array<i32>} : memref<16x128xf32, #tpu.memory_space<vmem>>, vector<16xf32>,
    %swap3A_11 = arith.constant 0 : i32
    %swap3A_12 = arith.index_cast %swap3A_11 : i32 to index
    %swap3A_13 = arith.constant 32 : index
    %swap3A_14 = tpu.vector_load %arg8[%swap3A_12, %swap3A_13] {strides = array<i32>} : memref<16x128xf32, #tpu.memory_space<vmem>>, vector<16xf32>,
    tpu.vector_store %arg8[%swap3A_12, %swap3A_13], %broadcast_in_dim3A_3 {strides = array<i32>} : memref<16x128xf32, #tpu.memory_space<vmem>>, vector<16xf32>,
    %swap3A_15 = arith.constant 0 : i32
    %swap3A_16 = arith.index_cast %swap3A_15 : i32 to index
    %swap3A_17 = arith.constant 48 : index
    %swap3A_18 = tpu.vector_load %arg8[%swap3A_16, %swap3A_17] {strides = array<i32>} : memref<16x128xf32, #tpu.memory_space<vmem>>, vector<16xf32>,
    tpu.vector_store %arg8[%swap3A_16, %swap3A_17], %broadcast_in_dim3A_3 {strides = array<i32>} : memref<16x128xf32, #tpu.memory_space<vmem>>, vector<16xf32>,
    %swap3A_19 = arith.constant 0 : i32
    %swap3A_20 = arith.index_cast %swap3A_19 : i32 to index
    %swap3A_21 = arith.constant 64 : index
    %swap3A_22 = tpu.vector_load %arg8[%swap3A_20, %swap3A_21] {strides = array<i32>} : memref<16x128xf32, #tpu.memory_space<vmem>>, vector<16xf32>,
    tpu.vector_store %arg8[%swap3A_20, %swap3A_21], %broadcast_in_dim3A_3 {strides = array<i32>} : memref<16x128xf32, #tpu.memory_space<vmem>>, vector<16xf32>,
    %swap3A_23 = arith.constant 0 : i32
    %swap3A_24 = arith.index_cast %swap3A_23 : i32 to index
    %swap3A_25 = arith.constant 80 : index
    %swap3A_26 = tpu.vector_load %arg8[%swap3A_24, %swap3A_25] {strides = array<i32>} : memref<16x128xf32, #tpu.memory_space<vmem>>, vector<16xf32>,
    tpu.vector_store %arg8[%swap3A_24, %swap3A_25], %broadcast_in_dim3A_3 {strides = array<i32>} : memref<16x128xf32, #tpu.memory_space<vmem>>, vector<16xf32>,
    %swap3A_27 = arith.constant 0 : i32
    %swap3A_28 = arith.index_cast %swap3A_27 : i32 to index
    %swap3A_29 = arith.constant 96 : index
    %swap3A_30 = tpu.vector_load %arg8[%swap3A_28, %swap3A_29] {strides = array<i32>} : memref<16x128xf32, #tpu.memory_space<vmem>>, vector<16xf32>,
    tpu.vector_store %arg8[%swap3A_28, %swap3A_29], %broadcast_in_dim3A_3 {strides = array<i32>} : memref<16x128xf32, #tpu.memory_space<vmem>>, vector<16xf32>,
    %swap3A_31 = arith.constant 0 : i32
    %swap3A_32 = arith.index_cast %swap3A_31 : i32 to index
    %swap3A_33 = arith.constant 112 : index
    %swap3A_34 = tpu.vector_load %arg8[%swap3A_32, %swap3A_33] {strides = array<i32>} : memref<16x128xf32, #tpu.memory_space<vmem>>, vector<16xf32>,
    tpu.vector_store %arg8[%swap3A_32, %swap3A_33], %broadcast_in_dim3A_3 {strides = array<i32>} : memref<16x128xf32, #tpu.memory_space<vmem>>, vector<16xf32>,
    %swap3A_35 = arith.constant 1 : i32
    %swap3A_36 = arith.index_cast %swap3A_35 : i32 to index
    %swap3A_37 = arith.constant 0 : index
    %swap3A_38 = tpu.vector_load %arg8[%swap3A_36, %swap3A_37] {strides = array<i32>} : memref<16x128xf32, #tpu.memory_space<vmem>>, vector<16xf32>,
    tpu.vector_store %arg8[%swap3A_36, %swap3A_37], %broadcast_in_dim3A_3 {strides = array<i32>} : memref<16x128xf32, #tpu.memory_space<vmem>>, vector<16xf32>,
    %swap3A_39 = arith.constant 1 : i32
    %swap3A_40 = arith.index_cast %swap3A_39 : i32 to index
    %swap3A_41 = arith.constant 16 : index
    %swap3A_42 = tpu.vector_load %arg8[%swap3A_40, %swap3A_41] {strides = array<i32>} : memref<16x128xf32, #tpu.memory_space<vmem>>, vector<16xf32>,
    tpu.vector_store %arg8[%swap3A_40, %swap3A_41], %broadcast_in_dim3A_3 {strides = array<i32>} : memref<16x128xf32, #tpu.memory_space<vmem>>, vector<16xf32>,
    %swap3A_43 = arith.constant 1 : i32
    %swap3A_44 = arith.index_cast %swap3A_43 : i32 to index
    %swap3A_45 = arith.constant 32 : index
    %swap3A_46 = tpu.vector_load %arg8[%swap3A_44, %swap3A_45] {strides = array<i32>} : memref<16x128xf32, #tpu.memory_space<vmem>>, vector<16xf32>,
    tpu.vector_store %arg8[%swap3A_44, %swap3A_45], %broadcast_in_dim3A_3 {strides = array<i32>} : memref<16x128xf32, #tpu.memory_space<vmem>>, vector<16xf32>,
    %swap3A_47 = arith.constant 1 : i32
    %swap3A_48 = arith.index_cast %swap3A_47 : i32 to index
    %swap3A_49 = arith.constant 48 : index
    %swap3A_50 = tpu.vector_load %arg8[%swap3A_48, %swap3A_49] {strides = array<i32>} : memref<16x128xf32, #tpu.memory_space<vmem>>, vector<16xf32>,
    tpu.vector_store %arg8[%swap3A_48, %swap3A_49], %broadcast_in_dim3A_3 {strides = array<i32>} : memref<16x128xf32, #tpu.memory_space<vmem>>, vector<16xf32>,
    %swap3A_51 = arith.constant 1 : i32
    %swap3A_52 = arith.index_cast %swap3A_51 : i32 to index
    %swap3A_53 = arith.constant 64 : index
    %swap3A_54 = tpu.vector_load %arg8[%swap3A_52, %swap3A_53] {strides = array<i32>} : memref<16x128xf32, #tpu.memory_space<vmem>>, vector<16xf32>,
    tpu.vector_store %arg8[%swap3A_52, %swap3A_53], %broadcast_in_dim3A_3 {strides = array<i32>} : memref<16x128xf32, #tpu.memory_space<vmem>>, vector<16xf32>,
    %swap3A_55 = arith.constant 1 : i32
    %swap3A_56 = arith.index_cast %swap3A_55 : i32 to index
    %swap3A_57 = arith.constant 80 : index
    %swap3A_58 = tpu.vector_load %arg8[%swap3A_56, %swap3A_57] {strides = array<i32>} : memref<16x128xf32, #tpu.memory_space<vmem>>, vector<16xf32>,
    tpu.vector_store %arg8[%swap3A_56, %swap3A_57], %broadcast_in_dim3A_3 {strides = array<i32>} : memref<16x128xf32, #tpu.memory_space<vmem>>, vector<16xf32>,
    %swap3A_59 = arith.constant 1 : i32
    %swap3A_60 = arith.index_cast %swap3A_59 : i32 to index
    %swap3A_61 = arith.constant 96 : index
    %swap3A_62 = tpu.vector_load %arg8[%swap3A_60, %swap3A_61] {strides = array<i32>} : memref<16x128xf32, #tpu.memory_space<vmem>>, vector<16xf32>,
    tpu.vector_store %arg8[%swap3A_60, %swap3A_61], %broadcast_in_dim3A_3 {strides = array<i32>} : memref<16x128xf32, #tpu.memory_space<vmem>>, vector<16xf32>,
    %swap3A_63 = arith.constant 1 : i32
    %swap3A_64 = arith.index_cast %swap3A_63 : i32 to index
    %swap3A_65 = arith.constant 112 : index
    %swap3A_66 = tpu.vector_load %arg8[%swap3A_64, %swap3A_65] {strides = array<i32>} : memref<16x128xf32, #tpu.memory_space<vmem>>, vector<16xf32>,
    tpu.vector_store %arg8[%swap3A_64, %swap3A_65], %broadcast_in_dim3A_3 {strides = array<i32>} : memref<16x128xf32, #tpu.memory_space<vmem>>, vector<16xf32>,
    %swap3A_67 = arith.constant 2 : i32
    %swap3A_68 = arith.index_cast %swap3A_67 : i32 to index
    %swap3A_69 = arith.constant 0 : index
    %swap3A_70 = tpu.vector_load %arg8[%swap3A_68, %swap3A_69] {strides = array<i32>} : memref<16x128xf32, #tpu.memory_space<vmem>>, vector<16xf32>,
    tpu.vector_store %arg8[%swap3A_68, %swap3A_69], %broadcast_in_dim3A_3 {strides = array<i32>} : memref<16x128xf32, #tpu.memory_space<vmem>>, vector<16xf32>,
    %swap3A_71 = arith.constant 2 : i32
    %swap3A_72 = arith.index_cast %swap3A_71 : i32 to index
    %swap3A_73 = arith.constant 16 : index
    %swap3A_74 = tpu.vector_load %arg8[%swap3A_72, %swap3A_73] {strides = array<i32>} : memref<16x128xf32, #tpu.memory_space<vmem>>, vector<16xf32>,
    tpu.vector_store %arg8[%swap3A_72, %swap3A_73], %broadcast_in_dim3A_3 {strides = array<i32>} : memref<16x128xf32, #tpu.memory_space<vmem>>, vector<16xf32>,
    %swap3A_75 = arith.constant 2 : i32
    %swap3A_76 = arith.index_cast %swap3A_75 : i32 to index
    %swap3A_77 = arith.constant 32 : index
    %swap3A_78 = tpu.vector_load %arg8[%swap3A_76, %swap3A_77] {strides = array<i32>} : memref<16x128xf32, #tpu.memory_space<vmem>>, vector<16xf32>,
    tpu.vector_store %arg8[%swap3A_76, %swap3A_77], %broadcast_in_dim3A_3 {strides = array<i32>} : memref<16x128xf32, #tpu.memory_space<vmem>>, vector<16xf32>,
    %swap3A_79 = arith.constant 2 : i32
    %swap3A_80 = arith.index_cast %swap3A_79 : i32 to index
    %swap3A_81 = arith.constant 48 : index
    %swap3A_82 = tpu.vector_load %arg8[%swap3A_80, %swap3A_81] {strides = array<i32>} : memref<16x128xf32, #tpu.memory_space<vmem>>, vector<16xf32>,
    tpu.vector_store %arg8[%swap3A_80, %swap3A_81], %broadcast_in_dim3A_3 {strides = array<i32>} : memref<16x128xf32, #tpu.memory_space<vmem>>, vector<16xf32>,
    %swap3A_83 = arith.constant 2 : i32
    %swap3A_84 = arith.index_cast %swap3A_83 : i32 to index
    %swap3A_85 = arith.constant 64 : index
    %swap3A_86 = tpu.vector_load %arg8[%swap3A_84, %swap3A_85] {strides = array<i32>} : memref<16x128xf32, #tpu.memory_space<vmem>>, vector<16xf32>,
    tpu.vector_store %arg8[%swap3A_84, %swap3A_85], %broadcast_in_dim3A_3 {strides = array<i32>} : memref<16x128xf32, #tpu.memory_space<vmem>>, vector<16xf32>,
    %swap3A_87 = arith.constant 2 : i32
    %swap3A_88 = arith.index_cast %swap3A_87 : i32 to index
    %swap3A_89 = arith.constant 80 : index
    %swap3A_90 = tpu.vector_load %arg8[%swap3A_88, %swap3A_89] {strides = array<i32>} : memref<16x128xf32, #tpu.memory_space<vmem>>, vector<16xf32>,
    tpu.vector_store %arg8[%swap3A_88, %swap3A_89], %broadcast_in_dim3A_3 {strides = array<i32>} : memref<16x128xf32, #tpu.memory_space<vmem>>, vector<16xf32>,
    %swap3A_91 = arith.constant 2 : i32
    %swap3A_92 = arith.index_cast %swap3A_91 : i32 to index
    %swap3A_93 = arith.constant 96 : index
    %swap3A_94 = tpu.vector_load %arg8[%swap3A_92, %swap3A_93] {strides = array<i32>} : memref<16x128xf32, #tpu.memory_space<vmem>>, vector<16xf32>,
    tpu.vector_store %arg8[%swap3A_92, %swap3A_93], %broadcast_in_dim3A_3 {strides = array<i32>} : memref<16x128xf32, #tpu.memory_space<vmem>>, vector<16xf32>,
    %swap3A_95 = arith.constant 2 : i32
    %swap3A_96 = arith.index_cast %swap3A_95 : i32 to index
    %swap3A_97 = arith.constant 112 : index
    %swap3A_98 = tpu.vector_load %arg8[%swap3A_96, %swap3A_97] {strides = array<i32>} : memref<16x128xf32, #tpu.memory_space<vmem>>, vector<16xf32>,
    tpu.vector_store %arg8[%swap3A_96, %swap3A_97], %broadcast_in_dim3A_3 {strides = array<i32>} : memref<16x128xf32, #tpu.memory_space<vmem>>, vector<16xf32>,
    %swap3A_99 = arith.constant 3 : i32
    %swap3A_100 = arith.index_cast %swap3A_99 : i32 to index
    %swap3A_101 = arith.constant 0 : index
    %swap3A_102 = tpu.vector_load %arg8[%swap3A_100, %swap3A_101] {strides = array<i32>} : memref<16x128xf32, #tpu.memory_space<vmem>>, vector<16xf32>,
    tpu.vector_store %arg8[%swap3A_100, %swap3A_101], %broadcast_in_dim3A_3 {strides = array<i32>} : memref<16x128xf32, #tpu.memory_space<vmem>>, vector<16xf32>,
    %swap3A_103 = arith.constant 3 : i32
    %swap3A_104 = arith.index_cast %swap3A_103 : i32 to index
    %swap3A_105 = arith.constant 16 : index
    %swap3A_106 = tpu.vector_load %arg8[%swap3A_104, %swap3A_105] {strides = array<i32>} : memref<16x128xf32, #tpu.memory_space<vmem>>, vector<16xf32>,
    tpu.vector_store %arg8[%swap3A_104, %swap3A_105], %broadcast_in_dim3A_3 {strides = array<i32>} : memref<16x128xf32, #tpu.memory_space<vmem>>, vector<16xf32>,
    %swap3A_107 = arith.constant 3 : i32
    %swap3A_108 = arith.index_cast %swap3A_107 : i32 to index
    %swap3A_109 = arith.constant 32 : index
    %swap3A_110 = tpu.vector_load %arg8[%swap3A_108, %swap3A_109] {strides = array<i32>} : memref<16x128xf32, #tpu.memory_space<vmem>>, vector<16xf32>,
    tpu.vector_store %arg8[%swap3A_108, %swap3A_109], %broadcast_in_dim3A_3 {strides = array<i32>} : memref<16x128xf32, #tpu.memory_space<vmem>>, vector<16xf32>,
    %swap3A_111 = arith.constant 3 : i32
    %swap3A_112 = arith.index_cast %swap3A_111 : i32 to index
    %swap3A_113 = arith.constant 48 : index
    %swap3A_114 = tpu.vector_load %arg8[%swap3A_112, %swap3A_113] {strides = array<i32>} : memref<16x128xf32, #tpu.memory_space<vmem>>, vector<16xf32>,
    tpu.vector_store %arg8[%swap3A_112, %swap3A_113], %broadcast_in_dim3A_3 {strides = array<i32>} : memref<16x128xf32, #tpu.memory_space<vmem>>, vector<16xf32>,
    %swap3A_115 = arith.constant 3 : i32
    %swap3A_116 = arith.index_cast %swap3A_115 : i32 to index
    %swap3A_117 = arith.constant 64 : index
    %swap3A_118 = tpu.vector_load %arg8[%swap3A_116, %swap3A_117] {strides = array<i32>} : memref<16x128xf32, #tpu.memory_space<vmem>>, vector<16xf32>,
    tpu.vector_store %arg8[%swap3A_116, %swap3A_117], %broadcast_in_dim3A_3 {strides = array<i32>} : memref<16x128xf32, #tpu.memory_space<vmem>>, vector<16xf32>,
    %swap3A_119 = arith.constant 3 : i32
    %swap3A_120 = arith.index_cast %swap3A_119 : i32 to index
    %swap3A_121 = arith.constant 80 : index
    %swap3A_122 = tpu.vector_load %arg8[%swap3A_120, %swap3A_121] {strides = array<i32>} : memref<16x128xf32, #tpu.memory_space<vmem>>, vector<16xf32>,
    tpu.vector_store %arg8[%swap3A_120, %swap3A_121], %broadcast_in_dim3A_3 {strides = array<i32>} : memref<16x128xf32, #tpu.memory_space<vmem>>, vector<16xf32>,
    %swap3A_123 = arith.constant 3 : i32
    %swap3A_124 = arith.index_cast %swap3A_123 : i32 to index
    %swap3A_125 = arith.constant 96 : index
    %swap3A_126 = tpu.vector_load %arg8[%swap3A_124, %swap3A_125] {strides = array<i32>} : memref<16x128xf32, #tpu.memory_space<vmem>>, vector<16xf32>,
    tpu.vector_store %arg8[%swap3A_124, %swap3A_125], %broadcast_in_dim3A_3 {strides = array<i32>} : memref<16x128xf32, #tpu.memory_space<vmem>>, vector<16xf32>,
    %swap3A_127 = arith.constant 3 : i32
    %swap3A_128 = arith.index_cast %swap3A_127 : i32 to index
    %swap3A_129 = arith.constant 112 : index
    %swap3A_130 = tpu.vector_load %arg8[%swap3A_128, %swap3A_129] {strides = array<i32>} : memref<16x128xf32, #tpu.memory_space<vmem>>, vector<16xf32>,
    tpu.vector_store %arg8[%swap3A_128, %swap3A_129], %broadcast_in_dim3A_3 {strides = array<i32>} : memref<16x128xf32, #tpu.memory_space<vmem>>, vector<16xf32>,
    %swap3A_131 = arith.constant 4 : i32
    %swap3A_132 = arith.index_cast %swap3A_131 : i32 to index
    %swap3A_133 = arith.constant 0 : index
    %swap3A_134 = tpu.vector_load %arg8[%swap3A_132, %swap3A_133] {strides = array<i32>} : memref<16x128xf32, #tpu.memory_space<vmem>>, vector<16xf32>,
    tpu.vector_store %arg8[%swap3A_132, %swap3A_133], %broadcast_in_dim3A_3 {strides = array<i32>} : memref<16x128xf32, #tpu.memory_space<vmem>>, vector<16xf32>,
    %swap3A_135 = arith.constant 4 : i32
    %swap3A_136 = arith.index_cast %swap3A_135 : i32 to index
    %swap3A_137 = arith.constant 16 : index
    %swap3A_138 = tpu.vector_load %arg8[%swap3A_136, %swap3A_137] {strides = array<i32>} : memref<16x128xf32, #tpu.memory_space<vmem>>, vector<16xf32>,
    tpu.vector_store %arg8[%swap3A_136, %swap3A_137], %broadcast_in_dim3A_3 {strides = array<i32>} : memref<16x128xf32, #tpu.memory_space<vmem>>, vector<16xf32>,
    %swap3A_139 = arith.constant 4 : i32
    %swap3A_140 = arith.index_cast %swap3A_139 : i32 to index
    %swap3A_141 = arith.constant 32 : index
    %swap3A_142 = tpu.vector_load %arg8[%swap3A_140, %swap3A_141] {strides = array<i32>} : memref<16x128xf32, #tpu.memory_space<vmem>>, vector<16xf32>,
    tpu.vector_store %arg8[%swap3A_140, %swap3A_141], %broadcast_in_dim3A_3 {strides = array<i32>} : memref<16x128xf32, #tpu.memory_space<vmem>>, vector<16xf32>,
    %swap3A_143 = arith.constant 4 : i32
    %swap3A_144 = arith.index_cast %swap3A_143 : i32 to index
    %swap3A_145 = arith.constant 48 : index
    %swap3A_146 = tpu.vector_load %arg8[%swap3A_144, %swap3A_145] {strides = array<i32>} : memref<16x128xf32, #tpu.memory_space<vmem>>, vector<16xf32>,
    tpu.vector_store %arg8[%swap3A_144, %swap3A_145], %broadcast_in_dim3A_3 {strides = array<i32>} : memref<16x128xf32, #tpu.memory_space<vmem>>, vector<16xf32>,
    %swap3A_147 = arith.constant 4 : i32
    %swap3A_148 = arith.index_cast %swap3A_147 : i32 to index
    %swap3A_149 = arith.constant 64 : index
    %swap3A_150 = tpu.vector_load %arg8[%swap3A_148, %swap3A_149] {strides = array<i32>} : memref<16x128xf32, #tpu.memory_space<vmem>>, vector<16xf32>,
    tpu.vector_store %arg8[%swap3A_148, %swap3A_149], %broadcast_in_dim3A_3 {strides = array<i32>} : memref<16x128xf32, #tpu.memory_space<vmem>>, vector<16xf32>,
    %swap3A_151 = arith.constant 4 : i32
    %swap3A_152 = arith.index_cast %swap3A_151 : i32 to index
    %swap3A_153 = arith.constant 80 : index
    %swap3A_154 = tpu.vector_load %arg8[%swap3A_152, %swap3A_153] {strides = array<i32>} : memref<16x128xf32, #tpu.memory_space<vmem>>, vector<16xf32>,
    tpu.vector_store %arg8[%swap3A_152, %swap3A_153], %broadcast_in_dim3A_3 {strides = array<i32>} : memref<16x128xf32, #tpu.memory_space<vmem>>, vector<16xf32>,
    %swap3A_155 = arith.constant 4 : i32
    %swap3A_156 = arith.index_cast %swap3A_155 : i32 to index
    %swap3A_157 = arith.constant 96 : index
    %swap3A_158 = tpu.vector_load %arg8[%swap3A_156, %swap3A_157] {strides = array<i32>} : memref<16x128xf32, #tpu.memory_space<vmem>>, vector<16xf32>,
    tpu.vector_store %arg8[%swap3A_156, %swap3A_157], %broadcast_in_dim3A_3 {strides = array<i32>} : memref<16x128xf32, #tpu.memory_space<vmem>>, vector<16xf32>,
    %swap3A_159 = arith.constant 4 : i32
    %swap3A_160 = arith.index_cast %swap3A_159 : i32 to index
    %swap3A_161 = arith.constant 112 : index
    %swap3A_162 = tpu.vector_load %arg8[%swap3A_160, %swap3A_161] {strides = array<i32>} : memref<16x128xf32, #tpu.memory_space<vmem>>, vector<16xf32>,
    tpu.vector_store %arg8[%swap3A_160, %swap3A_161], %broadcast_in_dim3A_3 {strides = array<i32>} : memref<16x128xf32, #tpu.memory_space<vmem>>, vector<16xf32>,
    %swap3A_163 = arith.constant 5 : i32
    %swap3A_164 = arith.index_cast %swap3A_163 : i32 to index
    %swap3A_165 = arith.constant 0 : index
    %swap3A_166 = tpu.vector_load %arg8[%swap3A_164, %swap3A_165] {strides = array<i32>} : memref<16x128xf32, #tpu.memory_space<vmem>>, vector<16xf32>,
    tpu.vector_store %arg8[%swap3A_164, %swap3A_165], %broadcast_in_dim3A_3 {strides = array<i32>} : memref<16x128xf32, #tpu.memory_space<vmem>>, vector<16xf32>,
    %swap3A_167 = arith.constant 5 : i32
    %swap3A_168 = arith.index_cast %swap3A_167 : i32 to index
    %swap3A_169 = arith.constant 16 : index
    %swap3A_170 = tpu.vector_load %arg8[%swap3A_168, %swap3A_169] {strides = array<i32>} : memref<16x128xf32, #tpu.memory_space<vmem>>, vector<16xf32>,
    tpu.vector_store %arg8[%swap3A_168, %swap3A_169], %broadcast_in_dim3A_3 {strides = array<i32>} : memref<16x128xf32, #tpu.memory_space<vmem>>, vector<16xf32>,
    %swap3A_171 = arith.constant 5 : i32
    %swap3A_172 = arith.index_cast %swap3A_171 : i32 to index
    %swap3A_173 = arith.constant 32 : index
    %swap3A_174 = tpu.vector_load %arg8[%swap3A_172, %swap3A_173] {strides = array<i32>} : memref<16x128xf32, #tpu.memory_space<vmem>>, vector<16xf32>,
    tpu.vector_store %arg8[%swap3A_172, %swap3A_173], %broadcast_in_dim3A_3 {strides = array<i32>} : memref<16x128xf32, #tpu.memory_space<vmem>>, vector<16xf32>,
    %swap3A_175 = arith.constant 5 : i32
    %swap3A_176 = arith.index_cast %swap3A_175 : i32 to index
    %swap3A_177 = arith.constant 48 : index
    %swap3A_178 = tpu.vector_load %arg8[%swap3A_176, %swap3A_177] {strides = array<i32>} : memref<16x128xf32, #tpu.memory_space<vmem>>, vector<16xf32>,
    tpu.vector_store %arg8[%swap3A_176, %swap3A_177], %broadcast_in_dim3A_3 {strides = array<i32>} : memref<16x128xf32, #tpu.memory_space<vmem>>, vector<16xf32>,
    %swap3A_179 = arith.constant 5 : i32
    %swap3A_180 = arith.index_cast %swap3A_179 : i32 to index
    %swap3A_181 = arith.constant 64 : index
    %swap3A_182 = tpu.vector_load %arg8[%swap3A_180, %swap3A_181] {strides = array<i32>} : memref<16x128xf32, #tpu.memory_space<vmem>>, vector<16xf32>,
    tpu.vector_store %arg8[%swap3A_180, %swap3A_181], %broadcast_in_dim3A_3 {strides = array<i32>} : memref<16x128xf32, #tpu.memory_space<vmem>>, vector<16xf32>,
    %swap3A_183 = arith.constant 5 : i32
    %swap3A_184 = arith.index_cast %swap3A_183 : i32 to index
    %swap3A_185 = arith.constant 80 : index
    %swap3A_186 = tpu.vector_load %arg8[%swap3A_184, %swap3A_185] {strides = array<i32>} : memref<16x128xf32, #tpu.memory_space<vmem>>, vector<16xf32>,
    tpu.vector_store %arg8[%swap3A_184, %swap3A_185], %broadcast_in_dim3A_3 {strides = array<i32>} : memref<16x128xf32, #tpu.memory_space<vmem>>, vector<16xf32>,
    %swap3A_187 = arith.constant 5 : i32
    %swap3A_188 = arith.index_cast %swap3A_187 : i32 to index
    %swap3A_189 = arith.constant 96 : index
    %swap3A_190 = tpu.vector_load %arg8[%swap3A_188, %swap3A_189] {strides = array<i32>} : memref<16x128xf32, #tpu.memory_space<vmem>>, vector<16xf32>,
    tpu.vector_store %arg8[%swap3A_188, %swap3A_189], %broadcast_in_dim3A_3 {strides = array<i32>} : memref<16x128xf32, #tpu.memory_space<vmem>>, vector<16xf32>,
    %swap3A_191 = arith.constant 5 : i32
    %swap3A_192 = arith.index_cast %swap3A_191 : i32 to index
    %swap3A_193 = arith.constant 112 : index
    %swap3A_194 = tpu.vector_load %arg8[%swap3A_192, %swap3A_193] {strides = array<i32>} : memref<16x128xf32, #tpu.memory_space<vmem>>, vector<16xf32>,
    tpu.vector_store %arg8[%swap3A_192, %swap3A_193], %broadcast_in_dim3A_3 {strides = array<i32>} : memref<16x128xf32, #tpu.memory_space<vmem>>, vector<16xf32>,
    %swap3A_195 = arith.constant 6 : i32
    %swap3A_196 = arith.index_cast %swap3A_195 : i32 to index
    %swap3A_197 = arith.constant 0 : index
    %swap3A_198 = tpu.vector_load %arg8[%swap3A_196, %swap3A_197] {strides = array<i32>} : memref<16x128xf32, #tpu.memory_space<vmem>>, vector<16xf32>,
    tpu.vector_store %arg8[%swap3A_196, %swap3A_197], %broadcast_in_dim3A_3 {strides = array<i32>} : memref<16x128xf32, #tpu.memory_space<vmem>>, vector<16xf32>,
    %swap3A_199 = arith.constant 6 : i32
    %swap3A_200 = arith.index_cast %swap3A_199 : i32 to index
    %swap3A_201 = arith.constant 16 : index
    %swap3A_202 = tpu.vector_load %arg8[%swap3A_200, %swap3A_201] {strides = array<i32>} : memref<16x128xf32, #tpu.memory_space<vmem>>, vector<16xf32>,
    tpu.vector_store %arg8[%swap3A_200, %swap3A_201], %broadcast_in_dim3A_3 {strides = array<i32>} : memref<16x128xf32, #tpu.memory_space<vmem>>, vector<16xf32>,
    %swap3A_203 = arith.constant 6 : i32
    %swap3A_204 = arith.index_cast %swap3A_203 : i32 to index
    %swap3A_205 = arith.constant 32 : index
    %swap3A_206 = tpu.vector_load %arg8[%swap3A_204, %swap3A_205] {strides = array<i32>} : memref<16x128xf32, #tpu.memory_space<vmem>>, vector<16xf32>,
    tpu.vector_store %arg8[%swap3A_204, %swap3A_205], %broadcast_in_dim3A_3 {strides = array<i32>} : memref<16x128xf32, #tpu.memory_space<vmem>>, vector<16xf32>,
    %swap3A_207 = arith.constant 6 : i32
    %swap3A_208 = arith.index_cast %swap3A_207 : i32 to index
    %swap3A_209 = arith.constant 48 : index
    %swap3A_210 = tpu.vector_load %arg8[%swap3A_208, %swap3A_209] {strides = array<i32>} : memref<16x128xf32, #tpu.memory_space<vmem>>, vector<16xf32>,
    tpu.vector_store %arg8[%swap3A_208, %swap3A_209], %broadcast_in_dim3A_3 {strides = array<i32>} : memref<16x128xf32, #tpu.memory_space<vmem>>, vector<16xf32>,
    %swap3A_211 = arith.constant 6 : i32
    %swap3A_212 = arith.index_cast %swap3A_211 : i32 to index
    %swap3A_213 = arith.constant 64 : index
    %swap3A_214 = tpu.vector_load %arg8[%swap3A_212, %swap3A_213] {strides = array<i32>} : memref<16x128xf32, #tpu.memory_space<vmem>>, vector<16xf32>,
    tpu.vector_store %arg8[%swap3A_212, %swap3A_213], %broadcast_in_dim3A_3 {strides = array<i32>} : memref<16x128xf32, #tpu.memory_space<vmem>>, vector<16xf32>,
    %swap3A_215 = arith.constant 6 : i32
    %swap3A_216 = arith.index_cast %swap3A_215 : i32 to index
    %swap3A_217 = arith.constant 80 : index
    %swap3A_218 = tpu.vector_load %arg8[%swap3A_216, %swap3A_217] {strides = array<i32>} : memref<16x128xf32, #tpu.memory_space<vmem>>, vector<16xf32>,
    tpu.vector_store %arg8[%swap3A_216, %swap3A_217], %broadcast_in_dim3A_3 {strides = array<i32>} : memref<16x128xf32, #tpu.memory_space<vmem>>, vector<16xf32>,
    %swap3A_219 = arith.constant 6 : i32
    %swap3A_220 = arith.index_cast %swap3A_219 : i32 to index
    %swap3A_221 = arith.constant 96 : index
    %swap3A_222 = tpu.vector_load %arg8[%swap3A_220, %swap3A_221] {strides = array<i32>} : memref<16x128xf32, #tpu.memory_space<vmem>>, vector<16xf32>,
    tpu.vector_store %arg8[%swap3A_220, %swap3A_221], %broadcast_in_dim3A_3 {strides = array<i32>} : memref<16x128xf32, #tpu.memory_space<vmem>>, vector<16xf32>,
    %swap3A_223 = arith.constant 6 : i32
    %swap3A_224 = arith.index_cast %swap3A_223 : i32 to index
    %swap3A_225 = arith.constant 112 : index
    %swap3A_226 = tpu.vector_load %arg8[%swap3A_224, %swap3A_225] {strides = array<i32>} : memref<16x128xf32, #tpu.memory_space<vmem>>, vector<16xf32>,
    tpu.vector_store %arg8[%swap3A_224, %swap3A_225], %broadcast_in_dim3A_3 {strides = array<i32>} : memref<16x128xf32, #tpu.memory_space<vmem>>, vector<16xf32>,
    %swap3A_227 = arith.constant 7 : i32
    %swap3A_228 = arith.index_cast %swap3A_227 : i32 to index
    %swap3A_229 = arith.constant 0 : index
    %swap3A_230 = tpu.vector_load %arg8[%swap3A_228, %swap3A_229] {strides = array<i32>} : memref<16x128xf32, #tpu.memory_space<vmem>>, vector<16xf32>,
    tpu.vector_store %arg8[%swap3A_228, %swap3A_229], %broadcast_in_dim3A_3 {strides = array<i32>} : memref<16x128xf32, #tpu.memory_space<vmem>>, vector<16xf32>,
    %swap3A_231 = arith.constant 7 : i32
    %swap3A_232 = arith.index_cast %swap3A_231 : i32 to index
    %swap3A_233 = arith.constant 16 : index
    %swap3A_234 = tpu.vector_load %arg8[%swap3A_232, %swap3A_233] {strides = array<i32>} : memref<16x128xf32, #tpu.memory_space<vmem>>, vector<16xf32>,
    tpu.vector_store %arg8[%swap3A_232, %swap3A_233], %broadcast_in_dim3A_3 {strides = array<i32>} : memref<16x128xf32, #tpu.memory_space<vmem>>, vector<16xf32>,
    %swap3A_235 = arith.constant 7 : i32
    %swap3A_236 = arith.index_cast %swap3A_235 : i32 to index
    %swap3A_237 = arith.constant 32 : index
    %swap3A_238 = tpu.vector_load %arg8[%swap3A_236, %swap3A_237] {strides = array<i32>} : memref<16x128xf32, #tpu.memory_space<vmem>>, vector<16xf32>,
    tpu.vector_store %arg8[%swap3A_236, %swap3A_237], %broadcast_in_dim3A_3 {strides = array<i32>} : memref<16x128xf32, #tpu.memory_space<vmem>>, vector<16xf32>,
    %swap3A_239 = arith.constant 7 : i32
    %swap3A_240 = arith.index_cast %swap3A_239 : i32 to index
    %swap3A_241 = arith.constant 48 : index
    %swap3A_242 = tpu.vector_load %arg8[%swap3A_240, %swap3A_241] {strides = array<i32>} : memref<16x128xf32, #tpu.memory_space<vmem>>, vector<16xf32>,
    tpu.vector_store %arg8[%swap3A_240, %swap3A_241], %broadcast_in_dim3A_3 {strides = array<i32>} : memref<16x128xf32, #tpu.memory_space<vmem>>, vector<16xf32>,
    %swap3A_243 = arith.constant 7 : i32
    %swap3A_244 = arith.index_cast %swap3A_243 : i32 to index
    %swap3A_245 = arith.constant 64 : index
    %swap3A_246 = tpu.vector_load %arg8[%swap3A_244, %swap3A_245] {strides = array<i32>} : memref<16x128xf32, #tpu.memory_space<vmem>>, vector<16xf32>,
    tpu.vector_store %arg8[%swap3A_244, %swap3A_245], %broadcast_in_dim3A_3 {strides = array<i32>} : memref<16x128xf32, #tpu.memory_space<vmem>>, vector<16xf32>,
    %swap3A_247 = arith.constant 7 : i32
    %swap3A_248 = arith.index_cast %swap3A_247 : i32 to index
    %swap3A_249 = arith.constant 80 : index
    %swap3A_250 = tpu.vector_load %arg8[%swap3A_248, %swap3A_249] {strides = array<i32>} : memref<16x128xf32, #tpu.memory_space<vmem>>, vector<16xf32>,
    tpu.vector_store %arg8[%swap3A_248, %swap3A_249], %broadcast_in_dim3A_3 {strides = array<i32>} : memref<16x128xf32, #tpu.memory_space<vmem>>, vector<16xf32>,
    %swap3A_251 = arith.constant 7 : i32
    %swap3A_252 = arith.index_cast %swap3A_251 : i32 to index
    %swap3A_253 = arith.constant 96 : index
    %swap3A_254 = tpu.vector_load %arg8[%swap3A_252, %swap3A_253] {strides = array<i32>} : memref<16x128xf32, #tpu.memory_space<vmem>>, vector<16xf32>,
    tpu.vector_store %arg8[%swap3A_252, %swap3A_253], %broadcast_in_dim3A_3 {strides = array<i32>} : memref<16x128xf32, #tpu.memory_space<vmem>>, vector<16xf32>,
    %swap3A_255 = arith.constant 7 : i32
    %swap3A_256 = arith.index_cast %swap3A_255 : i32 to index
    %swap3A_257 = arith.constant 112 : index
    %swap3A_258 = tpu.vector_load %arg8[%swap3A_256, %swap3A_257] {strides = array<i32>} : memref<16x128xf32, #tpu.memory_space<vmem>>, vector<16xf32>,
    tpu.vector_store %arg8[%swap3A_256, %swap3A_257], %broadcast_in_dim3A_3 {strides = array<i32>} : memref<16x128xf32, #tpu.memory_space<vmem>>, vector<16xf32>,
    %swap3A_259 = arith.constant 8 : i32
    %swap3A_260 = arith.index_cast %swap3A_259 : i32 to index
    %swap3A_261 = arith.constant 0 : index
    %swap3A_262 = tpu.vector_load %arg8[%swap3A_260, %swap3A_261] {strides = array<i32>} : memref<16x128xf32, #tpu.memory_space<vmem>>, vector<16xf32>,
    tpu.vector_store %arg8[%swap3A_260, %swap3A_261], %broadcast_in_dim3A_3 {strides = array<i32>} : memref<16x128xf32, #tpu.memory_space<vmem>>, vector<16xf32>,
    %swap3A_263 = arith.constant 8 : i32
    %swap3A_264 = arith.index_cast %swap3A_263 : i32 to index
    %swap3A_265 = arith.constant 16 : index
    %swap3A_266 = tpu.vector_load %arg8[%swap3A_264, %swap3A_265] {strides = array<i32>} : memref<16x128xf32, #tpu.memory_space<vmem>>, vector<16xf32>,
    tpu.vector_store %arg8[%swap3A_264, %swap3A_265], %broadcast_in_dim3A_3 {strides = array<i32>} : memref<16x128xf32, #tpu.memory_space<vmem>>, vector<16xf32>,
    %swap3A_267 = arith.constant 8 : i32
    %swap3A_268 = arith.index_cast %swap3A_267 : i32 to index
    %swap3A_269 = arith.constant 32 : index
    %swap3A_270 = tpu.vector_load %arg8[%swap3A_268, %swap3A_269] {strides = array<i32>} : memref<16x128xf32, #tpu.memory_space<vmem>>, vector<16xf32>,
    tpu.vector_store %arg8[%swap3A_268, %swap3A_269], %broadcast_in_dim3A_3 {strides = array<i32>} : memref<16x128xf32, #tpu.memory_space<vmem>>, vector<16xf32>,
    %swap3A_271 = arith.constant 8 : i32
    %swap3A_272 = arith.index_cast %swap3A_271 : i32 to index
    %swap3A_273 = arith.constant 48 : index
    %swap3A_274 = tpu.vector_load %arg8[%swap3A_272, %swap3A_273] {strides = array<i32>} : memref<16x128xf32, #tpu.memory_space<vmem>>, vector<16xf32>,
    tpu.vector_store %arg8[%swap3A_272, %swap3A_273], %broadcast_in_dim3A_3 {strides = array<i32>} : memref<16x128xf32, #tpu.memory_space<vmem>>, vector<16xf32>,
    %swap3A_275 = arith.constant 8 : i32
    %swap3A_276 = arith.index_cast %swap3A_275 : i32 to index
    %swap3A_277 = arith.constant 64 : index
    %swap3A_278 = tpu.vector_load %arg8[%swap3A_276, %swap3A_277] {strides = array<i32>} : memref<16x128xf32, #tpu.memory_space<vmem>>, vector<16xf32>,
    tpu.vector_store %arg8[%swap3A_276, %swap3A_277], %broadcast_in_dim3A_3 {strides = array<i32>} : memref<16x128xf32, #tpu.memory_space<vmem>>, vector<16xf32>,
    %swap3A_279 = arith.constant 8 : i32
    %swap3A_280 = arith.index_cast %swap3A_279 : i32 to index
    %swap3A_281 = arith.constant 80 : index
    %swap3A_282 = tpu.vector_load %arg8[%swap3A_280, %swap3A_281] {strides = array<i32>} : memref<16x128xf32, #tpu.memory_space<vmem>>, vector<16xf32>,
    tpu.vector_store %arg8[%swap3A_280, %swap3A_281], %broadcast_in_dim3A_3 {strides = array<i32>} : memref<16x128xf32, #tpu.memory_space<vmem>>, vector<16xf32>,
    %swap3A_283 = arith.constant 8 : i32
    %swap3A_284 = arith.index_cast %swap3A_283 : i32 to index
    %swap3A_285 = arith.constant 96 : index
    %swap3A_286 = tpu.vector_load %arg8[%swap3A_284, %swap3A_285] {strides = array<i32>} : memref<16x128xf32, #tpu.memory_space<vmem>>, vector<16xf32>,
    tpu.vector_store %arg8[%swap3A_284, %swap3A_285], %broadcast_in_dim3A_3 {strides = array<i32>} : memref<16x128xf32, #tpu.memory_space<vmem>>, vector<16xf32>,
    %swap3A_287 = arith.constant 8 : i32
    %swap3A_288 = arith.index_cast %swap3A_287 : i32 to index
    %swap3A_289 = arith.constant 112 : index
    %swap3A_290 = tpu.vector_load %arg8[%swap3A_288, %swap3A_289] {strides = array<i32>} : memref<16x128xf32, #tpu.memory_space<vmem>>, vector<16xf32>,
    tpu.vector_store %arg8[%swap3A_288, %swap3A_289], %broadcast_in_dim3A_3 {strides = array<i32>} : memref<16x128xf32, #tpu.memory_space<vmem>>, vector<16xf32>,
    %swap3A_291 = arith.constant 9 : i32
    %swap3A_292 = arith.index_cast %swap3A_291 : i32 to index
    %swap3A_293 = arith.constant 0 : index
    %swap3A_294 = tpu.vector_load %arg8[%swap3A_292, %swap3A_293] {strides = array<i32>} : memref<16x128xf32, #tpu.memory_space<vmem>>, vector<16xf32>,
    tpu.vector_store %arg8[%swap3A_292, %swap3A_293], %broadcast_in_dim3A_3 {strides = array<i32>} : memref<16x128xf32, #tpu.memory_space<vmem>>, vector<16xf32>,
    %swap3A_295 = arith.constant 9 : i32
    %swap3A_296 = arith.index_cast %swap3A_295 : i32 to index
    %swap3A_297 = arith.constant 16 : index
    %swap3A_298 = tpu.vector_load %arg8[%swap3A_296, %swap3A_297] {strides = array<i32>} : memref<16x128xf32, #tpu.memory_space<vmem>>, vector<16xf32>,
    tpu.vector_store %arg8[%swap3A_296, %swap3A_297], %broadcast_in_dim3A_3 {strides = array<i32>} : memref<16x128xf32, #tpu.memory_space<vmem>>, vector<16xf32>,
    %swap3A_299 = arith.constant 9 : i32
    %swap3A_300 = arith.index_cast %swap3A_299 : i32 to index
    %swap3A_301 = arith.constant 32 : index
    %swap3A_302 = tpu.vector_load %arg8[%swap3A_300, %swap3A_301] {strides = array<i32>} : memref<16x128xf32, #tpu.memory_space<vmem>>, vector<16xf32>,
    tpu.vector_store %arg8[%swap3A_300, %swap3A_301], %broadcast_in_dim3A_3 {strides = array<i32>} : memref<16x128xf32, #tpu.memory_space<vmem>>, vector<16xf32>,
    %swap3A_303 = arith.constant 9 : i32
    %swap3A_304 = arith.index_cast %swap3A_303 : i32 to index
    %swap3A_305 = arith.constant 48 : index
    %swap3A_306 = tpu.vector_load %arg8[%swap3A_304, %swap3A_305] {strides = array<i32>} : memref<16x128xf32, #tpu.memory_space<vmem>>, vector<16xf32>,
    tpu.vector_store %arg8[%swap3A_304, %swap3A_305], %broadcast_in_dim3A_3 {strides = array<i32>} : memref<16x128xf32, #tpu.memory_space<vmem>>, vector<16xf32>,
    %swap3A_307 = arith.constant 9 : i32
    %swap3A_308 = arith.index_cast %swap3A_307 : i32 to index
    %swap3A_309 = arith.constant 64 : index
    %swap3A_310 = tpu.vector_load %arg8[%swap3A_308, %swap3A_309] {strides = array<i32>} : memref<16x128xf32, #tpu.memory_space<vmem>>, vector<16xf32>,
    tpu.vector_store %arg8[%swap3A_308, %swap3A_309], %broadcast_in_dim3A_3 {strides = array<i32>} : memref<16x128xf32, #tpu.memory_space<vmem>>, vector<16xf32>,
    %swap3A_311 = arith.constant 9 : i32
    %swap3A_312 = arith.index_cast %swap3A_311 : i32 to index
    %swap3A_313 = arith.constant 80 : index
    %swap3A_314 = tpu.vector_load %arg8[%swap3A_312, %swap3A_313] {strides = array<i32>} : memref<16x128xf32, #tpu.memory_space<vmem>>, vector<16xf32>,
    tpu.vector_store %arg8[%swap3A_312, %swap3A_313], %broadcast_in_dim3A_3 {strides = array<i32>} : memref<16x128xf32, #tpu.memory_space<vmem>>, vector<16xf32>,
    %swap3A_315 = arith.constant 9 : i32
    %swap3A_316 = arith.index_cast %swap3A_315 : i32 to index
    %swap3A_317 = arith.constant 96 : index
    %swap3A_318 = tpu.vector_load %arg8[%swap3A_316, %swap3A_317] {strides = array<i32>} : memref<16x128xf32, #tpu.memory_space<vmem>>, vector<16xf32>,
    tpu.vector_store %arg8[%swap3A_316, %swap3A_317], %broadcast_in_dim3A_3 {strides = array<i32>} : memref<16x128xf32, #tpu.memory_space<vmem>>, vector<16xf32>,
    %swap3A_319 = arith.constant 9 : i32
    %swap3A_320 = arith.index_cast %swap3A_319 : i32 to index
    %swap3A_321 = arith.constant 112 : index
    %swap3A_322 = tpu.vector_load %arg8[%swap3A_320, %swap3A_321] {strides = array<i32>} : memref<16x128xf32, #tpu.memory_space<vmem>>, vector<16xf32>,
    tpu.vector_store %arg8[%swap3A_320, %swap3A_321], %broadcast_in_dim3A_3 {strides = array<i32>} : memref<16x128xf32, #tpu.memory_space<vmem>>, vector<16xf32>,
    %swap3A_323 = arith.constant 10 : i32
    %swap3A_324 = arith.index_cast %swap3A_323 : i32 to index
    %swap3A_325 = arith.constant 0 : index
    %swap3A_326 = tpu.vector_load %arg8[%swap3A_324, %swap3A_325] {strides = array<i32>} : memref<16x128xf32, #tpu.memory_space<vmem>>, vector<16xf32>,
    tpu.vector_store %arg8[%swap3A_324, %swap3A_325], %broadcast_in_dim3A_3 {strides = array<i32>} : memref<16x128xf32, #tpu.memory_space<vmem>>, vector<16xf32>,
    %swap3A_327 = arith.constant 10 : i32
    %swap3A_328 = arith.index_cast %swap3A_327 : i32 to index
    %swap3A_329 = arith.constant 16 : index
    %swap3A_330 = tpu.vector_load %arg8[%swap3A_328, %swap3A_329] {strides = array<i32>} : memref<16x128xf32, #tpu.memory_space<vmem>>, vector<16xf32>,
    tpu.vector_store %arg8[%swap3A_328, %swap3A_329], %broadcast_in_dim3A_3 {strides = array<i32>} : memref<16x128xf32, #tpu.memory_space<vmem>>, vector<16xf32>,
    %swap3A_331 = arith.constant 10 : i32
    %swap3A_332 = arith.index_cast %swap3A_331 : i32 to index
    %swap3A_333 = arith.constant 32 : index
    %swap3A_334 = tpu.vector_load %arg8[%swap3A_332, %swap3A_333] {strides = array<i32>} : memref<16x128xf32, #tpu.memory_space<vmem>>, vector<16xf32>,
    tpu.vector_store %arg8[%swap3A_332, %swap3A_333], %broadcast_in_dim3A_3 {strides = array<i32>} : memref<16x128xf32, #tpu.memory_space<vmem>>, vector<16xf32>,
    %swap3A_335 = arith.constant 10 : i32
    %swap3A_336 = arith.index_cast %swap3A_335 : i32 to index
    %swap3A_337 = arith.constant 48 : index
    %swap3A_338 = tpu.vector_load %arg8[%swap3A_336, %swap3A_337] {strides = array<i32>} : memref<16x128xf32, #tpu.memory_space<vmem>>, vector<16xf32>,
    tpu.vector_store %arg8[%swap3A_336, %swap3A_337], %broadcast_in_dim3A_3 {strides = array<i32>} : memref<16x128xf32, #tpu.memory_space<vmem>>, vector<16xf32>,
    %swap3A_339 = arith.constant 10 : i32
    %swap3A_340 = arith.index_cast %swap3A_339 : i32 to index
    %swap3A_341 = arith.constant 64 : index
    %swap3A_342 = tpu.vector_load %arg8[%swap3A_340, %swap3A_341] {strides = array<i32>} : memref<16x128xf32, #tpu.memory_space<vmem>>, vector<16xf32>,
    tpu.vector_store %arg8[%swap3A_340, %swap3A_341], %broadcast_in_dim3A_3 {strides = array<i32>} : memref<16x128xf32, #tpu.memory_space<vmem>>, vector<16xf32>,
    %swap3A_343 = arith.constant 10 : i32
    %swap3A_344 = arith.index_cast %swap3A_343 : i32 to index
    %swap3A_345 = arith.constant 80 : index
    %swap3A_346 = tpu.vector_load %arg8[%swap3A_344, %swap3A_345] {strides = array<i32>} : memref<16x128xf32, #tpu.memory_space<vmem>>, vector<16xf32>,
    tpu.vector_store %arg8[%swap3A_344, %swap3A_345], %broadcast_in_dim3A_3 {strides = array<i32>} : memref<16x128xf32, #tpu.memory_space<vmem>>, vector<16xf32>,
    %swap3A_347 = arith.constant 10 : i32
    %swap3A_348 = arith.index_cast %swap3A_347 : i32 to index
    %swap3A_349 = arith.constant 96 : index
    %swap3A_350 = tpu.vector_load %arg8[%swap3A_348, %swap3A_349] {strides = array<i32>} : memref<16x128xf32, #tpu.memory_space<vmem>>, vector<16xf32>,
    tpu.vector_store %arg8[%swap3A_348, %swap3A_349], %broadcast_in_dim3A_3 {strides = array<i32>} : memref<16x128xf32, #tpu.memory_space<vmem>>, vector<16xf32>,
    %swap3A_351 = arith.constant 10 : i32
    %swap3A_352 = arith.index_cast %swap3A_351 : i32 to index
    %swap3A_353 = arith.constant 112 : index
    %swap3A_354 = tpu.vector_load %arg8[%swap3A_352, %swap3A_353] {strides = array<i32>} : memref<16x128xf32, #tpu.memory_space<vmem>>, vector<16xf32>,
    tpu.vector_store %arg8[%swap3A_352, %swap3A_353], %broadcast_in_dim3A_3 {strides = array<i32>} : memref<16x128xf32, #tpu.memory_space<vmem>>, vector<16xf32>,
    %swap3A_355 = arith.constant 11 : i32
    %swap3A_356 = arith.index_cast %swap3A_355 : i32 to index
    %swap3A_357 = arith.constant 0 : index
    %swap3A_358 = tpu.vector_load %arg8[%swap3A_356, %swap3A_357] {strides = array<i32>} : memref<16x128xf32, #tpu.memory_space<vmem>>, vector<16xf32>,
    tpu.vector_store %arg8[%swap3A_356, %swap3A_357], %broadcast_in_dim3A_3 {strides = array<i32>} : memref<16x128xf32, #tpu.memory_space<vmem>>, vector<16xf32>,
    %swap3A_359 = arith.constant 11 : i32
    %swap3A_360 = arith.index_cast %swap3A_359 : i32 to index
    %swap3A_361 = arith.constant 16 : index
    %swap3A_362 = tpu.vector_load %arg8[%swap3A_360, %swap3A_361] {strides = array<i32>} : memref<16x128xf32, #tpu.memory_space<vmem>>, vector<16xf32>,
    tpu.vector_store %arg8[%swap3A_360, %swap3A_361], %broadcast_in_dim3A_3 {strides = array<i32>} : memref<16x128xf32, #tpu.memory_space<vmem>>, vector<16xf32>,
    %swap3A_363 = arith.constant 11 : i32
    %swap3A_364 = arith.index_cast %swap3A_363 : i32 to index
    %swap3A_365 = arith.constant 32 : index
    %swap3A_366 = tpu.vector_load %arg8[%swap3A_364, %swap3A_365] {strides = array<i32>} : memref<16x128xf32, #tpu.memory_space<vmem>>, vector<16xf32>,
    tpu.vector_store %arg8[%swap3A_364, %swap3A_365], %broadcast_in_dim3A_3 {strides = array<i32>} : memref<16x128xf32, #tpu.memory_space<vmem>>, vector<16xf32>,
    %swap3A_367 = arith.constant 11 : i32
    %swap3A_368 = arith.index_cast %swap3A_367 : i32 to index
    %swap3A_369 = arith.constant 48 : index
    %swap3A_370 = tpu.vector_load %arg8[%swap3A_368, %swap3A_369] {strides = array<i32>} : memref<16x128xf32, #tpu.memory_space<vmem>>, vector<16xf32>,
    tpu.vector_store %arg8[%swap3A_368, %swap3A_369], %broadcast_in_dim3A_3 {strides = array<i32>} : memref<16x128xf32, #tpu.memory_space<vmem>>, vector<16xf32>,
    %swap3A_371 = arith.constant 11 : i32
    %swap3A_372 = arith.index_cast %swap3A_371 : i32 to index
    %swap3A_373 = arith.constant 64 : index
    %swap3A_374 = tpu.vector_load %arg8[%swap3A_372, %swap3A_373] {strides = array<i32>} : memref<16x128xf32, #tpu.memory_space<vmem>>, vector<16xf32>,
    tpu.vector_store %arg8[%swap3A_372, %swap3A_373], %broadcast_in_dim3A_3 {strides = array<i32>} : memref<16x128xf32, #tpu.memory_space<vmem>>, vector<16xf32>,
    %swap3A_375 = arith.constant 11 : i32
    %swap3A_376 = arith.index_cast %swap3A_375 : i32 to index
    %swap3A_377 = arith.constant 80 : index
    %swap3A_378 = tpu.vector_load %arg8[%swap3A_376, %swap3A_377] {strides = array<i32>} : memref<16x128xf32, #tpu.memory_space<vmem>>, vector<16xf32>,
    tpu.vector_store %arg8[%swap3A_376, %swap3A_377], %broadcast_in_dim3A_3 {strides = array<i32>} : memref<16x128xf32, #tpu.memory_space<vmem>>, vector<16xf32>,
    %swap3A_379 = arith.constant 11 : i32
    %swap3A_380 = arith.index_cast %swap3A_379 : i32 to index
    %swap3A_381 = arith.constant 96 : index
    %swap3A_382 = tpu.vector_load %arg8[%swap3A_380, %swap3A_381] {strides = array<i32>} : memref<16x128xf32, #tpu.memory_space<vmem>>, vector<16xf32>,
    tpu.vector_store %arg8[%swap3A_380, %swap3A_381], %broadcast_in_dim3A_3 {strides = array<i32>} : memref<16x128xf32, #tpu.memory_space<vmem>>, vector<16xf32>,
    %swap3A_383 = arith.constant 11 : i32
    %swap3A_384 = arith.index_cast %swap3A_383 : i32 to index
    %swap3A_385 = arith.constant 112 : index
    %swap3A_386 = tpu.vector_load %arg8[%swap3A_384, %swap3A_385] {strides = array<i32>} : memref<16x128xf32, #tpu.memory_space<vmem>>, vector<16xf32>,
    tpu.vector_store %arg8[%swap3A_384, %swap3A_385], %broadcast_in_dim3A_3 {strides = array<i32>} : memref<16x128xf32, #tpu.memory_space<vmem>>, vector<16xf32>,
    %swap3A_387 = arith.constant 12 : i32
    %swap3A_388 = arith.index_cast %swap3A_387 : i32 to index
    %swap3A_389 = arith.constant 0 : index
    %swap3A_390 = tpu.vector_load %arg8[%swap3A_388, %swap3A_389] {strides = array<i32>} : memref<16x128xf32, #tpu.memory_space<vmem>>, vector<16xf32>,
    tpu.vector_store %arg8[%swap3A_388, %swap3A_389], %broadcast_in_dim3A_3 {strides = array<i32>} : memref<16x128xf32, #tpu.memory_space<vmem>>, vector<16xf32>,
    %swap3A_391 = arith.constant 12 : i32
    %swap3A_392 = arith.index_cast %swap3A_391 : i32 to index
    %swap3A_393 = arith.constant 16 : index
    %swap3A_394 = tpu.vector_load %arg8[%swap3A_392, %swap3A_393] {strides = array<i32>} : memref<16x128xf32, #tpu.memory_space<vmem>>, vector<16xf32>,
    tpu.vector_store %arg8[%swap3A_392, %swap3A_393], %broadcast_in_dim3A_3 {strides = array<i32>} : memref<16x128xf32, #tpu.memory_space<vmem>>, vector<16xf32>,
    %swap3A_395 = arith.constant 12 : i32
    %swap3A_396 = arith.index_cast %swap3A_395 : i32 to index
    %swap3A_397 = arith.constant 32 : index
    %swap3A_398 = tpu.vector_load %arg8[%swap3A_396, %swap3A_397] {strides = array<i32>} : memref<16x128xf32, #tpu.memory_space<vmem>>, vector<16xf32>,
    tpu.vector_store %arg8[%swap3A_396, %swap3A_397], %broadcast_in_dim3A_3 {strides = array<i32>} : memref<16x128xf32, #tpu.memory_space<vmem>>, vector<16xf32>,
    %swap3A_399 = arith.constant 12 : i32
    %swap3A_400 = arith.index_cast %swap3A_399 : i32 to index
    %swap3A_401 = arith.constant 48 : index
    %swap3A_402 = tpu.vector_load %arg8[%swap3A_400, %swap3A_401] {strides = array<i32>} : memref<16x128xf32, #tpu.memory_space<vmem>>, vector<16xf32>,
    tpu.vector_store %arg8[%swap3A_400, %swap3A_401], %broadcast_in_dim3A_3 {strides = array<i32>} : memref<16x128xf32, #tpu.memory_space<vmem>>, vector<16xf32>,
    %swap3A_403 = arith.constant 12 : i32
    %swap3A_404 = arith.index_cast %swap3A_403 : i32 to index
    %swap3A_405 = arith.constant 64 : index
    %swap3A_406 = tpu.vector_load %arg8[%swap3A_404, %swap3A_405] {strides = array<i32>} : memref<16x128xf32, #tpu.memory_space<vmem>>, vector<16xf32>,
    tpu.vector_store %arg8[%swap3A_404, %swap3A_405], %broadcast_in_dim3A_3 {strides = array<i32>} : memref<16x128xf32, #tpu.memory_space<vmem>>, vector<16xf32>,
    %swap3A_407 = arith.constant 12 : i32
    %swap3A_408 = arith.index_cast %swap3A_407 : i32 to index
    %swap3A_409 = arith.constant 80 : index
    %swap3A_410 = tpu.vector_load %arg8[%swap3A_408, %swap3A_409] {strides = array<i32>} : memref<16x128xf32, #tpu.memory_space<vmem>>, vector<16xf32>,
    tpu.vector_store %arg8[%swap3A_408, %swap3A_409], %broadcast_in_dim3A_3 {strides = array<i32>} : memref<16x128xf32, #tpu.memory_space<vmem>>, vector<16xf32>,
    %swap3A_411 = arith.constant 12 : i32
    %swap3A_412 = arith.index_cast %swap3A_411 : i32 to index
    %swap3A_413 = arith.constant 96 : index
    %swap3A_414 = tpu.vector_load %arg8[%swap3A_412, %swap3A_413] {strides = array<i32>} : memref<16x128xf32, #tpu.memory_space<vmem>>, vector<16xf32>,
    tpu.vector_store %arg8[%swap3A_412, %swap3A_413], %broadcast_in_dim3A_3 {strides = array<i32>} : memref<16x128xf32, #tpu.memory_space<vmem>>, vector<16xf32>,
    %swap3A_415 = arith.constant 12 : i32
    %swap3A_416 = arith.index_cast %swap3A_415 : i32 to index
    %swap3A_417 = arith.constant 112 : index
    %swap3A_418 = tpu.vector_load %arg8[%swap3A_416, %swap3A_417] {strides = array<i32>} : memref<16x128xf32, #tpu.memory_space<vmem>>, vector<16xf32>,
    tpu.vector_store %arg8[%swap3A_416, %swap3A_417], %broadcast_in_dim3A_3 {strides = array<i32>} : memref<16x128xf32, #tpu.memory_space<vmem>>, vector<16xf32>,
    %swap3A_419 = arith.constant 13 : i32
    %swap3A_420 = arith.index_cast %swap3A_419 : i32 to index
    %swap3A_421 = arith.constant 0 : index
    %swap3A_422 = tpu.vector_load %arg8[%swap3A_420, %swap3A_421] {strides = array<i32>} : memref<16x128xf32, #tpu.memory_space<vmem>>, vector<16xf32>,
    tpu.vector_store %arg8[%swap3A_420, %swap3A_421], %broadcast_in_dim3A_3 {strides = array<i32>} : memref<16x128xf32, #tpu.memory_space<vmem>>, vector<16xf32>,
    %swap3A_423 = arith.constant 13 : i32
    %swap3A_424 = arith.index_cast %swap3A_423 : i32 to index
    %swap3A_425 = arith.constant 16 : index
    %swap3A_426 = tpu.vector_load %arg8[%swap3A_424, %swap3A_425] {strides = array<i32>} : memref<16x128xf32, #tpu.memory_space<vmem>>, vector<16xf32>,
    tpu.vector_store %arg8[%swap3A_424, %swap3A_425], %broadcast_in_dim3A_3 {strides = array<i32>} : memref<16x128xf32, #tpu.memory_space<vmem>>, vector<16xf32>,
    %swap3A_427 = arith.constant 13 : i32
    %swap3A_428 = arith.index_cast %swap3A_427 : i32 to index
    %swap3A_429 = arith.constant 32 : index
    %swap3A_430 = tpu.vector_load %arg8[%swap3A_428, %swap3A_429] {strides = array<i32>} : memref<16x128xf32, #tpu.memory_space<vmem>>, vector<16xf32>,
    tpu.vector_store %arg8[%swap3A_428, %swap3A_429], %broadcast_in_dim3A_3 {strides = array<i32>} : memref<16x128xf32, #tpu.memory_space<vmem>>, vector<16xf32>,
    %swap3A_431 = arith.constant 13 : i32
    %swap3A_432 = arith.index_cast %swap3A_431 : i32 to index
    %swap3A_433 = arith.constant 48 : index
    %swap3A_434 = tpu.vector_load %arg8[%swap3A_432, %swap3A_433] {strides = array<i32>} : memref<16x128xf32, #tpu.memory_space<vmem>>, vector<16xf32>,
    tpu.vector_store %arg8[%swap3A_432, %swap3A_433], %broadcast_in_dim3A_3 {strides = array<i32>} : memref<16x128xf32, #tpu.memory_space<vmem>>, vector<16xf32>,
    %swap3A_435 = arith.constant 13 : i32
    %swap3A_436 = arith.index_cast %swap3A_435 : i32 to index
    %swap3A_437 = arith.constant 64 : index
    %swap3A_438 = tpu.vector_load %arg8[%swap3A_436, %swap3A_437] {strides = array<i32>} : memref<16x128xf32, #tpu.memory_space<vmem>>, vector<16xf32>,
    tpu.vector_store %arg8[%swap3A_436, %swap3A_437], %broadcast_in_dim3A_3 {strides = array<i32>} : memref<16x128xf32, #tpu.memory_space<vmem>>, vector<16xf32>,
    %swap3A_439 = arith.constant 13 : i32
    %swap3A_440 = arith.index_cast %swap3A_439 : i32 to index
    %swap3A_441 = arith.constant 80 : index
    %swap3A_442 = tpu.vector_load %arg8[%swap3A_440, %swap3A_441] {strides = array<i32>} : memref<16x128xf32, #tpu.memory_space<vmem>>, vector<16xf32>,
    tpu.vector_store %arg8[%swap3A_440, %swap3A_441], %broadcast_in_dim3A_3 {strides = array<i32>} : memref<16x128xf32, #tpu.memory_space<vmem>>, vector<16xf32>,
    %swap3A_443 = arith.constant 13 : i32
    %swap3A_444 = arith.index_cast %swap3A_443 : i32 to index
    %swap3A_445 = arith.constant 96 : index
    %swap3A_446 = tpu.vector_load %arg8[%swap3A_444, %swap3A_445] {strides = array<i32>} : memref<16x128xf32, #tpu.memory_space<vmem>>, vector<16xf32>,
    tpu.vector_store %arg8[%swap3A_444, %swap3A_445], %broadcast_in_dim3A_3 {strides = array<i32>} : memref<16x128xf32, #tpu.memory_space<vmem>>, vector<16xf32>,
    %swap3A_447 = arith.constant 13 : i32
    %swap3A_448 = arith.index_cast %swap3A_447 : i32 to index
    %swap3A_449 = arith.constant 112 : index
    %swap3A_450 = tpu.vector_load %arg8[%swap3A_448, %swap3A_449] {strides = array<i32>} : memref<16x128xf32, #tpu.memory_space<vmem>>, vector<16xf32>,
    tpu.vector_store %arg8[%swap3A_448, %swap3A_449], %broadcast_in_dim3A_3 {strides = array<i32>} : memref<16x128xf32, #tpu.memory_space<vmem>>, vector<16xf32>,
    %swap3A_451 = arith.constant 14 : i32
    %swap3A_452 = arith.index_cast %swap3A_451 : i32 to index
    %swap3A_453 = arith.constant 0 : index
    %swap3A_454 = tpu.vector_load %arg8[%swap3A_452, %swap3A_453] {strides = array<i32>} : memref<16x128xf32, #tpu.memory_space<vmem>>, vector<16xf32>,
    tpu.vector_store %arg8[%swap3A_452, %swap3A_453], %broadcast_in_dim3A_3 {strides = array<i32>} : memref<16x128xf32, #tpu.memory_space<vmem>>, vector<16xf32>,
    %swap3A_455 = arith.constant 14 : i32
    %swap3A_456 = arith.index_cast %swap3A_455 : i32 to index
    %swap3A_457 = arith.constant 16 : index
    %swap3A_458 = tpu.vector_load %arg8[%swap3A_456, %swap3A_457] {strides = array<i32>} : memref<16x128xf32, #tpu.memory_space<vmem>>, vector<16xf32>,
    tpu.vector_store %arg8[%swap3A_456, %swap3A_457], %broadcast_in_dim3A_3 {strides = array<i32>} : memref<16x128xf32, #tpu.memory_space<vmem>>, vector<16xf32>,
    %swap3A_459 = arith.constant 14 : i32
    %swap3A_460 = arith.index_cast %swap3A_459 : i32 to index
    %swap3A_461 = arith.constant 32 : index
    %swap3A_462 = tpu.vector_load %arg8[%swap3A_460, %swap3A_461] {strides = array<i32>} : memref<16x128xf32, #tpu.memory_space<vmem>>, vector<16xf32>,
    tpu.vector_store %arg8[%swap3A_460, %swap3A_461], %broadcast_in_dim3A_3 {strides = array<i32>} : memref<16x128xf32, #tpu.memory_space<vmem>>, vector<16xf32>,
    %swap3A_463 = arith.constant 14 : i32
    %swap3A_464 = arith.index_cast %swap3A_463 : i32 to index
    %swap3A_465 = arith.constant 48 : index
    %swap3A_466 = tpu.vector_load %arg8[%swap3A_464, %swap3A_465] {strides = array<i32>} : memref<16x128xf32, #tpu.memory_space<vmem>>, vector<16xf32>,
    tpu.vector_store %arg8[%swap3A_464, %swap3A_465], %broadcast_in_dim3A_3 {strides = array<i32>} : memref<16x128xf32, #tpu.memory_space<vmem>>, vector<16xf32>,
    %swap3A_467 = arith.constant 14 : i32
    %swap3A_468 = arith.index_cast %swap3A_467 : i32 to index
    %swap3A_469 = arith.constant 64 : index
    %swap3A_470 = tpu.vector_load %arg8[%swap3A_468, %swap3A_469] {strides = array<i32>} : memref<16x128xf32, #tpu.memory_space<vmem>>, vector<16xf32>,
    tpu.vector_store %arg8[%swap3A_468, %swap3A_469], %broadcast_in_dim3A_3 {strides = array<i32>} : memref<16x128xf32, #tpu.memory_space<vmem>>, vector<16xf32>,
    %swap3A_471 = arith.constant 14 : i32
    %swap3A_472 = arith.index_cast %swap3A_471 : i32 to index
    %swap3A_473 = arith.constant 80 : index
    %swap3A_474 = tpu.vector_load %arg8[%swap3A_472, %swap3A_473] {strides = array<i32>} : memref<16x128xf32, #tpu.memory_space<vmem>>, vector<16xf32>,
    tpu.vector_store %arg8[%swap3A_472, %swap3A_473], %broadcast_in_dim3A_3 {strides = array<i32>} : memref<16x128xf32, #tpu.memory_space<vmem>>, vector<16xf32>,
    %swap3A_475 = arith.constant 14 : i32
    %swap3A_476 = arith.index_cast %swap3A_475 : i32 to index
    %swap3A_477 = arith.constant 96 : index
    %swap3A_478 = tpu.vector_load %arg8[%swap3A_476, %swap3A_477] {strides = array<i32>} : memref<16x128xf32, #tpu.memory_space<vmem>>, vector<16xf32>,
    tpu.vector_store %arg8[%swap3A_476, %swap3A_477], %broadcast_in_dim3A_3 {strides = array<i32>} : memref<16x128xf32, #tpu.memory_space<vmem>>, vector<16xf32>,
    %swap3A_479 = arith.constant 14 : i32
    %swap3A_480 = arith.index_cast %swap3A_479 : i32 to index
    %swap3A_481 = arith.constant 112 : index
    %swap3A_482 = tpu.vector_load %arg8[%swap3A_480, %swap3A_481] {strides = array<i32>} : memref<16x128xf32, #tpu.memory_space<vmem>>, vector<16xf32>,
    tpu.vector_store %arg8[%swap3A_480, %swap3A_481], %broadcast_in_dim3A_3 {strides = array<i32>} : memref<16x128xf32, #tpu.memory_space<vmem>>, vector<16xf32>,
    %swap3A_483 = arith.constant 15 : i32
    %swap3A_484 = arith.index_cast %swap3A_483 : i32 to index
    %swap3A_485 = arith.constant 0 : index
    %swap3A_486 = tpu.vector_load %arg8[%swap3A_484, %swap3A_485] {strides = array<i32>} : memref<16x128xf32, #tpu.memory_space<vmem>>, vector<16xf32>,
    tpu.vector_store %arg8[%swap3A_484, %swap3A_485], %broadcast_in_dim3A_3 {strides = array<i32>} : memref<16x128xf32, #tpu.memory_space<vmem>>, vector<16xf32>,
    %swap3A_487 = arith.constant 15 : i32
    %swap3A_488 = arith.index_cast %swap3A_487 : i32 to index
    %swap3A_489 = arith.constant 16 : index
    %swap3A_490 = tpu.vector_load %arg8[%swap3A_488, %swap3A_489] {strides = array<i32>} : memref<16x128xf32, #tpu.memory_space<vmem>>, vector<16xf32>,
    tpu.vector_store %arg8[%swap3A_488, %swap3A_489], %broadcast_in_dim3A_3 {strides = array<i32>} : memref<16x128xf32, #tpu.memory_space<vmem>>, vector<16xf32>,
    %swap3A_491 = arith.constant 15 : i32
    %swap3A_492 = arith.index_cast %swap3A_491 : i32 to index
    %swap3A_493 = arith.constant 32 : index
    %swap3A_494 = tpu.vector_load %arg8[%swap3A_492, %swap3A_493] {strides = array<i32>} : memref<16x128xf32, #tpu.memory_space<vmem>>, vector<16xf32>,
    tpu.vector_store %arg8[%swap3A_492, %swap3A_493], %broadcast_in_dim3A_3 {strides = array<i32>} : memref<16x128xf32, #tpu.memory_space<vmem>>, vector<16xf32>,
    %swap3A_495 = arith.constant 15 : i32
    %swap3A_496 = arith.index_cast %swap3A_495 : i32 to index
    %swap3A_497 = arith.constant 48 : index
    %swap3A_498 = tpu.vector_load %arg8[%swap3A_496, %swap3A_497] {strides = array<i32>} : memref<16x128xf32, #tpu.memory_space<vmem>>, vector<16xf32>,
    tpu.vector_store %arg8[%swap3A_496, %swap3A_497], %broadcast_in_dim3A_3 {strides = array<i32>} : memref<16x128xf32, #tpu.memory_space<vmem>>, vector<16xf32>,
    %swap3A_499 = arith.constant 15 : i32
    %swap3A_500 = arith.index_cast %swap3A_499 : i32 to index
    %swap3A_501 = arith.constant 64 : index
    %swap3A_502 = tpu.vector_load %arg8[%swap3A_500, %swap3A_501] {strides = array<i32>} : memref<16x128xf32, #tpu.memory_space<vmem>>, vector<16xf32>,
    tpu.vector_store %arg8[%swap3A_500, %swap3A_501], %broadcast_in_dim3A_3 {strides = array<i32>} : memref<16x128xf32, #tpu.memory_space<vmem>>, vector<16xf32>,
    %swap3A_503 = arith.constant 15 : i32
    %swap3A_504 = arith.index_cast %swap3A_503 : i32 to index
    %swap3A_505 = arith.constant 80 : index
    %swap3A_506 = tpu.vector_load %arg8[%swap3A_504, %swap3A_505] {strides = array<i32>} : memref<16x128xf32, #tpu.memory_space<vmem>>, vector<16xf32>,
    tpu.vector_store %arg8[%swap3A_504, %swap3A_505], %broadcast_in_dim3A_3 {strides = array<i32>} : memref<16x128xf32, #tpu.memory_space<vmem>>, vector<16xf32>,
    %swap3A_507 = arith.constant 15 : i32
    %swap3A_508 = arith.index_cast %swap3A_507 : i32 to index
    %swap3A_509 = arith.constant 96 : index
    %swap3A_510 = tpu.vector_load %arg8[%swap3A_508, %swap3A_509] {strides = array<i32>} : memref<16x128xf32, #tpu.memory_space<vmem>>, vector<16xf32>,
    tpu.vector_store %arg8[%swap3A_508, %swap3A_509], %broadcast_in_dim3A_3 {strides = array<i32>} : memref<16x128xf32, #tpu.memory_space<vmem>>, vector<16xf32>,
    %swap3A_511 = arith.constant 15 : i32
    %swap3A_512 = arith.index_cast %swap3A_511 : i32 to index
    %swap3A_513 = arith.constant 112 : index
    %swap3A_514 = tpu.vector_load %arg8[%swap3A_512, %swap3A_513] {strides = array<i32>} : memref<16x128xf32, #tpu.memory_space<vmem>>, vector<16xf32>,
    tpu.vector_store %arg8[%swap3A_512, %swap3A_513], %broadcast_in_dim3A_3 {strides = array<i32>} : memref<16x128xf32, #tpu.memory_space<vmem>>, vector<16xf32>,
    %scan3A = arith.constant 0 : i32
    %scan3A_515 = arith.constant 0 : i32
    %scan3A_516 = arith.constant 40 : i32
    %scan3A_517 = arith.addi %scan3A_515, %scan3A_516 : i32
    %scan3A_518 = arith.constant 1 : i32
    scf.for %scan3A_568 = %scan3A_515 to %scan3A_517 step %scan3A_518  : i32 {
      %mul3A_569 = arith.constant 640 : i32
      %mul3A_570 = arith.muli %arg1, %mul3A_569 : i32
      %mul3A_571 = arith.constant 16 : i32
      %mul3A_572 = arith.muli %scan3A_568, %mul3A_571 : i32
      %add3A_573 = arith.addi %mul3A_570, %mul3A_572 : i32
      "tpu.region"() ({
        %run_scoped3A = tpu.sem_alloc : memref<!tpu.dma_semaphore, #tpu.memory_space<semaphore_mem>>
        %dma_start3A_574 = arith.constant 0 : i32
        %dma_start3A_575 = tpu.memref_slice %arg5[%add3A_573, %dma_start3A_574] : memref<10240x128xf32, #tpu.memory_space<vmem_shared>> -> memref<16x128xf32, #tpu.memory_space<vmem_shared>>
        %dma_start3A_576 = arith.constant 0 : i32
        %dma_start3A_577 = tpu.memref_slice %arg5[%add3A_573, %dma_start3A_576] : memref<10240x128xf32, #tpu.memory_space<vmem_shared>> -> memref<16x128xf32, #tpu.memory_space<vmem_shared>>
        tpu.enqueue_dma source(%arg8 : memref<16x128xf32, #tpu.memory_space<vmem>>) target(%dma_start3A_577 : memref<16x128xf32, #tpu.memory_space<vmem_shared>>) target_semaphore(%run_scoped3A : memref<!tpu.dma_semaphore, #tpu.memory_space<semaphore_mem>>)
        %dma_wait3A_578 = arith.constant 0 : i32
        %dma_wait3A_579 = tpu.memref_slice %arg5[%add3A_573, %dma_wait3A_578] : memref<10240x128xf32, #tpu.memory_space<vmem_shared>> -> memref<16x128xf32, #tpu.memory_space<vmem_shared>>
        %dma_wait3A_580 = arith.constant 0 : i32
        %dma_wait3A_581 = tpu.memref_slice %arg5[%add3A_573, %dma_wait3A_580] : memref<10240x128xf32, #tpu.memory_space<vmem_shared>> -> memref<16x128xf32, #tpu.memory_space<vmem_shared>>
        tpu.wait_dma2 semaphore(%run_scoped3A : memref<!tpu.dma_semaphore, #tpu.memory_space<semaphore_mem>>) src(%arg8 : memref<16x128xf32, #tpu.memory_space<vmem>>) dst(%dma_wait3A_581 : memref<16x128xf32, #tpu.memory_space<vmem_shared>>)
        tpu.yield
      }) : () -> ()
    }
    %scan3A_519 = arith.constant 40 : i32
    "tpu.region"() ({
      %run_scoped3A = tpu.sem_alloc : memref<!tpu.dma_semaphore, #tpu.memory_space<semaphore_mem>>
      %dma_start3A_568 = arith.constant 0 : i32
      %dma_start3A_569 = arith.constant 0 : i32
      %dma_start3A_570 = tpu.memref_slice %arg3[%add3A, %dma_start3A_568, %dma_start3A_569] : memref<32x79x128xi32, #tpu.memory_space<hbm>> -> memref<1x79x128xi32, #tpu.memory_space<hbm>>
      %dma_start3A_571 = tpu.memref_squeeze %dma_start3A_570 : memref<1x79x128xi32, #tpu.memory_space<hbm>> -> memref<79x128xi32, #tpu.memory_space<hbm>>
      %dma_start3A_572 = arith.constant 0 : i32
      %dma_start3A_573 = arith.constant 0 : i32
      %dma_start3A_574 = tpu.memref_slice %arg3[%add3A, %dma_start3A_572, %dma_start3A_573] : memref<32x79x128xi32, #tpu.memory_space<hbm>> -> memref<1x79x128xi32, #tpu.memory_space<hbm>>
      %dma_start3A_575 = tpu.memref_squeeze %dma_start3A_574 : memref<1x79x128xi32, #tpu.memory_space<hbm>> -> memref<79x128xi32, #tpu.memory_space<hbm>>
      tpu.enqueue_dma source(%dma_start3A_575 : memref<79x128xi32, #tpu.memory_space<hbm>>) target(%arg6 : memref<79x128xi32, #tpu.memory_space<vmem>>) target_semaphore(%run_scoped3A : memref<!tpu.dma_semaphore, #tpu.memory_space<semaphore_mem>>)
      %dma_wait3A_576 = arith.constant 0 : i32
      %dma_wait3A_577 = arith.constant 0 : i32
      %dma_wait3A_578 = tpu.memref_slice %arg3[%add3A, %dma_wait3A_576, %dma_wait3A_577] : memref<32x79x128xi32, #tpu.memory_space<hbm>> -> memref<1x79x128xi32, #tpu.memory_space<hbm>>
      %dma_wait3A_579 = tpu.memref_squeeze %dma_wait3A_578 : memref<1x79x128xi32, #tpu.memory_space<hbm>> -> memref<79x128xi32, #tpu.memory_space<hbm>>
      %dma_wait3A_580 = arith.constant 0 : i32
      %dma_wait3A_581 = arith.constant 0 : i32
      %dma_wait3A_582 = tpu.memref_slice %arg3[%add3A, %dma_wait3A_580, %dma_wait3A_581] : memref<32x79x128xi32, #tpu.memory_space<hbm>> -> memref<1x79x128xi32, #tpu.memory_space<hbm>>
      %dma_wait3A_583 = tpu.memref_squeeze %dma_wait3A_582 : memref<1x79x128xi32, #tpu.memory_space<hbm>> -> memref<79x128xi32, #tpu.memory_space<hbm>>
      tpu.wait_dma2 semaphore(%run_scoped3A : memref<!tpu.dma_semaphore, #tpu.memory_space<semaphore_mem>>) src(%dma_wait3A_583 : memref<79x128xi32, #tpu.memory_space<hbm>>) dst(%arg6 : memref<79x128xi32, #tpu.memory_space<vmem>>)
      tpu.yield
    }) : () -> ()
    %barrier3A = arith.constant 0 : index
    tpu.barrier barrier_id(%barrier3A)
    %add3A_520 = arith.constant 0 : i32
    %add3A_521 = arith.addi %mul3A_2, %add3A_520 : i32
    %dma_start3A = arith.constant 0 : i32
    %dma_start3A_522 = arith.constant 0 : i32
    %dma_start3A_523 = arith.constant 0 : i32
    %dma_start3A_524 = tpu.memref_slice %arg7[%dma_start3A, %dma_start3A_522, %dma_start3A_523] : memref<2x128x128xf32, #tpu.memory_space<vmem>> -> memref<1x128x128xf32, #tpu.memory_space<vmem>>
    %dma_start3A_525 = tpu.memref_squeeze %dma_start3A_524 : memref<1x128x128xf32, #tpu.memory_space<vmem>> -> memref<128x128xf32, #tpu.memory_space<vmem>>
    %dma_start3A_526 = arith.constant 0 : i32
    %dma_start3A_527 = tpu.memref_slice %arg2[%add3A_521, %dma_start3A_526] : memref<323584x128xf32, #tpu.memory_space<hbm>> -> memref<128x128xf32, #tpu.memory_space<hbm>>
    %dma_start3A_528 = arith.constant 0 : i32
    %dma_start3A_529 = arith.constant 0 : i32
    %dma_start3A_530 = tpu.memref_slice %arg7[%dma_start3A, %dma_start3A_528, %dma_start3A_529] : memref<2x128x128xf32, #tpu.memory_space<vmem>> -> memref<1x128x128xf32, #tpu.memory_space<vmem>>
    %dma_start3A_531 = tpu.memref_squeeze %dma_start3A_530 : memref<1x128x128xf32, #tpu.memory_space<vmem>> -> memref<128x128xf32, #tpu.memory_space<vmem>>
    %dma_start3A_532 = arith.constant 0 : i32
    %dma_start3A_533 = tpu.memref_slice %arg2[%add3A_521, %dma_start3A_532] : memref<323584x128xf32, #tpu.memory_space<hbm>> -> memref<128x128xf32, #tpu.memory_space<hbm>>
    tpu.enqueue_dma source(%dma_start3A_533 : memref<128x128xf32, #tpu.memory_space<hbm>>) target(%dma_start3A_531 : memref<128x128xf32, #tpu.memory_space<vmem>>) target_semaphore(%arg9 : memref<!tpu.dma_semaphore, #tpu.memory_space<semaphore_mem>>)
    %scan3A_534 = arith.constant 0 : i32
    %scan3A_535 = arith.constant 0 : i32
    %scan3A_536 = arith.constant 40 : i32
    %scan3A_537 = arith.addi %scan3A_535, %scan3A_536 : i32
    %scan3A_538 = arith.constant 1 : i32
    scf.for %scan3A_568 = %scan3A_535 to %scan3A_537 step %scan3A_538  : i32 {
      %mul3A_569 = arith.constant 2 : i32
      %mul3A_570 = arith.muli %mul3A_569, %scan3A_568 : i32
      %add3A_571 = arith.constant 1 : i32
      %add3A_572 = arith.addi %mul3A_570, %add3A_571 : i32
      %lt3A = arith.constant 79 : i32
      %lt3A_573 = arith.cmpi slt, %add3A_572, %lt3A : i32
      %convert_element_type3A = arith.extui %lt3A_573 : i1 to i32
      %cond3A = arith.constant 0 : i32
      %cond3A_574 = arith.cmpi ne, %convert_element_type3A, %cond3A : i32
      scf.if %cond3A_574 {
        %ge3A = arith.constant 1 : i32
        %ge3A_608 = arith.cmpi sge, %mul3A_570, %ge3A : i32
        %convert_element_type3A_609 = arith.extui %ge3A_608 : i1 to i32
        %cond3A_610 = arith.constant 0 : i32
        %cond3A_611 = arith.cmpi ne, %convert_element_type3A_609, %cond3A_610 : i32
        scf.if %cond3A_611 {
          %dma_wait3A_630 = arith.constant 1 : i32
          %dma_wait3A_631 = arith.constant 0 : i32
          %dma_wait3A_632 = arith.constant 0 : i32
          %dma_wait3A_633 = arith.constant 0 : i32
          %dma_wait3A_634 = tpu.memref_slice %arg7[%dma_wait3A_630, %dma_wait3A_632, %dma_wait3A_633] : memref<2x128x128xf32, #tpu.memory_space<vmem>> -> memref<1x128x128xf32, #tpu.memory_space<vmem>>
          %dma_wait3A_635 = tpu.memref_squeeze %dma_wait3A_634 : memref<1x128x128xf32, #tpu.memory_space<vmem>> -> memref<128x128xf32, #tpu.memory_space<vmem>>
          %dma_wait3A_636 = arith.constant 0 : i32
          %dma_wait3A_637 = tpu.memref_slice %arg6[%dma_wait3A_631, %dma_wait3A_636] : memref<79x128xi32, #tpu.memory_space<vmem>> -> memref<1x128xi32, #tpu.memory_space<vmem>>
          %dma_wait3A_638 = tpu.memref_squeeze %dma_wait3A_637 : memref<1x128xi32, #tpu.memory_space<vmem>> -> memref<128xi32, #tpu.memory_space<vmem>>
          %dma_wait3A_639 = arith.constant 0 : i32
          %dma_wait3A_640 = arith.constant 0 : i32
          %dma_wait3A_641 = tpu.memref_slice %arg5[%dma_wait3A_639, %dma_wait3A_640] : memref<10240x128xf32, #tpu.memory_space<vmem_shared>> -> memref<10240x128xf32, #tpu.memory_space<vmem_shared>>
          tpu.wait_indirect_dma semaphore(%arg12 : memref<!tpu.dma_semaphore, #tpu.memory_space<semaphore_mem>>) src(%dma_wait3A_635 : memref<128x128xf32, #tpu.memory_space<vmem>>) dst(%dma_wait3A_641 : memref<10240x128xf32, #tpu.memory_space<vmem_shared>>)
        } else {
        }
        %add3A_612 = arith.constant 1 : i32
        %add3A_613 = arith.addi %mul3A_570, %add3A_612 : i32
        %mul3A_614 = arith.constant 128 : i32
        %mul3A_615 = arith.muli %add3A_613, %mul3A_614 : i32
        %add3A_616 = arith.addi %mul3A_2, %mul3A_615 : i32
        %dma_start3A_617 = arith.constant 1 : i32
        %dma_start3A_618 = arith.constant 0 : i32
        %dma_start3A_619 = arith.constant 0 : i32
        %dma_start3A_620 = tpu.memref_slice %arg7[%dma_start3A_617, %dma_start3A_618, %dma_start3A_619] : memref<2x128x128xf32, #tpu.memory_space<vmem>> -> memref<1x128x128xf32, #tpu.memory_space<vmem>>
        %dma_start3A_621 = tpu.memref_squeeze %dma_start3A_620 : memref<1x128x128xf32, #tpu.memory_space<vmem>> -> memref<128x128xf32, #tpu.memory_space<vmem>>
        %dma_start3A_622 = arith.constant 0 : i32
        %dma_start3A_623 = tpu.memref_slice %arg2[%add3A_616, %dma_start3A_622] : memref<323584x128xf32, #tpu.memory_space<hbm>> -> memref<128x128xf32, #tpu.memory_space<hbm>>
        %dma_start3A_624 = arith.constant 0 : i32
        %dma_start3A_625 = arith.constant 0 : i32
        %dma_start3A_626 = tpu.memref_slice %arg7[%dma_start3A_617, %dma_start3A_624, %dma_start3A_625] : memref<2x128x128xf32, #tpu.memory_space<vmem>> -> memref<1x128x128xf32, #tpu.memory_space<vmem>>
        %dma_start3A_627 = tpu.memref_squeeze %dma_start3A_626 : memref<1x128x128xf32, #tpu.memory_space<vmem>> -> memref<128x128xf32, #tpu.memory_space<vmem>>
        %dma_start3A_628 = arith.constant 0 : i32
        %dma_start3A_629 = tpu.memref_slice %arg2[%add3A_616, %dma_start3A_628] : memref<323584x128xf32, #tpu.memory_space<hbm>> -> memref<128x128xf32, #tpu.memory_space<hbm>>
        tpu.enqueue_dma source(%dma_start3A_629 : memref<128x128xf32, #tpu.memory_space<hbm>>) target(%dma_start3A_627 : memref<128x128xf32, #tpu.memory_space<vmem>>) target_semaphore(%arg10 : memref<!tpu.dma_semaphore, #tpu.memory_space<semaphore_mem>>)
      } else {
      }
      %dma_wait3A_575 = arith.constant 0 : i32
      %dma_wait3A_576 = arith.constant 0 : i32
      %dma_wait3A_577 = arith.constant 0 : i32
      %dma_wait3A_578 = tpu.memref_slice %arg7[%dma_wait3A_575, %dma_wait3A_576, %dma_wait3A_577] : memref<2x128x128xf32, #tpu.memory_space<vmem>> -> memref<1x128x128xf32, #tpu.memory_space<vmem>>
      %dma_wait3A_579 = tpu.memref_squeeze %dma_wait3A_578 : memref<1x128x128xf32, #tpu.memory_space<vmem>> -> memref<128x128xf32, #tpu.memory_space<vmem>>
      %dma_wait3A_580 = arith.constant 0 : i32
      %dma_wait3A_581 = tpu.memref_slice %arg2[%mul3A_2, %dma_wait3A_580] : memref<323584x128xf32, #tpu.memory_space<hbm>> -> memref<128x128xf32, #tpu.memory_space<hbm>>
      %dma_wait3A_582 = arith.constant 0 : i32
      %dma_wait3A_583 = arith.constant 0 : i32
      %dma_wait3A_584 = tpu.memref_slice %arg7[%dma_wait3A_575, %dma_wait3A_582, %dma_wait3A_583] : memref<2x128x128xf32, #tpu.memory_space<vmem>> -> memref<1x128x128xf32, #tpu.memory_space<vmem>>
      %dma_wait3A_585 = tpu.memref_squeeze %dma_wait3A_584 : memref<1x128x128xf32, #tpu.memory_space<vmem>> -> memref<128x128xf32, #tpu.memory_space<vmem>>
      %dma_wait3A_586 = arith.constant 0 : i32
      %dma_wait3A_587 = tpu.memref_slice %arg2[%mul3A_2, %dma_wait3A_586] : memref<323584x128xf32, #tpu.memory_space<hbm>> -> memref<128x128xf32, #tpu.memory_space<hbm>>
      tpu.wait_dma2 semaphore(%arg9 : memref<!tpu.dma_semaphore, #tpu.memory_space<semaphore_mem>>) src(%dma_wait3A_587 : memref<128x128xf32, #tpu.memory_space<hbm>>) dst(%dma_wait3A_585 : memref<128x128xf32, #tpu.memory_space<vmem>>)
      %dma_start3A_588 = arith.constant 0 : i32
      %dma_start3A_589 = arith.constant 0 : i32
      %dma_start3A_590 = arith.constant 0 : i32
      %dma_start3A_591 = tpu.memref_slice %arg7[%dma_start3A_588, %dma_start3A_589, %dma_start3A_590] : memref<2x128x128xf32, #tpu.memory_space<vmem>> -> memref<1x128x128xf32, #tpu.memory_space<vmem>>
      %dma_start3A_592 = tpu.memref_squeeze %dma_start3A_591 : memref<1x128x128xf32, #tpu.memory_space<vmem>> -> memref<128x128xf32, #tpu.memory_space<vmem>>
      %dma_start3A_593 = arith.constant 0 : i32
      %dma_start3A_594 = tpu.memref_slice %arg6[%mul3A_570, %dma_start3A_593] : memref<79x128xi32, #tpu.memory_space<vmem>> -> memref<1x128xi32, #tpu.memory_space<vmem>>
      %dma_start3A_595 = tpu.memref_squeeze %dma_start3A_594 : memref<1x128xi32, #tpu.memory_space<vmem>> -> memref<128xi32, #tpu.memory_space<vmem>>
      %dma_start3A_596 = arith.constant 0 : i32
      %dma_start3A_597 = arith.constant 0 : i32
      %dma_start3A_598 = tpu.memref_slice %arg5[%dma_start3A_596, %dma_start3A_597] : memref<10240x128xf32, #tpu.memory_space<vmem_shared>> -> memref<10240x128xf32, #tpu.memory_space<vmem_shared>>
      tpu.enqueue_indirect_dma source(%dma_start3A_592 : memref<128x128xf32, #tpu.memory_space<vmem>>) target(%dma_start3A_598 : memref<10240x128xf32, #tpu.memory_space<vmem_shared>>) offsets(%dma_start3A_595 : memref<128xi32, #tpu.memory_space<vmem>>) semaphore(%arg11 : memref<!tpu.dma_semaphore, #tpu.memory_space<semaphore_mem>>) {add = true}
      %mul3A_599 = arith.constant 2 : i32
      %mul3A_600 = arith.muli %mul3A_599, %scan3A_568 : i32
      %add3A_601 = arith.constant 1 : i32
      %add3A_602 = arith.addi %mul3A_600, %add3A_601 : i32
      %lt3A_603 = arith.constant 79 : i32
      %lt3A_604 = arith.cmpi slt, %add3A_602, %lt3A_603 : i32
      %convert_element_type3A_605 = arith.extui %lt3A_604 : i1 to i32
      %cond3A_606 = arith.constant 0 : i32
      %cond3A_607 = arith.cmpi ne, %convert_element_type3A_605, %cond3A_606 : i32
      scf.if %cond3A_607 {
        %mul3A_608 = arith.constant 2 : i32
        %mul3A_609 = arith.muli %mul3A_608, %scan3A_568 : i32
        %add3A_610 = arith.constant 1 : i32
        %add3A_611 = arith.addi %mul3A_609, %add3A_610 : i32
        %add3A_612 = arith.constant 1 : i32
        %add3A_613 = arith.addi %add3A_611, %add3A_612 : i32
        %lt3A_614 = arith.constant 79 : i32
        %lt3A_615 = arith.cmpi slt, %add3A_613, %lt3A_614 : i32
        %convert_element_type3A_616 = arith.extui %lt3A_615 : i1 to i32
        %cond3A_617 = arith.constant 0 : i32
        %cond3A_618 = arith.cmpi ne, %convert_element_type3A_616, %cond3A_617 : i32
        scf.if %cond3A_618 {
          %ge3A = arith.constant 1 : i32
          %ge3A_643 = arith.cmpi sge, %add3A_611, %ge3A : i32
          %convert_element_type3A_644 = arith.extui %ge3A_643 : i1 to i32
          %cond3A_645 = arith.constant 0 : i32
          %cond3A_646 = arith.cmpi ne, %convert_element_type3A_644, %cond3A_645 : i32
          scf.if %cond3A_646 {
            %dma_wait3A_665 = arith.constant 0 : i32
            %dma_wait3A_666 = arith.constant 0 : i32
            %dma_wait3A_667 = arith.constant 0 : i32
            %dma_wait3A_668 = arith.constant 0 : i32
            %dma_wait3A_669 = tpu.memref_slice %arg7[%dma_wait3A_665, %dma_wait3A_667, %dma_wait3A_668] : memref<2x128x128xf32, #tpu.memory_space<vmem>> -> memref<1x128x128xf32, #tpu.memory_space<vmem>>
            %dma_wait3A_670 = tpu.memref_squeeze %dma_wait3A_669 : memref<1x128x128xf32, #tpu.memory_space<vmem>> -> memref<128x128xf32, #tpu.memory_space<vmem>>
            %dma_wait3A_671 = arith.constant 0 : i32
            %dma_wait3A_672 = tpu.memref_slice %arg6[%dma_wait3A_666, %dma_wait3A_671] : memref<79x128xi32, #tpu.memory_space<vmem>> -> memref<1x128xi32, #tpu.memory_space<vmem>>
            %dma_wait3A_673 = tpu.memref_squeeze %dma_wait3A_672 : memref<1x128xi32, #tpu.memory_space<vmem>> -> memref<128xi32, #tpu.memory_space<vmem>>
            %dma_wait3A_674 = arith.constant 0 : i32
            %dma_wait3A_675 = arith.constant 0 : i32
            %dma_wait3A_676 = tpu.memref_slice %arg5[%dma_wait3A_674, %dma_wait3A_675] : memref<10240x128xf32, #tpu.memory_space<vmem_shared>> -> memref<10240x128xf32, #tpu.memory_space<vmem_shared>>
            tpu.wait_indirect_dma semaphore(%arg11 : memref<!tpu.dma_semaphore, #tpu.memory_space<semaphore_mem>>) src(%dma_wait3A_670 : memref<128x128xf32, #tpu.memory_space<vmem>>) dst(%dma_wait3A_676 : memref<10240x128xf32, #tpu.memory_space<vmem_shared>>)
          } else {
          }
          %add3A_647 = arith.constant 1 : i32
          %add3A_648 = arith.addi %add3A_611, %add3A_647 : i32
          %mul3A_649 = arith.constant 128 : i32
          %mul3A_650 = arith.muli %add3A_648, %mul3A_649 : i32
          %add3A_651 = arith.addi %mul3A_2, %mul3A_650 : i32
          %dma_start3A_652 = arith.constant 0 : i32
          %dma_start3A_653 = arith.constant 0 : i32
          %dma_start3A_654 = arith.constant 0 : i32
          %dma_start3A_655 = tpu.memref_slice %arg7[%dma_start3A_652, %dma_start3A_653, %dma_start3A_654] : memref<2x128x128xf32, #tpu.memory_space<vmem>> -> memref<1x128x128xf32, #tpu.memory_space<vmem>>
          %dma_start3A_656 = tpu.memref_squeeze %dma_start3A_655 : memref<1x128x128xf32, #tpu.memory_space<vmem>> -> memref<128x128xf32, #tpu.memory_space<vmem>>
          %dma_start3A_657 = arith.constant 0 : i32
          %dma_start3A_658 = tpu.memref_slice %arg2[%add3A_651, %dma_start3A_657] : memref<323584x128xf32, #tpu.memory_space<hbm>> -> memref<128x128xf32, #tpu.memory_space<hbm>>
          %dma_start3A_659 = arith.constant 0 : i32
          %dma_start3A_660 = arith.constant 0 : i32
          %dma_start3A_661 = tpu.memref_slice %arg7[%dma_start3A_652, %dma_start3A_659, %dma_start3A_660] : memref<2x128x128xf32, #tpu.memory_space<vmem>> -> memref<1x128x128xf32, #tpu.memory_space<vmem>>
          %dma_start3A_662 = tpu.memref_squeeze %dma_start3A_661 : memref<1x128x128xf32, #tpu.memory_space<vmem>> -> memref<128x128xf32, #tpu.memory_space<vmem>>
          %dma_start3A_663 = arith.constant 0 : i32
          %dma_start3A_664 = tpu.memref_slice %arg2[%add3A_651, %dma_start3A_663] : memref<323584x128xf32, #tpu.memory_space<hbm>> -> memref<128x128xf32, #tpu.memory_space<hbm>>
          tpu.enqueue_dma source(%dma_start3A_664 : memref<128x128xf32, #tpu.memory_space<hbm>>) target(%dma_start3A_662 : memref<128x128xf32, #tpu.memory_space<vmem>>) target_semaphore(%arg9 : memref<!tpu.dma_semaphore, #tpu.memory_space<semaphore_mem>>)
        } else {
        }
        %dma_wait3A_619 = arith.constant 1 : i32
        %dma_wait3A_620 = arith.constant 0 : i32
        %dma_wait3A_621 = arith.constant 0 : i32
        %dma_wait3A_622 = tpu.memref_slice %arg7[%dma_wait3A_619, %dma_wait3A_620, %dma_wait3A_621] : memref<2x128x128xf32, #tpu.memory_space<vmem>> -> memref<1x128x128xf32, #tpu.memory_space<vmem>>
        %dma_wait3A_623 = tpu.memref_squeeze %dma_wait3A_622 : memref<1x128x128xf32, #tpu.memory_space<vmem>> -> memref<128x128xf32, #tpu.memory_space<vmem>>
        %dma_wait3A_624 = arith.constant 0 : i32
        %dma_wait3A_625 = tpu.memref_slice %arg2[%mul3A_2, %dma_wait3A_624] : memref<323584x128xf32, #tpu.memory_space<hbm>> -> memref<128x128xf32, #tpu.memory_space<hbm>>
        %dma_wait3A_626 = arith.constant 0 : i32
        %dma_wait3A_627 = arith.constant 0 : i32
        %dma_wait3A_628 = tpu.memref_slice %arg7[%dma_wait3A_619, %dma_wait3A_626, %dma_wait3A_627] : memref<2x128x128xf32, #tpu.memory_space<vmem>> -> memref<1x128x128xf32, #tpu.memory_space<vmem>>
        %dma_wait3A_629 = tpu.memref_squeeze %dma_wait3A_628 : memref<1x128x128xf32, #tpu.memory_space<vmem>> -> memref<128x128xf32, #tpu.memory_space<vmem>>
        %dma_wait3A_630 = arith.constant 0 : i32
        %dma_wait3A_631 = tpu.memref_slice %arg2[%mul3A_2, %dma_wait3A_630] : memref<323584x128xf32, #tpu.memory_space<hbm>> -> memref<128x128xf32, #tpu.memory_space<hbm>>
        tpu.wait_dma2 semaphore(%arg10 : memref<!tpu.dma_semaphore, #tpu.memory_space<semaphore_mem>>) src(%dma_wait3A_631 : memref<128x128xf32, #tpu.memory_space<hbm>>) dst(%dma_wait3A_629 : memref<128x128xf32, #tpu.memory_space<vmem>>)
        %dma_start3A_632 = arith.constant 1 : i32
        %dma_start3A_633 = arith.constant 0 : i32
        %dma_start3A_634 = arith.constant 0 : i32
        %dma_start3A_635 = tpu.memref_slice %arg7[%dma_start3A_632, %dma_start3A_633, %dma_start3A_634] : memref<2x128x128xf32, #tpu.memory_space<vmem>> -> memref<1x128x128xf32, #tpu.memory_space<vmem>>
        %dma_start3A_636 = tpu.memref_squeeze %dma_start3A_635 : memref<1x128x128xf32, #tpu.memory_space<vmem>> -> memref<128x128xf32, #tpu.memory_space<vmem>>
        %dma_start3A_637 = arith.constant 0 : i32
        %dma_start3A_638 = tpu.memref_slice %arg6[%add3A_611, %dma_start3A_637] : memref<79x128xi32, #tpu.memory_space<vmem>> -> memref<1x128xi32, #tpu.memory_space<vmem>>
        %dma_start3A_639 = tpu.memref_squeeze %dma_start3A_638 : memref<1x128xi32, #tpu.memory_space<vmem>> -> memref<128xi32, #tpu.memory_space<vmem>>
        %dma_start3A_640 = arith.constant 0 : i32
        %dma_start3A_641 = arith.constant 0 : i32
        %dma_start3A_642 = tpu.memref_slice %arg5[%dma_start3A_640, %dma_start3A_641] : memref<10240x128xf32, #tpu.memory_space<vmem_shared>> -> memref<10240x128xf32, #tpu.memory_space<vmem_shared>>
        tpu.enqueue_indirect_dma source(%dma_start3A_636 : memref<128x128xf32, #tpu.memory_space<vmem>>) target(%dma_start3A_642 : memref<10240x128xf32, #tpu.memory_space<vmem_shared>>) offsets(%dma_start3A_639 : memref<128xi32, #tpu.memory_space<vmem>>) semaphore(%arg12 : memref<!tpu.dma_semaphore, #tpu.memory_space<semaphore_mem>>) {add = true}
      } else {
      }
    }
    %scan3A_539 = arith.constant 40 : i32
    %dma_wait3A = arith.constant 0 : i32
    %dma_wait3A_540 = arith.constant 0 : i32
    %dma_wait3A_541 = arith.constant 0 : i32
    %dma_wait3A_542 = arith.constant 0 : i32
    %dma_wait3A_543 = tpu.memref_slice %arg7[%dma_wait3A, %dma_wait3A_541, %dma_wait3A_542] : memref<2x128x128xf32, #tpu.memory_space<vmem>> -> memref<1x128x128xf32, #tpu.memory_space<vmem>>
    %dma_wait3A_544 = tpu.memref_squeeze %dma_wait3A_543 : memref<1x128x128xf32, #tpu.memory_space<vmem>> -> memref<128x128xf32, #tpu.memory_space<vmem>>
    %dma_wait3A_545 = arith.constant 0 : i32
    %dma_wait3A_546 = tpu.memref_slice %arg6[%dma_wait3A_540, %dma_wait3A_545] : memref<79x128xi32, #tpu.memory_space<vmem>> -> memref<1x128xi32, #tpu.memory_space<vmem>>
    %dma_wait3A_547 = tpu.memref_squeeze %dma_wait3A_546 : memref<1x128xi32, #tpu.memory_space<vmem>> -> memref<128xi32, #tpu.memory_space<vmem>>
    %dma_wait3A_548 = arith.constant 0 : i32
    %dma_wait3A_549 = arith.constant 0 : i32
    %dma_wait3A_550 = tpu.memref_slice %arg5[%dma_wait3A_548, %dma_wait3A_549] : memref<10240x128xf32, #tpu.memory_space<vmem_shared>> -> memref<10240x128xf32, #tpu.memory_space<vmem_shared>>
    tpu.wait_indirect_dma semaphore(%arg11 : memref<!tpu.dma_semaphore, #tpu.memory_space<semaphore_mem>>) src(%dma_wait3A_544 : memref<128x128xf32, #tpu.memory_space<vmem>>) dst(%dma_wait3A_550 : memref<10240x128xf32, #tpu.memory_space<vmem_shared>>)
    %dma_wait3A_551 = arith.constant 1 : i32
    %dma_wait3A_552 = arith.constant 0 : i32
    %dma_wait3A_553 = arith.constant 0 : i32
    %dma_wait3A_554 = arith.constant 0 : i32
    %dma_wait3A_555 = tpu.memref_slice %arg7[%dma_wait3A_551, %dma_wait3A_553, %dma_wait3A_554] : memref<2x128x128xf32, #tpu.memory_space<vmem>> -> memref<1x128x128xf32, #tpu.memory_space<vmem>>
    %dma_wait3A_556 = tpu.memref_squeeze %dma_wait3A_555 : memref<1x128x128xf32, #tpu.memory_space<vmem>> -> memref<128x128xf32, #tpu.memory_space<vmem>>
    %dma_wait3A_557 = arith.constant 0 : i32
    %dma_wait3A_558 = tpu.memref_slice %arg6[%dma_wait3A_552, %dma_wait3A_557] : memref<79x128xi32, #tpu.memory_space<vmem>> -> memref<1x128xi32, #tpu.memory_space<vmem>>
    %dma_wait3A_559 = tpu.memref_squeeze %dma_wait3A_558 : memref<1x128xi32, #tpu.memory_space<vmem>> -> memref<128xi32, #tpu.memory_space<vmem>>
    %dma_wait3A_560 = arith.constant 0 : i32
    %dma_wait3A_561 = arith.constant 0 : i32
    %dma_wait3A_562 = tpu.memref_slice %arg5[%dma_wait3A_560, %dma_wait3A_561] : memref<10240x128xf32, #tpu.memory_space<vmem_shared>> -> memref<10240x128xf32, #tpu.memory_space<vmem_shared>>
    tpu.wait_indirect_dma semaphore(%arg12 : memref<!tpu.dma_semaphore, #tpu.memory_space<semaphore_mem>>) src(%dma_wait3A_556 : memref<128x128xf32, #tpu.memory_space<vmem>>) dst(%dma_wait3A_562 : memref<10240x128xf32, #tpu.memory_space<vmem_shared>>)
    %barrier3A_563 = arith.constant 0 : index
    tpu.barrier barrier_id(%barrier3A_563)
    %mul3A_564 = arith.constant 640 : i32
    %mul3A_565 = arith.muli %arg1, %mul3A_564 : i32
    %mul3A_566 = arith.constant 640 : i32
    %mul3A_567 = arith.muli %arg1, %mul3A_566 : i32
    "tpu.region"() ({
      %run_scoped3A = tpu.sem_alloc : memref<!tpu.dma_semaphore, #tpu.memory_space<semaphore_mem>>
      %dma_start3A_568 = arith.constant 0 : i32
      %dma_start3A_569 = tpu.memref_slice %arg4[%arg0, %mul3A_567, %dma_start3A_568] : memref<2x10240x128xf32, #tpu.memory_space<hbm>> -> memref<1x640x128xf32, #tpu.memory_space<hbm>>
      %dma_start3A_570 = tpu.memref_squeeze %dma_start3A_569 : memref<1x640x128xf32, #tpu.memory_space<hbm>> -> memref<640x128xf32, #tpu.memory_space<hbm>>
      %dma_start3A_571 = arith.constant 0 : i32
      %dma_start3A_572 = tpu.memref_slice %arg5[%mul3A_565, %dma_start3A_571] : memref<10240x128xf32, #tpu.memory_space<vmem_shared>> -> memref<640x128xf32, #tpu.memory_space<vmem_shared>>
      tpu.enqueue_dma source(%dma_start3A_572 : memref<640x128xf32, #tpu.memory_space<vmem_shared>>) target(%dma_start3A_570 : memref<640x128xf32, #tpu.memory_space<hbm>>) target_semaphore(%run_scoped3A : memref<!tpu.dma_semaphore, #tpu.memory_space<semaphore_mem>>)
      %dma_wait3A_573 = arith.constant 0 : i32
      %dma_wait3A_574 = tpu.memref_slice %arg4[%arg0, %mul3A_567, %dma_wait3A_573] : memref<2x10240x128xf32, #tpu.memory_space<hbm>> -> memref<1x640x128xf32, #tpu.memory_space<hbm>>
      %dma_wait3A_575 = tpu.memref_squeeze %dma_wait3A_574 : memref<1x640x128xf32, #tpu.memory_space<hbm>> -> memref<640x128xf32, #tpu.memory_space<hbm>>
      %dma_wait3A_576 = arith.constant 0 : i32
      %dma_wait3A_577 = tpu.memref_slice %arg5[%mul3A_565, %dma_wait3A_576] : memref<10240x128xf32, #tpu.memory_space<vmem_shared>> -> memref<640x128xf32, #tpu.memory_space<vmem_shared>>
      tpu.wait_dma2 semaphore(%run_scoped3A : memref<!tpu.dma_semaphore, #tpu.memory_space<semaphore_mem>>) src(%dma_wait3A_577 : memref<640x128xf32, #tpu.memory_space<vmem_shared>>) dst(%dma_wait3A_575 : memref<640x128xf32, #tpu.memory_space<hbm>>)
      tpu.yield
    }) : () -> ()
    return
  }
}

module attributes {stable_mosaic.version = 14 : i64} {
  func.func @_tc_h_body(%arg0: i32, %arg1: memref<400x1280xf32, #tpu.memory_space<vmem>>, %arg2: memref<1280x128xf32, #tpu.memory_space<vmem>>, %arg3: memref<128x128xf32, #tpu.memory_space<vmem>>, %arg4: memref<128x128xf32, #tpu.memory_space<vmem>>, %arg5: memref<1x128xf32, #tpu.memory_space<vmem>>, %arg6: memref<400x128xf32, #tpu.memory_space<vmem>>, %arg7: memref<400x128xf32, #tpu.memory_space<vmem>>, %arg8: memref<400x128xf32, #tpu.memory_space<vmem>>) attributes {dimension_semantics = [#tpu.dimension_semantics<arbitrary>], iteration_bounds = array<i64: 25>, scalar_prefetch = 0 : i64, scratch_operands = 0 : i64, tpu.core_type = #tpu.core_type<tc>, window_params = [{transform_indices = @transform_0, window_bounds = array<i64: 400, 1280>}, {pipeline_mode = #tpu.pipeline_mode<synchronous>, transform_indices = @transform_1, window_bounds = array<i64: 1280, 128>}, {pipeline_mode = #tpu.pipeline_mode<synchronous>, transform_indices = @transform_2, window_bounds = array<i64: 128, 128>}, {pipeline_mode = #tpu.pipeline_mode<synchronous>, transform_indices = @transform_3, window_bounds = array<i64: 128, 128>}, {pipeline_mode = #tpu.pipeline_mode<synchronous>, transform_indices = @transform_4, window_bounds = array<i64: 1, 128>}, {transform_indices = @transform_5, window_bounds = array<i64: 400, 128>}, {transform_indices = @transform_6, window_bounds = array<i64: 400, 128>}, {transform_indices = @transform_7, window_bounds = array<i64: 400, 128>}]} {
    %get3A = arith.constant 0 : index
    %get3A_0 = arith.constant 0 : index
    %get3A_1 = vector.load %arg1[%get3A, %get3A_0] : memref<400x1280xf32, #tpu.memory_space<vmem>>, vector<400x1280xf32>
    %get3A_2 = arith.constant 0 : index
    %get3A_3 = arith.constant 0 : index
    %get3A_4 = vector.load %arg2[%get3A_2, %get3A_3] : memref<1280x128xf32, #tpu.memory_space<vmem>>, vector<1280x128xf32>
    %dot_general3A = arith.constant dense<0.000000e+00> : vector<400x128xf32>
    %dot_general3A_5 = tpu.matmul %get3A_1, %get3A_4, %dot_general3A {dimension_numbers = #tpu.dot_dimension_numbers<[1], [0], [0], [1], [0, 0, 1, 1], [], []>, precision = #tpu.contract_precision<fp32>, transpose_lhs_hint = false} : vector<400x1280xf32>, vector<1280x128xf32>, vector<400x128xf32> -> vector<400x128xf32>
    %swap3A = arith.constant 0 : index
    %swap3A_6 = arith.constant 0 : index
    %swap3A_7 = vector.load %arg6[%swap3A, %swap3A_6] : memref<400x128xf32, #tpu.memory_space<vmem>>, vector<400x128xf32>
    tpu.vector_store %arg6[%swap3A, %swap3A_6], %dot_general3A_5 {strides = array<i32>} : memref<400x128xf32, #tpu.memory_space<vmem>>, vector<400x128xf32>,
    %get3A_8 = arith.constant 0 : index
    %get3A_9 = arith.constant 0 : index
    %get3A_10 = vector.load %arg3[%get3A_8, %get3A_9] : memref<128x128xf32, #tpu.memory_space<vmem>>, vector<128x128xf32>
    %dot_general3A_11 = arith.constant dense<0.000000e+00> : vector<400x128xf32>
    %dot_general3A_12 = tpu.matmul %dot_general3A_5, %get3A_10, %dot_general3A_11 {dimension_numbers = #tpu.dot_dimension_numbers<[1], [0], [0], [1], [0, 0, 1, 1], [], []>, precision = #tpu.contract_precision<fp32>, transpose_lhs_hint = false} : vector<400x128xf32>, vector<128x128xf32>, vector<400x128xf32> -> vector<400x128xf32>
    %swap3A_13 = arith.constant 0 : index
    %swap3A_14 = arith.constant 0 : index
    %swap3A_15 = vector.load %arg7[%swap3A_13, %swap3A_14] : memref<400x128xf32, #tpu.memory_space<vmem>>, vector<400x128xf32>
    tpu.vector_store %arg7[%swap3A_13, %swap3A_14], %dot_general3A_12 {strides = array<i32>} : memref<400x128xf32, #tpu.memory_space<vmem>>, vector<400x128xf32>,
    %get3A_16 = arith.constant 0 : index
    %get3A_17 = arith.constant 0 : index
    %get3A_18 = vector.load %arg4[%get3A_16, %get3A_17] : memref<128x128xf32, #tpu.memory_space<vmem>>, vector<128x128xf32>
    %dot_general3A_19 = arith.constant dense<0.000000e+00> : vector<400x128xf32>
    %dot_general3A_20 = tpu.matmul %dot_general3A_5, %get3A_18, %dot_general3A_19 {dimension_numbers = #tpu.dot_dimension_numbers<[1], [0], [0], [1], [0, 0, 1, 1], [], []>, precision = #tpu.contract_precision<fp32>, transpose_lhs_hint = false} : vector<400x128xf32>, vector<128x128xf32>, vector<400x128xf32> -> vector<400x128xf32>
    %get3A_21 = arith.constant 0 : index
    %get3A_22 = arith.constant 0 : index
    %get3A_23 = vector.load %arg5[%get3A_21, %get3A_22] : memref<1x128xf32, #tpu.memory_space<vmem>>, vector<1x128xf32>
    %add3A = vector.broadcast %get3A_23 : vector<1x128xf32> to vector<400x128xf32>
    %add3A_24 = arith.addf %dot_general3A_20, %add3A : vector<400x128xf32>
    %swap3A_25 = arith.constant 0 : index
    %swap3A_26 = arith.constant 0 : index
    %swap3A_27 = vector.load %arg8[%swap3A_25, %swap3A_26] : memref<400x128xf32, #tpu.memory_space<vmem>>, vector<400x128xf32>
    tpu.vector_store %arg8[%swap3A_25, %swap3A_26], %add3A_24 {strides = array<i32>} : memref<400x128xf32, #tpu.memory_space<vmem>>, vector<400x128xf32>,
    return
  }
  func.func @transform_0(%arg0: i32) -> (i32, i32) {
    %c0_i32 = arith.constant 0 : i32
    %c0_i32_0 = arith.constant 0 : i32
    return %arg0, %c0_i32 : i32, i32
  }
  func.func @transform_1(%arg0: i32) -> (i32, i32) {
    %c0_i32 = arith.constant 0 : i32
    %c0_i32_0 = arith.constant 0 : i32
    %c0_i32_1 = arith.constant 0 : i32
    return %c0_i32, %c0_i32_0 : i32, i32
  }
  func.func @transform_2(%arg0: i32) -> (i32, i32) {
    %c0_i32 = arith.constant 0 : i32
    %c0_i32_0 = arith.constant 0 : i32
    %c0_i32_1 = arith.constant 0 : i32
    return %c0_i32, %c0_i32_0 : i32, i32
  }
  func.func @transform_3(%arg0: i32) -> (i32, i32) {
    %c0_i32 = arith.constant 0 : i32
    %c0_i32_0 = arith.constant 0 : i32
    %c0_i32_1 = arith.constant 0 : i32
    return %c0_i32, %c0_i32_0 : i32, i32
  }
  func.func @transform_4(%arg0: i32) -> (i32, i32) {
    %c0_i32 = arith.constant 0 : i32
    %c0_i32_0 = arith.constant 0 : i32
    %c0_i32_1 = arith.constant 0 : i32
    return %c0_i32, %c0_i32_0 : i32, i32
  }
  func.func @transform_5(%arg0: i32) -> (i32, i32) {
    %c0_i32 = arith.constant 0 : i32
    %c0_i32_0 = arith.constant 0 : i32
    return %arg0, %c0_i32 : i32, i32
  }
  func.func @transform_6(%arg0: i32) -> (i32, i32) {
    %c0_i32 = arith.constant 0 : i32
    %c0_i32_0 = arith.constant 0 : i32
    return %arg0, %c0_i32 : i32, i32
  }
  func.func @transform_7(%arg0: i32) -> (i32, i32) {
    %c0_i32 = arith.constant 0 : i32
    %c0_i32_0 = arith.constant 0 : i32
    return %arg0, %c0_i32 : i32, i32
  }
}

module attributes {stable_mosaic.version = 14 : i64} {
  func.func @_tc_edge_body(%arg0: i32, %arg1: memref<2560x128xf32, #tpu.memory_space<vmem>>, %arg2: memref<2560x100xf32, #tpu.memory_space<vmem>>, %arg3: memref<2560x64xf32, #tpu.memory_space<vmem>>, %arg4: memref<1x20x128xf32, #tpu.memory_space<vmem>>, %arg5: memref<100x128xf32, #tpu.memory_space<vmem>>, %arg6: memref<64x128xf32, #tpu.memory_space<vmem>>, %arg7: memref<1x128xf32, #tpu.memory_space<vmem>>, %arg8: memref<128x128xf32, #tpu.memory_space<vmem>>, %arg9: memref<1x128xf32, #tpu.memory_space<vmem>>, %arg10: memref<1x128xf32, #tpu.memory_space<vmem>>, %arg11: memref<1x128xf32, #tpu.memory_space<vmem>>, %arg12: memref<2560x128xf32, #tpu.memory_space<vmem>>) attributes {dimension_semantics = [#tpu.dimension_semantics<arbitrary>], iteration_bounds = array<i64: 125>, scalar_prefetch = 0 : i64, scratch_operands = 0 : i64, tpu.core_type = #tpu.core_type<tc>, window_params = [{transform_indices = @transform_0, window_bounds = array<i64: 2560, 128>}, {transform_indices = @transform_1, window_bounds = array<i64: 2560, 100>}, {transform_indices = @transform_2, window_bounds = array<i64: 2560, 64>}, {transform_indices = @transform_3, window_bounds = array<i64: 1, 20, 128>}, {pipeline_mode = #tpu.pipeline_mode<synchronous>, transform_indices = @transform_4, window_bounds = array<i64: 100, 128>}, {pipeline_mode = #tpu.pipeline_mode<synchronous>, transform_indices = @transform_5, window_bounds = array<i64: 64, 128>}, {pipeline_mode = #tpu.pipeline_mode<synchronous>, transform_indices = @transform_6, window_bounds = array<i64: 1, 128>}, {pipeline_mode = #tpu.pipeline_mode<synchronous>, transform_indices = @transform_7, window_bounds = array<i64: 128, 128>}, {pipeline_mode = #tpu.pipeline_mode<synchronous>, transform_indices = @transform_8, window_bounds = array<i64: 1, 128>}, {pipeline_mode = #tpu.pipeline_mode<synchronous>, transform_indices = @transform_9, window_bounds = array<i64: 1, 128>}, {pipeline_mode = #tpu.pipeline_mode<synchronous>, transform_indices = @transform_10, window_bounds = array<i64: 1, 128>}, {transform_indices = @transform_11, window_bounds = array<i64: 2560, 128>}]} {
    %get3A = arith.constant 0 : index
    %get3A_0 = arith.constant 0 : index
    %get3A_1 = vector.load %arg1[%get3A, %get3A_0] : memref<2560x128xf32, #tpu.memory_space<vmem>>, vector<2560x128xf32>
    %get3A_2 = arith.constant 0 : index
    %get3A_3 = arith.constant 0 : index
    %get3A_4 = vector.load %arg2[%get3A_2, %get3A_3] : memref<2560x100xf32, #tpu.memory_space<vmem>>, vector<2560x100xf32>
    %get3A_5 = arith.constant 0 : index
    %get3A_6 = arith.constant 0 : index
    %get3A_7 = vector.load %arg5[%get3A_5, %get3A_6] : memref<100x128xf32, #tpu.memory_space<vmem>>, vector<100x128xf32>
    %dot_general3A = arith.constant dense<0.000000e+00> : vector<2560x128xf32>
    %dot_general3A_8 = tpu.matmul %get3A_4, %get3A_7, %dot_general3A {dimension_numbers = #tpu.dot_dimension_numbers<[1], [0], [0], [1], [0, 0, 1, 1], [], []>, precision = #tpu.contract_precision<fp32>, transpose_lhs_hint = false} : vector<2560x100xf32>, vector<100x128xf32>, vector<2560x128xf32> -> vector<2560x128xf32>
    %add3A = arith.addf %get3A_1, %dot_general3A_8 : vector<2560x128xf32>
    %get3A_9 = arith.constant 0 : index
    %get3A_10 = arith.constant 0 : index
    %get3A_11 = vector.load %arg3[%get3A_9, %get3A_10] : memref<2560x64xf32, #tpu.memory_space<vmem>>, vector<2560x64xf32>
    %get3A_12 = arith.constant 0 : index
    %get3A_13 = arith.constant 0 : index
    %get3A_14 = vector.load %arg6[%get3A_12, %get3A_13] : memref<64x128xf32, #tpu.memory_space<vmem>>, vector<64x128xf32>
    %dot_general3A_15 = arith.constant dense<0.000000e+00> : vector<2560x128xf32>
    %dot_general3A_16 = tpu.matmul %get3A_11, %get3A_14, %dot_general3A_15 {dimension_numbers = #tpu.dot_dimension_numbers<[1], [0], [0], [1], [0, 0, 1, 1], [], []>, precision = #tpu.contract_precision<fp32>, transpose_lhs_hint = false} : vector<2560x64xf32>, vector<64x128xf32>, vector<2560x128xf32> -> vector<2560x128xf32>
    %add3A_17 = arith.addf %add3A, %dot_general3A_16 : vector<2560x128xf32>
    %get3A_18 = arith.constant 0 : index
    %get3A_19 = arith.constant 0 : index
    %get3A_20 = arith.constant 0 : index
    %get3A_21 = vector.load %arg4[%get3A_18, %get3A_19, %get3A_20] : memref<1x20x128xf32, #tpu.memory_space<vmem>>, vector<1x20x128xf32>
    %get3A_22 = vector.shape_cast %get3A_21 : vector<1x20x128xf32> to vector<20x128xf32>
    %broadcast_in_dim3A = vector.shape_cast %get3A_22 : vector<20x128xf32> to vector<20x1x128xf32>
    %broadcast_in_dim3A_23 = vector.shape_cast %broadcast_in_dim3A : vector<20x1x128xf32> to vector<20x1x128xf32>
    %broadcast_in_dim3A_24 = vector.broadcast %broadcast_in_dim3A_23 : vector<20x1x128xf32> to vector<20x128x128xf32>
    %reshape3A = vector.shape_cast %broadcast_in_dim3A_24 : vector<20x128x128xf32> to vector<2560x128xf32>
    %iota3A = tpu.iota {dimensions = array<i32: 0>} : vector<2560x128xi32>
    %iota3A_25 = tpu.iota {dimensions = array<i32: 1>} : vector<2560x128xi32>
    %and3A = arith.constant 127 : i32
    %and3A_26 = vector.broadcast %and3A : i32 to vector<2560x128xi32>
    %and3A_27 = arith.andi %iota3A, %and3A_26 : vector<2560x128xi32>
    %eq3A = arith.cmpi eq, %and3A_27, %iota3A_25 : vector<2560x128xi32>
    %jit3A = arith.constant 0.000000e+00 : f32
    %broadcast_in_dim3A_28 = vector.broadcast %jit3A : f32 to vector<2560x128xf32>
    %select_n3A = arith.select %eq3A, %reshape3A, %broadcast_in_dim3A_28 : vector<2560x128xi1>, vector<2560x128xf32>
    %get3A_29 = arith.constant 0 : index
    %get3A_30 = arith.constant 0 : index
    %get3A_31 = vector.load %arg7[%get3A_29, %get3A_30] : memref<1x128xf32, #tpu.memory_space<vmem>>, vector<1x128xf32>
    %broadcast_in_dim3A_32 = vector.shape_cast %get3A_31 : vector<1x128xf32> to vector<1x128xf32>
    %broadcast_in_dim3A_33 = vector.broadcast %broadcast_in_dim3A_32 : vector<1x128xf32> to vector<128x128xf32>
    %dot_general3A_34 = arith.constant dense<0.000000e+00> : vector<2560x128xf32>
    %dot_general3A_35 = tpu.matmul %select_n3A, %broadcast_in_dim3A_33, %dot_general3A_34 {dimension_numbers = #tpu.dot_dimension_numbers<[1], [0], [0], [1], [0, 0, 1, 1], [], []>, precision = #tpu.contract_precision<fp32>, transpose_lhs_hint = false} : vector<2560x128xf32>, vector<128x128xf32>, vector<2560x128xf32> -> vector<2560x128xf32>
    %add3A_36 = arith.addf %add3A_17, %dot_general3A_35 : vector<2560x128xf32>
    %logistic3A = arith.negf %add3A_36 : vector<2560x128xf32>
    %logistic3A_37 = math.exp %logistic3A : vector<2560x128xf32>
    %logistic3A_38 = arith.constant 1.000000e+00 : f32
    %logistic3A_39 = vector.broadcast %logistic3A_38 : f32 to vector<2560x128xf32>
    %logistic3A_40 = arith.addf %logistic3A_39, %logistic3A_37 : vector<2560x128xf32>
    %logistic3A_41 = arith.divf %logistic3A_39, %logistic3A_40 : vector<2560x128xf32>
    %mul3A = arith.mulf %add3A_36, %logistic3A_41 : vector<2560x128xf32>
    %get3A_42 = arith.constant 0 : index
    %get3A_43 = arith.constant 0 : index
    %get3A_44 = vector.load %arg8[%get3A_42, %get3A_43] : memref<128x128xf32, #tpu.memory_space<vmem>>, vector<128x128xf32>
    %dot_general3A_45 = arith.constant dense<0.000000e+00> : vector<2560x128xf32>
    %dot_general3A_46 = tpu.matmul %mul3A, %get3A_44, %dot_general3A_45 {dimension_numbers = #tpu.dot_dimension_numbers<[1], [0], [0], [1], [0, 0, 1, 1], [], []>, precision = #tpu.contract_precision<fp32>, transpose_lhs_hint = false} : vector<2560x128xf32>, vector<128x128xf32>, vector<2560x128xf32> -> vector<2560x128xf32>
    %get3A_47 = arith.constant 0 : index
    %get3A_48 = arith.constant 0 : index
    %get3A_49 = vector.load %arg9[%get3A_47, %get3A_48] : memref<1x128xf32, #tpu.memory_space<vmem>>, vector<1x128xf32>
    %add3A_50 = vector.broadcast %get3A_49 : vector<1x128xf32> to vector<2560x128xf32>
    %add3A_51 = arith.addf %dot_general3A_46, %add3A_50 : vector<2560x128xf32>
    %logistic3A_52 = arith.negf %add3A_51 : vector<2560x128xf32>
    %logistic3A_53 = math.exp %logistic3A_52 : vector<2560x128xf32>
    %logistic3A_54 = arith.constant 1.000000e+00 : f32
    %logistic3A_55 = vector.broadcast %logistic3A_54 : f32 to vector<2560x128xf32>
    %logistic3A_56 = arith.addf %logistic3A_55, %logistic3A_53 : vector<2560x128xf32>
    %logistic3A_57 = arith.divf %logistic3A_55, %logistic3A_56 : vector<2560x128xf32>
    %mul3A_58 = arith.mulf %add3A_51, %logistic3A_57 : vector<2560x128xf32>
    %get3A_59 = arith.constant 0 : index
    %get3A_60 = arith.constant 0 : index
    %get3A_61 = vector.load %arg10[%get3A_59, %get3A_60] : memref<1x128xf32, #tpu.memory_space<vmem>>, vector<1x128xf32>
    %mul3A_62 = vector.broadcast %get3A_61 : vector<1x128xf32> to vector<2560x128xf32>
    %mul3A_63 = arith.mulf %mul3A_58, %mul3A_62 : vector<2560x128xf32>
    %reduce_sum3A = arith.constant dense<0.000000e+00> : vector<2560xf32>
    %reduce_sum3A_64 = vector.multi_reduction <add>, %mul3A_63, %reduce_sum3A [1] : vector<2560x128xf32> to vector<2560xf32>
    %broadcast_in_dim3A_65 = vector.shape_cast %reduce_sum3A_64 : vector<2560xf32> to vector<2560x1xf32>
    %get3A_66 = arith.constant 0 : index
    %get3A_67 = arith.constant 0 : index
    %get3A_68 = vector.load %arg11[%get3A_66, %get3A_67] : memref<1x128xf32, #tpu.memory_space<vmem>>, vector<1x128xf32>
    %add3A_69 = vector.broadcast %broadcast_in_dim3A_65 : vector<2560x1xf32> to vector<2560x128xf32>
    %add3A_70 = vector.broadcast %get3A_68 : vector<1x128xf32> to vector<2560x128xf32>
    %add3A_71 = arith.addf %add3A_69, %add3A_70 : vector<2560x128xf32>
    %logistic3A_72 = arith.negf %add3A_71 : vector<2560x128xf32>
    %logistic3A_73 = math.exp %logistic3A_72 : vector<2560x128xf32>
    %logistic3A_74 = arith.constant 1.000000e+00 : f32
    %logistic3A_75 = vector.broadcast %logistic3A_74 : f32 to vector<2560x128xf32>
    %logistic3A_76 = arith.addf %logistic3A_75, %logistic3A_73 : vector<2560x128xf32>
    %logistic3A_77 = arith.divf %logistic3A_75, %logistic3A_76 : vector<2560x128xf32>
    %mul3A_78 = arith.mulf %mul3A_58, %logistic3A_77 : vector<2560x128xf32>
    %swap3A = arith.constant 0 : index
    %swap3A_79 = arith.constant 0 : index
    %swap3A_80 = vector.load %arg12[%swap3A, %swap3A_79] : memref<2560x128xf32, #tpu.memory_space<vmem>>, vector<2560x128xf32>
    tpu.vector_store %arg12[%swap3A, %swap3A_79], %mul3A_78 {strides = array<i32>} : memref<2560x128xf32, #tpu.memory_space<vmem>>, vector<2560x128xf32>,
    return
  }
  func.func @transform_0(%arg0: i32) -> (i32, i32) {
    %c0_i32 = arith.constant 0 : i32
    %c0_i32_0 = arith.constant 0 : i32
    return %arg0, %c0_i32 : i32, i32
  }
  func.func @transform_1(%arg0: i32) -> (i32, i32) {
    %c0_i32 = arith.constant 0 : i32
    %c0_i32_0 = arith.constant 0 : i32
    return %arg0, %c0_i32 : i32, i32
  }
  func.func @transform_2(%arg0: i32) -> (i32, i32) {
    %c0_i32 = arith.constant 0 : i32
    %c0_i32_0 = arith.constant 0 : i32
    return %arg0, %c0_i32 : i32, i32
  }
  func.func @transform_3(%arg0: i32) -> (i32, i32, i32) {
    %c0_i32 = arith.constant 0 : i32
    %c0_i32_0 = arith.constant 0 : i32
    %c0_i32_1 = arith.constant 0 : i32
    return %arg0, %c0_i32, %c0_i32_0 : i32, i32, i32
  }
  func.func @transform_4(%arg0: i32) -> (i32, i32) {
    %c0_i32 = arith.constant 0 : i32
    %c0_i32_0 = arith.constant 0 : i32
    %c0_i32_1 = arith.constant 0 : i32
    return %c0_i32, %c0_i32_0 : i32, i32
  }
  func.func @transform_5(%arg0: i32) -> (i32, i32) {
    %c0_i32 = arith.constant 0 : i32
    %c0_i32_0 = arith.constant 0 : i32
    %c0_i32_1 = arith.constant 0 : i32
    return %c0_i32, %c0_i32_0 : i32, i32
  }
  func.func @transform_6(%arg0: i32) -> (i32, i32) {
    %c0_i32 = arith.constant 0 : i32
    %c0_i32_0 = arith.constant 0 : i32
    %c0_i32_1 = arith.constant 0 : i32
    return %c0_i32, %c0_i32_0 : i32, i32
  }
  func.func @transform_7(%arg0: i32) -> (i32, i32) {
    %c0_i32 = arith.constant 0 : i32
    %c0_i32_0 = arith.constant 0 : i32
    %c0_i32_1 = arith.constant 0 : i32
    return %c0_i32, %c0_i32_0 : i32, i32
  }
  func.func @transform_8(%arg0: i32) -> (i32, i32) {
    %c0_i32 = arith.constant 0 : i32
    %c0_i32_0 = arith.constant 0 : i32
    %c0_i32_1 = arith.constant 0 : i32
    return %c0_i32, %c0_i32_0 : i32, i32
  }
  func.func @transform_9(%arg0: i32) -> (i32, i32) {
    %c0_i32 = arith.constant 0 : i32
    %c0_i32_0 = arith.constant 0 : i32
    %c0_i32_1 = arith.constant 0 : i32
    return %c0_i32, %c0_i32_0 : i32, i32
  }
  func.func @transform_10(%arg0: i32) -> (i32, i32) {
    %c0_i32 = arith.constant 0 : i32
    %c0_i32_0 = arith.constant 0 : i32
    %c0_i32_1 = arith.constant 0 : i32
    return %c0_i32, %c0_i32_0 : i32, i32
  }
  func.func @transform_11(%arg0: i32) -> (i32, i32) {
    %c0_i32 = arith.constant 0 : i32
    %c0_i32_0 = arith.constant 0 : i32
    return %arg0, %c0_i32 : i32, i32
  }
}

module attributes {stable_mosaic.version = 14 : i64} {
  func.func @_tc_node_body(%arg0: i32, %arg1: memref<512x128xf32, #tpu.memory_space<vmem>>, %arg2: memref<2x512x128xf32, #tpu.memory_space<vmem>>, %arg3: memref<128x128xf32, #tpu.memory_space<vmem>>, %arg4: memref<128x128xf32, #tpu.memory_space<vmem>>, %arg5: memref<1x128xf32, #tpu.memory_space<vmem>>, %arg6: memref<128x128xf32, #tpu.memory_space<vmem>>, %arg7: memref<1x128xf32, #tpu.memory_space<vmem>>, %arg8: memref<128x128xf32, #tpu.memory_space<vmem>>, %arg9: memref<128x128xf32, #tpu.memory_space<vmem>>, %arg10: memref<1x128xf32, #tpu.memory_space<vmem>>, %arg11: memref<512x128xf32, #tpu.memory_space<vmem>>, %arg12: memref<512x128xf32, #tpu.memory_space<vmem>>, %arg13: memref<512x128xf32, #tpu.memory_space<vmem>>) attributes {dimension_semantics = [#tpu.dimension_semantics<arbitrary>], iteration_bounds = array<i64: 20>, scalar_prefetch = 0 : i64, scratch_operands = 0 : i64, tpu.core_type = #tpu.core_type<tc>, window_params = [{transform_indices = @transform_0, window_bounds = array<i64: 512, 128>}, {transform_indices = @transform_1, window_bounds = array<i64: 2, 512, 128>}, {pipeline_mode = #tpu.pipeline_mode<synchronous>, transform_indices = @transform_2, window_bounds = array<i64: 128, 128>}, {pipeline_mode = #tpu.pipeline_mode<synchronous>, transform_indices = @transform_3, window_bounds = array<i64: 128, 128>}, {pipeline_mode = #tpu.pipeline_mode<synchronous>, transform_indices = @transform_4, window_bounds = array<i64: 1, 128>}, {pipeline_mode = #tpu.pipeline_mode<synchronous>, transform_indices = @transform_5, window_bounds = array<i64: 128, 128>}, {pipeline_mode = #tpu.pipeline_mode<synchronous>, transform_indices = @transform_6, window_bounds = array<i64: 1, 128>}, {pipeline_mode = #tpu.pipeline_mode<synchronous>, transform_indices = @transform_7, window_bounds = array<i64: 128, 128>}, {pipeline_mode = #tpu.pipeline_mode<synchronous>, transform_indices = @transform_8, window_bounds = array<i64: 128, 128>}, {pipeline_mode = #tpu.pipeline_mode<synchronous>, transform_indices = @transform_9, window_bounds = array<i64: 1, 128>}, {transform_indices = @transform_10, window_bounds = array<i64: 512, 128>}, {transform_indices = @transform_11, window_bounds = array<i64: 512, 128>}, {transform_indices = @transform_12, window_bounds = array<i64: 512, 128>}]} {
    %get3A = arith.constant 0 : index
    %get3A_0 = arith.constant 0 : index
    %get3A_1 = vector.load %arg1[%get3A, %get3A_0] : memref<512x128xf32, #tpu.memory_space<vmem>>, vector<512x128xf32>
    %get3A_2 = arith.constant 0 : index
    %get3A_3 = arith.constant 0 : index
    %get3A_4 = arith.constant 0 : index
    %get3A_5 = vector.load %arg2[%get3A_2, %get3A_3, %get3A_4] : memref<2x512x128xf32, #tpu.memory_space<vmem>>, vector<1x512x128xf32>
    %get3A_6 = vector.shape_cast %get3A_5 : vector<1x512x128xf32> to vector<512x128xf32>
    %get3A_7 = arith.constant 1 : index
    %get3A_8 = arith.constant 0 : index
    %get3A_9 = arith.constant 0 : index
    %get3A_10 = vector.load %arg2[%get3A_7, %get3A_8, %get3A_9] : memref<2x512x128xf32, #tpu.memory_space<vmem>>, vector<1x512x128xf32>
    %get3A_11 = vector.shape_cast %get3A_10 : vector<1x512x128xf32> to vector<512x128xf32>
    %add3A = arith.addf %get3A_6, %get3A_11 : vector<512x128xf32>
    %get3A_12 = arith.constant 0 : index
    %get3A_13 = arith.constant 0 : index
    %get3A_14 = vector.load %arg3[%get3A_12, %get3A_13] : memref<128x128xf32, #tpu.memory_space<vmem>>, vector<128x128xf32>
    %dot_general3A = arith.constant dense<0.000000e+00> : vector<512x128xf32>
    %dot_general3A_15 = tpu.matmul %get3A_1, %get3A_14, %dot_general3A {dimension_numbers = #tpu.dot_dimension_numbers<[1], [0], [0], [1], [0, 0, 1, 1], [], []>, precision = #tpu.contract_precision<fp32>, transpose_lhs_hint = false} : vector<512x128xf32>, vector<128x128xf32>, vector<512x128xf32> -> vector<512x128xf32>
    %get3A_16 = arith.constant 0 : index
    %get3A_17 = arith.constant 0 : index
    %get3A_18 = vector.load %arg4[%get3A_16, %get3A_17] : memref<128x128xf32, #tpu.memory_space<vmem>>, vector<128x128xf32>
    %dot_general3A_19 = arith.constant dense<0.000000e+00> : vector<512x128xf32>
    %dot_general3A_20 = tpu.matmul %add3A, %get3A_18, %dot_general3A_19 {dimension_numbers = #tpu.dot_dimension_numbers<[1], [0], [0], [1], [0, 0, 1, 1], [], []>, precision = #tpu.contract_precision<fp32>, transpose_lhs_hint = false} : vector<512x128xf32>, vector<128x128xf32>, vector<512x128xf32> -> vector<512x128xf32>
    %add3A_21 = arith.addf %dot_general3A_15, %dot_general3A_20 : vector<512x128xf32>
    %get3A_22 = arith.constant 0 : index
    %get3A_23 = arith.constant 0 : index
    %get3A_24 = vector.load %arg5[%get3A_22, %get3A_23] : memref<1x128xf32, #tpu.memory_space<vmem>>, vector<1x128xf32>
    %add3A_25 = vector.broadcast %get3A_24 : vector<1x128xf32> to vector<512x128xf32>
    %add3A_26 = arith.addf %add3A_21, %add3A_25 : vector<512x128xf32>
    %logistic3A = arith.negf %add3A_26 : vector<512x128xf32>
    %logistic3A_27 = math.exp %logistic3A : vector<512x128xf32>
    %logistic3A_28 = arith.constant 1.000000e+00 : f32
    %logistic3A_29 = vector.broadcast %logistic3A_28 : f32 to vector<512x128xf32>
    %logistic3A_30 = arith.addf %logistic3A_29, %logistic3A_27 : vector<512x128xf32>
    %logistic3A_31 = arith.divf %logistic3A_29, %logistic3A_30 : vector<512x128xf32>
    %mul3A = arith.mulf %add3A_26, %logistic3A_31 : vector<512x128xf32>
    %get3A_32 = arith.constant 0 : index
    %get3A_33 = arith.constant 0 : index
    %get3A_34 = vector.load %arg6[%get3A_32, %get3A_33] : memref<128x128xf32, #tpu.memory_space<vmem>>, vector<128x128xf32>
    %dot_general3A_35 = arith.constant dense<0.000000e+00> : vector<512x128xf32>
    %dot_general3A_36 = tpu.matmul %mul3A, %get3A_34, %dot_general3A_35 {dimension_numbers = #tpu.dot_dimension_numbers<[1], [0], [0], [1], [0, 0, 1, 1], [], []>, precision = #tpu.contract_precision<fp32>, transpose_lhs_hint = false} : vector<512x128xf32>, vector<128x128xf32>, vector<512x128xf32> -> vector<512x128xf32>
    %get3A_37 = arith.constant 0 : index
    %get3A_38 = arith.constant 0 : index
    %get3A_39 = vector.load %arg7[%get3A_37, %get3A_38] : memref<1x128xf32, #tpu.memory_space<vmem>>, vector<1x128xf32>
    %add3A_40 = vector.broadcast %get3A_39 : vector<1x128xf32> to vector<512x128xf32>
    %add3A_41 = arith.addf %dot_general3A_36, %add3A_40 : vector<512x128xf32>
    %add3A_42 = arith.addf %get3A_1, %add3A_41 : vector<512x128xf32>
    %swap3A = arith.constant 0 : index
    %swap3A_43 = arith.constant 0 : index
    %swap3A_44 = vector.load %arg11[%swap3A, %swap3A_43] : memref<512x128xf32, #tpu.memory_space<vmem>>, vector<512x128xf32>
    tpu.vector_store %arg11[%swap3A, %swap3A_43], %add3A_42 {strides = array<i32>} : memref<512x128xf32, #tpu.memory_space<vmem>>, vector<512x128xf32>,
    %get3A_45 = arith.constant 0 : index
    %get3A_46 = arith.constant 0 : index
    %get3A_47 = vector.load %arg8[%get3A_45, %get3A_46] : memref<128x128xf32, #tpu.memory_space<vmem>>, vector<128x128xf32>
    %dot_general3A_48 = arith.constant dense<0.000000e+00> : vector<512x128xf32>
    %dot_general3A_49 = tpu.matmul %add3A_42, %get3A_47, %dot_general3A_48 {dimension_numbers = #tpu.dot_dimension_numbers<[1], [0], [0], [1], [0, 0, 1, 1], [], []>, precision = #tpu.contract_precision<fp32>, transpose_lhs_hint = false} : vector<512x128xf32>, vector<128x128xf32>, vector<512x128xf32> -> vector<512x128xf32>
    %swap3A_50 = arith.constant 0 : index
    %swap3A_51 = arith.constant 0 : index
    %swap3A_52 = vector.load %arg12[%swap3A_50, %swap3A_51] : memref<512x128xf32, #tpu.memory_space<vmem>>, vector<512x128xf32>
    tpu.vector_store %arg12[%swap3A_50, %swap3A_51], %dot_general3A_49 {strides = array<i32>} : memref<512x128xf32, #tpu.memory_space<vmem>>, vector<512x128xf32>,
    %get3A_53 = arith.constant 0 : index
    %get3A_54 = arith.constant 0 : index
    %get3A_55 = vector.load %arg9[%get3A_53, %get3A_54] : memref<128x128xf32, #tpu.memory_space<vmem>>, vector<128x128xf32>
    %dot_general3A_56 = arith.constant dense<0.000000e+00> : vector<512x128xf32>
    %dot_general3A_57 = tpu.matmul %add3A_42, %get3A_55, %dot_general3A_56 {dimension_numbers = #tpu.dot_dimension_numbers<[1], [0], [0], [1], [0, 0, 1, 1], [], []>, precision = #tpu.contract_precision<fp32>, transpose_lhs_hint = false} : vector<512x128xf32>, vector<128x128xf32>, vector<512x128xf32> -> vector<512x128xf32>
    %get3A_58 = arith.constant 0 : index
    %get3A_59 = arith.constant 0 : index
    %get3A_60 = vector.load %arg10[%get3A_58, %get3A_59] : memref<1x128xf32, #tpu.memory_space<vmem>>, vector<1x128xf32>
    %add3A_61 = vector.broadcast %get3A_60 : vector<1x128xf32> to vector<512x128xf32>
    %add3A_62 = arith.addf %dot_general3A_57, %add3A_61 : vector<512x128xf32>
    %swap3A_63 = arith.constant 0 : index
    %swap3A_64 = arith.constant 0 : index
    %swap3A_65 = vector.load %arg13[%swap3A_63, %swap3A_64] : memref<512x128xf32, #tpu.memory_space<vmem>>, vector<512x128xf32>
    tpu.vector_store %arg13[%swap3A_63, %swap3A_64], %add3A_62 {strides = array<i32>} : memref<512x128xf32, #tpu.memory_space<vmem>>, vector<512x128xf32>,
    return
  }
  func.func @transform_0(%arg0: i32) -> (i32, i32) {
    %c0_i32 = arith.constant 0 : i32
    %c0_i32_0 = arith.constant 0 : i32
    return %arg0, %c0_i32 : i32, i32
  }
  func.func @transform_1(%arg0: i32) -> (i32, i32, i32) {
    %c0_i32 = arith.constant 0 : i32
    %c0_i32_0 = arith.constant 0 : i32
    %c0_i32_1 = arith.constant 0 : i32
    return %c0_i32, %arg0, %c0_i32_0 : i32, i32, i32
  }
  func.func @transform_2(%arg0: i32) -> (i32, i32) {
    %c0_i32 = arith.constant 0 : i32
    %c0_i32_0 = arith.constant 0 : i32
    %c0_i32_1 = arith.constant 0 : i32
    return %c0_i32, %c0_i32_0 : i32, i32
  }
  func.func @transform_3(%arg0: i32) -> (i32, i32) {
    %c0_i32 = arith.constant 0 : i32
    %c0_i32_0 = arith.constant 0 : i32
    %c0_i32_1 = arith.constant 0 : i32
    return %c0_i32, %c0_i32_0 : i32, i32
  }
  func.func @transform_4(%arg0: i32) -> (i32, i32) {
    %c0_i32 = arith.constant 0 : i32
    %c0_i32_0 = arith.constant 0 : i32
    %c0_i32_1 = arith.constant 0 : i32
    return %c0_i32, %c0_i32_0 : i32, i32
  }
  func.func @transform_5(%arg0: i32) -> (i32, i32) {
    %c0_i32 = arith.constant 0 : i32
    %c0_i32_0 = arith.constant 0 : i32
    %c0_i32_1 = arith.constant 0 : i32
    return %c0_i32, %c0_i32_0 : i32, i32
  }
  func.func @transform_6(%arg0: i32) -> (i32, i32) {
    %c0_i32 = arith.constant 0 : i32
    %c0_i32_0 = arith.constant 0 : i32
    %c0_i32_1 = arith.constant 0 : i32
    return %c0_i32, %c0_i32_0 : i32, i32
  }
  func.func @transform_7(%arg0: i32) -> (i32, i32) {
    %c0_i32 = arith.constant 0 : i32
    %c0_i32_0 = arith.constant 0 : i32
    %c0_i32_1 = arith.constant 0 : i32
    return %c0_i32, %c0_i32_0 : i32, i32
  }
  func.func @transform_8(%arg0: i32) -> (i32, i32) {
    %c0_i32 = arith.constant 0 : i32
    %c0_i32_0 = arith.constant 0 : i32
    %c0_i32_1 = arith.constant 0 : i32
    return %c0_i32, %c0_i32_0 : i32, i32
  }
  func.func @transform_9(%arg0: i32) -> (i32, i32) {
    %c0_i32 = arith.constant 0 : i32
    %c0_i32_0 = arith.constant 0 : i32
    %c0_i32_1 = arith.constant 0 : i32
    return %c0_i32, %c0_i32_0 : i32, i32
  }
  func.func @transform_10(%arg0: i32) -> (i32, i32) {
    %c0_i32 = arith.constant 0 : i32
    %c0_i32_0 = arith.constant 0 : i32
    return %arg0, %c0_i32 : i32, i32
  }
  func.func @transform_11(%arg0: i32) -> (i32, i32) {
    %c0_i32 = arith.constant 0 : i32
    %c0_i32_0 = arith.constant 0 : i32
    return %arg0, %c0_i32 : i32, i32
  }
  func.func @transform_12(%arg0: i32) -> (i32, i32) {
    %c0_i32 = arith.constant 0 : i32
    %c0_i32_0 = arith.constant 0 : i32
    return %arg0, %c0_i32 : i32, i32
  }
}

module attributes {stable_mosaic.version = 14 : i64} {
  func.func @_tc_node_body(%arg0: i32, %arg1: memref<512x128xf32, #tpu.memory_space<vmem>>, %arg2: memref<2x512x128xf32, #tpu.memory_space<vmem>>, %arg3: memref<128x128xf32, #tpu.memory_space<vmem>>, %arg4: memref<128x128xf32, #tpu.memory_space<vmem>>, %arg5: memref<1x128xf32, #tpu.memory_space<vmem>>, %arg6: memref<128x128xf32, #tpu.memory_space<vmem>>, %arg7: memref<1x128xf32, #tpu.memory_space<vmem>>, %arg8: memref<512x128xf32, #tpu.memory_space<vmem>>) attributes {dimension_semantics = [#tpu.dimension_semantics<arbitrary>], iteration_bounds = array<i64: 20>, scalar_prefetch = 0 : i64, scratch_operands = 0 : i64, tpu.core_type = #tpu.core_type<tc>, window_params = [{transform_indices = @transform_0, window_bounds = array<i64: 512, 128>}, {transform_indices = @transform_1, window_bounds = array<i64: 2, 512, 128>}, {pipeline_mode = #tpu.pipeline_mode<synchronous>, transform_indices = @transform_2, window_bounds = array<i64: 128, 128>}, {pipeline_mode = #tpu.pipeline_mode<synchronous>, transform_indices = @transform_3, window_bounds = array<i64: 128, 128>}, {pipeline_mode = #tpu.pipeline_mode<synchronous>, transform_indices = @transform_4, window_bounds = array<i64: 1, 128>}, {pipeline_mode = #tpu.pipeline_mode<synchronous>, transform_indices = @transform_5, window_bounds = array<i64: 128, 128>}, {pipeline_mode = #tpu.pipeline_mode<synchronous>, transform_indices = @transform_6, window_bounds = array<i64: 1, 128>}, {transform_indices = @transform_7, window_bounds = array<i64: 512, 128>}]} {
    %get3A = arith.constant 0 : index
    %get3A_0 = arith.constant 0 : index
    %get3A_1 = vector.load %arg1[%get3A, %get3A_0] : memref<512x128xf32, #tpu.memory_space<vmem>>, vector<512x128xf32>
    %get3A_2 = arith.constant 0 : index
    %get3A_3 = arith.constant 0 : index
    %get3A_4 = arith.constant 0 : index
    %get3A_5 = vector.load %arg2[%get3A_2, %get3A_3, %get3A_4] : memref<2x512x128xf32, #tpu.memory_space<vmem>>, vector<1x512x128xf32>
    %get3A_6 = vector.shape_cast %get3A_5 : vector<1x512x128xf32> to vector<512x128xf32>
    %get3A_7 = arith.constant 1 : index
    %get3A_8 = arith.constant 0 : index
    %get3A_9 = arith.constant 0 : index
    %get3A_10 = vector.load %arg2[%get3A_7, %get3A_8, %get3A_9] : memref<2x512x128xf32, #tpu.memory_space<vmem>>, vector<1x512x128xf32>
    %get3A_11 = vector.shape_cast %get3A_10 : vector<1x512x128xf32> to vector<512x128xf32>
    %add3A = arith.addf %get3A_6, %get3A_11 : vector<512x128xf32>
    %get3A_12 = arith.constant 0 : index
    %get3A_13 = arith.constant 0 : index
    %get3A_14 = vector.load %arg3[%get3A_12, %get3A_13] : memref<128x128xf32, #tpu.memory_space<vmem>>, vector<128x128xf32>
    %dot_general3A = arith.constant dense<0.000000e+00> : vector<512x128xf32>
    %dot_general3A_15 = tpu.matmul %get3A_1, %get3A_14, %dot_general3A {dimension_numbers = #tpu.dot_dimension_numbers<[1], [0], [0], [1], [0, 0, 1, 1], [], []>, precision = #tpu.contract_precision<fp32>, transpose_lhs_hint = false} : vector<512x128xf32>, vector<128x128xf32>, vector<512x128xf32> -> vector<512x128xf32>
    %get3A_16 = arith.constant 0 : index
    %get3A_17 = arith.constant 0 : index
    %get3A_18 = vector.load %arg4[%get3A_16, %get3A_17] : memref<128x128xf32, #tpu.memory_space<vmem>>, vector<128x128xf32>
    %dot_general3A_19 = arith.constant dense<0.000000e+00> : vector<512x128xf32>
    %dot_general3A_20 = tpu.matmul %add3A, %get3A_18, %dot_general3A_19 {dimension_numbers = #tpu.dot_dimension_numbers<[1], [0], [0], [1], [0, 0, 1, 1], [], []>, precision = #tpu.contract_precision<fp32>, transpose_lhs_hint = false} : vector<512x128xf32>, vector<128x128xf32>, vector<512x128xf32> -> vector<512x128xf32>
    %add3A_21 = arith.addf %dot_general3A_15, %dot_general3A_20 : vector<512x128xf32>
    %get3A_22 = arith.constant 0 : index
    %get3A_23 = arith.constant 0 : index
    %get3A_24 = vector.load %arg5[%get3A_22, %get3A_23] : memref<1x128xf32, #tpu.memory_space<vmem>>, vector<1x128xf32>
    %add3A_25 = vector.broadcast %get3A_24 : vector<1x128xf32> to vector<512x128xf32>
    %add3A_26 = arith.addf %add3A_21, %add3A_25 : vector<512x128xf32>
    %logistic3A = arith.negf %add3A_26 : vector<512x128xf32>
    %logistic3A_27 = math.exp %logistic3A : vector<512x128xf32>
    %logistic3A_28 = arith.constant 1.000000e+00 : f32
    %logistic3A_29 = vector.broadcast %logistic3A_28 : f32 to vector<512x128xf32>
    %logistic3A_30 = arith.addf %logistic3A_29, %logistic3A_27 : vector<512x128xf32>
    %logistic3A_31 = arith.divf %logistic3A_29, %logistic3A_30 : vector<512x128xf32>
    %mul3A = arith.mulf %add3A_26, %logistic3A_31 : vector<512x128xf32>
    %get3A_32 = arith.constant 0 : index
    %get3A_33 = arith.constant 0 : index
    %get3A_34 = vector.load %arg6[%get3A_32, %get3A_33] : memref<128x128xf32, #tpu.memory_space<vmem>>, vector<128x128xf32>
    %dot_general3A_35 = arith.constant dense<0.000000e+00> : vector<512x128xf32>
    %dot_general3A_36 = tpu.matmul %mul3A, %get3A_34, %dot_general3A_35 {dimension_numbers = #tpu.dot_dimension_numbers<[1], [0], [0], [1], [0, 0, 1, 1], [], []>, precision = #tpu.contract_precision<fp32>, transpose_lhs_hint = false} : vector<512x128xf32>, vector<128x128xf32>, vector<512x128xf32> -> vector<512x128xf32>
    %get3A_37 = arith.constant 0 : index
    %get3A_38 = arith.constant 0 : index
    %get3A_39 = vector.load %arg7[%get3A_37, %get3A_38] : memref<1x128xf32, #tpu.memory_space<vmem>>, vector<1x128xf32>
    %add3A_40 = vector.broadcast %get3A_39 : vector<1x128xf32> to vector<512x128xf32>
    %add3A_41 = arith.addf %dot_general3A_36, %add3A_40 : vector<512x128xf32>
    %add3A_42 = arith.addf %get3A_1, %add3A_41 : vector<512x128xf32>
    %swap3A = arith.constant 0 : index
    %swap3A_43 = arith.constant 0 : index
    %swap3A_44 = vector.load %arg8[%swap3A, %swap3A_43] : memref<512x128xf32, #tpu.memory_space<vmem>>, vector<512x128xf32>
    tpu.vector_store %arg8[%swap3A, %swap3A_43], %add3A_42 {strides = array<i32>} : memref<512x128xf32, #tpu.memory_space<vmem>>, vector<512x128xf32>,
    return
  }
  func.func @transform_0(%arg0: i32) -> (i32, i32) {
    %c0_i32 = arith.constant 0 : i32
    %c0_i32_0 = arith.constant 0 : i32
    return %arg0, %c0_i32 : i32, i32
  }
  func.func @transform_1(%arg0: i32) -> (i32, i32, i32) {
    %c0_i32 = arith.constant 0 : i32
    %c0_i32_0 = arith.constant 0 : i32
    %c0_i32_1 = arith.constant 0 : i32
    return %c0_i32, %arg0, %c0_i32_0 : i32, i32, i32
  }
  func.func @transform_2(%arg0: i32) -> (i32, i32) {
    %c0_i32 = arith.constant 0 : i32
    %c0_i32_0 = arith.constant 0 : i32
    %c0_i32_1 = arith.constant 0 : i32
    return %c0_i32, %c0_i32_0 : i32, i32
  }
  func.func @transform_3(%arg0: i32) -> (i32, i32) {
    %c0_i32 = arith.constant 0 : i32
    %c0_i32_0 = arith.constant 0 : i32
    %c0_i32_1 = arith.constant 0 : i32
    return %c0_i32, %c0_i32_0 : i32, i32
  }
  func.func @transform_4(%arg0: i32) -> (i32, i32) {
    %c0_i32 = arith.constant 0 : i32
    %c0_i32_0 = arith.constant 0 : i32
    %c0_i32_1 = arith.constant 0 : i32
    return %c0_i32, %c0_i32_0 : i32, i32
  }
  func.func @transform_5(%arg0: i32) -> (i32, i32) {
    %c0_i32 = arith.constant 0 : i32
    %c0_i32_0 = arith.constant 0 : i32
    %c0_i32_1 = arith.constant 0 : i32
    return %c0_i32, %c0_i32_0 : i32, i32
  }
  func.func @transform_6(%arg0: i32) -> (i32, i32) {
    %c0_i32 = arith.constant 0 : i32
    %c0_i32_0 = arith.constant 0 : i32
    %c0_i32_1 = arith.constant 0 : i32
    return %c0_i32, %c0_i32_0 : i32, i32
  }
  func.func @transform_7(%arg0: i32) -> (i32, i32) {
    %c0_i32 = arith.constant 0 : i32
    %c0_i32_0 = arith.constant 0 : i32
    return %arg0, %c0_i32 : i32, i32
  }
}

</mosaic_0001>

<sc_bundles>
// kernel: kernel.12.cloned.1.call-start
scs
__scs_entry_jumppad:
0x0: {  	(pc) =	sbr.rel $0x88, $3  }
0x1: {  	(tag) =	ssettag $0x0;
	lr =	simm.s32 $0x1  }
0x2: {  	[smem:$0x3F8F] =	sst lr;
	_ =	strace $0xD0000000  }
0x3: {  	_ = 	snop  }
0x4: {  	_ = 	snop  }
0x5: {  	_ = 	snop  }
0x6: {  	_ = 	snop  }
0x7: {  	_ = 	snop  }
__scs_overlays_trampoline_lowered:
0x8: {  	[smem:$0x3F9E] =	sst s0  }
0x9: {  	[smem:$0x3F9F] =	sst s1  }
0xa: {  	[smem:$0x3FA0] =	sst s2  }
0xb: {  	[smem:$0x3FA1] =	sst s3  }
0xc: {  	[smem:$0x3FA2] =	sst s4  }
0xd: {  	[smem:$0x3FA3] =	sst s5  }
0xe: {  	[smem:$0x3FA4] =	sst s6  }
0xf: {  	[smem:$0x3FA5] =	sst s7  }
0x10: {  	[smem:$0x3FA6] =	sst s8  }
0x11: {  	[smem:$0x3FA7] =	sst s9;
	s0 =	simm.s32 @!p0 $0x0  }
0x12: {  	s1 =	sld [smem:$0x3F8D];
	s0 =	simm.s32 @p0 $0x1  }
0x13: {  	[smem:$0x3FA8] =	sst s0;
	s0 =	simm.s32 @!p1 $0x0  }
0x14: {  	s2 =	sld [smem:$0x3F8C];
	s0 =	simm.s32 @p1 $0x1  }
0x15: {  	[smem:$0x3FA9] =	sst s0;
	s0 =	simm.s32 @!p2 $0x0  }
0x16: {  	s3 =	sld [smem:$0x3FDB];
	s0 =	simm.s32 @p2 $0x1  }
0x17: {  	s4 =	simm.s32 $0x1BF5;
	[smem:$0x3FAB] =	sst s0  }
0x18: {  	s0 =	sld [smem:$0x3F8E];
	_ =	swait.ge [sflag:s4], $0x0  }
0x19: {  	s7 =	sld [smem:$0x3F8F]  }
0x1a: {  	s8 =	sadd.s32 $0xFFFFE003, lr  }
0x1b: {  	s9 =	sadd.s32 $0xFFFFFEF7, lr;
	s5 =	simm.s32 $0xFFFFFFFF;
	p2 =	slt.u32 s8, $0xFFFFF086  }
0x1c: {  	p1 =	slt.u32 s9, $0xF7A;
	s5 =	simm.s32 @!p2 $0x0  }
0x1d: {  	s5 =	simm.s32 @p1 $0x1;
	p0 =	seq.s32 s7, s2  }
0x1e: {  	s7 =	smul.u32 @!p0 $0xF7A, s2;
	p2 =	seq.s32 @!p0 s5, $0x0  }
0x1f: {  	s9 =	smul.u32 $0xF7A, s1;
	s8 =	simm.s32 @!p0 $0x1BF5;
	p2 =	por !p2, p0  }
0x20: {  	[sflag:s8] =	ssyncset.s32 @!p0 $0xFFFFF086;
	s6 =	sadd.s32 @!p0 s3, s7;
	s7 =	simm.s32 @!p0 $0x108  }
0x21: {  	s3 =	sadd.s32 s3, s9;
	s6 =	sadd.s32 @!p0 $0x88, s6;
	s7 =	simm.s32 @p2 $0x1082  }
0x22: {  	[simem:s7], [sflag:s8] =	dma.local @!p0 [hbm:s6], $0xF7A  }
0x23: {  	s9 =	sor.u32 $0xD0000000, s2;
	s6 =	simm.s32 $0x108;
	_ =	swait.ge @!p0 [sflag:s8], $0x0  }
0x24: {  	s3 =	sadd.s32 $0x88, s3;
	s6 =	simm.s32 @!p1 $0x1082;
	[sflag:s4] =	ssyncset.s32 $0xFFFFF086  }
0x25: {  	[simem:s6], [sflag:s4] =	dma.local [hbm:s3], $0xF7A  }
0x26: {  	[smem:$0x3F8F] =	sst s1;
	(tag) =	ssettag s2;
	_ =	strace s9  }
0x27: {  	s1 =	sld [smem:$0x3F9F]  }
0x28: {  	s2 =	sld [smem:$0x3FA0]  }
0x29: {  	s4 =	sld [smem:$0x3FA2]  }
0x2a: {  	p0 =	seq.s32 s5, $0x0;
	s5 =	sld [smem:$0x3FA3]  }
0x2b: {  	s6 =	sld [smem:$0x3FA4]  }
0x2c: {  	s7 =	sld [smem:$0x3FA5]  }
0x2d: {  	s3 =	simm.s32 $0x108;
	s8 =	sld [smem:$0x3FA6]  }
0x2e: {  	s3 =	simm.s32 @!p0 $0x1082;
	s9 =	sld [smem:$0x3FA7]  }
0x2f: {  	lr =	sadd.s32 s0, s3;
	s0 =	sld [smem:$0x3F9E]  }
0x30: {  	s3 =	sld [smem:$0x3FA1]  }
0x31: {  	[smem:$0x3FAA] =	sst s10  }
0x32: {  	s10 =	sld [smem:$0x3FA8];
	_ =	sdelay $0x3  }
0x33: {  	p0 =	seq.s32 s10, $0x1;
	s10 =	sld [smem:$0x3FAA];
	_ =	sdelay $0x3  }
0x34: {  	[smem:$0x3FAA] =	sst s10  }
0x35: {  	s10 =	sld [smem:$0x3FA9];
	_ =	sdelay $0x3  }
0x36: {  	p1 =	seq.s32 s10, $0x1;
	s10 =	sld [smem:$0x3FAA];
	_ =	sdelay $0x3  }
0x37: {  	[smem:$0x3FAA] =	sst s10  }
0x38: {  	s10 =	sld [smem:$0x3FAB]  }
0x39: {  	_ = 	snop;
	(pc) =	sbr.ind lr, $3  }
0x3a: {  	_ = 	snop  }
0x3b: {  	_ = 	snop  }
0x3c: {  	p2 =	seq.s32 s10, $0x1;
	s10 =	sld [smem:$0x3FAA]  }
0x3d: {  	_ =	shalt  }
0x3e: {  	_ =	shalt  }
0x3f: {  	_ =	shalt  }
0x40: {  	_ =	shalt  }
0x41: {  	_ =	shalt  }
0x42: {  	_ =	shalt  }
0x43: {  	_ =	shalt  }
0x44: {  	_ =	shalt  }
0x45: {  	_ =	shalt  }
0x46: {  	_ =	shalt  }
0x47: {  	_ =	shalt  }
0x48: {  	_ =	shalt  }
0x49: {  	_ =	shalt  }
0x4a: {  	_ =	shalt  }
0x4b: {  	_ =	shalt  }
0x4c: {  	_ =	shalt  }
0x4d: {  	_ =	shalt  }
0x4e: {  	_ =	shalt  }
0x4f: {  	_ =	shalt  }
0x50: {  	_ =	shalt  }
0x51: {  	_ =	shalt  }
0x52: {  	_ =	shalt  }
0x53: {  	_ =	shalt  }
0x54: {  	_ =	shalt  }
0x55: {  	_ =	shalt  }
0x56: {  	_ =	shalt  }
0x57: {  	_ =	shalt  }
0x58: {  	_ =	shalt  }
0x59: {  	_ =	shalt  }
0x5a: {  	_ =	shalt  }
0x5b: {  	_ =	shalt  }
0x5c: {  	_ =	shalt  }
0x5d: {  	_ =	shalt  }
0x5e: {  	_ =	shalt  }
0x5f: {  	_ =	shalt  }
0x60: {  	_ =	shalt  }
0x61: {  	_ =	shalt  }
0x62: {  	_ =	shalt  }
0x63: {  	_ =	shalt  }
0x64: {  	_ =	shalt  }
0x65: {  	_ =	shalt  }
0x66: {  	_ =	shalt  }
0x67: {  	_ =	shalt  }
0x68: {  	_ =	shalt  }
0x69: {  	_ =	shalt  }
0x6a: {  	_ =	shalt  }
0x6b: {  	_ =	shalt  }
0x6c: {  	_ =	shalt  }
0x6d: {  	_ =	shalt  }
0x6e: {  	_ =	shalt  }
0x6f: {  	_ =	shalt  }
0x70: {  	_ =	shalt  }
0x71: {  	_ =	shalt  }
0x72: {  	_ =	shalt  }
0x73: {  	_ =	shalt  }
0x74: {  	_ =	shalt  }
0x75: {  	_ =	shalt  }
0x76: {  	_ =	shalt  }
0x77: {  	_ =	shalt  }
0x78: {  	_ =	shalt  }
0x79: {  	_ =	shalt  }
0x7a: {  	_ =	shalt  }
0x7b: {  	_ =	shalt  }
0x7c: {  	_ =	shalt  }
0x7d: {  	_ =	shalt  }
0x7e: {  	_ =	shalt  }
0x7f: {  	_ =	shalt  }
0x80: {  	_ =	shalt  }
0x81: {  	_ =	shalt  }
0x82: {  	_ =	shalt  }
0x83: {  	_ =	shalt  }
0x84: {  	_ =	shalt  }
0x85: {  	_ =	shalt  }
0x86: {  	_ =	shalt  }
0x87: {  	_ =	shalt  }
.Lfunc_end0:
.L_simem_size_0:
called_computation_lowered:
.L_overlay_start_0:
0x88: {  	s2 =	sld [smem:$0x3FD9]  }
0x89: {  	s3 =	sld [smem:$0x3FFE];
	_ =	sdelay $0x1  }
0x8a: {  	s1 =	srdreg.scid  }
0x8b: {  	s0 =	sand.u32 $0x1, s1  }
0x8c: {  	s17 =	sshll.u32 s0, $0xA;
	s2 =	sadd.s32 s3, s2  }
0x8d: {  	s2 =	sadd.s32 s2, s17  }
0x8e: {  	[smem:$0x3FB6] =	sst s2  }
0x8f: {  	_ = 	snop  }
0x90: {  	s2 =	sld [smem:$0x3FD0];
	(tm) =	ssettm $0x1  }
0x91: {  	s18 =	sld [smem:$0x3FFB];
	_ =	sdelay $0x3  }
0x92: {  	_ =	strace s18  }
0x93: {  	s3 =	sld [smem:$0x3FFC];
	_ =	sdelay $0x3  }
0x94: {  	_ =	strace s3  }
0x95: {  	s3 =	sld [smem:$0x3FFD];
	_ =	sdelay $0x3  }
0x96: {  	_ =	strace s3  }
0x97: {  	_ =	strace $0x8FFFFFFF  }
0x98: {  	s19 =	sld [smem:$0x3FDB];
	_ =	sdelay $0x1  }
0x99: {  	s4 =	simm.s32 $_scs_section_size  }
0x9a: {  	s5 =	simm.s32 $_size__tile_overlayer_lowered;
	s6 =	simm.s32 $_tile_overlayer_lowered  }
0x9b: {  	s22 =	simm.s32 $0x1BFF;
	s21 =	sshll.u32 s6, $0x1;
	s3 =	sadd.s32 s4, s19  }
0x9c: {  	s7 =	simm.s32 $0x0;
	s20 =	sshll.u32 s5, $0x1;
	s5 =	sadd.s32 s21, s3  }
0x9d: {  	[timem:s7], [sflag:s22] =	dma.local [hbm:s5], s20  }
0x9e: {  	_ =	swait.ge [sflag:s22], s20  }
0x9f: {  	s4 =	ssub.s32 $0x0, s20;
	[sflag:s22] =	ssyncset.done $0x0  }
0xa0: {  	[sflag:s22] =	ssyncadd.s32 s4;
	_ =	sdelay $0x1  }
0xa1: {  	s23 =	simm.s32 $0x1B8B  }
0xa2: {  	_ =	swait.ge [sflag:s23], $0x1  }
0xa3: {  	[sflag:s23] =	ssyncset.done $0x0  }
0xa4: {  	s25 =	simm.s32 $0x1B8E;
	s24 =	sld [smem:$0x3FFE];
	[sflag:s23] =	ssyncadd.s32 $0xFFFFFFFF  }
0xa5: {  	s26 =	simm.s32 $execute0_lowered;
	[smem:$0x3FD2] =	sst s25  }
0xa6: {  	s5 =	sshll.u32 s26, $0x1;
	_ =	strace $0x80000046;
	[dreg:$0x1] =	wrdreg $0xFFFFFFFF  }
0xa7: {  	s28 =	simm.s32 $_size_execute0_lowered;
	s3 =	sadd.s32 s3, s5;
	[dreg:$0x0] =	wrdreg $0x0  }
0xa8: {  	s5 =	sshll.u32 s28, $0x1;
	[dreg:$0x2] =	wrdreg s3  }
0xa9: {  	[dreg:$0x3] =	wrdreg s5  }
0xaa: {  	[dreg:$0x4] =	wrdreg $0xC0  }
0xab: {  	_ =	task [dreg:s7], $0x5FFFF  }
0xac: {  	[dreg:$0x1] =	wrdreg $0xFFFFFFFF  }
0xad: {  	[dreg:$0x0] =	wrdreg $0x60  }
0xae: {  	[dreg:$0x2] =	wrdreg s24  }
0xaf: {  	[dreg:$0x3] =	wrdreg s2  }
0xb0: {  	[dreg:$0x4] =	wrdreg $0x9  }
0xb1: {  	_ =	task.clear_ibuf [dreg:s7], $0x5FFFF;
	_ =	strace $0x90000046  }
0xb2: {  	s29 =	simm.s32 $0x9;
	_ =	strace $0x80000048  }
0xb3: {  	_ =	swait.ge [sflag:s29], $0x1  }
0xb4: {  	[sflag:s29] =	ssyncadd.s32 $0xFFFFFFFF  }
0xb5: {  	_ =	strace $0x90000048  }
0xb6: {  	_ =	sfence  }
0xb7: {  	s30 =	sld [smem:$0x0];
	_ =	sdelay $0x2  }
0xb8: {  	s31 =	sshll.u32 s1, $0xD;
	s1 =	sshrl.u32 s1, $0x2  }
0xb9: {  	s3 =	sand.u32 $0x4000, s31;
	s1 =	sadd.s32 s1, s30  }
0xba: {  	s0 =	sor.u32 s3, s0;
	s1 =	sshll.u32 s1, $0x11  }
0xbb: {  	s0 =	sor.u32 s1, s0  }
0xbc: {  	s0 =	sadd.s32 $0x8F2B, s0  }
0xbd: {  	[sflag:s0] =	ssyncadd.remote.s32 $0x1  }
0xbe: {  	_ =	sfence.sel $0xFFFF  }
0xbf: {  	[dreg:$0x0] =	wrdreg $0xFFFFFFFF;
	(pc) =	sbr.abs _section_cstart, $3  }
0xc0: {  	[dreg:$0x1] =	wrdreg $0xFFFFFFFF  }
0xc1: {  	_ =	task.clear_ibuf [dreg:s7], $0x2FFFF;
	_ =	strace $0x9FFFFFFF  }
0xc2: {  	(tm) =	ssettm $0x7FFFFFFF  }
0xc3: {  	_ =	shalt  }
tec
execute0_lowered:
.L_overlay_start_1:
0x0: {  	(tag) =	ssettag $0x1  }
0x1: {  	s6 =	rddreg [dreg:$0x0]  }
0x2: {  	s7 =	rddreg [dreg:$0x1]  }
0x3: {  	s0 =	rddreg [dreg:$0x2]  }
0x4: {  	s2 =	simm.s32 $0x0;
	s3 =	srdreg.scid;
	s1 =	stileid.u32  }
0x5: {  	s12 =	simm.s32 $0x5000;
	s13 =	simm.s32 $0x7800;
	s14 =	simm.s32 $0x9F80  }
0x6: {  	s15 =	simm.s32 $0xC700;
	s16 =	simm.s32 $0x0;
	s8 =	sand.u32 $0x1, s3  }
0x7: {  	s29 =	sshll.u32 s1, $0x1;
	s9 =	smul.u32 $0x4F00, s1;
	[smem:$0x7FF] =	sst s2  }
0x8: {  	s3 =	sadd.s32 $0x12200, s6;
	s5 =	sadd.s32 $0x11600, s6;
	s4 =	sor.u32 s8, s29  }
0x9: {  	s10 =	smul.u32 $0x2780, s8;
	_ =	strace $0x80000047;
	s8 =	ssub.s32 $0x2, s8  }
0xa: {  	s11 =	smul.u32 $0x2780, s4;
	s4 =	sadd.s32 $0x11C00, s6;
	s31 =	sshrl.u32 s8, $0x1  }
0xb: {  	s9 =	sadd.s32 s10, s9;
	s8 =	ssub.s32 s8, s31;
	s10 =	simm.s32 $0x1  }
0xc: {  	s30 =	sshrl.u32 s11, $0x3;
	s9 =	sshrl.u32 s9, $0x3;
	s8 =	smax.u32 s8, $0x1  }
0xd: {  	s11 =	sadd.s32 s30, s6;
	s9 =	sadd.s32 s9, s6;
	s6 =	sadd.s32 s7, s30  }
0xe: {  	s7 =	sadd.s32 $0x7800, s11;
	s9 =	sadd.s32 $0x12800, s9;
	s11 =	simm.s32 $0x2800  }
.LBB2_1:
0xf: {  	[tilespmem:s2], [sflag:$0x1] =	stream.linear.gather [hbm4b:s3+s2], $0x2800, $0x38;
	[tilespmem:$0xC780] =	vst v63  }
0x10: {  	_ =	swait.ge [sflag:s10], $0x2800  }
0x11: {  	[sflag:s10] =	ssyncset.done $0x0  }
0x12: {  	[sflag:s10] =	ssyncadd.s32 $0xFFFFD800  }
0x13: {  	[tilespmem:s11], [sflag:$0x1] =	stream.linear.gather [hbm4b:s4+s2], $0x2800, $0x38;
	[tilespmem:$0xC780] =	vst v63  }
0x14: {  	_ =	swait.ge [sflag:s10], $0x2800  }
0x15: {  	[sflag:s10] =	ssyncset.done $0x0  }
0x16: {  	[sflag:s10] =	ssyncadd.s32 $0xFFFFD800  }
0x17: {  	[tilespmem:s12], [sflag:$0x1] =	stream.linear.gather [hbm4b:s5+s2], $0x2800, $0x38;
	[tilespmem:$0xC780] =	vst v63  }
0x18: {  	_ =	swait.ge [sflag:s10], $0x2800  }
0x19: {  	[sflag:s10] =	ssyncset.done $0x0  }
0x1a: {  	[sflag:s10] =	ssyncadd.s32 $0xFFFFD800  }
0x1b: {  	[tilespmem:s13], [sflag:$0x1] =	stream.linear.gather [hbm4b:s6+s2], $0x2780, $0x38;
	[tilespmem:$0xC780] =	vst v63  }
0x1c: {  	_ =	swait.ge [sflag:s10], $0x2780  }
0x1d: {  	[sflag:s10] =	ssyncset.done $0x0  }
0x1e: {  	[sflag:s10] =	ssyncadd.s32 $0xFFFFD880  }
0x1f: {  	[tilespmem:s14], [sflag:$0x1] =	stream.linear.gather [hbm4b:s7+s2], $0x2780, $0x38;
	[tilespmem:$0xC780] =	vst v63  }
0x20: {  	_ =	swait.ge [sflag:s10], $0x2780  }
0x21: {  	[sflag:s10] =	ssyncset.done $0x0  }
0x22: {  	s17 =	smov.u32 s9;
	s18 =	simm.s32 $0x0;
	[sflag:s10] =	ssyncadd.s32 $0xFFFFD880  }
.LBB2_2:
0x23: {  	s19 =	sshra.s32 s18, $0x2  }
0x24: {  	v0 =	vld [tilespmem:s19+$0x7800]  }
0x25: {  	v1 =	vld [tilespmem:s19+$0x9F80];
	_ =	sdelay $0x6  }
0x26: {  	v2 =	vld.idx.msk [tilespmem:v0+s2+$0x0], $0xffff  }
0x27: {  	v3 =	vld.idx.msk [tilespmem:v1+s2+$0x0], $0xffff  }
0x28: {  	v4 =	vld.idx.msk [tilespmem:v0+s11+$0x0], $0xffff  }
0x29: {  	v5 =	vld.idx.msk [tilespmem:v1+s11+$0x0], $0xffff  }
0x2a: {  	v0 =	vld.idx.msk [tilespmem:v0+s12+$0x0], $0xffff  }
0x2b: {  	v1 =	vld.idx.msk [tilespmem:v1+s12+$0x0], $0xffff;
	_ =	sdelay $0x2  }
0x2c: {  	v2 =	vsub.f32 v2, v3;
	v63 =	vsub.f32 v4, v5;
	_ =	sdelay $0x1  }
0x2d: {  	v0 =	vsub.f32 v0, v1;
	v6 =	vmul.f32 v2, v2;
	v7 =	vmul.f32 v63, v63;
	_ =	sdelay $0x1  }
0x2e: {  	v0 =	vmul.f32 v0, v0;
	v1 =	vadd.f32 v7, v6;
	_ =	sdelay $0x1  }
0x2f: {  	v0 =	vadd.f32 v0, v1;
	_ =	sdelay $0x1  }
0x30: {  	[tilespmem:$0xC700] =	vst v0  }
0x31: {  	v0 =	vld [tilespmem:s19+$0x7810]  }
0x32: {  	v8 =	vld [tilespmem:s19+$0x9F90];
	_ =	sdelay $0x6  }
0x33: {  	v9 =	vld.idx.msk [tilespmem:v0+s2+$0x0], $0xffff  }
0x34: {  	v10 =	vld.idx.msk [tilespmem:v8+s2+$0x0], $0xffff  }
0x35: {  	v11 =	vld.idx.msk [tilespmem:v0+s11+$0x0], $0xffff  }
0x36: {  	v12 =	vld.idx.msk [tilespmem:v8+s11+$0x0], $0xffff  }
0x37: {  	v0 =	vld.idx.msk [tilespmem:v0+s12+$0x0], $0xffff  }
0x38: {  	v1 =	vld.idx.msk [tilespmem:v8+s12+$0x0], $0xffff;
	_ =	sdelay $0x2  }
0x39: {  	v2 =	vsub.f32 v9, v10;
	v13 =	vsub.f32 v11, v12;
	_ =	sdelay $0x1  }
0x3a: {  	v0 =	vsub.f32 v0, v1;
	v14 =	vmul.f32 v2, v2;
	v15 =	vmul.f32 v13, v13;
	_ =	sdelay $0x1  }
0x3b: {  	v0 =	vmul.f32 v0, v0;
	v1 =	vadd.f32 v15, v14;
	_ =	sdelay $0x1  }
0x3c: {  	v0 =	vadd.f32 v0, v1;
	_ =	sdelay $0x1  }
0x3d: {  	[tilespmem:$0xC710] =	vst v0  }
0x3e: {  	v0 =	vld [tilespmem:s19+$0x7820]  }
0x3f: {  	v16 =	vld [tilespmem:s19+$0x9FA0];
	_ =	sdelay $0x6  }
0x40: {  	v17 =	vld.idx.msk [tilespmem:v0+s2+$0x0], $0xffff  }
0x41: {  	v18 =	vld.idx.msk [tilespmem:v16+s2+$0x0], $0xffff  }
0x42: {  	v19 =	vld.idx.msk [tilespmem:v0+s11+$0x0], $0xffff  }
0x43: {  	v20 =	vld.idx.msk [tilespmem:v16+s11+$0x0], $0xffff  }
0x44: {  	v0 =	vld.idx.msk [tilespmem:v0+s12+$0x0], $0xffff  }
0x45: {  	v1 =	vld.idx.msk [tilespmem:v16+s12+$0x0], $0xffff;
	_ =	sdelay $0x2  }
0x46: {  	v2 =	vsub.f32 v17, v18;
	v21 =	vsub.f32 v19, v20;
	_ =	sdelay $0x1  }
0x47: {  	v0 =	vsub.f32 v0, v1;
	v22 =	vmul.f32 v2, v2;
	v23 =	vmul.f32 v21, v21;
	_ =	sdelay $0x1  }
0x48: {  	v0 =	vmul.f32 v0, v0;
	v1 =	vadd.f32 v23, v22;
	_ =	sdelay $0x1  }
0x49: {  	v0 =	vadd.f32 v0, v1;
	_ =	sdelay $0x1  }
0x4a: {  	[tilespmem:$0xC720] =	vst v0  }
0x4b: {  	v0 =	vld [tilespmem:s19+$0x7830]  }
0x4c: {  	v24 =	vld [tilespmem:s19+$0x9FB0];
	_ =	sdelay $0x6  }
0x4d: {  	v25 =	vld.idx.msk [tilespmem:v0+s2+$0x0], $0xffff  }
0x4e: {  	v26 =	vld.idx.msk [tilespmem:v24+s2+$0x0], $0xffff  }
0x4f: {  	v27 =	vld.idx.msk [tilespmem:v0+s11+$0x0], $0xffff  }
0x50: {  	v28 =	vld.idx.msk [tilespmem:v24+s11+$0x0], $0xffff  }
0x51: {  	v0 =	vld.idx.msk [tilespmem:v0+s12+$0x0], $0xffff  }
0x52: {  	v1 =	vld.idx.msk [tilespmem:v24+s12+$0x0], $0xffff;
	_ =	sdelay $0x2  }
0x53: {  	v2 =	vsub.f32 v25, v26;
	v29 =	vsub.f32 v27, v28;
	_ =	sdelay $0x1  }
0x54: {  	v0 =	vsub.f32 v0, v1;
	v30 =	vmul.f32 v2, v2;
	v31 =	vmul.f32 v29, v29;
	_ =	sdelay $0x1  }
0x55: {  	v0 =	vmul.f32 v0, v0;
	v1 =	vadd.f32 v31, v30;
	_ =	sdelay $0x1  }
0x56: {  	v0 =	vadd.f32 v0, v1;
	_ =	sdelay $0x1  }
0x57: {  	[tilespmem:$0xC730] =	vst v0  }
0x58: {  	v0 =	vld [tilespmem:s19+$0x7840]  }
0x59: {  	v32 =	vld [tilespmem:s19+$0x9FC0];
	_ =	sdelay $0x6  }
0x5a: {  	v33 =	vld.idx.msk [tilespmem:v0+s2+$0x0], $0xffff  }
0x5b: {  	v34 =	vld.idx.msk [tilespmem:v32+s2+$0x0], $0xffff  }
0x5c: {  	v35 =	vld.idx.msk [tilespmem:v0+s11+$0x0], $0xffff  }
0x5d: {  	v36 =	vld.idx.msk [tilespmem:v32+s11+$0x0], $0xffff  }
0x5e: {  	v0 =	vld.idx.msk [tilespmem:v0+s12+$0x0], $0xffff  }
0x5f: {  	v1 =	vld.idx.msk [tilespmem:v32+s12+$0x0], $0xffff;
	_ =	sdelay $0x2  }
0x60: {  	v2 =	vsub.f32 v33, v34;
	v37 =	vsub.f32 v35, v36;
	_ =	sdelay $0x1  }
0x61: {  	v0 =	vsub.f32 v0, v1;
	v38 =	vmul.f32 v2, v2;
	v39 =	vmul.f32 v37, v37;
	_ =	sdelay $0x1  }
0x62: {  	v0 =	vmul.f32 v0, v0;
	v1 =	vadd.f32 v39, v38;
	_ =	sdelay $0x1  }
0x63: {  	v0 =	vadd.f32 v0, v1;
	_ =	sdelay $0x1  }
0x64: {  	[tilespmem:$0xC740] =	vst v0  }
0x65: {  	v0 =	vld [tilespmem:s19+$0x7850]  }
0x66: {  	v40 =	vld [tilespmem:s19+$0x9FD0];
	_ =	sdelay $0x6  }
0x67: {  	v41 =	vld.idx.msk [tilespmem:v0+s2+$0x0], $0xffff  }
0x68: {  	v42 =	vld.idx.msk [tilespmem:v40+s2+$0x0], $0xffff  }
0x69: {  	v43 =	vld.idx.msk [tilespmem:v0+s11+$0x0], $0xffff  }
0x6a: {  	v44 =	vld.idx.msk [tilespmem:v40+s11+$0x0], $0xffff  }
0x6b: {  	v0 =	vld.idx.msk [tilespmem:v0+s12+$0x0], $0xffff  }
0x6c: {  	v1 =	vld.idx.msk [tilespmem:v40+s12+$0x0], $0xffff;
	_ =	sdelay $0x2  }
0x6d: {  	v2 =	vsub.f32 v41, v42;
	v45 =	vsub.f32 v43, v44;
	_ =	sdelay $0x1  }
0x6e: {  	v0 =	vsub.f32 v0, v1;
	v46 =	vmul.f32 v2, v2;
	v47 =	vmul.f32 v45, v45;
	_ =	sdelay $0x1  }
0x6f: {  	v0 =	vmul.f32 v0, v0;
	v1 =	vadd.f32 v47, v46;
	_ =	sdelay $0x1  }
0x70: {  	v0 =	vadd.f32 v0, v1;
	_ =	sdelay $0x1  }
0x71: {  	[tilespmem:$0xC750] =	vst v0  }
0x72: {  	v0 =	vld [tilespmem:s19+$0x7860]  }
0x73: {  	v48 =	vld [tilespmem:s19+$0x9FE0];
	_ =	sdelay $0x6  }
0x74: {  	v49 =	vld.idx.msk [tilespmem:v0+s2+$0x0], $0xffff  }
0x75: {  	v50 =	vld.idx.msk [tilespmem:v48+s2+$0x0], $0xffff  }
0x76: {  	v51 =	vld.idx.msk [tilespmem:v0+s11+$0x0], $0xffff  }
0x77: {  	v52 =	vld.idx.msk [tilespmem:v48+s11+$0x0], $0xffff  }
0x78: {  	v0 =	vld.idx.msk [tilespmem:v0+s12+$0x0], $0xffff  }
0x79: {  	v1 =	vld.idx.msk [tilespmem:v48+s12+$0x0], $0xffff;
	_ =	sdelay $0x2  }
0x7a: {  	v2 =	vsub.f32 v49, v50;
	v53 =	vsub.f32 v51, v52;
	_ =	sdelay $0x1  }
0x7b: {  	v0 =	vsub.f32 v0, v1;
	v54 =	vmul.f32 v2, v2;
	v55 =	vmul.f32 v53, v53;
	_ =	sdelay $0x1  }
0x7c: {  	v0 =	vmul.f32 v0, v0;
	v1 =	vadd.f32 v55, v54;
	_ =	sdelay $0x1  }
0x7d: {  	v0 =	vadd.f32 v0, v1;
	_ =	sdelay $0x1  }
0x7e: {  	[tilespmem:$0xC760] =	vst v0  }
0x7f: {  	v0 =	vld [tilespmem:s19+$0x7870]  }
0x80: {  	v56 =	vld [tilespmem:s19+$0x9FF0];
	_ =	sdelay $0x6  }
0x81: {  	v57 =	vld.idx.msk [tilespmem:v0+s2+$0x0], $0xffff  }
0x82: {  	v58 =	vld.idx.msk [tilespmem:v56+s2+$0x0], $0xffff  }
0x83: {  	v59 =	vld.idx.msk [tilespmem:v0+s11+$0x0], $0xffff  }
0x84: {  	v60 =	vld.idx.msk [tilespmem:v56+s11+$0x0], $0xffff  }
0x85: {  	v0 =	vld.idx.msk [tilespmem:v0+s12+$0x0], $0xffff  }
0x86: {  	v1 =	vld.idx.msk [tilespmem:v56+s12+$0x0], $0xffff;
	_ =	sdelay $0x2  }
0x87: {  	v2 =	vsub.f32 v57, v58;
	v61 =	vsub.f32 v59, v60;
	_ =	sdelay $0x1  }
0x88: {  	v0 =	vsub.f32 v0, v1;
	v62 =	vmul.f32 v2, v2;
	v63 =	vmul.f32 v61, v61;
	_ =	sdelay $0x1  }
0x89: {  	v0 =	vmul.f32 v0, v0;
	v1 =	vadd.f32 v63, v62;
	_ =	sdelay $0x1  }
0x8a: {  	v0 =	vadd.f32 v0, v1  }
0x8b: {  	p0 =	sne.s32 s18, $0x9C00  }
.Ltmp0:
0x8c: {  	[tilespmem:$0xC770] =	vst v0;
	(pc) =	sbr.rel @p0 .LBB2_2-.Ltmp0, $4  }
0x8d: {  	[hbm4b:s17+s2] =	stream.linear.scatter [tilespmem:s15], [sflag:$0x1], $0x80, $0x38;
	[tilespmem:$0xC780] =	vst v63  }
0x8e: {  	_ =	swait.ge [sflag:s10], $0x80  }
0x8f: {  	[sflag:s10] =	ssyncset.done $0x0  }
0x90: {  	s18 =	sadd.s32 $0x200, s18;
	s17 =	sadd.s32 $0x10, s17;
	[sflag:s10] =	ssyncadd.s32 $0xFFFFFF80  }
0x91: {  	s16 =	sadd.s32 $0x1, s16  }
0x92: {  	p0 =	sne.s32 s16, s8  }
.Ltmp1:
0x93: {  	_ = 	snop;
	(pc) =	sbr.rel @p0 .LBB2_1-.Ltmp1, $1  }
0x94: {  	_ =	sdelay $0x3  }
0x95: {  	_ =	sfence.sel $0x180000  }
0x96: {  	[bflag:$0x0] =	sbarrier.arrive $0xFFFF  }
0x97: {  	p0 =	sne.s32 s1, $0x0;
	_ =	strace $0x90000047  }
0x98: {  	s0 =	sadd.s32 @!p0 $0x100000, s0;
	[bflag:$0x2] =	sbarrier.arrive $0xFFFF  }
0x99: {  	[sflag:s0] =	ssyncadd.tile.s32 @!p0 $0x1;
	_ =	shalt  }
.Lfunc_end2:
_tile_overlayer_lowered:
.L_overlay_start_2:
0x9a: {  	(tag) =	ssettag $0x2  }
0x9b: {  	s0 =	rddreg [dreg:$0x0];
	s2 =	stileid.u32  }
0x9c: {  	s1 =	rddreg [dreg:$0x1];
	p0 =	sne.s32 s2, $0x0  }
0x9d: {  	s3 =	rddreg [dreg:$0x2];
	[bflag:$0x3] =	sbarrier.arrive $0xFFFF;
	s2 =	simm.s32 @!p0 $0x1C01  }
0x9e: {  	[timem:s3], [sflag:s2] =	dma.local @!p0 [hbm:s0], s1  }
0x9f: {  	s0 =	simm.s32 @!p0 $0x1  }
0xa0: {  	_ =	swait.ge @!p0 [sflag:s0], s1  }
0xa1: {  	s1 =	ssub.s32 @!p0 $0x0, s1;
	[sflag:s0] =	ssyncset.done @!p0 $0x0  }
0xa2: {  	[sflag:s0] =	ssyncadd.s32 @!p0 s1  }
0xa3: {  	[bflag:$0x3] =	sbarrier.arrive $0xFFFF  }
0xa4: {  	_ =	shalt  }

// kernel: kernel.15.cloned.1.call-start
scs
__scs_entry_jumppad:
0x0: {  	(pc) =	sbr.rel $0x88, $3  }
0x1: {  	(tag) =	ssettag $0x0;
	lr =	simm.s32 $0x1  }
0x2: {  	[smem:$0x3F8F] =	sst lr;
	_ =	strace $0xD0000000  }
0x3: {  	_ = 	snop  }
0x4: {  	_ = 	snop  }
0x5: {  	_ = 	snop  }
0x6: {  	_ = 	snop  }
0x7: {  	_ = 	snop  }
__scs_overlays_trampoline_lowered:
0x8: {  	[smem:$0x3F9E] =	sst s0  }
0x9: {  	[smem:$0x3F9F] =	sst s1  }
0xa: {  	[smem:$0x3FA0] =	sst s2  }
0xb: {  	[smem:$0x3FA1] =	sst s3  }
0xc: {  	[smem:$0x3FA2] =	sst s4  }
0xd: {  	[smem:$0x3FA3] =	sst s5  }
0xe: {  	[smem:$0x3FA4] =	sst s6  }
0xf: {  	[smem:$0x3FA5] =	sst s7  }
0x10: {  	[smem:$0x3FA6] =	sst s8  }
0x11: {  	[smem:$0x3FA7] =	sst s9;
	s0 =	simm.s32 @!p0 $0x0  }
0x12: {  	s1 =	sld [smem:$0x3F8D];
	s0 =	simm.s32 @p0 $0x1  }
0x13: {  	[smem:$0x3FA8] =	sst s0;
	s0 =	simm.s32 @!p1 $0x0  }
0x14: {  	s2 =	sld [smem:$0x3F8C];
	s0 =	simm.s32 @p1 $0x1  }
0x15: {  	[smem:$0x3FA9] =	sst s0;
	s0 =	simm.s32 @!p2 $0x0  }
0x16: {  	s3 =	sld [smem:$0x3FDB];
	s0 =	simm.s32 @p2 $0x1  }
0x17: {  	s4 =	simm.s32 $0x1BF5;
	[smem:$0x3FAB] =	sst s0  }
0x18: {  	s0 =	sld [smem:$0x3F8E];
	_ =	swait.ge [sflag:s4], $0x0  }
0x19: {  	s7 =	sld [smem:$0x3F8F]  }
0x1a: {  	s8 =	sadd.s32 $0xFFFFE003, lr  }
0x1b: {  	s9 =	sadd.s32 $0xFFFFFEF7, lr;
	s5 =	simm.s32 $0xFFFFFFFF;
	p2 =	slt.u32 s8, $0xFFFFF086  }
0x1c: {  	p1 =	slt.u32 s9, $0xF7A;
	s5 =	simm.s32 @!p2 $0x0  }
0x1d: {  	s5 =	simm.s32 @p1 $0x1;
	p0 =	seq.s32 s7, s2  }
0x1e: {  	s7 =	smul.u32 @!p0 $0xF7A, s2;
	p2 =	seq.s32 @!p0 s5, $0x0  }
0x1f: {  	s9 =	smul.u32 $0xF7A, s1;
	s8 =	simm.s32 @!p0 $0x1BF5;
	p2 =	por !p2, p0  }
0x20: {  	[sflag:s8] =	ssyncset.s32 @!p0 $0xFFFFF086;
	s6 =	sadd.s32 @!p0 s3, s7;
	s7 =	simm.s32 @!p0 $0x108  }
0x21: {  	s3 =	sadd.s32 s3, s9;
	s6 =	sadd.s32 @!p0 $0x88, s6;
	s7 =	simm.s32 @p2 $0x1082  }
0x22: {  	[simem:s7], [sflag:s8] =	dma.local @!p0 [hbm:s6], $0xF7A  }
0x23: {  	s9 =	sor.u32 $0xD0000000, s2;
	s6 =	simm.s32 $0x108;
	_ =	swait.ge @!p0 [sflag:s8], $0x0  }
0x24: {  	s3 =	sadd.s32 $0x88, s3;
	s6 =	simm.s32 @!p1 $0x1082;
	[sflag:s4] =	ssyncset.s32 $0xFFFFF086  }
0x25: {  	[simem:s6], [sflag:s4] =	dma.local [hbm:s3], $0xF7A  }
0x26: {  	[smem:$0x3F8F] =	sst s1;
	(tag) =	ssettag s2;
	_ =	strace s9  }
0x27: {  	s1 =	sld [smem:$0x3F9F]  }
0x28: {  	s2 =	sld [smem:$0x3FA0]  }
0x29: {  	s4 =	sld [smem:$0x3FA2]  }
0x2a: {  	p0 =	seq.s32 s5, $0x0;
	s5 =	sld [smem:$0x3FA3]  }
0x2b: {  	s6 =	sld [smem:$0x3FA4]  }
0x2c: {  	s7 =	sld [smem:$0x3FA5]  }
0x2d: {  	s3 =	simm.s32 $0x108;
	s8 =	sld [smem:$0x3FA6]  }
0x2e: {  	s3 =	simm.s32 @!p0 $0x1082;
	s9 =	sld [smem:$0x3FA7]  }
0x2f: {  	lr =	sadd.s32 s0, s3;
	s0 =	sld [smem:$0x3F9E]  }
0x30: {  	s3 =	sld [smem:$0x3FA1]  }
0x31: {  	[smem:$0x3FAA] =	sst s10  }
0x32: {  	s10 =	sld [smem:$0x3FA8];
	_ =	sdelay $0x3  }
0x33: {  	p0 =	seq.s32 s10, $0x1;
	s10 =	sld [smem:$0x3FAA];
	_ =	sdelay $0x3  }
0x34: {  	[smem:$0x3FAA] =	sst s10  }
0x35: {  	s10 =	sld [smem:$0x3FA9];
	_ =	sdelay $0x3  }
0x36: {  	p1 =	seq.s32 s10, $0x1;
	s10 =	sld [smem:$0x3FAA];
	_ =	sdelay $0x3  }
0x37: {  	[smem:$0x3FAA] =	sst s10  }
0x38: {  	s10 =	sld [smem:$0x3FAB]  }
0x39: {  	_ = 	snop;
	(pc) =	sbr.ind lr, $3  }
0x3a: {  	_ = 	snop  }
0x3b: {  	_ = 	snop  }
0x3c: {  	p2 =	seq.s32 s10, $0x1;
	s10 =	sld [smem:$0x3FAA]  }
0x3d: {  	_ =	shalt  }
0x3e: {  	_ =	shalt  }
0x3f: {  	_ =	shalt  }
0x40: {  	_ =	shalt  }
0x41: {  	_ =	shalt  }
0x42: {  	_ =	shalt  }
0x43: {  	_ =	shalt  }
0x44: {  	_ =	shalt  }
0x45: {  	_ =	shalt  }
0x46: {  	_ =	shalt  }
0x47: {  	_ =	shalt  }
0x48: {  	_ =	shalt  }
0x49: {  	_ =	shalt  }
0x4a: {  	_ =	shalt  }
0x4b: {  	_ =	shalt  }
0x4c: {  	_ =	shalt  }
0x4d: {  	_ =	shalt  }
0x4e: {  	_ =	shalt  }
0x4f: {  	_ =	shalt  }
0x50: {  	_ =	shalt  }
0x51: {  	_ =	shalt  }
0x52: {  	_ =	shalt  }
0x53: {  	_ =	shalt  }
0x54: {  	_ =	shalt  }
0x55: {  	_ =	shalt  }
0x56: {  	_ =	shalt  }
0x57: {  	_ =	shalt  }
0x58: {  	_ =	shalt  }
0x59: {  	_ =	shalt  }
0x5a: {  	_ =	shalt  }
0x5b: {  	_ =	shalt  }
0x5c: {  	_ =	shalt  }
0x5d: {  	_ =	shalt  }
0x5e: {  	_ =	shalt  }
0x5f: {  	_ =	shalt  }
0x60: {  	_ =	shalt  }
0x61: {  	_ =	shalt  }
0x62: {  	_ =	shalt  }
0x63: {  	_ =	shalt  }
0x64: {  	_ =	shalt  }
0x65: {  	_ =	shalt  }
0x66: {  	_ =	shalt  }
0x67: {  	_ =	shalt  }
0x68: {  	_ =	shalt  }
0x69: {  	_ =	shalt  }
0x6a: {  	_ =	shalt  }
0x6b: {  	_ =	shalt  }
0x6c: {  	_ =	shalt  }
0x6d: {  	_ =	shalt  }
0x6e: {  	_ =	shalt  }
0x6f: {  	_ =	shalt  }
0x70: {  	_ =	shalt  }
0x71: {  	_ =	shalt  }
0x72: {  	_ =	shalt  }
0x73: {  	_ =	shalt  }
0x74: {  	_ =	shalt  }
0x75: {  	_ =	shalt  }
0x76: {  	_ =	shalt  }
0x77: {  	_ =	shalt  }
0x78: {  	_ =	shalt  }
0x79: {  	_ =	shalt  }
0x7a: {  	_ =	shalt  }
0x7b: {  	_ =	shalt  }
0x7c: {  	_ =	shalt  }
0x7d: {  	_ =	shalt  }
0x7e: {  	_ =	shalt  }
0x7f: {  	_ =	shalt  }
0x80: {  	_ =	shalt  }
0x81: {  	_ =	shalt  }
0x82: {  	_ =	shalt  }
0x83: {  	_ =	shalt  }
0x84: {  	_ =	shalt  }
0x85: {  	_ =	shalt  }
0x86: {  	_ =	shalt  }
0x87: {  	_ =	shalt  }
.Lfunc_end0:
.L_simem_size_0:
called_computation.1_lowered:
.L_overlay_start_0:
0x88: {  	s2 =	sld [smem:$0x3FD9]  }
0x89: {  	s3 =	sld [smem:$0x3FFE];
	_ =	sdelay $0x1  }
0x8a: {  	s1 =	srdreg.scid  }
0x8b: {  	s0 =	sand.u32 $0x1, s1  }
0x8c: {  	s17 =	sshll.u32 s0, $0xA;
	s2 =	sadd.s32 s3, s2  }
0x8d: {  	s2 =	sadd.s32 s2, s17  }
0x8e: {  	[smem:$0x3FB6] =	sst s2  }
0x8f: {  	_ = 	snop  }
0x90: {  	(tm) =	ssettm $0x1  }
0x91: {  	s18 =	sld [smem:$0x3FFB];
	_ =	sdelay $0x3  }
0x92: {  	_ =	strace s18  }
0x93: {  	s2 =	sld [smem:$0x3FFC];
	_ =	sdelay $0x3  }
0x94: {  	_ =	strace s2  }
0x95: {  	s2 =	sld [smem:$0x3FFD];
	_ =	sdelay $0x3  }
0x96: {  	_ =	strace s2  }
0x97: {  	_ =	strace $0x8FFFFFFF  }
0x98: {  	s19 =	sld [smem:$0x3FDB];
	_ =	sdelay $0x1  }
0x99: {  	s20 =	simm.s32 $_scs_section_size  }
0x9a: {  	s4 =	simm.s32 $_size__tile_overlayer_lowered;
	s5 =	simm.s32 $_tile_overlayer_lowered  }
0x9b: {  	s6 =	simm.s32 $0x1BFF;
	s21 =	sshll.u32 s5, $0x1;
	s3 =	sadd.s32 s20, s19  }
0x9c: {  	s22 =	simm.s32 $0x0;
	s4 =	sshll.u32 s4, $0x1;
	s5 =	sadd.s32 s21, s3  }
0x9d: {  	[timem:s22], [sflag:s6] =	dma.local [hbm:s5], s4  }
0x9e: {  	_ =	swait.ge [sflag:s6], s4  }
0x9f: {  	s4 =	ssub.s32 $0x0, s4;
	[sflag:s6] =	ssyncset.done $0x0  }
0xa0: {  	[sflag:s6] =	ssyncadd.s32 s4;
	_ =	sdelay $0x1  }
0xa1: {  	s23 =	simm.s32 $0x1B8B  }
0xa2: {  	_ =	swait.ge [sflag:s23], $0x1  }
0xa3: {  	[sflag:s23] =	ssyncset.done $0x0  }
0xa4: {  	[sflag:s23] =	ssyncadd.s32 $0xFFFFFFFF  }
0xa5: {  	s4 =	sld [smem:$0x0]  }
0xa6: {  	s5 =	sand.u32 $0xFFFFFFFE, s1  }
0xa7: {  	p0 =	sne.s32 s1, s5  }
0xa8: {  	s5 =	sshll.u32 @p0 s5, $0xE  }
0xa9: {  	s5 =	sadd.s32 @p0 $0x11B8D, s5;
	s6 =	sshll.u32 @p0 s4, $0x11  }
0xaa: {  	s5 =	sor.u32 @p0 s6, s5  }
0xab: {  	[sflag:s5] =	ssyncadd.remote.s32 @p0 $0x1;
	_ =	sdelay $0x1  }
0xac: {  	s5 =	simm.s32 @p0 $0x1B8D  }
0xad: {  	_ =	swait.eq @p0 [sflag:s5], $0x1  }
0xae: {  	[sflag:s5] =	ssyncadd.s32 @p0 $0xFFFFFFFF  }
0xaf: {  	s6 =	sshll.u32 @!p0 s1, $0xE  }
0xb0: {  	s6 =	sor.u32 @!p0 $0x4000, s6;
	s5 =	simm.s32 @!p0 $0x1B8D  }
0xb1: {  	s4 =	sshll.u32 @!p0 s4, $0x11;
	s6 =	sadd.s32 @!p0 $0x11B8D, s6;
	_ =	swait.eq @!p0 [sflag:s5], $0x1  }
0xb2: {  	s4 =	sor.u32 @!p0 s4, s6;
	[sflag:s5] =	ssyncadd.s32 @!p0 $0xFFFFFFFF  }
0xb3: {  	s25 =	simm.s32 $0x1B8E;
	s24 =	sld [smem:$0x3FFE];
	[sflag:s4] =	ssyncadd.remote.s32 @!p0 $0x1  }
0xb4: {  	s26 =	simm.s32 $execute0_lowered;
	[smem:$0x3FD2] =	sst s25  }
0xb5: {  	s5 =	sshll.u32 s26, $0x1;
	_ =	strace $0x80000049;
	[dreg:$0x1] =	wrdreg $0xFFFFFFFF  }
0xb6: {  	s28 =	simm.s32 $_size_execute0_lowered;
	s3 =	sadd.s32 s3, s5;
	[dreg:$0x0] =	wrdreg $0x0  }
0xb7: {  	s5 =	sshll.u32 s28, $0x1;
	[dreg:$0x2] =	wrdreg s3  }
0xb8: {  	[dreg:$0x3] =	wrdreg s5  }
0xb9: {  	[dreg:$0x4] =	wrdreg $0xC0  }
0xba: {  	_ =	task [dreg:s22], $0x5FFFF  }
0xbb: {  	[dreg:$0x1] =	wrdreg $0xFFFFFFFF  }
0xbc: {  	[dreg:$0x0] =	wrdreg $0x60  }
0xbd: {  	[dreg:$0x2] =	wrdreg s24  }
0xbe: {  	[dreg:$0x3] =	wrdreg $0xA  }
0xbf: {  	_ =	task.clear_ibuf [dreg:s22], $0x4FFFF;
	_ =	strace $0x90000049  }
0xc0: {  	s29 =	simm.s32 $0xA;
	_ =	strace $0x8000004B  }
0xc1: {  	_ =	swait.ge [sflag:s29], $0x1  }
0xc2: {  	[sflag:s29] =	ssyncadd.s32 $0xFFFFFFFF  }
0xc3: {  	_ =	strace $0x9000004B  }
0xc4: {  	_ =	sfence  }
0xc5: {  	s30 =	sld [smem:$0x0];
	_ =	sdelay $0x2  }
0xc6: {  	s31 =	sshll.u32 s1, $0xD;
	s1 =	sshrl.u32 s1, $0x2  }
0xc7: {  	s4 =	sand.u32 $0x4000, s31;
	s1 =	sadd.s32 s1, s30  }
0xc8: {  	s0 =	sor.u32 s4, s0;
	s1 =	sshll.u32 s1, $0x11  }
0xc9: {  	s0 =	sor.u32 s1, s0  }
0xca: {  	s0 =	sadd.s32 $0x8F2B, s0  }
0xcb: {  	[sflag:s0] =	ssyncadd.remote.s32 $0x1  }
0xcc: {  	_ =	sfence.sel $0xFFFF  }
0xcd: {  	[dreg:$0x0] =	wrdreg $0xFFFFFFFF;
	(pc) =	sbr.abs _section_cstart, $3  }
0xce: {  	[dreg:$0x1] =	wrdreg $0xFFFFFFFF  }
0xcf: {  	_ =	task.clear_ibuf [dreg:s22], $0x2FFFF;
	_ =	strace $0x9FFFFFFF  }
0xd0: {  	(tm) =	ssettm $0x7FFFFFFF  }
0xd1: {  	_ =	shalt  }
tec
execute0_lowered:
.L_overlay_start_1:
0x0: {  	(tag) =	ssettag $0x1  }
0x1: {  	s1 =	srdreg.scid;
	s0 =	stileid.u32  }
0x2: {  	s5 =	rddreg [dreg:$0x0];
	s2 =	simm.s32 $0x0;
	s11 =	simm.s32 $0x2800  }
0x3: {  	s12 =	simm.s32 $0x80;
	s13 =	simm.s32 $0x5000;
	s14 =	simm.s32 $0xD000  }
0x4: {  	s15 =	simm.s32 $0x1;
	s16 =	simm.s32 $0x15000;
	s17 =	simm.s32 $0x2  }
0x5: {  	s18 =	simm.s32 $0x19000;
	s4 =	sand.u32 $0x1, s1;
	s3 =	sshll.u32 s0, $0x1  }
0x6: {  	s19 =	simm.s32 $0x3;
	s20 =	simm.s32 $0x4;
	s8 =	sor.u32 s4, s3  }
0x7: {  	s21 =	simm.s32 $0x0;
	[smem:$0x7FF] =	sst s2;
	s6 =	smul.u32 $0x500, s8  }
.Ltmp0:
0x8: {  	s1 =	rddreg [dreg:$0x1];
	_ =	strace $0x8000004A;
	(pc) =	sbr.rel .LBB2_1-.Ltmp0, $4  }
0x9: {  	s3 =	sadd.s32 $0x31800, s5;
	s7 =	ssub.s32 $0x2, s4;
	s4 =	sadd.s32 $0x59800, s5  }
0xa: {  	s31 =	sshrl.u32 s7, $0x1;
	s8 =	smul.u32 $0x13C000, s8;
	s9 =	sadd.s32 s6, s5  }
0xb: {  	s10 =	ssub.s32 s7, s31;
	s5 =	sadd.s32 $0xA9800, s5;
	s6 =	sadd.s32 $0x1C600, s9  }
0xc: {  	s7 =	sadd.s32 $0x26600, s9;
	s9 =	smax.u32 s10, $0x1;
	s10 =	simm.s32 $0x5  }
.LBB2_9:
0xd: {  	s21 =	sadd.s32 $0x1, s21  }
0xe: {  	_ =	swait.ge [sflag:s19], $0x4000;
	p0 =	sne.s32 s21, s9  }
.Ltmp1:
0xf: {  	[sflag:s19] =	ssyncset.done $0x0;
	(pc) =	sbr.rel @!p0 .LBB2_10-.Ltmp1, $4  }
0x10: {  	[sflag:s19] =	ssyncadd.s32 $0xFFFFC000  }
0x11: {  	_ =	swait.ge [sflag:s20], $0x4000  }
0x12: {  	[sflag:s20] =	ssyncset.done $0x0  }
0x13: {  	[sflag:s20] =	ssyncadd.s32 $0xFFFFC000  }
.LBB2_1:
0x14: {  	[tilespmem:s2], [sflag:$0x5] =	stream.linear.gather [hbm4b:s6+s2], $0x2780, $0x38;
	[tilespmem:$0x1D000] =	vst v63  }
0x15: {  	_ =	swait.ge [sflag:s10], $0x2780  }
0x16: {  	[sflag:s10] =	ssyncset.done $0x0  }
0x17: {  	[sflag:s10] =	ssyncadd.s32 $0xFFFFD880  }
0x18: {  	[tilespmem:s11], [sflag:$0x5] =	stream.linear.gather [hbm4b:s7+s2], $0x2780, $0x38;
	[tilespmem:$0x1D000] =	vst v63  }
0x19: {  	_ =	swait.ge [sflag:s10], $0x2780  }
.Ltmp2:
0x1a: {  	[sflag:s10] =	ssyncset.done $0x0;
	(pc) =	sbr.rel .LBB2_2-.Ltmp2, $4  }
0x1b: {  	[sflag:s10] =	ssyncadd.s32 $0xFFFFD880  }
0x1c: {  	[tilespmem:s13], [sflag:$0x1] =	stream.indirect.gather [hbm4b:s3+s12], $0x80, s2, s12, $0xb8;
	[tilespmem:$0x1D000] =	vst v63  }
0x1d: {  	s22 =	simm.s32 $0x0  }
0x1e: {  	[tilespmem:s14], [sflag:$0x1] =	stream.indirect.gather [hbm4b:s4+s12], $0x80, s11, s12, $0xb8;
	[tilespmem:$0x1D000] =	vst v63  }
.LBB2_8:
0x1f: {  	s22 =	sadd.s32 $0x1, s22  }
0x20: {  	p0 =	sne.s32 s22, $0x28  }
.Ltmp3:
0x21: {  	_ = 	snop;
	(pc) =	sbr.rel @!p0 .LBB2_9-.Ltmp3, $1  }
0x22: {  	_ =	sdelay $0x3  }
.LBB2_2:
0x23: {  	s23 =	sshllo.u32 s22, $0x1  }
0x24: {  	p1 =	sgt.u32 s23, $0x4E  }
0x25: {  	s24 =	sshll.u32 @!p1 s23, $0x7;
	s25 =	simm.s32 @!p1 $0x80;
	s26 =	simm.s32 @!p1 $0x9000  }
0x26: {  	[tilespmem:s26], [sflag:$0x2] =	stream.indirect.gather @!p1 [hbm4b:s3+s25], $0x80, s24, s25, $0xb8;
	[tilespmem:$0x1D000] =	vst v63  }
0x27: {  	s24 =	sadd.s32 @!p1 $0x2800, s24;
	s26 =	simm.s32 @!p1 $0x11000  }
0x28: {  	[tilespmem:s26], [sflag:$0x2] =	stream.indirect.gather @!p1 [hbm4b:s4+s25], $0x80, s24, s25, $0xb8;
	[tilespmem:$0x1D000] =	vst v63  }
0x29: {  	_ =	swait.ge [sflag:s15], $0x4000  }
0x2a: {  	[sflag:s15] =	ssyncset.done $0x0  }
0x2b: {  	[sflag:s15] =	ssyncadd.s32 $0xFFFFC000  }
0x2c: {  	_ =	swait.ge [sflag:s15], $0x4000  }
0x2d: {  	p0 =	seq.s32 s22, $0x0;
	[sflag:s15] =	ssyncset.done $0x0  }
0x2e: {  	s24 =	simm.s32 @!p0 $0x3;
	[sflag:s15] =	ssyncadd.s32 $0xFFFFC000  }
0x2f: {  	_ =	swait.ge @!p0 [sflag:s24], $0x4000  }
0x30: {  	[sflag:s24] =	ssyncset.done @!p0 $0x0  }
0x31: {  	[sflag:s24] =	ssyncadd.s32 @!p0 $0xFFFFC000;
	s24 =	simm.s32 $0x0  }
0x32: {  	v0 =	vld [tilespmem:s24+$0x5070]  }
0x33: {  	v1 =	vld [tilespmem:s24+$0xD070]  }
0x34: {  	v2 =	vld [tilespmem:s24+$0x5000]  }
0x35: {  	v3 =	vld [tilespmem:s24+$0xD000]  }
0x36: {  	v4 =	vld [tilespmem:s24+$0x5010]  }
0x37: {  	v5 =	vld [tilespmem:s24+$0xD010]  }
0x38: {  	v6 =	vld [tilespmem:s24+$0x5020]  }
0x39: {  	v7 =	vld [tilespmem:s24+$0x5030]  }
0x3a: {  	v0 =	vadd.f32 v1, v0;
	v1 =	vld [tilespmem:s24+$0xD020]  }
0x3b: {  	v8 =	vld [tilespmem:s24+$0xD030]  }
0x3c: {  	v9 =	vld [tilespmem:s24+$0xD040];
	v2 =	vadd.f32 v3, v2  }
0x3d: {  	[tilespmem:s24+$0x15070] =	vst v0;
	v0 =	vadd.f32 v5, v4;
	v5 =	vld [tilespmem:s24+$0x5040]  }
0x3e: {  	v3 =	vld [tilespmem:s24+$0xD050];
	[tilespmem:s24+$0x15000] =	vst v2  }
0x3f: {  	v2 =	vld [tilespmem:s24+$0x5050];
	[tilespmem:s24+$0x15010] =	vst v0;
	v0 =	vadd.f32 v1, v6  }
0x40: {  	v4 =	vld [tilespmem:s24+$0xD060];
	v6 =	vadd.f32 v8, v7  }
0x41: {  	s25 =	simm.s32 $0x80;
	[tilespmem:s24+$0x15020] =	vst v0;
	v0 =	vld [tilespmem:s24+$0x5060]  }
0x42: {  	s26 =	simm.s32 $0x400;
	v5 =	vadd.f32 v9, v5;
	v1 =	vld [tilespmem:s25+$0x5070];
	[tilespmem:s24+$0x15030] =	vst v6  }
.LBB2_3:
0x43: {  	p2 =	sne.s32 s26, $0xFE00;
	v6 =	vld [tilespmem:s25+$0xD070]  }
0x44: {  	v7 =	vld [tilespmem:s25+$0x5000];
	[tilespmem:s24+$0x15040] =	vst v5;
	v2 =	vadd.f32 v3, v2  }
0x45: {  	v3 =	vld [tilespmem:s25+$0xD000]  }
0x46: {  	v5 =	vld [tilespmem:s25+$0x5010];
	[tilespmem:s24+$0x15050] =	vst v2;
	v0 =	vadd.f32 v4, v0  }
0x47: {  	v2 =	vld [tilespmem:s25+$0xD010]  }
0x48: {  	v4 =	vld [tilespmem:s25+$0x5020];
	v1 =	vadd.f32 v6, v1;
	[tilespmem:s24+$0x15060] =	vst v0;
	s24 =	smov.u32 s25  }
0x49: {  	v0 =	vld [tilespmem:s24+$0xD020]  }
0x4a: {  	v3 =	vadd.f32 v3, v7;
	v6 =	vld [tilespmem:s24+$0x5030];
	[tilespmem:s24+$0x15070] =	vst v1  }
0x4b: {  	v1 =	vld [tilespmem:s24+$0xD030]  }
0x4c: {  	[tilespmem:s24+$0x15000] =	vst v3;
	v2 =	vadd.f32 v2, v5;
	v5 =	vld [tilespmem:s24+$0x5040]  }
0x4d: {  	v7 =	vld [tilespmem:s24+$0xD040]  }
.Ltmp4:
0x4e: {  	[tilespmem:s24+$0x15010] =	vst v2;
	v0 =	vadd.f32 v0, v4;
	v2 =	vld [tilespmem:s24+$0x5050];
	(pc) =	sbr.rel @p2 .LBB2_3-.Ltmp4, $4  }
0x4f: {  	v3 =	vld [tilespmem:s24+$0xD050]  }
0x50: {  	[tilespmem:s24+$0x15020] =	vst v0;
	v6 =	vadd.f32 v1, v6;
	v0 =	vld [tilespmem:s24+$0x5060]  }
0x51: {  	s25 =	sshra.s32 s26, $0x2;
	v4 =	vld [tilespmem:s24+$0xD060]  }
0x52: {  	s26 =	sadd.s32 $0x200, s26;
	v1 =	vld [tilespmem:s25+$0x5070];
	[tilespmem:s24+$0x15030] =	vst v6;
	v5 =	vadd.f32 v7, v5  }
0x53: {  	v6 =	vld [tilespmem:s25+$0xD070]  }
0x54: {  	v7 =	vld [tilespmem:s25+$0x5000];
	[tilespmem:s24+$0x15040] =	vst v5;
	v2 =	vadd.f32 v3, v2  }
0x55: {  	v51 =	vld [tilespmem:s25+$0xD000]  }
0x56: {  	v5 =	vld [tilespmem:s25+$0x5010];
	[tilespmem:s24+$0x15050] =	vst v2;
	v0 =	vadd.f32 v4, v0  }
0x57: {  	v2 =	vld [tilespmem:s25+$0xD010]  }
0x58: {  	v52 =	vld [tilespmem:s25+$0x5020];
	[tilespmem:s24+$0x15060] =	vst v0  }
0x59: {  	v54 =	vld [tilespmem:s25+$0xD020]  }
0x5a: {  	v55 =	vld [tilespmem:s25+$0x5030]  }
0x5b: {  	v56 =	vld [tilespmem:s25+$0xD030]  }
0x5c: {  	v57 =	vld [tilespmem:s25+$0x5040]  }
0x5d: {  	v58 =	vld [tilespmem:s25+$0xD040]  }
0x5e: {  	v59 =	vld [tilespmem:s25+$0x5050]  }
0x5f: {  	v53 =	vadd.f32 v6, v1;
	v60 =	vld [tilespmem:s25+$0xD050]  }
0x60: {  	v61 =	vld [tilespmem:s25+$0x5060];
	v3 =	vadd.f32 v51, v7  }
0x61: {  	v62 =	vld [tilespmem:s25+$0xD060];
	[tilespmem:s25+$0x15070] =	vst v53;
	v2 =	vadd.f32 v2, v5  }
0x62: {  	[tilespmem:s25+$0x15000] =	vst v3;
	v1 =	vadd.f32 v54, v52  }
0x63: {  	[tilespmem:s25+$0x15010] =	vst v2;
	v0 =	vadd.f32 v56, v55  }
0x64: {  	v3 =	vadd.f32 v58, v57;
	[tilespmem:s25+$0x15020] =	vst v1  }
.Ltmp5:
0x65: {  	s31 =	sshll.u32 s22, $0xF;
	v63 =	vadd.f32 v60, v59;
	[tilespmem:s25+$0x15030] =	vst v0;
	(pc) =	sbr.rel @p1 .LBB2_8-.Ltmp5, $4  }
0x66: {  	s24 =	sadd.s32 s8, s31;
	[tilespmem:s25+$0x15040] =	vst v3;
	v1 =	vadd.f32 v62, v61  }
0x67: {  	s24 =	sshrl.u32 s24, $0x3;
	[tilespmem:s25+$0x15050] =	vst v63  }
0x68: {  	s24 =	sadd.s32 s5, s24;
	[tilespmem:s25+$0x15060] =	vst v1  }
0x69: {  	[hbm4b:s24+s2] =	stream.linear.scatter [tilespmem:s16], [sflag:$0x3], $0x4000, $0x38;
	[tilespmem:$0x1D000] =	vst v63  }
0x6a: {  	s24 =	sshll.u32 s22, $0x8  }
0x6b: {  	s25 =	sadd.s32 $0x100, s24  }
0x6c: {  	[tilespmem:s13], [sflag:$0x1] =	stream.indirect.gather [hbm4b:s3+s12], $0x80, s25, s12, $0xb8;
	[tilespmem:$0x1D000] =	vst v63  }
0x6d: {  	s24 =	sadd.s32 $0x2900, s24  }
0x6e: {  	[tilespmem:s14], [sflag:$0x1] =	stream.indirect.gather [hbm4b:s4+s12], $0x80, s24, s12, $0xb8;
	[tilespmem:$0x1D000] =	vst v63  }
0x6f: {  	_ =	swait.ge [sflag:s17], $0x4000  }
0x70: {  	[sflag:s17] =	ssyncset.done $0x0  }
0x71: {  	[sflag:s17] =	ssyncadd.s32 $0xFFFFC000  }
0x72: {  	_ =	swait.ge [sflag:s17], $0x4000  }
0x73: {  	[sflag:s17] =	ssyncset.done $0x0  }
0x74: {  	s24 =	simm.s32 @!p0 $0x4;
	[sflag:s17] =	ssyncadd.s32 $0xFFFFC000  }
0x75: {  	_ =	swait.ge @!p0 [sflag:s24], $0x4000  }
0x76: {  	[sflag:s24] =	ssyncset.done @!p0 $0x0  }
0x77: {  	[sflag:s24] =	ssyncadd.s32 @!p0 $0xFFFFC000;
	s24 =	simm.s32 $0x0  }
0x78: {  	v0 =	vld [tilespmem:s24+$0x9070]  }
0x79: {  	v1 =	vld [tilespmem:s24+$0x11070]  }
0x7a: {  	v2 =	vld [tilespmem:s24+$0x9000]  }
0x7b: {  	v3 =	vld [tilespmem:s24+$0x11000]  }
0x7c: {  	v4 =	vld [tilespmem:s24+$0x9010]  }
0x7d: {  	v5 =	vld [tilespmem:s24+$0x11010]  }
0x7e: {  	v6 =	vld [tilespmem:s24+$0x9020]  }
0x7f: {  	v7 =	vld [tilespmem:s24+$0x9030]  }
0x80: {  	v0 =	vadd.f32 v1, v0;
	v1 =	vld [tilespmem:s24+$0x11020]  }
0x81: {  	v8 =	vld [tilespmem:s24+$0x11030]  }
0x82: {  	v9 =	vld [tilespmem:s24+$0x11040];
	v2 =	vadd.f32 v3, v2  }
0x83: {  	[tilespmem:s24+$0x19070] =	vst v0;
	v0 =	vadd.f32 v5, v4;
	v5 =	vld [tilespmem:s24+$0x9040]  }
0x84: {  	v3 =	vld [tilespmem:s24+$0x11050];
	[tilespmem:s24+$0x19000] =	vst v2  }
0x85: {  	v2 =	vld [tilespmem:s24+$0x9050];
	[tilespmem:s24+$0x19010] =	vst v0;
	v0 =	vadd.f32 v1, v6  }
0x86: {  	v4 =	vld [tilespmem:s24+$0x11060];
	v6 =	vadd.f32 v8, v7  }
0x87: {  	s25 =	simm.s32 $0x80;
	[tilespmem:s24+$0x19020] =	vst v0;
	v0 =	vld [tilespmem:s24+$0x9060]  }
0x88: {  	s26 =	simm.s32 $0x400;
	v5 =	vadd.f32 v9, v5;
	v1 =	vld [tilespmem:s25+$0x9070];
	[tilespmem:s24+$0x19030] =	vst v6  }
.LBB2_6:
0x89: {  	p0 =	sne.s32 s26, $0xFE00;
	v6 =	vld [tilespmem:s25+$0x11070]  }
0x8a: {  	v7 =	vld [tilespmem:s25+$0x9000];
	[tilespmem:s24+$0x19040] =	vst v5;
	v2 =	vadd.f32 v3, v2  }
0x8b: {  	v3 =	vld [tilespmem:s25+$0x11000]  }
0x8c: {  	v5 =	vld [tilespmem:s25+$0x9010];
	[tilespmem:s24+$0x19050] =	vst v2;
	v0 =	vadd.f32 v4, v0  }
0x8d: {  	v2 =	vld [tilespmem:s25+$0x11010]  }
0x8e: {  	v4 =	vld [tilespmem:s25+$0x9020];
	v1 =	vadd.f32 v6, v1;
	[tilespmem:s24+$0x19060] =	vst v0;
	s24 =	smov.u32 s25  }
0x8f: {  	v0 =	vld [tilespmem:s24+$0x11020]  }
0x90: {  	v3 =	vadd.f32 v3, v7;
	v6 =	vld [tilespmem:s24+$0x9030];
	[tilespmem:s24+$0x19070] =	vst v1  }
0x91: {  	v1 =	vld [tilespmem:s24+$0x11030]  }
0x92: {  	[tilespmem:s24+$0x19000] =	vst v3;
	v2 =	vadd.f32 v2, v5;
	v5 =	vld [tilespmem:s24+$0x9040]  }
0x93: {  	v7 =	vld [tilespmem:s24+$0x11040]  }
.Ltmp6:
0x94: {  	[tilespmem:s24+$0x19010] =	vst v2;
	v0 =	vadd.f32 v0, v4;
	v2 =	vld [tilespmem:s24+$0x9050];
	(pc) =	sbr.rel @p0 .LBB2_6-.Ltmp6, $4  }
0x95: {  	v3 =	vld [tilespmem:s24+$0x11050]  }
0x96: {  	[tilespmem:s24+$0x19020] =	vst v0;
	v6 =	vadd.f32 v1, v6;
	v0 =	vld [tilespmem:s24+$0x9060]  }
0x97: {  	s25 =	sshra.s32 s26, $0x2;
	v4 =	vld [tilespmem:s24+$0x11060]  }
0x98: {  	s26 =	sadd.s32 $0x200, s26;
	v1 =	vld [tilespmem:s25+$0x9070];
	[tilespmem:s24+$0x19030] =	vst v6;
	v5 =	vadd.f32 v7, v5  }
0x99: {  	v6 =	vld [tilespmem:s25+$0x11070]  }
0x9a: {  	v7 =	vld [tilespmem:s25+$0x9000];
	[tilespmem:s24+$0x19040] =	vst v5;
	v2 =	vadd.f32 v3, v2  }
0x9b: {  	v51 =	vld [tilespmem:s25+$0x11000]  }
0x9c: {  	v5 =	vld [tilespmem:s25+$0x9010];
	[tilespmem:s24+$0x19050] =	vst v2;
	v0 =	vadd.f32 v4, v0  }
0x9d: {  	v2 =	vld [tilespmem:s25+$0x11010]  }
0x9e: {  	v52 =	vld [tilespmem:s25+$0x9020];
	[tilespmem:s24+$0x19060] =	vst v0  }
0x9f: {  	v54 =	vld [tilespmem:s25+$0x11020]  }
0xa0: {  	v55 =	vld [tilespmem:s25+$0x9030]  }
0xa1: {  	v56 =	vld [tilespmem:s25+$0x11030]  }
0xa2: {  	v57 =	vld [tilespmem:s25+$0x9040]  }
0xa3: {  	v58 =	vld [tilespmem:s25+$0x11040]  }
0xa4: {  	v59 =	vld [tilespmem:s25+$0x9050]  }
0xa5: {  	v53 =	vadd.f32 v6, v1;
	v60 =	vld [tilespmem:s25+$0x11050]  }
0xa6: {  	v61 =	vld [tilespmem:s25+$0x9060];
	v3 =	vadd.f32 v51, v7  }
0xa7: {  	v62 =	vld [tilespmem:s25+$0x11060];
	[tilespmem:s25+$0x19070] =	vst v53;
	v2 =	vadd.f32 v2, v5  }
0xa8: {  	[tilespmem:s25+$0x19000] =	vst v3;
	v1 =	vadd.f32 v54, v52  }
0xa9: {  	[tilespmem:s25+$0x19010] =	vst v2;
	v0 =	vadd.f32 v56, v55  }
0xaa: {  	v3 =	vadd.f32 v58, v57;
	[tilespmem:s25+$0x19020] =	vst v1  }
.Ltmp7:
0xab: {  	s23 =	sshll.u32 s23, $0xE;
	v63 =	vadd.f32 v60, v59;
	[tilespmem:s25+$0x19030] =	vst v0;
	(pc) =	sbr.rel .LBB2_8-.Ltmp7, $4  }
0xac: {  	s23 =	sadd.s32 s8, s23;
	[tilespmem:s25+$0x19040] =	vst v3;
	v1 =	vadd.f32 v62, v61  }
0xad: {  	s23 =	sshrl.u32 s23, $0x3;
	[tilespmem:s25+$0x19050] =	vst v63  }
0xae: {  	s23 =	sadd.s32 s5, s23;
	[tilespmem:s25+$0x19060] =	vst v1  }
0xaf: {  	[hbm4b:s23+s2] =	stream.linear.scatter [tilespmem:s18], [sflag:$0x4], $0x4000, $0x38;
	[tilespmem:$0x1D000] =	vst v63  }
.LBB2_10:
0xb0: {  	_ =	sfence.sel $0x180000  }
0xb1: {  	[bflag:$0x0] =	sbarrier.arrive $0xFFFF  }
0xb2: {  	p0 =	sne.s32 s0, $0x0;
	_ =	strace $0x9000004A  }
0xb3: {  	s0 =	sadd.s32 @!p0 $0x100000, s1;
	[bflag:$0x2] =	sbarrier.arrive $0xFFFF  }
0xb4: {  	[sflag:s0] =	ssyncadd.tile.s32 @!p0 $0x1;
	_ =	shalt  }
.Lfunc_end2:
_tile_overlayer_lowered:
.L_overlay_start_2:
0xb5: {  	(tag) =	ssettag $0x2  }
0xb6: {  	s0 =	rddreg [dreg:$0x0];
	s2 =	stileid.u32  }
0xb7: {  	s1 =	rddreg [dreg:$0x1];
	p0 =	sne.s32 s2, $0x0  }
0xb8: {  	s3 =	rddreg [dreg:$0x2];
	[bflag:$0x3] =	sbarrier.arrive $0xFFFF;
	s2 =	simm.s32 @!p0 $0x1C05  }
0xb9: {  	[timem:s3], [sflag:s2] =	dma.local @!p0 [hbm:s0], s1  }
0xba: {  	s0 =	simm.s32 @!p0 $0x5  }
0xbb: {  	_ =	swait.ge @!p0 [sflag:s0], s1  }
0xbc: {  	s1 =	ssub.s32 @!p0 $0x0, s1;
	[sflag:s0] =	ssyncset.done @!p0 $0x0  }
0xbd: {  	[sflag:s0] =	ssyncadd.s32 @!p0 s1  }
0xbe: {  	[bflag:$0x3] =	sbarrier.arrive $0xFFFF  }
0xbf: {  	_ =	shalt  }

// kernel: kernel.18.cloned.1.call-start
scs
__scs_entry_jumppad:
0x0: {  	(pc) =	sbr.rel $0x88, $3  }
0x1: {  	(tag) =	ssettag $0x0;
	lr =	simm.s32 $0x1  }
0x2: {  	[smem:$0x3F8F] =	sst lr;
	_ =	strace $0xD0000000  }
0x3: {  	_ = 	snop  }
0x4: {  	_ = 	snop  }
0x5: {  	_ = 	snop  }
0x6: {  	_ = 	snop  }
0x7: {  	_ = 	snop  }
__scs_overlays_trampoline_lowered:
0x8: {  	[smem:$0x3F9E] =	sst s0  }
0x9: {  	[smem:$0x3F9F] =	sst s1  }
0xa: {  	[smem:$0x3FA0] =	sst s2  }
0xb: {  	[smem:$0x3FA1] =	sst s3  }
0xc: {  	[smem:$0x3FA2] =	sst s4  }
0xd: {  	[smem:$0x3FA3] =	sst s5  }
0xe: {  	[smem:$0x3FA4] =	sst s6  }
0xf: {  	[smem:$0x3FA5] =	sst s7  }
0x10: {  	[smem:$0x3FA6] =	sst s8  }
0x11: {  	[smem:$0x3FA7] =	sst s9;
	s0 =	simm.s32 @!p0 $0x0  }
0x12: {  	s1 =	sld [smem:$0x3F8D];
	s0 =	simm.s32 @p0 $0x1  }
0x13: {  	[smem:$0x3FA8] =	sst s0;
	s0 =	simm.s32 @!p1 $0x0  }
0x14: {  	s2 =	sld [smem:$0x3F8C];
	s0 =	simm.s32 @p1 $0x1  }
0x15: {  	[smem:$0x3FA9] =	sst s0;
	s0 =	simm.s32 @!p2 $0x0  }
0x16: {  	s3 =	sld [smem:$0x3FDB];
	s0 =	simm.s32 @p2 $0x1  }
0x17: {  	s4 =	simm.s32 $0x1BF5;
	[smem:$0x3FAB] =	sst s0  }
0x18: {  	s0 =	sld [smem:$0x3F8E];
	_ =	swait.ge [sflag:s4], $0x0  }
0x19: {  	s7 =	sld [smem:$0x3F8F]  }
0x1a: {  	s8 =	sadd.s32 $0xFFFFE003, lr  }
0x1b: {  	s9 =	sadd.s32 $0xFFFFFEF7, lr;
	s5 =	simm.s32 $0xFFFFFFFF;
	p2 =	slt.u32 s8, $0xFFFFF086  }
0x1c: {  	p1 =	slt.u32 s9, $0xF7A;
	s5 =	simm.s32 @!p2 $0x0  }
0x1d: {  	s5 =	simm.s32 @p1 $0x1;
	p0 =	seq.s32 s7, s2  }
0x1e: {  	s7 =	smul.u32 @!p0 $0xF7A, s2;
	p2 =	seq.s32 @!p0 s5, $0x0  }
0x1f: {  	s9 =	smul.u32 $0xF7A, s1;
	s8 =	simm.s32 @!p0 $0x1BF5;
	p2 =	por !p2, p0  }
0x20: {  	[sflag:s8] =	ssyncset.s32 @!p0 $0xFFFFF086;
	s6 =	sadd.s32 @!p0 s3, s7;
	s7 =	simm.s32 @!p0 $0x108  }
0x21: {  	s3 =	sadd.s32 s3, s9;
	s6 =	sadd.s32 @!p0 $0x88, s6;
	s7 =	simm.s32 @p2 $0x1082  }
0x22: {  	[simem:s7], [sflag:s8] =	dma.local @!p0 [hbm:s6], $0xF7A  }
0x23: {  	s9 =	sor.u32 $0xD0000000, s2;
	s6 =	simm.s32 $0x108;
	_ =	swait.ge @!p0 [sflag:s8], $0x0  }
0x24: {  	s3 =	sadd.s32 $0x88, s3;
	s6 =	simm.s32 @!p1 $0x1082;
	[sflag:s4] =	ssyncset.s32 $0xFFFFF086  }
0x25: {  	[simem:s6], [sflag:s4] =	dma.local [hbm:s3], $0xF7A  }
0x26: {  	[smem:$0x3F8F] =	sst s1;
	(tag) =	ssettag s2;
	_ =	strace s9  }
0x27: {  	s1 =	sld [smem:$0x3F9F]  }
0x28: {  	s2 =	sld [smem:$0x3FA0]  }
0x29: {  	s4 =	sld [smem:$0x3FA2]  }
0x2a: {  	p0 =	seq.s32 s5, $0x0;
	s5 =	sld [smem:$0x3FA3]  }
0x2b: {  	s6 =	sld [smem:$0x3FA4]  }
0x2c: {  	s7 =	sld [smem:$0x3FA5]  }
0x2d: {  	s3 =	simm.s32 $0x108;
	s8 =	sld [smem:$0x3FA6]  }
0x2e: {  	s3 =	simm.s32 @!p0 $0x1082;
	s9 =	sld [smem:$0x3FA7]  }
0x2f: {  	lr =	sadd.s32 s0, s3;
	s0 =	sld [smem:$0x3F9E]  }
0x30: {  	s3 =	sld [smem:$0x3FA1]  }
0x31: {  	[smem:$0x3FAA] =	sst s10  }
0x32: {  	s10 =	sld [smem:$0x3FA8];
	_ =	sdelay $0x3  }
0x33: {  	p0 =	seq.s32 s10, $0x1;
	s10 =	sld [smem:$0x3FAA];
	_ =	sdelay $0x3  }
0x34: {  	[smem:$0x3FAA] =	sst s10  }
0x35: {  	s10 =	sld [smem:$0x3FA9];
	_ =	sdelay $0x3  }
0x36: {  	p1 =	seq.s32 s10, $0x1;
	s10 =	sld [smem:$0x3FAA];
	_ =	sdelay $0x3  }
0x37: {  	[smem:$0x3FAA] =	sst s10  }
0x38: {  	s10 =	sld [smem:$0x3FAB]  }
0x39: {  	_ = 	snop;
	(pc) =	sbr.ind lr, $3  }
0x3a: {  	_ = 	snop  }
0x3b: {  	_ = 	snop  }
0x3c: {  	p2 =	seq.s32 s10, $0x1;
	s10 =	sld [smem:$0x3FAA]  }
0x3d: {  	_ =	shalt  }
0x3e: {  	_ =	shalt  }
0x3f: {  	_ =	shalt  }
0x40: {  	_ =	shalt  }
0x41: {  	_ =	shalt  }
0x42: {  	_ =	shalt  }
0x43: {  	_ =	shalt  }
0x44: {  	_ =	shalt  }
0x45: {  	_ =	shalt  }
0x46: {  	_ =	shalt  }
0x47: {  	_ =	shalt  }
0x48: {  	_ =	shalt  }
0x49: {  	_ =	shalt  }
0x4a: {  	_ =	shalt  }
0x4b: {  	_ =	shalt  }
0x4c: {  	_ =	shalt  }
0x4d: {  	_ =	shalt  }
0x4e: {  	_ =	shalt  }
0x4f: {  	_ =	shalt  }
0x50: {  	_ =	shalt  }
0x51: {  	_ =	shalt  }
0x52: {  	_ =	shalt  }
0x53: {  	_ =	shalt  }
0x54: {  	_ =	shalt  }
0x55: {  	_ =	shalt  }
0x56: {  	_ =	shalt  }
0x57: {  	_ =	shalt  }
0x58: {  	_ =	shalt  }
0x59: {  	_ =	shalt  }
0x5a: {  	_ =	shalt  }
0x5b: {  	_ =	shalt  }
0x5c: {  	_ =	shalt  }
0x5d: {  	_ =	shalt  }
0x5e: {  	_ =	shalt  }
0x5f: {  	_ =	shalt  }
0x60: {  	_ =	shalt  }
0x61: {  	_ =	shalt  }
0x62: {  	_ =	shalt  }
0x63: {  	_ =	shalt  }
0x64: {  	_ =	shalt  }
0x65: {  	_ =	shalt  }
0x66: {  	_ =	shalt  }
0x67: {  	_ =	shalt  }
0x68: {  	_ =	shalt  }
0x69: {  	_ =	shalt  }
0x6a: {  	_ =	shalt  }
0x6b: {  	_ =	shalt  }
0x6c: {  	_ =	shalt  }
0x6d: {  	_ =	shalt  }
0x6e: {  	_ =	shalt  }
0x6f: {  	_ =	shalt  }
0x70: {  	_ =	shalt  }
0x71: {  	_ =	shalt  }
0x72: {  	_ =	shalt  }
0x73: {  	_ =	shalt  }
0x74: {  	_ =	shalt  }
0x75: {  	_ =	shalt  }
0x76: {  	_ =	shalt  }
0x77: {  	_ =	shalt  }
0x78: {  	_ =	shalt  }
0x79: {  	_ =	shalt  }
0x7a: {  	_ =	shalt  }
0x7b: {  	_ =	shalt  }
0x7c: {  	_ =	shalt  }
0x7d: {  	_ =	shalt  }
0x7e: {  	_ =	shalt  }
0x7f: {  	_ =	shalt  }
0x80: {  	_ =	shalt  }
0x81: {  	_ =	shalt  }
0x82: {  	_ =	shalt  }
0x83: {  	_ =	shalt  }
0x84: {  	_ =	shalt  }
0x85: {  	_ =	shalt  }
0x86: {  	_ =	shalt  }
0x87: {  	_ =	shalt  }
.Lfunc_end0:
.L_simem_size_0:
called_computation.2_lowered:
.L_overlay_start_0:
0x88: {  	s2 =	sld [smem:$0x3FD9]  }
0x89: {  	s3 =	sld [smem:$0x3FFE];
	_ =	sdelay $0x1  }
0x8a: {  	s1 =	srdreg.scid  }
0x8b: {  	s0 =	sand.u32 $0x1, s1  }
0x8c: {  	s16 =	sshll.u32 s0, $0xA;
	s2 =	sadd.s32 s3, s2  }
0x8d: {  	s2 =	sadd.s32 s2, s16  }
0x8e: {  	[smem:$0x3FB6] =	sst s2  }
0x8f: {  	_ = 	snop  }
0x90: {  	(tm) =	ssettm $0x1  }
0x91: {  	s17 =	sld [smem:$0x3FFB];
	_ =	sdelay $0x3  }
0x92: {  	_ =	strace s17  }
0x93: {  	s2 =	sld [smem:$0x3FFC];
	_ =	sdelay $0x3  }
0x94: {  	_ =	strace s2  }
0x95: {  	s2 =	sld [smem:$0x3FFD];
	_ =	sdelay $0x3  }
0x96: {  	_ =	strace s2  }
0x97: {  	_ =	strace $0x8FFFFFFF  }
0x98: {  	s18 =	sld [smem:$0x3FDB];
	_ =	sdelay $0x1  }
0x99: {  	s19 =	simm.s32 $_scs_section_size  }
0x9a: {  	s4 =	simm.s32 $_size__tile_overlayer_lowered;
	s5 =	simm.s32 $_tile_overlayer_lowered  }
0x9b: {  	s22 =	simm.s32 $0x1BFF;
	s21 =	sshll.u32 s5, $0x1;
	s2 =	sadd.s32 s19, s18  }
0x9c: {  	s6 =	simm.s32 $0x0;
	s20 =	sshll.u32 s4, $0x1;
	s4 =	sadd.s32 s21, s2  }
0x9d: {  	[timem:s6], [sflag:s22] =	dma.local [hbm:s4], s20  }
0x9e: {  	_ =	swait.ge [sflag:s22], s20  }
0x9f: {  	s3 =	ssub.s32 $0x0, s20;
	[sflag:s22] =	ssyncset.done $0x0  }
0xa0: {  	[sflag:s22] =	ssyncadd.s32 s3;
	_ =	sdelay $0x1  }
0xa1: {  	s23 =	simm.s32 $0x1B8B  }
0xa2: {  	_ =	swait.ge [sflag:s23], $0x1  }
0xa3: {  	[sflag:s23] =	ssyncset.done $0x0  }
0xa4: {  	s25 =	simm.s32 $0x1B8E;
	s24 =	sld [smem:$0x3FFE];
	[sflag:s23] =	ssyncadd.s32 $0xFFFFFFFF  }
0xa5: {  	s26 =	simm.s32 $execute0_lowered;
	[smem:$0x3FD2] =	sst s25  }
0xa6: {  	s4 =	sshll.u32 s26, $0x1;
	_ =	strace $0x8000004C;
	[dreg:$0x1] =	wrdreg $0xFFFFFFFF  }
0xa7: {  	s28 =	simm.s32 $_size_execute0_lowered;
	s2 =	sadd.s32 s2, s4;
	[dreg:$0x0] =	wrdreg $0x0  }
0xa8: {  	s4 =	sshll.u32 s28, $0x1;
	[dreg:$0x2] =	wrdreg s2  }
0xa9: {  	[dreg:$0x3] =	wrdreg s4  }
0xaa: {  	[dreg:$0x4] =	wrdreg $0xC0  }
0xab: {  	_ =	task [dreg:s6], $0x5FFFF  }
0xac: {  	[dreg:$0x1] =	wrdreg $0xFFFFFFFF  }
0xad: {  	[dreg:$0x0] =	wrdreg $0x60  }
0xae: {  	[dreg:$0x2] =	wrdreg s24  }
0xaf: {  	[dreg:$0x3] =	wrdreg $0x0  }
0xb0: {  	[dreg:$0x4] =	wrdreg $0x9  }
0xb1: {  	_ =	task.clear_ibuf [dreg:s6], $0x5FFFF;
	_ =	strace $0x9000004C  }
0xb2: {  	s29 =	simm.s32 $0x9;
	_ =	strace $0x8000004E  }
0xb3: {  	_ =	swait.ge [sflag:s29], $0x1  }
0xb4: {  	[sflag:s29] =	ssyncadd.s32 $0xFFFFFFFF  }
0xb5: {  	_ =	strace $0x9000004E  }
0xb6: {  	_ =	sfence  }
0xb7: {  	s30 =	sld [smem:$0x0];
	_ =	sdelay $0x2  }
0xb8: {  	s31 =	sshll.u32 s1, $0xD;
	s1 =	sshrl.u32 s1, $0x2  }
0xb9: {  	s3 =	sand.u32 $0x4000, s31;
	s1 =	sadd.s32 s1, s30  }
0xba: {  	s0 =	sor.u32 s3, s0;
	s1 =	sshll.u32 s1, $0x11  }
0xbb: {  	s0 =	sor.u32 s1, s0  }
0xbc: {  	s0 =	sadd.s32 $0x8F2B, s0  }
0xbd: {  	[sflag:s0] =	ssyncadd.remote.s32 $0x1  }
0xbe: {  	_ =	sfence.sel $0xFFFF  }
0xbf: {  	[dreg:$0x0] =	wrdreg $0xFFFFFFFF;
	(pc) =	sbr.abs _section_cstart, $3  }
0xc0: {  	[dreg:$0x1] =	wrdreg $0xFFFFFFFF  }
0xc1: {  	_ =	task.clear_ibuf [dreg:s6], $0x2FFFF;
	_ =	strace $0x9FFFFFFF  }
0xc2: {  	(tm) =	ssettm $0x7FFFFFFF  }
0xc3: {  	_ =	shalt  }
tec
execute0_lowered:
.L_overlay_start_1:
0x0: {  	(tag) =	ssettag $0x1  }
0x1: {  	s1 =	srdreg.scid  }
0x2: {  	s0 =	stileid.u32;
	s4 =	rddreg [dreg:$0x0]  }
0x3: {  	s2 =	rddreg [dreg:$0x1];
	s3 =	simm.s32 $0x0;
	s15 =	simm.s32 $0x14000  }
0x4: {  	s16 =	simm.s32 $0x16800;
	s17 =	simm.s32 $0x1A800;
	s9 =	smul.u32 $0x14000, s0  }
0x5: {  	s18 =	simm.s32 $0x1;
	s19 =	simm.s32 $0x80;
	s22 =	smul.u32 $0x50000, s0  }
0x6: {  	s20 =	simm.s32 $0x3;
	s6 =	sand.u32 $0x1, s1;
	s25 =	smul.u32 $0x278000, s0  }
0x7: {  	s21 =	sshll.u32 s0, $0x1;
	[smem:$0x7FF] =	sst s3;
	s8 =	smul.u32 $0x140000, s6  }
0x8: {  	s12 =	sadd.s32 $0xF5EC00, s4;
	s5 =	sor.u32 s6, s21;
	s14 =	smul.u32 $0x13C000, s6  }
0x9: {  	s1 =	rddreg [dreg:$0x2];
	_ =	strace $0x8000004D;
	s7 =	smul.u32 $0x500, s5  }
0xa: {  	s10 =	ssub.s32 $0x2, s6;
	s21 =	simm.s32 $0x2;
	s11 =	smul.u32 $0x27800, s5  }
0xb: {  	s23 =	sshrl.u32 s10, $0x1;
	s13 =	smul.u32 $0x13C000, s5;
	s24 =	sshrl.u32 s22, $0x2  }
0xc: {  	s22 =	simm.s32 $0x14080;
	s8 =	sadd.s32 s9, s8;
	s10 =	ssub.s32 s10, s23  }
0xd: {  	s29 =	sadd.s32 s14, s25;
	s14 =	simm.s32 $0x5;
	s23 =	simm.s32 $0x4  }
0xe: {  	s25 =	simm.s32 $0x0;
	s7 =	sadd.s32 s7, s4;
	s8 =	sshrl.u32 s8, $0x3  }
0xf: {  	s6 =	sadd.s32 s12, s11;
	s26 =	sshrl.u32 s13, $0x3;
	s30 =	sadd.s32 $0x10000, s29  }
0x10: {  	s11 =	sadd.s32 $0xC000, s29;
	s8 =	sadd.s32 s8, s4;
	s4 =	sadd.s32 s24, s2  }
0x11: {  	s5 =	sadd.s32 $0x1C600, s7;
	s28 =	sadd.s32 s12, s26;
	s13 =	sshrl.u32 s30, $0x3  }
0x12: {  	s31 =	sshrl.u32 s11, $0x3;
	s24 =	simm.s32 $0x16700;
	s7 =	sadd.s32 $0x31800, s8  }
0x13: {  	s8 =	smax.u32 s10, $0x1;
	s9 =	sadd.s32 $0x800, s28;
	s10 =	sadd.s32 $0x1000, s28  }
0x14: {  	v0 =	vimm.f32 $0.0e+00;
	s11 =	sadd.s32 s13, s12;
	s12 =	sadd.s32 s31, s12;
	s13 =	simm.s32 $0x1E800  }
.LBB2_1:
0x15: {  	[tilespmem:$0x1E800] =	vst v0  }
0x16: {  	[tilespmem:$0x1E810] =	vst v0  }
0x17: {  	[tilespmem:$0x1E820] =	vst v0  }
0x18: {  	[tilespmem:$0x1E830] =	vst v0  }
0x19: {  	[tilespmem:$0x1E840] =	vst v0  }
0x1a: {  	[tilespmem:$0x1E850] =	vst v0  }
0x1b: {  	[tilespmem:$0x1E860] =	vst v0  }
0x1c: {  	[tilespmem:$0x1E870] =	vst v0  }
0x1d: {  	[tilespmem:$0x1E880] =	vst v0  }
0x1e: {  	[tilespmem:$0x1E890] =	vst v0  }
0x1f: {  	[tilespmem:$0x1E8A0] =	vst v0  }
0x20: {  	[tilespmem:$0x1E8B0] =	vst v0  }
0x21: {  	[tilespmem:$0x1E8C0] =	vst v0  }
0x22: {  	[tilespmem:$0x1E8D0] =	vst v0  }
0x23: {  	[tilespmem:$0x1E8E0] =	vst v0  }
0x24: {  	[tilespmem:$0x1E8F0] =	vst v0  }
0x25: {  	[tilespmem:$0x1E900] =	vst v0  }
0x26: {  	[tilespmem:$0x1E910] =	vst v0  }
0x27: {  	[tilespmem:$0x1E920] =	vst v0  }
0x28: {  	[tilespmem:$0x1E930] =	vst v0  }
0x29: {  	[tilespmem:$0x1E940] =	vst v0  }
0x2a: {  	[tilespmem:$0x1E950] =	vst v0  }
0x2b: {  	[tilespmem:$0x1E960] =	vst v0  }
0x2c: {  	[tilespmem:$0x1E970] =	vst v0  }
0x2d: {  	[tilespmem:$0x1E980] =	vst v0  }
0x2e: {  	[tilespmem:$0x1E990] =	vst v0  }
0x2f: {  	[tilespmem:$0x1E9A0] =	vst v0  }
0x30: {  	[tilespmem:$0x1E9B0] =	vst v0  }
0x31: {  	[tilespmem:$0x1E9C0] =	vst v0  }
0x32: {  	[tilespmem:$0x1E9D0] =	vst v0  }
0x33: {  	[tilespmem:$0x1E9E0] =	vst v0  }
0x34: {  	[tilespmem:$0x1E9F0] =	vst v0  }
0x35: {  	[tilespmem:$0x1EA00] =	vst v0  }
0x36: {  	[tilespmem:$0x1EA10] =	vst v0  }
0x37: {  	[tilespmem:$0x1EA20] =	vst v0  }
0x38: {  	[tilespmem:$0x1EA30] =	vst v0  }
0x39: {  	[tilespmem:$0x1EA40] =	vst v0  }
0x3a: {  	[tilespmem:$0x1EA50] =	vst v0  }
0x3b: {  	[tilespmem:$0x1EA60] =	vst v0  }
0x3c: {  	[tilespmem:$0x1EA70] =	vst v0  }
0x3d: {  	[tilespmem:$0x1EA80] =	vst v0  }
0x3e: {  	[tilespmem:$0x1EA90] =	vst v0  }
0x3f: {  	[tilespmem:$0x1EAA0] =	vst v0  }
0x40: {  	[tilespmem:$0x1EAB0] =	vst v0  }
0x41: {  	[tilespmem:$0x1EAC0] =	vst v0  }
0x42: {  	[tilespmem:$0x1EAD0] =	vst v0  }
0x43: {  	[tilespmem:$0x1EAE0] =	vst v0  }
0x44: {  	[tilespmem:$0x1EAF0] =	vst v0  }
0x45: {  	[tilespmem:$0x1EB00] =	vst v0  }
0x46: {  	[tilespmem:$0x1EB10] =	vst v0  }
0x47: {  	[tilespmem:$0x1EB20] =	vst v0  }
0x48: {  	[tilespmem:$0x1EB30] =	vst v0  }
0x49: {  	[tilespmem:$0x1EB40] =	vst v0  }
0x4a: {  	[tilespmem:$0x1EB50] =	vst v0  }
0x4b: {  	[tilespmem:$0x1EB60] =	vst v0  }
0x4c: {  	[tilespmem:$0x1EB70] =	vst v0  }
0x4d: {  	[tilespmem:$0x1EB80] =	vst v0  }
0x4e: {  	[tilespmem:$0x1EB90] =	vst v0  }
0x4f: {  	[tilespmem:$0x1EBA0] =	vst v0  }
0x50: {  	[tilespmem:$0x1EBB0] =	vst v0  }
0x51: {  	[tilespmem:$0x1EBC0] =	vst v0  }
0x52: {  	[tilespmem:$0x1EBD0] =	vst v0  }
0x53: {  	[tilespmem:$0x1EBE0] =	vst v0  }
0x54: {  	[tilespmem:$0x1EBF0] =	vst v0  }
0x55: {  	[tilespmem:$0x1EC00] =	vst v0  }
0x56: {  	[tilespmem:$0x1EC10] =	vst v0  }
0x57: {  	[tilespmem:$0x1EC20] =	vst v0  }
0x58: {  	[tilespmem:$0x1EC30] =	vst v0  }
0x59: {  	[tilespmem:$0x1EC40] =	vst v0  }
0x5a: {  	[tilespmem:$0x1EC50] =	vst v0  }
0x5b: {  	[tilespmem:$0x1EC60] =	vst v0  }
0x5c: {  	[tilespmem:$0x1EC70] =	vst v0  }
0x5d: {  	[tilespmem:$0x1EC80] =	vst v0  }
0x5e: {  	[tilespmem:$0x1EC90] =	vst v0  }
0x5f: {  	[tilespmem:$0x1ECA0] =	vst v0  }
0x60: {  	[tilespmem:$0x1ECB0] =	vst v0  }
0x61: {  	[tilespmem:$0x1ECC0] =	vst v0  }
0x62: {  	[tilespmem:$0x1ECD0] =	vst v0  }
0x63: {  	[tilespmem:$0x1ECE0] =	vst v0  }
0x64: {  	[tilespmem:$0x1ECF0] =	vst v0  }
0x65: {  	[tilespmem:$0x1ED00] =	vst v0  }
0x66: {  	[tilespmem:$0x1ED10] =	vst v0  }
0x67: {  	[tilespmem:$0x1ED20] =	vst v0  }
0x68: {  	[tilespmem:$0x1ED30] =	vst v0  }
0x69: {  	[tilespmem:$0x1ED40] =	vst v0  }
0x6a: {  	[tilespmem:$0x1ED50] =	vst v0  }
0x6b: {  	[tilespmem:$0x1ED60] =	vst v0  }
0x6c: {  	[tilespmem:$0x1ED70] =	vst v0  }
0x6d: {  	[tilespmem:$0x1ED80] =	vst v0  }
0x6e: {  	[tilespmem:$0x1ED90] =	vst v0  }
0x6f: {  	[tilespmem:$0x1EDA0] =	vst v0  }
0x70: {  	[tilespmem:$0x1EDB0] =	vst v0  }
0x71: {  	[tilespmem:$0x1EDC0] =	vst v0  }
0x72: {  	[tilespmem:$0x1EDD0] =	vst v0  }
0x73: {  	[tilespmem:$0x1EDE0] =	vst v0  }
0x74: {  	[tilespmem:$0x1EDF0] =	vst v0  }
0x75: {  	[tilespmem:$0x1EE00] =	vst v0  }
0x76: {  	[tilespmem:$0x1EE10] =	vst v0  }
0x77: {  	[tilespmem:$0x1EE20] =	vst v0  }
0x78: {  	[tilespmem:$0x1EE30] =	vst v0  }
0x79: {  	[tilespmem:$0x1EE40] =	vst v0  }
0x7a: {  	[tilespmem:$0x1EE50] =	vst v0  }
0x7b: {  	[tilespmem:$0x1EE60] =	vst v0  }
0x7c: {  	[tilespmem:$0x1EE70] =	vst v0  }
0x7d: {  	[tilespmem:$0x1EE80] =	vst v0  }
0x7e: {  	[tilespmem:$0x1EE90] =	vst v0  }
0x7f: {  	[tilespmem:$0x1EEA0] =	vst v0  }
0x80: {  	[tilespmem:$0x1EEB0] =	vst v0  }
0x81: {  	[tilespmem:$0x1EEC0] =	vst v0  }
0x82: {  	[tilespmem:$0x1EED0] =	vst v0  }
0x83: {  	[tilespmem:$0x1EEE0] =	vst v0  }
0x84: {  	[tilespmem:$0x1EEF0] =	vst v0  }
0x85: {  	[tilespmem:$0x1EF00] =	vst v0  }
0x86: {  	[tilespmem:$0x1EF10] =	vst v0  }
0x87: {  	[tilespmem:$0x1EF20] =	vst v0  }
0x88: {  	[tilespmem:$0x1EF30] =	vst v0  }
0x89: {  	[tilespmem:$0x1EF40] =	vst v0  }
0x8a: {  	[tilespmem:$0x1EF50] =	vst v0  }
0x8b: {  	[tilespmem:$0x1EF60] =	vst v0  }
0x8c: {  	[tilespmem:$0x1EF70] =	vst v0  }
0x8d: {  	[tilespmem:$0x1EF80] =	vst v0  }
0x8e: {  	[tilespmem:$0x1EF90] =	vst v0  }
0x8f: {  	[tilespmem:$0x1EFA0] =	vst v0  }
0x90: {  	[tilespmem:$0x1EFB0] =	vst v0  }
0x91: {  	[tilespmem:$0x1EFC0] =	vst v0  }
0x92: {  	[tilespmem:$0x1EFD0] =	vst v0  }
0x93: {  	[tilespmem:$0x1EFE0] =	vst v0  }
0x94: {  	[tilespmem:$0x1EFF0] =	vst v0;
	s26 =	sadd.s32 $0x0, s4  }
0x95: {  	[spmem:s26] =	stream.linear.scatter [tilespmem:s13], [sflag:$0x5], $0x800, $0x38;
	[tilespmem:$0x1F000] =	vst v63  }
0x96: {  	s26 =	simm.s32 $0x2000;
	_ =	swait.ge [sflag:s14], $0x800  }
.LBB2_2:
0x97: {  	s28 =	sshra.s32 s26, $0x2;
	[sflag:s14] =	ssyncset.done $0x0;
	p0 =	sne.s32 s26, $0x4E000  }
.Ltmp0:
0x98: {  	s28 =	sadd.s32 s28, s4;
	[sflag:s14] =	ssyncadd.s32 $0xFFFFF800;
	(pc) =	sbr.rel @p0 .LBB2_2-.Ltmp0, $3  }
0x99: {  	[spmem:s28] =	stream.linear.scatter [tilespmem:s13], [sflag:$0x5], $0x800, $0x38;
	[tilespmem:$0x1F000] =	vst v63  }
0x9a: {  	s26 =	sadd.s32 $0x2000, s26;
	_ =	sdelay $0x1  }
0x9b: {  	_ =	swait.ge [sflag:s14], $0x800  }
0x9c: {  	[sflag:s14] =	ssyncset.done $0x0  }
0x9d: {  	s26 =	simm.s32 $0x0;
	[sflag:s14] =	ssyncadd.s32 $0xFFFFF800  }
0x9e: {  	[tilespmem:s15], [sflag:$0x5] =	stream.linear.gather [hbm4b:s5+s26], $0x2780, $0x38;
	[tilespmem:$0x1F000] =	vst v63  }
0x9f: {  	_ =	swait.ge [sflag:s14], $0x2780  }
0xa0: {  	[sflag:s14] =	ssyncset.done $0x0  }
0xa1: {  	[sflag:s14] =	ssyncadd.s32 $0xFFFFD880  }
0xa2: {  	[bflag:$0x0] =	sbarrier.arrive $0xFFFF  }
0xa3: {  	[tilespmem:s16], [sflag:$0x1] =	stream.linear.gather [hbm4b:s6+s26], $0x4000, $0x38;
	[tilespmem:$0x1F000] =	vst v63  }
0xa4: {  	_ = 	snop  }
0xa5: {  	[tilespmem:s17], [sflag:$0x2] =	stream.linear.gather [hbm4b:s9+s26], $0x4000, $0x38;
	[tilespmem:$0x1F000] =	vst v63  }
0xa6: {  	_ =	swait.ge [sflag:s18], $0x4000  }
0xa7: {  	[sflag:s18] =	ssyncset.done $0x0  }
0xa8: {  	[sflag:s18] =	ssyncadd.s32 $0xFFFFC000  }
0xa9: {  	[spmem:s2] =	stream.indirect.scatter.add.f32 [tilespmem:s16], [sflag:$0x3], $0x80, s15, s19, $0xb8;
	[tilespmem:$0x1F000] =	vst v63  }
0xaa: {  	_ =	swait.ge [sflag:s20], $0x4000  }
0xab: {  	[sflag:s20] =	ssyncset.done $0x0  }
0xac: {  	[sflag:s20] =	ssyncadd.s32 $0xFFFFC000  }
0xad: {  	[tilespmem:s16], [sflag:$0x1] =	stream.linear.gather [hbm4b:s10+s26], $0x4000, $0x38;
	[tilespmem:$0x1F000] =	vst v63  }
0xae: {  	_ =	swait.ge [sflag:s21], $0x4000  }
0xaf: {  	[sflag:s21] =	ssyncset.done $0x0  }
0xb0: {  	[sflag:s21] =	ssyncadd.s32 $0xFFFFC000  }
0xb1: {  	[spmem:s2] =	stream.indirect.scatter.add.f32 [tilespmem:s17], [sflag:$0x4], $0x80, s22, s19, $0xb8;
	[tilespmem:$0x1F000] =	vst v63  }
0xb2: {  	_ =	swait.ge [sflag:s23], $0x4000  }
0xb3: {  	[sflag:s23] =	ssyncset.done $0x0  }
0xb4: {  	s31 =	sadd.s32 $0x0, s12;
	[sflag:s23] =	ssyncadd.s32 $0xFFFFC000  }
0xb5: {  	[tilespmem:s17], [sflag:$0x2] =	stream.linear.gather [hbm4b:s31+s3], $0x4000, $0x38;
	[tilespmem:$0x1F000] =	vst v63  }
0xb6: {  	_ =	swait.ge [sflag:s18], $0x4000  }
0xb7: {  	[sflag:s18] =	ssyncset.done $0x0  }
0xb8: {  	s30 =	simm.s32 $0x14100;
	[sflag:s18] =	ssyncadd.s32 $0xFFFFC000  }
0xb9: {  	[spmem:s2] =	stream.indirect.scatter.add.f32 [tilespmem:s16], [sflag:$0x3], $0x80, s30, s19, $0xb8;
	[tilespmem:$0x1F000] =	vst v63  }
0xba: {  	_ =	swait.ge [sflag:s20], $0x4000  }
0xbb: {  	[sflag:s20] =	ssyncset.done $0x0  }
0xbc: {  	s31 =	sadd.s32 $0x0, s11;
	[sflag:s20] =	ssyncadd.s32 $0xFFFFC000  }
0xbd: {  	[tilespmem:s16], [sflag:$0x1] =	stream.linear.gather [hbm4b:s31+s3], $0x4000, $0x38;
	[tilespmem:$0x1F000] =	vst v63  }
0xbe: {  	_ =	swait.ge [sflag:s21], $0x4000  }
0xbf: {  	s29 =	simm.s32 $0x14180;
	[sflag:s21] =	ssyncset.done $0x0  }
0xc0: {  	s28 =	simm.s32 $0x14200;
	s26 =	simm.s32 $0x1000;
	[sflag:s21] =	ssyncadd.s32 $0xFFFFC000  }
.LBB2_4:
0xc1: {  	[spmem:s2] =	stream.indirect.scatter.add.f32 [tilespmem:s17], [sflag:$0x4], $0x80, s29, s19, $0xb8;
	[tilespmem:$0x1F000] =	vst v63  }
0xc2: {  	s29 =	smov.u32 s26  }
0xc3: {  	p0 =	sne.s32 s26, $0x25000;
	s26 =	sadd.s32 $0x1000, s26;
	_ =	swait.ge [sflag:s23], $0x4000  }
0xc4: {  	[sflag:s23] =	ssyncset.done $0x0  }
0xc5: {  	s30 =	sadd.s32 s29, s12;
	[sflag:s23] =	ssyncadd.s32 $0xFFFFC000  }
0xc6: {  	[tilespmem:s17], [sflag:$0x2] =	stream.linear.gather [hbm4b:s30+s3], $0x4000, $0x38;
	[tilespmem:$0x1F000] =	vst v63  }
0xc7: {  	_ =	swait.ge [sflag:s18], $0x4000  }
0xc8: {  	[sflag:s18] =	ssyncset.done $0x0  }
0xc9: {  	[sflag:s18] =	ssyncadd.s32 $0xFFFFC000  }
0xca: {  	[spmem:s2] =	stream.indirect.scatter.add.f32 [tilespmem:s16], [sflag:$0x3], $0x80, s28, s19, $0xb8;
	[tilespmem:$0x1F000] =	vst v63  }
0xcb: {  	_ =	swait.ge [sflag:s20], $0x4000  }
0xcc: {  	[sflag:s20] =	ssyncset.done $0x0  }
.Ltmp1:
0xcd: {  	s29 =	sadd.s32 s29, s11;
	[sflag:s20] =	ssyncadd.s32 $0xFFFFC000;
	(pc) =	sbr.rel @p0 .LBB2_4-.Ltmp1, $4  }
0xce: {  	[tilespmem:s16], [sflag:$0x1] =	stream.linear.gather [hbm4b:s29+s3], $0x4000, $0x38;
	[tilespmem:$0x1F000] =	vst v63  }
0xcf: {  	_ =	swait.ge [sflag:s21], $0x4000  }
0xd0: {  	[sflag:s21] =	ssyncset.done $0x0  }
0xd1: {  	s29 =	sadd.s32 $0x80, s28;
	s28 =	sadd.s32 $0x100, s28;
	[sflag:s21] =	ssyncadd.s32 $0xFFFFC000  }
0xd2: {  	[spmem:s2] =	stream.indirect.scatter.add.f32 [tilespmem:s17], [sflag:$0x4], $0x80, s29, s19, $0xb8;
	[tilespmem:$0x1F000] =	vst v63  }
0xd3: {  	_ =	swait.ge [sflag:s18], $0x4000  }
0xd4: {  	[sflag:s18] =	ssyncset.done $0x0  }
0xd5: {  	[sflag:s18] =	ssyncadd.s32 $0xFFFFC000  }
0xd6: {  	[spmem:s2] =	stream.indirect.scatter.add.f32 [tilespmem:s16], [sflag:$0x3], $0x80, s24, s19, $0xb8;
	[tilespmem:$0x1F000] =	vst v63  }
0xd7: {  	_ =	swait.ge [sflag:s20], $0x4000  }
0xd8: {  	[sflag:s20] =	ssyncset.done $0x0  }
0xd9: {  	[sflag:s20] =	ssyncadd.s32 $0xFFFFC000  }
0xda: {  	_ =	swait.ge [sflag:s23], $0x4000  }
0xdb: {  	s26 =	sshll.u32 s0, $0x6;
	s25 =	sadd.s32 $0x1, s25;
	[sflag:s23] =	ssyncset.done $0x0  }
0xdc: {  	s28 =	sshrl.u32 s4, $0x3;
	p0 =	sne.s32 s25, s8;
	[sflag:s23] =	ssyncadd.s32 $0xFFFFC000  }
.Ltmp2:
0xdd: {  	s26 =	sor.u32 $0x1C05, s26;
	[bflag:$0x0] =	sbarrier.arrive $0xFFFF;
	(pc) =	sbr.rel @p0 .LBB2_1-.Ltmp2, $4  }
0xde: {  	[hbm:s7], [sflag:s26] =	dma.local [spmem:s28], $0x2800  }
0xdf: {  	_ =	swait.ge [sflag:s14], $0x2800  }
0xe0: {  	[sflag:s14] =	ssyncset.done $0x0  }
0xe1: {  	[sflag:s14] =	ssyncadd.s32 $0xFFFFD800  }
0xe2: {  	_ =	sfence.sel $0x180000  }
0xe3: {  	[bflag:$0x0] =	sbarrier.arrive $0xFFFF  }
0xe4: {  	p0 =	sne.s32 s0, $0x0;
	_ =	strace $0x9000004D  }
0xe5: {  	s0 =	sadd.s32 @!p0 $0x100000, s1;
	[bflag:$0x2] =	sbarrier.arrive $0xFFFF  }
0xe6: {  	[sflag:s0] =	ssyncadd.tile.s32 @!p0 $0x1;
	_ =	shalt  }
.Lfunc_end2:
_tile_overlayer_lowered:
.L_overlay_start_2:
0xe7: {  	(tag) =	ssettag $0x2  }
0xe8: {  	s0 =	rddreg [dreg:$0x0];
	s2 =	stileid.u32  }
0xe9: {  	s1 =	rddreg [dreg:$0x1];
	p0 =	sne.s32 s2, $0x0  }
0xea: {  	s3 =	rddreg [dreg:$0x2];
	[bflag:$0x3] =	sbarrier.arrive $0xFFFF;
	s2 =	simm.s32 @!p0 $0x1C05  }
0xeb: {  	[timem:s3], [sflag:s2] =	dma.local @!p0 [hbm:s0], s1  }
0xec: {  	s0 =	simm.s32 @!p0 $0x5  }
0xed: {  	_ =	swait.ge @!p0 [sflag:s0], s1  }
0xee: {  	s1 =	ssub.s32 @!p0 $0x0, s1;
	[sflag:s0] =	ssyncset.done @!p0 $0x0  }
0xef: {  	[sflag:s0] =	ssyncadd.s32 @!p0 s1  }
0xf0: {  	[bflag:$0x3] =	sbarrier.arrive $0xFFFF  }
0xf1: {  	_ =	shalt  }

// kernel: kernel.21.cloned.1.call-start
scs
__scs_entry_jumppad:
0x0: {  	(pc) =	sbr.rel $0x88, $3  }
0x1: {  	(tag) =	ssettag $0x0;
	lr =	simm.s32 $0x1  }
0x2: {  	[smem:$0x3F8F] =	sst lr;
	_ =	strace $0xD0000000  }
0x3: {  	_ = 	snop  }
0x4: {  	_ = 	snop  }
0x5: {  	_ = 	snop  }
0x6: {  	_ = 	snop  }
0x7: {  	_ = 	snop  }
__scs_overlays_trampoline_lowered:
0x8: {  	[smem:$0x3F9E] =	sst s0  }
0x9: {  	[smem:$0x3F9F] =	sst s1  }
0xa: {  	[smem:$0x3FA0] =	sst s2  }
0xb: {  	[smem:$0x3FA1] =	sst s3  }
0xc: {  	[smem:$0x3FA2] =	sst s4  }
0xd: {  	[smem:$0x3FA3] =	sst s5  }
0xe: {  	[smem:$0x3FA4] =	sst s6  }
0xf: {  	[smem:$0x3FA5] =	sst s7  }
0x10: {  	[smem:$0x3FA6] =	sst s8  }
0x11: {  	[smem:$0x3FA7] =	sst s9;
	s0 =	simm.s32 @!p0 $0x0  }
0x12: {  	s1 =	sld [smem:$0x3F8D];
	s0 =	simm.s32 @p0 $0x1  }
0x13: {  	[smem:$0x3FA8] =	sst s0;
	s0 =	simm.s32 @!p1 $0x0  }
0x14: {  	s2 =	sld [smem:$0x3F8C];
	s0 =	simm.s32 @p1 $0x1  }
0x15: {  	[smem:$0x3FA9] =	sst s0;
	s0 =	simm.s32 @!p2 $0x0  }
0x16: {  	s3 =	sld [smem:$0x3FDB];
	s0 =	simm.s32 @p2 $0x1  }
0x17: {  	s4 =	simm.s32 $0x1BF5;
	[smem:$0x3FAB] =	sst s0  }
0x18: {  	s0 =	sld [smem:$0x3F8E];
	_ =	swait.ge [sflag:s4], $0x0  }
0x19: {  	s7 =	sld [smem:$0x3F8F]  }
0x1a: {  	s8 =	sadd.s32 $0xFFFFE003, lr  }
0x1b: {  	s9 =	sadd.s32 $0xFFFFFEF7, lr;
	s5 =	simm.s32 $0xFFFFFFFF;
	p2 =	slt.u32 s8, $0xFFFFF086  }
0x1c: {  	p1 =	slt.u32 s9, $0xF7A;
	s5 =	simm.s32 @!p2 $0x0  }
0x1d: {  	s5 =	simm.s32 @p1 $0x1;
	p0 =	seq.s32 s7, s2  }
0x1e: {  	s7 =	smul.u32 @!p0 $0xF7A, s2;
	p2 =	seq.s32 @!p0 s5, $0x0  }
0x1f: {  	s9 =	smul.u32 $0xF7A, s1;
	s8 =	simm.s32 @!p0 $0x1BF5;
	p2 =	por !p2, p0  }
0x20: {  	[sflag:s8] =	ssyncset.s32 @!p0 $0xFFFFF086;
	s6 =	sadd.s32 @!p0 s3, s7;
	s7 =	simm.s32 @!p0 $0x108  }
0x21: {  	s3 =	sadd.s32 s3, s9;
	s6 =	sadd.s32 @!p0 $0x88, s6;
	s7 =	simm.s32 @p2 $0x1082  }
0x22: {  	[simem:s7], [sflag:s8] =	dma.local @!p0 [hbm:s6], $0xF7A  }
0x23: {  	s9 =	sor.u32 $0xD0000000, s2;
	s6 =	simm.s32 $0x108;
	_ =	swait.ge @!p0 [sflag:s8], $0x0  }
0x24: {  	s3 =	sadd.s32 $0x88, s3;
	s6 =	simm.s32 @!p1 $0x1082;
	[sflag:s4] =	ssyncset.s32 $0xFFFFF086  }
0x25: {  	[simem:s6], [sflag:s4] =	dma.local [hbm:s3], $0xF7A  }
0x26: {  	[smem:$0x3F8F] =	sst s1;
	(tag) =	ssettag s2;
	_ =	strace s9  }
0x27: {  	s1 =	sld [smem:$0x3F9F]  }
0x28: {  	s2 =	sld [smem:$0x3FA0]  }
0x29: {  	s4 =	sld [smem:$0x3FA2]  }
0x2a: {  	p0 =	seq.s32 s5, $0x0;
	s5 =	sld [smem:$0x3FA3]  }
0x2b: {  	s6 =	sld [smem:$0x3FA4]  }
0x2c: {  	s7 =	sld [smem:$0x3FA5]  }
0x2d: {  	s3 =	simm.s32 $0x108;
	s8 =	sld [smem:$0x3FA6]  }
0x2e: {  	s3 =	simm.s32 @!p0 $0x1082;
	s9 =	sld [smem:$0x3FA7]  }
0x2f: {  	lr =	sadd.s32 s0, s3;
	s0 =	sld [smem:$0x3F9E]  }
0x30: {  	s3 =	sld [smem:$0x3FA1]  }
0x31: {  	[smem:$0x3FAA] =	sst s10  }
0x32: {  	s10 =	sld [smem:$0x3FA8];
	_ =	sdelay $0x3  }
0x33: {  	p0 =	seq.s32 s10, $0x1;
	s10 =	sld [smem:$0x3FAA];
	_ =	sdelay $0x3  }
0x34: {  	[smem:$0x3FAA] =	sst s10  }
0x35: {  	s10 =	sld [smem:$0x3FA9];
	_ =	sdelay $0x3  }
0x36: {  	p1 =	seq.s32 s10, $0x1;
	s10 =	sld [smem:$0x3FAA];
	_ =	sdelay $0x3  }
0x37: {  	[smem:$0x3FAA] =	sst s10  }
0x38: {  	s10 =	sld [smem:$0x3FAB]  }
0x39: {  	_ = 	snop;
	(pc) =	sbr.ind lr, $3  }
0x3a: {  	_ = 	snop  }
0x3b: {  	_ = 	snop  }
0x3c: {  	p2 =	seq.s32 s10, $0x1;
	s10 =	sld [smem:$0x3FAA]  }
0x3d: {  	_ =	shalt  }
0x3e: {  	_ =	shalt  }
0x3f: {  	_ =	shalt  }
0x40: {  	_ =	shalt  }
0x41: {  	_ =	shalt  }
0x42: {  	_ =	shalt  }
0x43: {  	_ =	shalt  }
0x44: {  	_ =	shalt  }
0x45: {  	_ =	shalt  }
0x46: {  	_ =	shalt  }
0x47: {  	_ =	shalt  }
0x48: {  	_ =	shalt  }
0x49: {  	_ =	shalt  }
0x4a: {  	_ =	shalt  }
0x4b: {  	_ =	shalt  }
0x4c: {  	_ =	shalt  }
0x4d: {  	_ =	shalt  }
0x4e: {  	_ =	shalt  }
0x4f: {  	_ =	shalt  }
0x50: {  	_ =	shalt  }
0x51: {  	_ =	shalt  }
0x52: {  	_ =	shalt  }
0x53: {  	_ =	shalt  }
0x54: {  	_ =	shalt  }
0x55: {  	_ =	shalt  }
0x56: {  	_ =	shalt  }
0x57: {  	_ =	shalt  }
0x58: {  	_ =	shalt  }
0x59: {  	_ =	shalt  }
0x5a: {  	_ =	shalt  }
0x5b: {  	_ =	shalt  }
0x5c: {  	_ =	shalt  }
0x5d: {  	_ =	shalt  }
0x5e: {  	_ =	shalt  }
0x5f: {  	_ =	shalt  }
0x60: {  	_ =	shalt  }
0x61: {  	_ =	shalt  }
0x62: {  	_ =	shalt  }
0x63: {  	_ =	shalt  }
0x64: {  	_ =	shalt  }
0x65: {  	_ =	shalt  }
0x66: {  	_ =	shalt  }
0x67: {  	_ =	shalt  }
0x68: {  	_ =	shalt  }
0x69: {  	_ =	shalt  }
0x6a: {  	_ =	shalt  }
0x6b: {  	_ =	shalt  }
0x6c: {  	_ =	shalt  }
0x6d: {  	_ =	shalt  }
0x6e: {  	_ =	shalt  }
0x6f: {  	_ =	shalt  }
0x70: {  	_ =	shalt  }
0x71: {  	_ =	shalt  }
0x72: {  	_ =	shalt  }
0x73: {  	_ =	shalt  }
0x74: {  	_ =	shalt  }
0x75: {  	_ =	shalt  }
0x76: {  	_ =	shalt  }
0x77: {  	_ =	shalt  }
0x78: {  	_ =	shalt  }
0x79: {  	_ =	shalt  }
0x7a: {  	_ =	shalt  }
0x7b: {  	_ =	shalt  }
0x7c: {  	_ =	shalt  }
0x7d: {  	_ =	shalt  }
0x7e: {  	_ =	shalt  }
0x7f: {  	_ =	shalt  }
0x80: {  	_ =	shalt  }
0x81: {  	_ =	shalt  }
0x82: {  	_ =	shalt  }
0x83: {  	_ =	shalt  }
0x84: {  	_ =	shalt  }
0x85: {  	_ =	shalt  }
0x86: {  	_ =	shalt  }
0x87: {  	_ =	shalt  }
.Lfunc_end0:
.L_simem_size_0:
called_computation.3_lowered:
.L_overlay_start_0:
0x88: {  	s2 =	sld [smem:$0x3FD9]  }
0x89: {  	s3 =	sld [smem:$0x3FFE];
	_ =	sdelay $0x1  }
0x8a: {  	s1 =	srdreg.scid  }
0x8b: {  	s0 =	sand.u32 $0x1, s1  }
0x8c: {  	s16 =	sshll.u32 s0, $0xA;
	s2 =	sadd.s32 s3, s2  }
0x8d: {  	s2 =	sadd.s32 s2, s16  }
0x8e: {  	[smem:$0x3FB6] =	sst s2  }
0x8f: {  	_ = 	snop  }
0x90: {  	(tm) =	ssettm $0x1  }
0x91: {  	s17 =	sld [smem:$0x3FFB];
	_ =	sdelay $0x3  }
0x92: {  	_ =	strace s17  }
0x93: {  	s2 =	sld [smem:$0x3FFC];
	_ =	sdelay $0x3  }
0x94: {  	_ =	strace s2  }
0x95: {  	s2 =	sld [smem:$0x3FFD];
	_ =	sdelay $0x3  }
0x96: {  	_ =	strace s2  }
0x97: {  	_ =	strace $0x8FFFFFFF  }
0x98: {  	s18 =	sld [smem:$0x3FDB];
	_ =	sdelay $0x1  }
0x99: {  	s19 =	simm.s32 $_scs_section_size  }
0x9a: {  	s4 =	simm.s32 $_size__tile_overlayer_lowered;
	s5 =	simm.s32 $_tile_overlayer_lowered  }
0x9b: {  	s22 =	simm.s32 $0x1BFF;
	s21 =	sshll.u32 s5, $0x1;
	s2 =	sadd.s32 s19, s18  }
0x9c: {  	s6 =	simm.s32 $0x0;
	s20 =	sshll.u32 s4, $0x1;
	s4 =	sadd.s32 s21, s2  }
0x9d: {  	[timem:s6], [sflag:s22] =	dma.local [hbm:s4], s20  }
0x9e: {  	_ =	swait.ge [sflag:s22], s20  }
0x9f: {  	s3 =	ssub.s32 $0x0, s20;
	[sflag:s22] =	ssyncset.done $0x0  }
0xa0: {  	[sflag:s22] =	ssyncadd.s32 s3;
	_ =	sdelay $0x1  }
0xa1: {  	s23 =	simm.s32 $0x1B8B  }
0xa2: {  	_ =	swait.ge [sflag:s23], $0x1  }
0xa3: {  	[sflag:s23] =	ssyncset.done $0x0  }
0xa4: {  	s25 =	simm.s32 $0x1B8E;
	s24 =	sld [smem:$0x3FFE];
	[sflag:s23] =	ssyncadd.s32 $0xFFFFFFFF  }
0xa5: {  	s26 =	simm.s32 $execute0_lowered;
	[smem:$0x3FD2] =	sst s25  }
0xa6: {  	s4 =	sshll.u32 s26, $0x1;
	_ =	strace $0x8000004F;
	[dreg:$0x1] =	wrdreg $0xFFFFFFFF  }
0xa7: {  	s28 =	simm.s32 $_size_execute0_lowered;
	s2 =	sadd.s32 s2, s4;
	[dreg:$0x0] =	wrdreg $0x0  }
0xa8: {  	s4 =	sshll.u32 s28, $0x1;
	[dreg:$0x2] =	wrdreg s2  }
0xa9: {  	[dreg:$0x3] =	wrdreg s4  }
0xaa: {  	[dreg:$0x4] =	wrdreg $0xC0  }
0xab: {  	_ =	task [dreg:s6], $0x5FFFF  }
0xac: {  	[dreg:$0x1] =	wrdreg $0xFFFFFFFF  }
0xad: {  	[dreg:$0x0] =	wrdreg $0x60  }
0xae: {  	[dreg:$0x2] =	wrdreg s24  }
0xaf: {  	[dreg:$0x3] =	wrdreg $0x9  }
0xb0: {  	_ =	task.clear_ibuf [dreg:s6], $0x4FFFF;
	_ =	strace $0x9000004F  }
0xb1: {  	s29 =	simm.s32 $0x9;
	_ =	strace $0x80000051  }
0xb2: {  	_ =	swait.ge [sflag:s29], $0x1  }
0xb3: {  	[sflag:s29] =	ssyncadd.s32 $0xFFFFFFFF  }
0xb4: {  	_ =	strace $0x90000051  }
0xb5: {  	_ =	sfence  }
0xb6: {  	s30 =	sld [smem:$0x0];
	_ =	sdelay $0x2  }
0xb7: {  	s31 =	sshll.u32 s1, $0xD;
	s1 =	sshrl.u32 s1, $0x2  }
0xb8: {  	s3 =	sand.u32 $0x4000, s31;
	s1 =	sadd.s32 s1, s30  }
0xb9: {  	s0 =	sor.u32 s3, s0;
	s1 =	sshll.u32 s1, $0x11  }
0xba: {  	s0 =	sor.u32 s1, s0  }
0xbb: {  	s0 =	sadd.s32 $0x8F2B, s0  }
0xbc: {  	[sflag:s0] =	ssyncadd.remote.s32 $0x1  }
0xbd: {  	_ =	sfence.sel $0xFFFF  }
0xbe: {  	[dreg:$0x0] =	wrdreg $0xFFFFFFFF;
	(pc) =	sbr.abs _section_cstart, $3  }
0xbf: {  	[dreg:$0x1] =	wrdreg $0xFFFFFFFF  }
0xc0: {  	_ =	task.clear_ibuf [dreg:s6], $0x2FFFF;
	_ =	strace $0x9FFFFFFF  }
0xc1: {  	(tm) =	ssettm $0x7FFFFFFF  }
tec
execute0_lowered:
.L_overlay_start_1:
0x0: {  	(tag) =	ssettag $0x1  }
0x1: {  	s1 =	srdreg.scid;
	s0 =	stileid.u32  }
0x2: {  	s5 =	rddreg [dreg:$0x0];
	s2 =	simm.s32 $0x0;
	s11 =	simm.s32 $0x2800  }
0x3: {  	s12 =	simm.s32 $0x80;
	s13 =	simm.s32 $0x5000;
	s14 =	simm.s32 $0xD000  }
0x4: {  	s15 =	simm.s32 $0x1;
	s16 =	simm.s32 $0x15000;
	s17 =	simm.s32 $0x2  }
0x5: {  	s18 =	simm.s32 $0x19000;
	s4 =	sand.u32 $0x1, s1;
	s3 =	sshll.u32 s0, $0x1  }
0x6: {  	s19 =	simm.s32 $0x3;
	s20 =	simm.s32 $0x4;
	s8 =	sor.u32 s4, s3  }
0x7: {  	s21 =	simm.s32 $0x0;
	[smem:$0x7FF] =	sst s2;
	s6 =	smul.u32 $0x500, s8  }
.Ltmp0:
0x8: {  	s1 =	rddreg [dreg:$0x1];
	_ =	strace $0x80000050;
	(pc) =	sbr.rel .LBB2_1-.Ltmp0, $4  }
0x9: {  	s3 =	sadd.s32 $0x30600, s5;
	s7 =	ssub.s32 $0x2, s4;
	s4 =	sadd.s32 $0x58600, s5  }
0xa: {  	s31 =	sshrl.u32 s7, $0x1;
	s8 =	smul.u32 $0x13C000, s8;
	s9 =	sadd.s32 s6, s5  }
0xb: {  	s10 =	ssub.s32 s7, s31;
	s5 =	sadd.s32 $0xA8600, s5;
	s6 =	sadd.s32 $0x1C600, s9  }
0xc: {  	s7 =	sadd.s32 $0x26600, s9;
	s9 =	smax.u32 s10, $0x1;
	s10 =	simm.s32 $0x5  }
.LBB2_9:
0xd: {  	s21 =	sadd.s32 $0x1, s21  }
0xe: {  	_ =	swait.ge [sflag:s19], $0x4000;
	p0 =	sne.s32 s21, s9  }
.Ltmp1:
0xf: {  	[sflag:s19] =	ssyncset.done $0x0;
	(pc) =	sbr.rel @!p0 .LBB2_10-.Ltmp1, $4  }
0x10: {  	[sflag:s19] =	ssyncadd.s32 $0xFFFFC000  }
0x11: {  	_ =	swait.ge [sflag:s20], $0x4000  }
0x12: {  	[sflag:s20] =	ssyncset.done $0x0  }
0x13: {  	[sflag:s20] =	ssyncadd.s32 $0xFFFFC000  }
.LBB2_1:
0x14: {  	[tilespmem:s2], [sflag:$0x5] =	stream.linear.gather [hbm4b:s6+s2], $0x2780, $0x38;
	[tilespmem:$0x1D000] =	vst v63  }
0x15: {  	_ =	swait.ge [sflag:s10], $0x2780  }
0x16: {  	[sflag:s10] =	ssyncset.done $0x0  }
0x17: {  	[sflag:s10] =	ssyncadd.s32 $0xFFFFD880  }
0x18: {  	[tilespmem:s11], [sflag:$0x5] =	stream.linear.gather [hbm4b:s7+s2], $0x2780, $0x38;
	[tilespmem:$0x1D000] =	vst v63  }
0x19: {  	_ =	swait.ge [sflag:s10], $0x2780  }
.Ltmp2:
0x1a: {  	[sflag:s10] =	ssyncset.done $0x0;
	(pc) =	sbr.rel .LBB2_2-.Ltmp2, $4  }
0x1b: {  	[sflag:s10] =	ssyncadd.s32 $0xFFFFD880  }
0x1c: {  	[tilespmem:s13], [sflag:$0x1] =	stream.indirect.gather [hbm4b:s3+s12], $0x80, s2, s12, $0xb8;
	[tilespmem:$0x1D000] =	vst v63  }
0x1d: {  	s22 =	simm.s32 $0x0  }
0x1e: {  	[tilespmem:s14], [sflag:$0x1] =	stream.indirect.gather [hbm4b:s4+s12], $0x80, s11, s12, $0xb8;
	[tilespmem:$0x1D000] =	vst v63  }
.LBB2_8:
0x1f: {  	s22 =	sadd.s32 $0x1, s22  }
0x20: {  	p0 =	sne.s32 s22, $0x28  }
.Ltmp3:
0x21: {  	_ = 	snop;
	(pc) =	sbr.rel @!p0 .LBB2_9-.Ltmp3, $1  }
0x22: {  	_ =	sdelay $0x3  }
.LBB2_2:
0x23: {  	s23 =	sshllo.u32 s22, $0x1  }
0x24: {  	p1 =	sgt.u32 s23, $0x4E  }
0x25: {  	s24 =	sshll.u32 @!p1 s23, $0x7;
	s25 =	simm.s32 @!p1 $0x80;
	s26 =	simm.s32 @!p1 $0x9000  }
0x26: {  	[tilespmem:s26], [sflag:$0x2] =	stream.indirect.gather @!p1 [hbm4b:s3+s25], $0x80, s24, s25, $0xb8;
	[tilespmem:$0x1D000] =	vst v63  }
0x27: {  	s24 =	sadd.s32 @!p1 $0x2800, s24;
	s26 =	simm.s32 @!p1 $0x11000  }
0x28: {  	[tilespmem:s26], [sflag:$0x2] =	stream.indirect.gather @!p1 [hbm4b:s4+s25], $0x80, s24, s25, $0xb8;
	[tilespmem:$0x1D000] =	vst v63  }
0x29: {  	_ =	swait.ge [sflag:s15], $0x4000  }
0x2a: {  	[sflag:s15] =	ssyncset.done $0x0  }
0x2b: {  	[sflag:s15] =	ssyncadd.s32 $0xFFFFC000  }
0x2c: {  	_ =	swait.ge [sflag:s15], $0x4000  }
0x2d: {  	p0 =	seq.s32 s22, $0x0;
	[sflag:s15] =	ssyncset.done $0x0  }
0x2e: {  	s24 =	simm.s32 @!p0 $0x3;
	[sflag:s15] =	ssyncadd.s32 $0xFFFFC000  }
0x2f: {  	_ =	swait.ge @!p0 [sflag:s24], $0x4000  }
0x30: {  	[sflag:s24] =	ssyncset.done @!p0 $0x0  }
0x31: {  	[sflag:s24] =	ssyncadd.s32 @!p0 $0xFFFFC000;
	s24 =	simm.s32 $0x0  }
0x32: {  	v0 =	vld [tilespmem:s24+$0x5070]  }
0x33: {  	v1 =	vld [tilespmem:s24+$0xD070]  }
0x34: {  	v2 =	vld [tilespmem:s24+$0x5000]  }
0x35: {  	v3 =	vld [tilespmem:s24+$0xD000]  }
0x36: {  	v4 =	vld [tilespmem:s24+$0x5010]  }
0x37: {  	v5 =	vld [tilespmem:s24+$0xD010]  }
0x38: {  	v6 =	vld [tilespmem:s24+$0x5020]  }
0x39: {  	v7 =	vld [tilespmem:s24+$0x5030]  }
0x3a: {  	v0 =	vadd.f32 v1, v0;
	v1 =	vld [tilespmem:s24+$0xD020]  }
0x3b: {  	v8 =	vld [tilespmem:s24+$0xD030]  }
0x3c: {  	v9 =	vld [tilespmem:s24+$0xD040];
	v2 =	vadd.f32 v3, v2  }
0x3d: {  	[tilespmem:s24+$0x15070] =	vst v0;
	v0 =	vadd.f32 v5, v4;
	v5 =	vld [tilespmem:s24+$0x5040]  }
0x3e: {  	v3 =	vld [tilespmem:s24+$0xD050];
	[tilespmem:s24+$0x15000] =	vst v2  }
0x3f: {  	v2 =	vld [tilespmem:s24+$0x5050];
	[tilespmem:s24+$0x15010] =	vst v0;
	v0 =	vadd.f32 v1, v6  }
0x40: {  	v4 =	vld [tilespmem:s24+$0xD060];
	v6 =	vadd.f32 v8, v7  }
0x41: {  	s25 =	simm.s32 $0x80;
	[tilespmem:s24+$0x15020] =	vst v0;
	v0 =	vld [tilespmem:s24+$0x5060]  }
0x42: {  	s26 =	simm.s32 $0x400;
	v5 =	vadd.f32 v9, v5;
	v1 =	vld [tilespmem:s25+$0x5070];
	[tilespmem:s24+$0x15030] =	vst v6  }
.LBB2_3:
0x43: {  	p2 =	sne.s32 s26, $0xFE00;
	v6 =	vld [tilespmem:s25+$0xD070]  }
0x44: {  	v7 =	vld [tilespmem:s25+$0x5000];
	[tilespmem:s24+$0x15040] =	vst v5;
	v2 =	vadd.f32 v3, v2  }
0x45: {  	v3 =	vld [tilespmem:s25+$0xD000]  }
0x46: {  	v5 =	vld [tilespmem:s25+$0x5010];
	[tilespmem:s24+$0x15050] =	vst v2;
	v0 =	vadd.f32 v4, v0  }
0x47: {  	v2 =	vld [tilespmem:s25+$0xD010]  }
0x48: {  	v4 =	vld [tilespmem:s25+$0x5020];
	v1 =	vadd.f32 v6, v1;
	[tilespmem:s24+$0x15060] =	vst v0;
	s24 =	smov.u32 s25  }
0x49: {  	v0 =	vld [tilespmem:s24+$0xD020]  }
0x4a: {  	v3 =	vadd.f32 v3, v7;
	v6 =	vld [tilespmem:s24+$0x5030];
	[tilespmem:s24+$0x15070] =	vst v1  }
0x4b: {  	v1 =	vld [tilespmem:s24+$0xD030]  }
0x4c: {  	[tilespmem:s24+$0x15000] =	vst v3;
	v2 =	vadd.f32 v2, v5;
	v5 =	vld [tilespmem:s24+$0x5040]  }
0x4d: {  	v7 =	vld [tilespmem:s24+$0xD040]  }
.Ltmp4:
0x4e: {  	[tilespmem:s24+$0x15010] =	vst v2;
	v0 =	vadd.f32 v0, v4;
	v2 =	vld [tilespmem:s24+$0x5050];
	(pc) =	sbr.rel @p2 .LBB2_3-.Ltmp4, $4  }
0x4f: {  	v3 =	vld [tilespmem:s24+$0xD050]  }
0x50: {  	[tilespmem:s24+$0x15020] =	vst v0;
	v6 =	vadd.f32 v1, v6;
	v0 =	vld [tilespmem:s24+$0x5060]  }
0x51: {  	s25 =	sshra.s32 s26, $0x2;
	v4 =	vld [tilespmem:s24+$0xD060]  }
0x52: {  	s26 =	sadd.s32 $0x200, s26;
	v1 =	vld [tilespmem:s25+$0x5070];
	[tilespmem:s24+$0x15030] =	vst v6;
	v5 =	vadd.f32 v7, v5  }
0x53: {  	v6 =	vld [tilespmem:s25+$0xD070]  }
0x54: {  	v7 =	vld [tilespmem:s25+$0x5000];
	[tilespmem:s24+$0x15040] =	vst v5;
	v2 =	vadd.f32 v3, v2  }
0x55: {  	v51 =	vld [tilespmem:s25+$0xD000]  }
0x56: {  	v5 =	vld [tilespmem:s25+$0x5010];
	[tilespmem:s24+$0x15050] =	vst v2;
	v0 =	vadd.f32 v4, v0  }
0x57: {  	v2 =	vld [tilespmem:s25+$0xD010]  }
0x58: {  	v52 =	vld [tilespmem:s25+$0x5020];
	[tilespmem:s24+$0x15060] =	vst v0  }
0x59: {  	v54 =	vld [tilespmem:s25+$0xD020]  }
0x5a: {  	v55 =	vld [tilespmem:s25+$0x5030]  }
0x5b: {  	v56 =	vld [tilespmem:s25+$0xD030]  }
0x5c: {  	v57 =	vld [tilespmem:s25+$0x5040]  }
0x5d: {  	v58 =	vld [tilespmem:s25+$0xD040]  }
0x5e: {  	v59 =	vld [tilespmem:s25+$0x5050]  }
0x5f: {  	v53 =	vadd.f32 v6, v1;
	v60 =	vld [tilespmem:s25+$0xD050]  }
0x60: {  	v61 =	vld [tilespmem:s25+$0x5060];
	v3 =	vadd.f32 v51, v7  }
0x61: {  	v62 =	vld [tilespmem:s25+$0xD060];
	[tilespmem:s25+$0x15070] =	vst v53;
	v2 =	vadd.f32 v2, v5  }
0x62: {  	[tilespmem:s25+$0x15000] =	vst v3;
	v1 =	vadd.f32 v54, v52  }
0x63: {  	[tilespmem:s25+$0x15010] =	vst v2;
	v0 =	vadd.f32 v56, v55  }
0x64: {  	v3 =	vadd.f32 v58, v57;
	[tilespmem:s25+$0x15020] =	vst v1  }
.Ltmp5:
0x65: {  	s31 =	sshll.u32 s22, $0xF;
	v63 =	vadd.f32 v60, v59;
	[tilespmem:s25+$0x15030] =	vst v0;
	(pc) =	sbr.rel @p1 .LBB2_8-.Ltmp5, $4  }
0x66: {  	s24 =	sadd.s32 s8, s31;
	[tilespmem:s25+$0x15040] =	vst v3;
	v1 =	vadd.f32 v62, v61  }
0x67: {  	s24 =	sshrl.u32 s24, $0x3;
	[tilespmem:s25+$0x15050] =	vst v63  }
0x68: {  	s24 =	sadd.s32 s5, s24;
	[tilespmem:s25+$0x15060] =	vst v1  }
0x69: {  	[hbm4b:s24+s2] =	stream.linear.scatter [tilespmem:s16], [sflag:$0x3], $0x4000, $0x38;
	[tilespmem:$0x1D000] =	vst v63  }
0x6a: {  	s24 =	sshll.u32 s22, $0x8  }
0x6b: {  	s25 =	sadd.s32 $0x100, s24  }
0x6c: {  	[tilespmem:s13], [sflag:$0x1] =	stream.indirect.gather [hbm4b:s3+s12], $0x80, s25, s12, $0xb8;
	[tilespmem:$0x1D000] =	vst v63  }
0x6d: {  	s24 =	sadd.s32 $0x2900, s24  }
0x6e: {  	[tilespmem:s14], [sflag:$0x1] =	stream.indirect.gather [hbm4b:s4+s12], $0x80, s24, s12, $0xb8;
	[tilespmem:$0x1D000] =	vst v63  }
0x6f: {  	_ =	swait.ge [sflag:s17], $0x4000  }
0x70: {  	[sflag:s17] =	ssyncset.done $0x0  }
0x71: {  	[sflag:s17] =	ssyncadd.s32 $0xFFFFC000  }
0x72: {  	_ =	swait.ge [sflag:s17], $0x4000  }
0x73: {  	[sflag:s17] =	ssyncset.done $0x0  }
0x74: {  	s24 =	simm.s32 @!p0 $0x4;
	[sflag:s17] =	ssyncadd.s32 $0xFFFFC000  }
0x75: {  	_ =	swait.ge @!p0 [sflag:s24], $0x4000  }
0x76: {  	[sflag:s24] =	ssyncset.done @!p0 $0x0  }
0x77: {  	[sflag:s24] =	ssyncadd.s32 @!p0 $0xFFFFC000;
	s24 =	simm.s32 $0x0  }
0x78: {  	v0 =	vld [tilespmem:s24+$0x9070]  }
0x79: {  	v1 =	vld [tilespmem:s24+$0x11070]  }
0x7a: {  	v2 =	vld [tilespmem:s24+$0x9000]  }
0x7b: {  	v3 =	vld [tilespmem:s24+$0x11000]  }
0x7c: {  	v4 =	vld [tilespmem:s24+$0x9010]  }
0x7d: {  	v5 =	vld [tilespmem:s24+$0x11010]  }
0x7e: {  	v6 =	vld [tilespmem:s24+$0x9020]  }
0x7f: {  	v7 =	vld [tilespmem:s24+$0x9030]  }
0x80: {  	v0 =	vadd.f32 v1, v0;
	v1 =	vld [tilespmem:s24+$0x11020]  }
0x81: {  	v8 =	vld [tilespmem:s24+$0x11030]  }
0x82: {  	v9 =	vld [tilespmem:s24+$0x11040];
	v2 =	vadd.f32 v3, v2  }
0x83: {  	[tilespmem:s24+$0x19070] =	vst v0;
	v0 =	vadd.f32 v5, v4;
	v5 =	vld [tilespmem:s24+$0x9040]  }
0x84: {  	v3 =	vld [tilespmem:s24+$0x11050];
	[tilespmem:s24+$0x19000] =	vst v2  }
0x85: {  	v2 =	vld [tilespmem:s24+$0x9050];
	[tilespmem:s24+$0x19010] =	vst v0;
	v0 =	vadd.f32 v1, v6  }
0x86: {  	v4 =	vld [tilespmem:s24+$0x11060];
	v6 =	vadd.f32 v8, v7  }
0x87: {  	s25 =	simm.s32 $0x80;
	[tilespmem:s24+$0x19020] =	vst v0;
	v0 =	vld [tilespmem:s24+$0x9060]  }
0x88: {  	s26 =	simm.s32 $0x400;
	v5 =	vadd.f32 v9, v5;
	v1 =	vld [tilespmem:s25+$0x9070];
	[tilespmem:s24+$0x19030] =	vst v6  }
.LBB2_6:
0x89: {  	p0 =	sne.s32 s26, $0xFE00;
	v6 =	vld [tilespmem:s25+$0x11070]  }
0x8a: {  	v7 =	vld [tilespmem:s25+$0x9000];
	[tilespmem:s24+$0x19040] =	vst v5;
	v2 =	vadd.f32 v3, v2  }
0x8b: {  	v3 =	vld [tilespmem:s25+$0x11000]  }
0x8c: {  	v5 =	vld [tilespmem:s25+$0x9010];
	[tilespmem:s24+$0x19050] =	vst v2;
	v0 =	vadd.f32 v4, v0  }
0x8d: {  	v2 =	vld [tilespmem:s25+$0x11010]  }
0x8e: {  	v4 =	vld [tilespmem:s25+$0x9020];
	v1 =	vadd.f32 v6, v1;
	[tilespmem:s24+$0x19060] =	vst v0;
	s24 =	smov.u32 s25  }
0x8f: {  	v0 =	vld [tilespmem:s24+$0x11020]  }
0x90: {  	v3 =	vadd.f32 v3, v7;
	v6 =	vld [tilespmem:s24+$0x9030];
	[tilespmem:s24+$0x19070] =	vst v1  }
0x91: {  	v1 =	vld [tilespmem:s24+$0x11030]  }
0x92: {  	[tilespmem:s24+$0x19000] =	vst v3;
	v2 =	vadd.f32 v2, v5;
	v5 =	vld [tilespmem:s24+$0x9040]  }
0x93: {  	v7 =	vld [tilespmem:s24+$0x11040]  }
.Ltmp6:
0x94: {  	[tilespmem:s24+$0x19010] =	vst v2;
	v0 =	vadd.f32 v0, v4;
	v2 =	vld [tilespmem:s24+$0x9050];
	(pc) =	sbr.rel @p0 .LBB2_6-.Ltmp6, $4  }
0x95: {  	v3 =	vld [tilespmem:s24+$0x11050]  }
0x96: {  	[tilespmem:s24+$0x19020] =	vst v0;
	v6 =	vadd.f32 v1, v6;
	v0 =	vld [tilespmem:s24+$0x9060]  }
0x97: {  	s25 =	sshra.s32 s26, $0x2;
	v4 =	vld [tilespmem:s24+$0x11060]  }
0x98: {  	s26 =	sadd.s32 $0x200, s26;
	v1 =	vld [tilespmem:s25+$0x9070];
	[tilespmem:s24+$0x19030] =	vst v6;
	v5 =	vadd.f32 v7, v5  }
0x99: {  	v6 =	vld [tilespmem:s25+$0x11070]  }
0x9a: {  	v7 =	vld [tilespmem:s25+$0x9000];
	[tilespmem:s24+$0x19040] =	vst v5;
	v2 =	vadd.f32 v3, v2  }
0x9b: {  	v51 =	vld [tilespmem:s25+$0x11000]  }
0x9c: {  	v5 =	vld [tilespmem:s25+$0x9010];
	[tilespmem:s24+$0x19050] =	vst v2;
	v0 =	vadd.f32 v4, v0  }
0x9d: {  	v2 =	vld [tilespmem:s25+$0x11010]  }
0x9e: {  	v52 =	vld [tilespmem:s25+$0x9020];
	[tilespmem:s24+$0x19060] =	vst v0  }
0x9f: {  	v54 =	vld [tilespmem:s25+$0x11020]  }
0xa0: {  	v55 =	vld [tilespmem:s25+$0x9030]  }
0xa1: {  	v56 =	vld [tilespmem:s25+$0x11030]  }
0xa2: {  	v57 =	vld [tilespmem:s25+$0x9040]  }
0xa3: {  	v58 =	vld [tilespmem:s25+$0x11040]  }
0xa4: {  	v59 =	vld [tilespmem:s25+$0x9050]  }
0xa5: {  	v53 =	vadd.f32 v6, v1;
	v60 =	vld [tilespmem:s25+$0x11050]  }
0xa6: {  	v61 =	vld [tilespmem:s25+$0x9060];
	v3 =	vadd.f32 v51, v7  }
0xa7: {  	v62 =	vld [tilespmem:s25+$0x11060];
	[tilespmem:s25+$0x19070] =	vst v53;
	v2 =	vadd.f32 v2, v5  }
0xa8: {  	[tilespmem:s25+$0x19000] =	vst v3;
	v1 =	vadd.f32 v54, v52  }
0xa9: {  	[tilespmem:s25+$0x19010] =	vst v2;
	v0 =	vadd.f32 v56, v55  }
0xaa: {  	v3 =	vadd.f32 v58, v57;
	[tilespmem:s25+$0x19020] =	vst v1  }
.Ltmp7:
0xab: {  	s23 =	sshll.u32 s23, $0xE;
	v63 =	vadd.f32 v60, v59;
	[tilespmem:s25+$0x19030] =	vst v0;
	(pc) =	sbr.rel .LBB2_8-.Ltmp7, $4  }
0xac: {  	s23 =	sadd.s32 s8, s23;
	[tilespmem:s25+$0x19040] =	vst v3;
	v1 =	vadd.f32 v62, v61  }
0xad: {  	s23 =	sshrl.u32 s23, $0x3;
	[tilespmem:s25+$0x19050] =	vst v63  }
0xae: {  	s23 =	sadd.s32 s5, s23;
	[tilespmem:s25+$0x19060] =	vst v1  }
0xaf: {  	[hbm4b:s23+s2] =	stream.linear.scatter [tilespmem:s18], [sflag:$0x4], $0x4000, $0x38;
	[tilespmem:$0x1D000] =	vst v63  }
.LBB2_10:
0xb0: {  	_ =	sfence.sel $0x180000  }
0xb1: {  	[bflag:$0x0] =	sbarrier.arrive $0xFFFF  }
0xb2: {  	p0 =	sne.s32 s0, $0x0;
	_ =	strace $0x90000050  }
0xb3: {  	s0 =	sadd.s32 @!p0 $0x100000, s1;
	[bflag:$0x2] =	sbarrier.arrive $0xFFFF  }
0xb4: {  	[sflag:s0] =	ssyncadd.tile.s32 @!p0 $0x1;
	_ =	shalt  }
.Lfunc_end2:
_tile_overlayer_lowered:
.L_overlay_start_2:
0xb5: {  	(tag) =	ssettag $0x2  }
0xb6: {  	s0 =	rddreg [dreg:$0x0];
	s2 =	stileid.u32  }
0xb7: {  	s1 =	rddreg [dreg:$0x1];
	p0 =	sne.s32 s2, $0x0  }
0xb8: {  	s3 =	rddreg [dreg:$0x2];
	[bflag:$0x3] =	sbarrier.arrive $0xFFFF;
	s2 =	simm.s32 @!p0 $0x1C05  }
0xb9: {  	[timem:s3], [sflag:s2] =	dma.local @!p0 [hbm:s0], s1  }
0xba: {  	s0 =	simm.s32 @!p0 $0x5  }
0xbb: {  	_ =	swait.ge @!p0 [sflag:s0], s1  }
0xbc: {  	s1 =	ssub.s32 @!p0 $0x0, s1;
	[sflag:s0] =	ssyncset.done @!p0 $0x0  }
0xbd: {  	[sflag:s0] =	ssyncadd.s32 @!p0 s1  }
0xbe: {  	[bflag:$0x3] =	sbarrier.arrive $0xFFFF  }
0xbf: {  	_ =	shalt  }

// kernel: kernel.24.cloned.1.call-start
scs
__scs_entry_jumppad:
0x0: {  	(pc) =	sbr.rel $0x88, $3  }
0x1: {  	(tag) =	ssettag $0x0;
	lr =	simm.s32 $0x1  }
0x2: {  	[smem:$0x3F8F] =	sst lr;
	_ =	strace $0xD0000000  }
0x3: {  	_ = 	snop  }
0x4: {  	_ = 	snop  }
0x5: {  	_ = 	snop  }
0x6: {  	_ = 	snop  }
0x7: {  	_ = 	snop  }
__scs_overlays_trampoline_lowered:
0x8: {  	[smem:$0x3F9E] =	sst s0  }
0x9: {  	[smem:$0x3F9F] =	sst s1  }
0xa: {  	[smem:$0x3FA0] =	sst s2  }
0xb: {  	[smem:$0x3FA1] =	sst s3  }
0xc: {  	[smem:$0x3FA2] =	sst s4  }
0xd: {  	[smem:$0x3FA3] =	sst s5  }
0xe: {  	[smem:$0x3FA4] =	sst s6  }
0xf: {  	[smem:$0x3FA5] =	sst s7  }
0x10: {  	[smem:$0x3FA6] =	sst s8  }
0x11: {  	[smem:$0x3FA7] =	sst s9;
	s0 =	simm.s32 @!p0 $0x0  }
0x12: {  	s1 =	sld [smem:$0x3F8D];
	s0 =	simm.s32 @p0 $0x1  }
0x13: {  	[smem:$0x3FA8] =	sst s0;
	s0 =	simm.s32 @!p1 $0x0  }
0x14: {  	s2 =	sld [smem:$0x3F8C];
	s0 =	simm.s32 @p1 $0x1  }
0x15: {  	[smem:$0x3FA9] =	sst s0;
	s0 =	simm.s32 @!p2 $0x0  }
0x16: {  	s3 =	sld [smem:$0x3FDB];
	s0 =	simm.s32 @p2 $0x1  }
0x17: {  	s4 =	simm.s32 $0x1BF5;
	[smem:$0x3FAB] =	sst s0  }
0x18: {  	s0 =	sld [smem:$0x3F8E];
	_ =	swait.ge [sflag:s4], $0x0  }
0x19: {  	s7 =	sld [smem:$0x3F8F]  }
0x1a: {  	s8 =	sadd.s32 $0xFFFFE003, lr  }
0x1b: {  	s9 =	sadd.s32 $0xFFFFFEF7, lr;
	s5 =	simm.s32 $0xFFFFFFFF;
	p2 =	slt.u32 s8, $0xFFFFF086  }
0x1c: {  	p1 =	slt.u32 s9, $0xF7A;
	s5 =	simm.s32 @!p2 $0x0  }
0x1d: {  	s5 =	simm.s32 @p1 $0x1;
	p0 =	seq.s32 s7, s2  }
0x1e: {  	s7 =	smul.u32 @!p0 $0xF7A, s2;
	p2 =	seq.s32 @!p0 s5, $0x0  }
0x1f: {  	s9 =	smul.u32 $0xF7A, s1;
	s8 =	simm.s32 @!p0 $0x1BF5;
	p2 =	por !p2, p0  }
0x20: {  	[sflag:s8] =	ssyncset.s32 @!p0 $0xFFFFF086;
	s6 =	sadd.s32 @!p0 s3, s7;
	s7 =	simm.s32 @!p0 $0x108  }
0x21: {  	s3 =	sadd.s32 s3, s9;
	s6 =	sadd.s32 @!p0 $0x88, s6;
	s7 =	simm.s32 @p2 $0x1082  }
0x22: {  	[simem:s7], [sflag:s8] =	dma.local @!p0 [hbm:s6], $0xF7A  }
0x23: {  	s9 =	sor.u32 $0xD0000000, s2;
	s6 =	simm.s32 $0x108;
	_ =	swait.ge @!p0 [sflag:s8], $0x0  }
0x24: {  	s3 =	sadd.s32 $0x88, s3;
	s6 =	simm.s32 @!p1 $0x1082;
	[sflag:s4] =	ssyncset.s32 $0xFFFFF086  }
0x25: {  	[simem:s6], [sflag:s4] =	dma.local [hbm:s3], $0xF7A  }
0x26: {  	[smem:$0x3F8F] =	sst s1;
	(tag) =	ssettag s2;
	_ =	strace s9  }
0x27: {  	s1 =	sld [smem:$0x3F9F]  }
0x28: {  	s2 =	sld [smem:$0x3FA0]  }
0x29: {  	s4 =	sld [smem:$0x3FA2]  }
0x2a: {  	p0 =	seq.s32 s5, $0x0;
	s5 =	sld [smem:$0x3FA3]  }
0x2b: {  	s6 =	sld [smem:$0x3FA4]  }
0x2c: {  	s7 =	sld [smem:$0x3FA5]  }
0x2d: {  	s3 =	simm.s32 $0x108;
	s8 =	sld [smem:$0x3FA6]  }
0x2e: {  	s3 =	simm.s32 @!p0 $0x1082;
	s9 =	sld [smem:$0x3FA7]  }
0x2f: {  	lr =	sadd.s32 s0, s3;
	s0 =	sld [smem:$0x3F9E]  }
0x30: {  	s3 =	sld [smem:$0x3FA1]  }
0x31: {  	[smem:$0x3FAA] =	sst s10  }
0x32: {  	s10 =	sld [smem:$0x3FA8];
	_ =	sdelay $0x3  }
0x33: {  	p0 =	seq.s32 s10, $0x1;
	s10 =	sld [smem:$0x3FAA];
	_ =	sdelay $0x3  }
0x34: {  	[smem:$0x3FAA] =	sst s10  }
0x35: {  	s10 =	sld [smem:$0x3FA9];
	_ =	sdelay $0x3  }
0x36: {  	p1 =	seq.s32 s10, $0x1;
	s10 =	sld [smem:$0x3FAA];
	_ =	sdelay $0x3  }
0x37: {  	[smem:$0x3FAA] =	sst s10  }
0x38: {  	s10 =	sld [smem:$0x3FAB]  }
0x39: {  	_ = 	snop;
	(pc) =	sbr.ind lr, $3  }
0x3a: {  	_ = 	snop  }
0x3b: {  	_ = 	snop  }
0x3c: {  	p2 =	seq.s32 s10, $0x1;
	s10 =	sld [smem:$0x3FAA]  }
0x3d: {  	_ =	shalt  }
0x3e: {  	_ =	shalt  }
0x3f: {  	_ =	shalt  }
0x40: {  	_ =	shalt  }
0x41: {  	_ =	shalt  }
0x42: {  	_ =	shalt  }
0x43: {  	_ =	shalt  }
0x44: {  	_ =	shalt  }
0x45: {  	_ =	shalt  }
0x46: {  	_ =	shalt  }
0x47: {  	_ =	shalt  }
0x48: {  	_ =	shalt  }
0x49: {  	_ =	shalt  }
0x4a: {  	_ =	shalt  }
0x4b: {  	_ =	shalt  }
0x4c: {  	_ =	shalt  }
0x4d: {  	_ =	shalt  }
0x4e: {  	_ =	shalt  }
0x4f: {  	_ =	shalt  }
0x50: {  	_ =	shalt  }
0x51: {  	_ =	shalt  }
0x52: {  	_ =	shalt  }
0x53: {  	_ =	shalt  }
0x54: {  	_ =	shalt  }
0x55: {  	_ =	shalt  }
0x56: {  	_ =	shalt  }
0x57: {  	_ =	shalt  }
0x58: {  	_ =	shalt  }
0x59: {  	_ =	shalt  }
0x5a: {  	_ =	shalt  }
0x5b: {  	_ =	shalt  }
0x5c: {  	_ =	shalt  }
0x5d: {  	_ =	shalt  }
0x5e: {  	_ =	shalt  }
0x5f: {  	_ =	shalt  }
0x60: {  	_ =	shalt  }
0x61: {  	_ =	shalt  }
0x62: {  	_ =	shalt  }
0x63: {  	_ =	shalt  }
0x64: {  	_ =	shalt  }
0x65: {  	_ =	shalt  }
0x66: {  	_ =	shalt  }
0x67: {  	_ =	shalt  }
0x68: {  	_ =	shalt  }
0x69: {  	_ =	shalt  }
0x6a: {  	_ =	shalt  }
0x6b: {  	_ =	shalt  }
0x6c: {  	_ =	shalt  }
0x6d: {  	_ =	shalt  }
0x6e: {  	_ =	shalt  }
0x6f: {  	_ =	shalt  }
0x70: {  	_ =	shalt  }
0x71: {  	_ =	shalt  }
0x72: {  	_ =	shalt  }
0x73: {  	_ =	shalt  }
0x74: {  	_ =	shalt  }
0x75: {  	_ =	shalt  }
0x76: {  	_ =	shalt  }
0x77: {  	_ =	shalt  }
0x78: {  	_ =	shalt  }
0x79: {  	_ =	shalt  }
0x7a: {  	_ =	shalt  }
0x7b: {  	_ =	shalt  }
0x7c: {  	_ =	shalt  }
0x7d: {  	_ =	shalt  }
0x7e: {  	_ =	shalt  }
0x7f: {  	_ =	shalt  }
0x80: {  	_ =	shalt  }
0x81: {  	_ =	shalt  }
0x82: {  	_ =	shalt  }
0x83: {  	_ =	shalt  }
0x84: {  	_ =	shalt  }
0x85: {  	_ =	shalt  }
0x86: {  	_ =	shalt  }
0x87: {  	_ =	shalt  }
.Lfunc_end0:
.L_simem_size_0:
called_computation.4_lowered:
.L_overlay_start_0:
0x88: {  	s2 =	sld [smem:$0x3FD9]  }
0x89: {  	s3 =	sld [smem:$0x3FFE];
	_ =	sdelay $0x1  }
0x8a: {  	s1 =	srdreg.scid  }
0x8b: {  	s0 =	sand.u32 $0x1, s1  }
0x8c: {  	s16 =	sshll.u32 s0, $0xA;
	s2 =	sadd.s32 s3, s2  }
0x8d: {  	s2 =	sadd.s32 s2, s16  }
0x8e: {  	[smem:$0x3FB6] =	sst s2  }
0x8f: {  	_ = 	snop  }
0x90: {  	(tm) =	ssettm $0x1  }
0x91: {  	s17 =	sld [smem:$0x3FFB];
	_ =	sdelay $0x3  }
0x92: {  	_ =	strace s17  }
0x93: {  	s2 =	sld [smem:$0x3FFC];
	_ =	sdelay $0x3  }
0x94: {  	_ =	strace s2  }
0x95: {  	s2 =	sld [smem:$0x3FFD];
	_ =	sdelay $0x3  }
0x96: {  	_ =	strace s2  }
0x97: {  	_ =	strace $0x8FFFFFFF  }
0x98: {  	s18 =	sld [smem:$0x3FDB];
	_ =	sdelay $0x1  }
0x99: {  	s19 =	simm.s32 $_scs_section_size  }
0x9a: {  	s4 =	simm.s32 $_size__tile_overlayer_lowered;
	s5 =	simm.s32 $_tile_overlayer_lowered  }
0x9b: {  	s22 =	simm.s32 $0x1BFF;
	s21 =	sshll.u32 s5, $0x1;
	s2 =	sadd.s32 s19, s18  }
0x9c: {  	s6 =	simm.s32 $0x0;
	s20 =	sshll.u32 s4, $0x1;
	s4 =	sadd.s32 s21, s2  }
0x9d: {  	[timem:s6], [sflag:s22] =	dma.local [hbm:s4], s20  }
0x9e: {  	_ =	swait.ge [sflag:s22], s20  }
0x9f: {  	s3 =	ssub.s32 $0x0, s20;
	[sflag:s22] =	ssyncset.done $0x0  }
0xa0: {  	[sflag:s22] =	ssyncadd.s32 s3;
	_ =	sdelay $0x1  }
0xa1: {  	s23 =	simm.s32 $0x1B8B  }
0xa2: {  	_ =	swait.ge [sflag:s23], $0x1  }
0xa3: {  	[sflag:s23] =	ssyncset.done $0x0  }
0xa4: {  	s25 =	simm.s32 $0x1B8E;
	s24 =	sld [smem:$0x3FFE];
	[sflag:s23] =	ssyncadd.s32 $0xFFFFFFFF  }
0xa5: {  	s26 =	simm.s32 $execute0_lowered;
	[smem:$0x3FD2] =	sst s25  }
0xa6: {  	s4 =	sshll.u32 s26, $0x1;
	_ =	strace $0x80000052;
	[dreg:$0x1] =	wrdreg $0xFFFFFFFF  }
0xa7: {  	s28 =	simm.s32 $_size_execute0_lowered;
	s2 =	sadd.s32 s2, s4;
	[dreg:$0x0] =	wrdreg $0x0  }
0xa8: {  	s4 =	sshll.u32 s28, $0x1;
	[dreg:$0x2] =	wrdreg s2  }
0xa9: {  	[dreg:$0x3] =	wrdreg s4  }
0xaa: {  	[dreg:$0x4] =	wrdreg $0xC0  }
0xab: {  	_ =	task [dreg:s6], $0x5FFFF  }
0xac: {  	[dreg:$0x1] =	wrdreg $0xFFFFFFFF  }
0xad: {  	[dreg:$0x0] =	wrdreg $0x60  }
0xae: {  	[dreg:$0x2] =	wrdreg s24  }
0xaf: {  	[dreg:$0x3] =	wrdreg $0x0  }
0xb0: {  	[dreg:$0x4] =	wrdreg $0x9  }
0xb1: {  	_ =	task.clear_ibuf [dreg:s6], $0x5FFFF;
	_ =	strace $0x90000052  }
0xb2: {  	s29 =	simm.s32 $0x9;
	_ =	strace $0x80000054  }
0xb3: {  	_ =	swait.ge [sflag:s29], $0x1  }
0xb4: {  	[sflag:s29] =	ssyncadd.s32 $0xFFFFFFFF  }
0xb5: {  	_ =	strace $0x90000054  }
0xb6: {  	_ =	sfence  }
0xb7: {  	s30 =	sld [smem:$0x0];
	_ =	sdelay $0x2  }
0xb8: {  	s31 =	sshll.u32 s1, $0xD;
	s1 =	sshrl.u32 s1, $0x2  }
0xb9: {  	s3 =	sand.u32 $0x4000, s31;
	s1 =	sadd.s32 s1, s30  }
0xba: {  	s0 =	sor.u32 s3, s0;
	s1 =	sshll.u32 s1, $0x11  }
0xbb: {  	s0 =	sor.u32 s1, s0  }
0xbc: {  	s0 =	sadd.s32 $0x8F2B, s0  }
0xbd: {  	[sflag:s0] =	ssyncadd.remote.s32 $0x1  }
0xbe: {  	_ =	sfence.sel $0xFFFF  }
0xbf: {  	[dreg:$0x0] =	wrdreg $0xFFFFFFFF;
	(pc) =	sbr.abs _section_cstart, $3  }
0xc0: {  	[dreg:$0x1] =	wrdreg $0xFFFFFFFF  }
0xc1: {  	_ =	task.clear_ibuf [dreg:s6], $0x2FFFF;
	_ =	strace $0x9FFFFFFF  }
0xc2: {  	(tm) =	ssettm $0x7FFFFFFF  }
0xc3: {  	_ =	shalt  }
tec
execute0_lowered:
.L_overlay_start_1:
0x0: {  	(tag) =	ssettag $0x1  }
0x1: {  	s1 =	srdreg.scid  }
0x2: {  	s0 =	stileid.u32;
	s4 =	rddreg [dreg:$0x0]  }
0x3: {  	s2 =	rddreg [dreg:$0x1];
	s3 =	simm.s32 $0x0;
	s15 =	simm.s32 $0x14000  }
0x4: {  	s16 =	simm.s32 $0x16800;
	s17 =	simm.s32 $0x1A800;
	s9 =	smul.u32 $0x14000, s0  }
0x5: {  	s18 =	simm.s32 $0x1;
	s19 =	simm.s32 $0x80;
	s22 =	smul.u32 $0x50000, s0  }
0x6: {  	s20 =	simm.s32 $0x3;
	s6 =	sand.u32 $0x1, s1;
	s25 =	smul.u32 $0x278000, s0  }
0x7: {  	s21 =	sshll.u32 s0, $0x1;
	[smem:$0x7FF] =	sst s3;
	s8 =	smul.u32 $0x140000, s6  }
0x8: {  	s12 =	sadd.s32 $0xF5DA00, s4;
	s5 =	sor.u32 s6, s21;
	s14 =	smul.u32 $0x13C000, s6  }
0x9: {  	s1 =	rddreg [dreg:$0x2];
	_ =	strace $0x80000053;
	s7 =	smul.u32 $0x500, s5  }
0xa: {  	s10 =	ssub.s32 $0x2, s6;
	s21 =	simm.s32 $0x2;
	s11 =	smul.u32 $0x27800, s5  }
0xb: {  	s23 =	sshrl.u32 s10, $0x1;
	s13 =	smul.u32 $0x13C000, s5;
	s24 =	sshrl.u32 s22, $0x2  }
0xc: {  	s22 =	simm.s32 $0x14080;
	s8 =	sadd.s32 s9, s8;
	s10 =	ssub.s32 s10, s23  }
0xd: {  	s29 =	sadd.s32 s14, s25;
	s14 =	simm.s32 $0x5;
	s23 =	simm.s32 $0x4  }
0xe: {  	s25 =	simm.s32 $0x0;
	s7 =	sadd.s32 s7, s4;
	s8 =	sshrl.u32 s8, $0x3  }
0xf: {  	s6 =	sadd.s32 s12, s11;
	s26 =	sshrl.u32 s13, $0x3;
	s30 =	sadd.s32 $0x10000, s29  }
0x10: {  	s11 =	sadd.s32 $0xC000, s29;
	s8 =	sadd.s32 s8, s4;
	s4 =	sadd.s32 s24, s2  }
0x11: {  	s5 =	sadd.s32 $0x1C600, s7;
	s28 =	sadd.s32 s12, s26;
	s13 =	sshrl.u32 s30, $0x3  }
0x12: {  	s31 =	sshrl.u32 s11, $0x3;
	s24 =	simm.s32 $0x16700;
	s7 =	sadd.s32 $0x26600, s8  }
0x13: {  	s8 =	smax.u32 s10, $0x1;
	s9 =	sadd.s32 $0x800, s28;
	s10 =	sadd.s32 $0x1000, s28  }
0x14: {  	v0 =	vimm.f32 $0.0e+00;
	s11 =	sadd.s32 s13, s12;
	s12 =	sadd.s32 s31, s12;
	s13 =	simm.s32 $0x1E800  }
.LBB2_1:
0x15: {  	[tilespmem:$0x1E800] =	vst v0  }
0x16: {  	[tilespmem:$0x1E810] =	vst v0  }
0x17: {  	[tilespmem:$0x1E820] =	vst v0  }
0x18: {  	[tilespmem:$0x1E830] =	vst v0  }
0x19: {  	[tilespmem:$0x1E840] =	vst v0  }
0x1a: {  	[tilespmem:$0x1E850] =	vst v0  }
0x1b: {  	[tilespmem:$0x1E860] =	vst v0  }
0x1c: {  	[tilespmem:$0x1E870] =	vst v0  }
0x1d: {  	[tilespmem:$0x1E880] =	vst v0  }
0x1e: {  	[tilespmem:$0x1E890] =	vst v0  }
0x1f: {  	[tilespmem:$0x1E8A0] =	vst v0  }
0x20: {  	[tilespmem:$0x1E8B0] =	vst v0  }
0x21: {  	[tilespmem:$0x1E8C0] =	vst v0  }
0x22: {  	[tilespmem:$0x1E8D0] =	vst v0  }
0x23: {  	[tilespmem:$0x1E8E0] =	vst v0  }
0x24: {  	[tilespmem:$0x1E8F0] =	vst v0  }
0x25: {  	[tilespmem:$0x1E900] =	vst v0  }
0x26: {  	[tilespmem:$0x1E910] =	vst v0  }
0x27: {  	[tilespmem:$0x1E920] =	vst v0  }
0x28: {  	[tilespmem:$0x1E930] =	vst v0  }
0x29: {  	[tilespmem:$0x1E940] =	vst v0  }
0x2a: {  	[tilespmem:$0x1E950] =	vst v0  }
0x2b: {  	[tilespmem:$0x1E960] =	vst v0  }
0x2c: {  	[tilespmem:$0x1E970] =	vst v0  }
0x2d: {  	[tilespmem:$0x1E980] =	vst v0  }
0x2e: {  	[tilespmem:$0x1E990] =	vst v0  }
0x2f: {  	[tilespmem:$0x1E9A0] =	vst v0  }
0x30: {  	[tilespmem:$0x1E9B0] =	vst v0  }
0x31: {  	[tilespmem:$0x1E9C0] =	vst v0  }
0x32: {  	[tilespmem:$0x1E9D0] =	vst v0  }
0x33: {  	[tilespmem:$0x1E9E0] =	vst v0  }
0x34: {  	[tilespmem:$0x1E9F0] =	vst v0  }
0x35: {  	[tilespmem:$0x1EA00] =	vst v0  }
0x36: {  	[tilespmem:$0x1EA10] =	vst v0  }
0x37: {  	[tilespmem:$0x1EA20] =	vst v0  }
0x38: {  	[tilespmem:$0x1EA30] =	vst v0  }
0x39: {  	[tilespmem:$0x1EA40] =	vst v0  }
0x3a: {  	[tilespmem:$0x1EA50] =	vst v0  }
0x3b: {  	[tilespmem:$0x1EA60] =	vst v0  }
0x3c: {  	[tilespmem:$0x1EA70] =	vst v0  }
0x3d: {  	[tilespmem:$0x1EA80] =	vst v0  }
0x3e: {  	[tilespmem:$0x1EA90] =	vst v0  }
0x3f: {  	[tilespmem:$0x1EAA0] =	vst v0  }
0x40: {  	[tilespmem:$0x1EAB0] =	vst v0  }
0x41: {  	[tilespmem:$0x1EAC0] =	vst v0  }
0x42: {  	[tilespmem:$0x1EAD0] =	vst v0  }
0x43: {  	[tilespmem:$0x1EAE0] =	vst v0  }
0x44: {  	[tilespmem:$0x1EAF0] =	vst v0  }
0x45: {  	[tilespmem:$0x1EB00] =	vst v0  }
0x46: {  	[tilespmem:$0x1EB10] =	vst v0  }
0x47: {  	[tilespmem:$0x1EB20] =	vst v0  }
0x48: {  	[tilespmem:$0x1EB30] =	vst v0  }
0x49: {  	[tilespmem:$0x1EB40] =	vst v0  }
0x4a: {  	[tilespmem:$0x1EB50] =	vst v0  }
0x4b: {  	[tilespmem:$0x1EB60] =	vst v0  }
0x4c: {  	[tilespmem:$0x1EB70] =	vst v0  }
0x4d: {  	[tilespmem:$0x1EB80] =	vst v0  }
0x4e: {  	[tilespmem:$0x1EB90] =	vst v0  }
0x4f: {  	[tilespmem:$0x1EBA0] =	vst v0  }
0x50: {  	[tilespmem:$0x1EBB0] =	vst v0  }
0x51: {  	[tilespmem:$0x1EBC0] =	vst v0  }
0x52: {  	[tilespmem:$0x1EBD0] =	vst v0  }
0x53: {  	[tilespmem:$0x1EBE0] =	vst v0  }
0x54: {  	[tilespmem:$0x1EBF0] =	vst v0  }
0x55: {  	[tilespmem:$0x1EC00] =	vst v0  }
0x56: {  	[tilespmem:$0x1EC10] =	vst v0  }
0x57: {  	[tilespmem:$0x1EC20] =	vst v0  }
0x58: {  	[tilespmem:$0x1EC30] =	vst v0  }
0x59: {  	[tilespmem:$0x1EC40] =	vst v0  }
0x5a: {  	[tilespmem:$0x1EC50] =	vst v0  }
0x5b: {  	[tilespmem:$0x1EC60] =	vst v0  }
0x5c: {  	[tilespmem:$0x1EC70] =	vst v0  }
0x5d: {  	[tilespmem:$0x1EC80] =	vst v0  }
0x5e: {  	[tilespmem:$0x1EC90] =	vst v0  }
0x5f: {  	[tilespmem:$0x1ECA0] =	vst v0  }
0x60: {  	[tilespmem:$0x1ECB0] =	vst v0  }
0x61: {  	[tilespmem:$0x1ECC0] =	vst v0  }
0x62: {  	[tilespmem:$0x1ECD0] =	vst v0  }
0x63: {  	[tilespmem:$0x1ECE0] =	vst v0  }
0x64: {  	[tilespmem:$0x1ECF0] =	vst v0  }
0x65: {  	[tilespmem:$0x1ED00] =	vst v0  }
0x66: {  	[tilespmem:$0x1ED10] =	vst v0  }
0x67: {  	[tilespmem:$0x1ED20] =	vst v0  }
0x68: {  	[tilespmem:$0x1ED30] =	vst v0  }
0x69: {  	[tilespmem:$0x1ED40] =	vst v0  }
0x6a: {  	[tilespmem:$0x1ED50] =	vst v0  }
0x6b: {  	[tilespmem:$0x1ED60] =	vst v0  }
0x6c: {  	[tilespmem:$0x1ED70] =	vst v0  }
0x6d: {  	[tilespmem:$0x1ED80] =	vst v0  }
0x6e: {  	[tilespmem:$0x1ED90] =	vst v0  }
0x6f: {  	[tilespmem:$0x1EDA0] =	vst v0  }
0x70: {  	[tilespmem:$0x1EDB0] =	vst v0  }
0x71: {  	[tilespmem:$0x1EDC0] =	vst v0  }
0x72: {  	[tilespmem:$0x1EDD0] =	vst v0  }
0x73: {  	[tilespmem:$0x1EDE0] =	vst v0  }
0x74: {  	[tilespmem:$0x1EDF0] =	vst v0  }
0x75: {  	[tilespmem:$0x1EE00] =	vst v0  }
0x76: {  	[tilespmem:$0x1EE10] =	vst v0  }
0x77: {  	[tilespmem:$0x1EE20] =	vst v0  }
0x78: {  	[tilespmem:$0x1EE30] =	vst v0  }
0x79: {  	[tilespmem:$0x1EE40] =	vst v0  }
0x7a: {  	[tilespmem:$0x1EE50] =	vst v0  }
0x7b: {  	[tilespmem:$0x1EE60] =	vst v0  }
0x7c: {  	[tilespmem:$0x1EE70] =	vst v0  }
0x7d: {  	[tilespmem:$0x1EE80] =	vst v0  }
0x7e: {  	[tilespmem:$0x1EE90] =	vst v0  }
0x7f: {  	[tilespmem:$0x1EEA0] =	vst v0  }
0x80: {  	[tilespmem:$0x1EEB0] =	vst v0  }
0x81: {  	[tilespmem:$0x1EEC0] =	vst v0  }
0x82: {  	[tilespmem:$0x1EED0] =	vst v0  }
0x83: {  	[tilespmem:$0x1EEE0] =	vst v0  }
0x84: {  	[tilespmem:$0x1EEF0] =	vst v0  }
0x85: {  	[tilespmem:$0x1EF00] =	vst v0  }
0x86: {  	[tilespmem:$0x1EF10] =	vst v0  }
0x87: {  	[tilespmem:$0x1EF20] =	vst v0  }
0x88: {  	[tilespmem:$0x1EF30] =	vst v0  }
0x89: {  	[tilespmem:$0x1EF40] =	vst v0  }
0x8a: {  	[tilespmem:$0x1EF50] =	vst v0  }
0x8b: {  	[tilespmem:$0x1EF60] =	vst v0  }
0x8c: {  	[tilespmem:$0x1EF70] =	vst v0  }
0x8d: {  	[tilespmem:$0x1EF80] =	vst v0  }
0x8e: {  	[tilespmem:$0x1EF90] =	vst v0  }
0x8f: {  	[tilespmem:$0x1EFA0] =	vst v0  }
0x90: {  	[tilespmem:$0x1EFB0] =	vst v0  }
0x91: {  	[tilespmem:$0x1EFC0] =	vst v0  }
0x92: {  	[tilespmem:$0x1EFD0] =	vst v0  }
0x93: {  	[tilespmem:$0x1EFE0] =	vst v0  }
0x94: {  	[tilespmem:$0x1EFF0] =	vst v0;
	s26 =	sadd.s32 $0x0, s4  }
0x95: {  	[spmem:s26] =	stream.linear.scatter [tilespmem:s13], [sflag:$0x5], $0x800, $0x38;
	[tilespmem:$0x1F000] =	vst v63  }
0x96: {  	s26 =	simm.s32 $0x2000;
	_ =	swait.ge [sflag:s14], $0x800  }
.LBB2_2:
0x97: {  	s28 =	sshra.s32 s26, $0x2;
	[sflag:s14] =	ssyncset.done $0x0;
	p0 =	sne.s32 s26, $0x4E000  }
.Ltmp0:
0x98: {  	s28 =	sadd.s32 s28, s4;
	[sflag:s14] =	ssyncadd.s32 $0xFFFFF800;
	(pc) =	sbr.rel @p0 .LBB2_2-.Ltmp0, $3  }
0x99: {  	[spmem:s28] =	stream.linear.scatter [tilespmem:s13], [sflag:$0x5], $0x800, $0x38;
	[tilespmem:$0x1F000] =	vst v63  }
0x9a: {  	s26 =	sadd.s32 $0x2000, s26;
	_ =	sdelay $0x1  }
0x9b: {  	_ =	swait.ge [sflag:s14], $0x800  }
0x9c: {  	[sflag:s14] =	ssyncset.done $0x0  }
0x9d: {  	s26 =	simm.s32 $0x0;
	[sflag:s14] =	ssyncadd.s32 $0xFFFFF800  }
0x9e: {  	[tilespmem:s15], [sflag:$0x5] =	stream.linear.gather [hbm4b:s5+s26], $0x2780, $0x38;
	[tilespmem:$0x1F000] =	vst v63  }
0x9f: {  	_ =	swait.ge [sflag:s14], $0x2780  }
0xa0: {  	[sflag:s14] =	ssyncset.done $0x0  }
0xa1: {  	[sflag:s14] =	ssyncadd.s32 $0xFFFFD880  }
0xa2: {  	[bflag:$0x0] =	sbarrier.arrive $0xFFFF  }
0xa3: {  	[tilespmem:s16], [sflag:$0x1] =	stream.linear.gather [hbm4b:s6+s26], $0x4000, $0x38;
	[tilespmem:$0x1F000] =	vst v63  }
0xa4: {  	_ = 	snop  }
0xa5: {  	[tilespmem:s17], [sflag:$0x2] =	stream.linear.gather [hbm4b:s9+s26], $0x4000, $0x38;
	[tilespmem:$0x1F000] =	vst v63  }
0xa6: {  	_ =	swait.ge [sflag:s18], $0x4000  }
0xa7: {  	[sflag:s18] =	ssyncset.done $0x0  }
0xa8: {  	[sflag:s18] =	ssyncadd.s32 $0xFFFFC000  }
0xa9: {  	[spmem:s2] =	stream.indirect.scatter.add.f32 [tilespmem:s16], [sflag:$0x3], $0x80, s15, s19, $0xb8;
	[tilespmem:$0x1F000] =	vst v63  }
0xaa: {  	_ =	swait.ge [sflag:s20], $0x4000  }
0xab: {  	[sflag:s20] =	ssyncset.done $0x0  }
0xac: {  	[sflag:s20] =	ssyncadd.s32 $0xFFFFC000  }
0xad: {  	[tilespmem:s16], [sflag:$0x1] =	stream.linear.gather [hbm4b:s10+s26], $0x4000, $0x38;
	[tilespmem:$0x1F000] =	vst v63  }
0xae: {  	_ =	swait.ge [sflag:s21], $0x4000  }
0xaf: {  	[sflag:s21] =	ssyncset.done $0x0  }
0xb0: {  	[sflag:s21] =	ssyncadd.s32 $0xFFFFC000  }
0xb1: {  	[spmem:s2] =	stream.indirect.scatter.add.f32 [tilespmem:s17], [sflag:$0x4], $0x80, s22, s19, $0xb8;
	[tilespmem:$0x1F000] =	vst v63  }
0xb2: {  	_ =	swait.ge [sflag:s23], $0x4000  }
0xb3: {  	[sflag:s23] =	ssyncset.done $0x0  }
0xb4: {  	s31 =	sadd.s32 $0x0, s12;
	[sflag:s23] =	ssyncadd.s32 $0xFFFFC000  }
0xb5: {  	[tilespmem:s17], [sflag:$0x2] =	stream.linear.gather [hbm4b:s31+s3], $0x4000, $0x38;
	[tilespmem:$0x1F000] =	vst v63  }
0xb6: {  	_ =	swait.ge [sflag:s18], $0x4000  }
0xb7: {  	[sflag:s18] =	ssyncset.done $0x0  }
0xb8: {  	s30 =	simm.s32 $0x14100;
	[sflag:s18] =	ssyncadd.s32 $0xFFFFC000  }
0xb9: {  	[spmem:s2] =	stream.indirect.scatter.add.f32 [tilespmem:s16], [sflag:$0x3], $0x80, s30, s19, $0xb8;
	[tilespmem:$0x1F000] =	vst v63  }
0xba: {  	_ =	swait.ge [sflag:s20], $0x4000  }
0xbb: {  	[sflag:s20] =	ssyncset.done $0x0  }
0xbc: {  	s31 =	sadd.s32 $0x0, s11;
	[sflag:s20] =	ssyncadd.s32 $0xFFFFC000  }
0xbd: {  	[tilespmem:s16], [sflag:$0x1] =	stream.linear.gather [hbm4b:s31+s3], $0x4000, $0x38;
	[tilespmem:$0x1F000] =	vst v63  }
0xbe: {  	_ =	swait.ge [sflag:s21], $0x4000  }
0xbf: {  	s29 =	simm.s32 $0x14180;
	[sflag:s21] =	ssyncset.done $0x0  }
0xc0: {  	s28 =	simm.s32 $0x14200;
	s26 =	simm.s32 $0x1000;
	[sflag:s21] =	ssyncadd.s32 $0xFFFFC000  }
.LBB2_4:
0xc1: {  	[spmem:s2] =	stream.indirect.scatter.add.f32 [tilespmem:s17], [sflag:$0x4], $0x80, s29, s19, $0xb8;
	[tilespmem:$0x1F000] =	vst v63  }
0xc2: {  	s29 =	smov.u32 s26  }
0xc3: {  	p0 =	sne.s32 s26, $0x25000;
	s26 =	sadd.s32 $0x1000, s26;
	_ =	swait.ge [sflag:s23], $0x4000  }
0xc4: {  	[sflag:s23] =	ssyncset.done $0x0  }
0xc5: {  	s30 =	sadd.s32 s29, s12;
	[sflag:s23] =	ssyncadd.s32 $0xFFFFC000  }
0xc6: {  	[tilespmem:s17], [sflag:$0x2] =	stream.linear.gather [hbm4b:s30+s3], $0x4000, $0x38;
	[tilespmem:$0x1F000] =	vst v63  }
0xc7: {  	_ =	swait.ge [sflag:s18], $0x4000  }
0xc8: {  	[sflag:s18] =	ssyncset.done $0x0  }
0xc9: {  	[sflag:s18] =	ssyncadd.s32 $0xFFFFC000  }
0xca: {  	[spmem:s2] =	stream.indirect.scatter.add.f32 [tilespmem:s16], [sflag:$0x3], $0x80, s28, s19, $0xb8;
	[tilespmem:$0x1F000] =	vst v63  }
0xcb: {  	_ =	swait.ge [sflag:s20], $0x4000  }
0xcc: {  	[sflag:s20] =	ssyncset.done $0x0  }
.Ltmp1:
0xcd: {  	s29 =	sadd.s32 s29, s11;
	[sflag:s20] =	ssyncadd.s32 $0xFFFFC000;
	(pc) =	sbr.rel @p0 .LBB2_4-.Ltmp1, $4  }
0xce: {  	[tilespmem:s16], [sflag:$0x1] =	stream.linear.gather [hbm4b:s29+s3], $0x4000, $0x38;
	[tilespmem:$0x1F000] =	vst v63  }
0xcf: {  	_ =	swait.ge [sflag:s21], $0x4000  }
0xd0: {  	[sflag:s21] =	ssyncset.done $0x0  }
0xd1: {  	s29 =	sadd.s32 $0x80, s28;
	s28 =	sadd.s32 $0x100, s28;
	[sflag:s21] =	ssyncadd.s32 $0xFFFFC000  }
0xd2: {  	[spmem:s2] =	stream.indirect.scatter.add.f32 [tilespmem:s17], [sflag:$0x4], $0x80, s29, s19, $0xb8;
	[tilespmem:$0x1F000] =	vst v63  }
0xd3: {  	_ =	swait.ge [sflag:s18], $0x4000  }
0xd4: {  	[sflag:s18] =	ssyncset.done $0x0  }
0xd5: {  	[sflag:s18] =	ssyncadd.s32 $0xFFFFC000  }
0xd6: {  	[spmem:s2] =	stream.indirect.scatter.add.f32 [tilespmem:s16], [sflag:$0x3], $0x80, s24, s19, $0xb8;
	[tilespmem:$0x1F000] =	vst v63  }
0xd7: {  	_ =	swait.ge [sflag:s20], $0x4000  }
0xd8: {  	[sflag:s20] =	ssyncset.done $0x0  }
0xd9: {  	[sflag:s20] =	ssyncadd.s32 $0xFFFFC000  }
0xda: {  	_ =	swait.ge [sflag:s23], $0x4000  }
0xdb: {  	s26 =	sshll.u32 s0, $0x6;
	s25 =	sadd.s32 $0x1, s25;
	[sflag:s23] =	ssyncset.done $0x0  }
0xdc: {  	s28 =	sshrl.u32 s4, $0x3;
	p0 =	sne.s32 s25, s8;
	[sflag:s23] =	ssyncadd.s32 $0xFFFFC000  }
.Ltmp2:
0xdd: {  	s26 =	sor.u32 $0x1C05, s26;
	[bflag:$0x0] =	sbarrier.arrive $0xFFFF;
	(pc) =	sbr.rel @p0 .LBB2_1-.Ltmp2, $4  }
0xde: {  	[hbm:s7], [sflag:s26] =	dma.local [spmem:s28], $0x2800  }
0xdf: {  	_ =	swait.ge [sflag:s14], $0x2800  }
0xe0: {  	[sflag:s14] =	ssyncset.done $0x0  }
0xe1: {  	[sflag:s14] =	ssyncadd.s32 $0xFFFFD800  }
0xe2: {  	_ =	sfence.sel $0x180000  }
0xe3: {  	[bflag:$0x0] =	sbarrier.arrive $0xFFFF  }
0xe4: {  	p0 =	sne.s32 s0, $0x0;
	_ =	strace $0x90000053  }
0xe5: {  	s0 =	sadd.s32 @!p0 $0x100000, s1;
	[bflag:$0x2] =	sbarrier.arrive $0xFFFF  }
0xe6: {  	[sflag:s0] =	ssyncadd.tile.s32 @!p0 $0x1;
	_ =	shalt  }
.Lfunc_end2:
_tile_overlayer_lowered:
.L_overlay_start_2:
0xe7: {  	(tag) =	ssettag $0x2  }
0xe8: {  	s0 =	rddreg [dreg:$0x0];
	s2 =	stileid.u32  }
0xe9: {  	s1 =	rddreg [dreg:$0x1];
	p0 =	sne.s32 s2, $0x0  }
0xea: {  	s3 =	rddreg [dreg:$0x2];
	[bflag:$0x3] =	sbarrier.arrive $0xFFFF;
	s2 =	simm.s32 @!p0 $0x1C05  }
0xeb: {  	[timem:s3], [sflag:s2] =	dma.local @!p0 [hbm:s0], s1  }
0xec: {  	s0 =	simm.s32 @!p0 $0x5  }
0xed: {  	_ =	swait.ge @!p0 [sflag:s0], s1  }
0xee: {  	s1 =	ssub.s32 @!p0 $0x0, s1;
	[sflag:s0] =	ssyncset.done @!p0 $0x0  }
0xef: {  	[sflag:s0] =	ssyncadd.s32 @!p0 s1  }
0xf0: {  	[bflag:$0x3] =	sbarrier.arrive $0xFFFF  }
0xf1: {  	_ =	shalt  }

</sc_bundles>
